<compile_context>
chip_gen: v7x
topology: tpu7x:2x2x1
jax: 0.10.2.dev20260603
libtpu: 0.0.44.dev20260713+nightly
codegen_flags: <defaults>
</compile_context>

<pallas_src>
import jax
import jax.numpy as jnp
from jax import lax
from jax.experimental import pallas as pl
from jax.experimental.pallas import tpu as pltpu
from jax.experimental.pallas import tpu_sc as plsc

N = 10000
D = 128
E = 320000

NPAD = 10112
RPT = NPAD // 16
CH = 158
EPAD = 16 * CH * 128
HALF = D // 2

_TSEL = (0, 1, 2, 0, 0, 1)
_TORD = (0, 3, 4, 1, 5, 2)



def _sc_body(t1, t2, t3, srcs, dsts, zrows, out, acc, src_v, dst_v, r0, r1,
             s0, s1):
    c = lax.axis_index("c")
    s = lax.axis_index("s")
    base = s * RPT
    tables = (t1, t2, t3)

    for t in range(6):
        pltpu.sync_copy(zrows.at[pl.ds(base, RPT)], acc.at[pl.ds(base, RPT)])
        pltpu.sync_copy(srcs.at[c, t, s], src_v)
        pltpu.sync_copy(dsts.at[t, s], dst_v)
        plsc.subcore_barrier()

        tab = tables[_TSEL[t]]

        pltpu.async_copy(tab.at[src_v.at[0]], r0, s0)
        pltpu.async_copy(tab.at[src_v.at[1]], r1, s1)

        @pl.loop(0, CH - 2, step=2)
        def _chunk(j):
            pltpu.make_async_copy(tab.at[src_v.at[j]], r0, s0).wait()
            pltpu.sync_copy(r0, acc.at[dst_v.at[j]], add=True)
            pltpu.async_copy(tab.at[src_v.at[j + 2]], r0, s0)
            pltpu.make_async_copy(tab.at[src_v.at[j + 1]], r1, s1).wait()
            pltpu.sync_copy(r1, acc.at[dst_v.at[j + 1]], add=True)
            pltpu.async_copy(tab.at[src_v.at[j + 3]], r1, s1)

        pltpu.make_async_copy(tab.at[src_v.at[CH - 2]], r0, s0).wait()
        pltpu.sync_copy(r0, acc.at[dst_v.at[CH - 2]], add=True)
        pltpu.make_async_copy(tab.at[src_v.at[CH - 1]], r1, s1).wait()
        pltpu.sync_copy(r1, acc.at[dst_v.at[CH - 1]], add=True)

        plsc.subcore_barrier()
        pltpu.sync_copy(acc.at[pl.ds(base, RPT)],
                        out.at[t, c, pl.ds(base, RPT)])


def _sc_segsum(tab1, tab2, tab3, srcs, dsts, zrows):
    mesh = plsc.VectorSubcoreMesh(core_axis_name="c", subcore_axis_name="s")
    return pl.kernel(
        _sc_body,
        out_type=jax.ShapeDtypeStruct((6, 2, NPAD, HALF), jnp.float32),
        mesh=mesh,
        scratch_types=[
            pltpu.VMEM_SHARED((NPAD, HALF), jnp.float32),
            pltpu.VMEM((CH, 128), jnp.int32),
            pltpu.VMEM((CH, 128), jnp.int32),
            pltpu.VMEM((128, HALF), jnp.float32),
            pltpu.VMEM((128, HALF), jnp.float32),
            pltpu.SemaphoreType.DMA,
            pltpu.SemaphoreType.DMA,
        ],
        compiler_params=pltpu.CompilerParams(use_tc_tiling_on_sc=False),
    )(tab1, tab2, tab3, srcs, dsts, zrows)



_BLK = 640
_NBLK = 16


def _proj_body(x_ref, w_ref, b_ref, o_ref):
    t = pl.program_id(0)
    o_ref[0] = (jnp.dot(x_ref[0], w_ref[t], preferred_element_type=jnp.float32)
                + b_ref[t])


def _proj(xs, wp, bp):
    return pl.pallas_call(
        _proj_body,
        grid=(3, _NBLK),
        in_specs=[
            pl.BlockSpec((1, _BLK, D), lambda t, i: (t, i, 0)),
            pl.BlockSpec((3, D, D), lambda t, i: (0, 0, 0)),
            pl.BlockSpec((3, 1, D), lambda t, i: (0, 0, 0)),
        ],
        out_specs=pl.BlockSpec((1, _BLK, D), lambda t, i: (t, i, 0)),
        out_shape=jax.ShapeDtypeStruct((3, NPAD, D), jnp.float32),
    )(xs, wp, bp)


def _combine_body(a00, a01, a10, a11, a20, a21, h_ref, wsel_ref, wroot_ref,
                  bc_ref, o_ref):
    t = pl.program_id(0)
    o = (jnp.dot(h_ref[0], wroot_ref[t], preferred_element_type=jnp.float32)
         + bc_ref[t])
    for j, (r0, r1) in enumerate(((a00, a01), (a10, a11), (a20, a21))):
        w = wsel_ref[t, j]
        o += jnp.dot(r0[0, 0], w[:HALF], preferred_element_type=jnp.float32)
        o += jnp.dot(r1[0, 0], w[HALF:], preferred_element_type=jnp.float32)
    o_ref[0] = jnp.where(o > 0, o, 0.01 * o)


def _combine(agg, hs, wsel, wroot, bc):
    def amap(j, c):
        if j == 0:
            return lambda t, i: (t, c, i, 0)
        if j == 1:
            return lambda t, i: (jnp.where(t == 0, 0, t + 2), c, i, 0)
        return lambda t, i: (jnp.where(t == 0, 0, 2 * t + 1), c, i, 0)

    return pl.pallas_call(
        _combine_body,
        grid=(3, _NBLK),
        in_specs=[
            pl.BlockSpec((1, 1, _BLK, HALF), amap(0, 0)),
            pl.BlockSpec((1, 1, _BLK, HALF), amap(0, 1)),
            pl.BlockSpec((1, 1, _BLK, HALF), amap(1, 0)),
            pl.BlockSpec((1, 1, _BLK, HALF), amap(1, 1)),
            pl.BlockSpec((1, 1, _BLK, HALF), amap(2, 0)),
            pl.BlockSpec((1, 1, _BLK, HALF), amap(2, 1)),
            pl.BlockSpec((1, _BLK, D), lambda t, i: (t, i, 0)),
            pl.BlockSpec((3, 3, D, D), lambda t, i: (0, 0, 0, 0)),
            pl.BlockSpec((3, D, D), lambda t, i: (0, 0, 0)),
            pl.BlockSpec((3, 1, D), lambda t, i: (0, 0, 0)),
        ],
        out_specs=pl.BlockSpec((1, _BLK, D), lambda t, i: (t, i, 0)),
        out_shape=jax.ShapeDtypeStruct((3, NPAD, D), jnp.float32),
    )(agg, agg, agg, agg, agg, agg, hs, wsel, wroot, bc)



def _prep_edges(es):
    srcs, dsts = [], []
    pad = N + (jnp.arange(EPAD - E, dtype=jnp.int32) % (NPAD - N))
    for e in es:
        srcs.append(jnp.concatenate([e[0], pad]))
        dsts.append(jnp.concatenate([e[1], pad]))
    s = jnp.stack(srcs).reshape(6, 16, CH, 128)
    src2 = jnp.stack([2 * s, 2 * s + 1])
    d = jnp.stack(dsts).reshape(6, 16, CH, 128)
    return src2, d


def _layer_weights(wrel, brel, wroot):
    z = jnp.zeros((D, D), jnp.float32)
    wsel = jnp.stack([
        jnp.stack([wrel[0], z, z]),
        jnp.stack([wrel[1], wrel[3], z]),
        jnp.stack([wrel[2], wrel[4], wrel[5]]),
    ])
    wroot_c = jnp.stack([wroot[0], wroot[1] + wroot[3],
                         wroot[2] + wroot[4] + wroot[5]])
    bc = jnp.stack([brel[0], brel[1] + brel[3],
                    brel[2] + brel[4] + brel[5]]).reshape(3, 1, D)
    return wsel, wroot_c, bc


def kernel(x1, x2, x3, e11, e22, e33, e12, e13, e23,
           Wp, bp, Wrel1, brel1, Wroot1, Wrel2, brel2, Wroot2):
    srcs, dsts = _prep_edges((e11, e22, e33, e12, e13, e23))
    zrows = jnp.zeros((NPAD, HALF), jnp.float32)
    xs = jnp.stack([x1, x2, x3])
    hs = _proj(xs, Wp, bp.reshape(3, 1, D))

    w1 = _layer_weights(Wrel1, brel1, Wroot1)
    w2 = _layer_weights(Wrel2, brel2, Wroot2)

    for wsel, wroot_c, bc in (w1, w2):
        tabs = hs.reshape(3, 2 * NPAD, HALF)
        agg = _sc_segsum(tabs[0], tabs[1], tabs[2], srcs, dsts, zrows)
        hs = _combine(agg, hs, wsel, wroot_c, bc)

    return hs[0, :N], hs[1, :N], hs[2, :N]

# --- scband reference (transcript-rebuilt; emitter-appended) ---
"""Pipeline reference for scband-hetero-gnn-53034256171618 (READ-ONLY COPY).

The authoritative reference and input builder live on the scoring server;
editing this copy changes nothing except your own understanding.
"""

import jax, jax.numpy as jnp
import numpy as np

N = 10000   # nodes per node type
E = 320000  # edges per edge type
D = 128     # feature dim (in_dim[0] == in_dim[1] == 128)


def setup_inputs(seed: int = 0) -> dict:
    key = jax.random.key(seed)
    ks = jax.random.split(key, 32)
    inp = {}
    inp['x1'] = jax.random.normal(ks[0], (N, D), dtype=jnp.float32)
    inp['x2'] = jax.random.normal(ks[1], (N, D), dtype=jnp.float32)
    inp['x3'] = jax.random.normal(ks[2], (N, D), dtype=jnp.float32)
    # edge indices (int32 in jax; conceptually int64). row 0 = src, row 1 = dst
    inp['e11'] = jax.random.randint(ks[3], (2, E), 0, N, dtype=jnp.int32)
    inp['e22'] = jax.random.randint(ks[4], (2, E), 0, N, dtype=jnp.int32)
    inp['e33'] = jax.random.randint(ks[5], (2, E), 0, N, dtype=jnp.int32)
    inp['e12'] = jax.random.randint(ks[6], (2, E), 0, N, dtype=jnp.int32)
    inp['e13'] = jax.random.randint(ks[7], (2, E), 0, N, dtype=jnp.int32)
    inp['e23'] = jax.random.randint(ks[8], (2, E), 0, N, dtype=jnp.int32)
    s = 0.05
    # per-node-type input projections (Linear(D, D) with bias), stacked [3, D, D]
    inp['Wp'] = jax.random.normal(ks[9], (3, D, D), dtype=jnp.float32) * s
    inp['bp'] = jax.random.normal(ks[10], (3, D), dtype=jnp.float32) * s
    # conv1: per edge type GraphConv params, stacked over 6 edge types
    # edge type order: 0:(x1,in,x1) 1:(x2,in,x2) 2:(x3,in,x3) 3:(x1,between,x2) 4:(x1,between,x3) 5:(x2,between,x3)
    inp['Wrel1'] = jax.random.normal(ks[11], (6, D, D), dtype=jnp.float32) * s
    inp['brel1'] = jax.random.normal(ks[12], (6, D), dtype=jnp.float32) * s
    inp['Wroot1'] = jax.random.normal(ks[13], (6, D, D), dtype=jnp.float32) * s
    # conv2
    inp['Wrel2'] = jax.random.normal(ks[14], (6, D, D), dtype=jnp.float32) * s
    inp['brel2'] = jax.random.normal(ks[15], (6, D), dtype=jnp.float32) * s
    inp['Wroot2'] = jax.random.normal(ks[16], (6, D, D), dtype=jnp.float32) * s
    return inp


def _leaky_relu(x):
    return jnp.where(x > 0, x, 0.01 * x)


def _graph_conv(x_src, x_dst, ei, Wr, br, Ws):
    # PyG GraphConv (aggr='add'): out = lin_rel(sum_{j->i} x_j) + lin_root(x_i)
    msg = jnp.take(x_src, ei[0], axis=0)                      # gather by src
    agg = jax.ops.segment_sum(msg, ei[1], num_segments=x_dst.shape[0])  # scatter-add by dst
    return agg @ Wr + br + x_dst @ Ws


def reference(x1, x2, x3, e11, e22, e33, e12, e13, e23,
              Wp, bp, Wrel1, brel1, Wroot1, Wrel2, brel2, Wroot2):
    # input projections
    h1 = x1 @ Wp[0] + bp[0]
    h2 = x2 @ Wp[1] + bp[1]
    h3 = x3 @ Wp[2] + bp[2]

    def hetero(a1, a2, a3, Wr, br, Ws):
        # HeteroConv with default aggr='sum' over edge types sharing a dst type
        o1 = _graph_conv(a1, a1, e11, Wr[0], br[0], Ws[0])
        o2 = (_graph_conv(a2, a2, e22, Wr[1], br[1], Ws[1])
              + _graph_conv(a1, a2, e12, Wr[3], br[3], Ws[3]))
        o3 = (_graph_conv(a3, a3, e33, Wr[2], br[2], Ws[2])
              + _graph_conv(a1, a3, e13, Wr[4], br[4], Ws[4])
              + _graph_conv(a2, a3, e23, Wr[5], br[5], Ws[5]))
        return o1, o2, o3

    h1, h2, h3 = hetero(h1, h2, h3, Wrel1, brel1, Wroot1)
    # _process_features: leaky_relu + dropout(eval mode -> identity)
    h1, h2, h3 = _leaky_relu(h1), _leaky_relu(h2), _leaky_relu(h3)
    h1, h2, h3 = hetero(h1, h2, h3, Wrel2, brel2, Wroot2)
    h1, h2, h3 = _leaky_relu(h1), _leaky_relu(h2), _leaky_relu(h3)
    return (h1, h2, h3)

if __name__ == "__main__":
    import jax
    _d = setup_inputs()
    print(jax.jit(kernel)(*tuple(_d.values())))

</pallas_src>

<mosaic_0001>
#map = affine_map<(d0, d1) -> (0, 0)>
#map1 = affine_map<(d0, d1) -> (0, 0, 0, 0, 0)>
#map2 = affine_map<(d0, d1) -> (0, 0, 0, 0)>
module attributes {stable_mosaic.version = 14 : i64} {
  func.func @_sc_body(%arg0: i32, %arg1: i32, %arg2: memref<20224x64xf32, #tpu.memory_space<hbm>>, %arg3: memref<20224x64xf32, #tpu.memory_space<hbm>>, %arg4: memref<20224x64xf32, #tpu.memory_space<hbm>>, %arg5: memref<2x6x16x158x128xi32, #tpu.memory_space<hbm>>, %arg6: memref<6x16x158x128xi32, #tpu.memory_space<hbm>>, %arg7: memref<10112x64xf32, #tpu.memory_space<hbm>>, %arg8: memref<6x2x10112x64xf32, #tpu.memory_space<hbm>>, %arg9: memref<10112x64xf32, #tpu.memory_space<vmem_shared>>, %arg10: memref<158x128xi32, #tpu.memory_space<vmem>>, %arg11: memref<158x128xi32, #tpu.memory_space<vmem>>, %arg12: memref<128x64xf32, #tpu.memory_space<vmem>>, %arg13: memref<128x64xf32, #tpu.memory_space<vmem>>, %arg14: memref<!tpu.dma_semaphore, #tpu.memory_space<semaphore_mem>>, %arg15: memref<!tpu.dma_semaphore, #tpu.memory_space<semaphore_mem>>) attributes {dimension_semantics = [#tpu.dimension_semantics<core_parallel>, #tpu.dimension_semantics<subcore_parallel>], iteration_bounds = array<i64: 2, 16>, scalar_prefetch = 0 : i64, scratch_operands = 7 : i64, tpu.core_type = #tpu.core_type<sc_vector_subcore>, window_params = [{transform_indices = #map}, {transform_indices = #map}, {transform_indices = #map}, {transform_indices = #map1}, {transform_indices = #map2}, {transform_indices = #map}, {transform_indices = #map2}]} {
    %mul3A = arith.constant 632 : i32
    %mul3A_0 = arith.muli %arg1, %mul3A : i32
    "tpu.region"() ({
      %run_scoped3A_236 = tpu.sem_alloc : memref<!tpu.dma_semaphore, #tpu.memory_space<semaphore_mem>>
      %dma_start3A_237 = arith.constant 0 : i32
      %dma_start3A_238 = tpu.memref_slice %arg9[%mul3A_0, %dma_start3A_237] : memref<10112x64xf32, #tpu.memory_space<vmem_shared>> -> memref<632x64xf32, #tpu.memory_space<vmem_shared>>
      %dma_start3A_239 = arith.constant 0 : i32
      %dma_start3A_240 = tpu.memref_slice %arg7[%mul3A_0, %dma_start3A_239] : memref<10112x64xf32, #tpu.memory_space<hbm>> -> memref<632x64xf32, #tpu.memory_space<hbm>>
      tpu.enqueue_dma source(%dma_start3A_240 : memref<632x64xf32, #tpu.memory_space<hbm>>) target(%dma_start3A_238 : memref<632x64xf32, #tpu.memory_space<vmem_shared>>) target_semaphore(%run_scoped3A_236 : memref<!tpu.dma_semaphore, #tpu.memory_space<semaphore_mem>>)
      %dma_wait3A_241 = arith.constant 0 : i32
      %dma_wait3A_242 = tpu.memref_slice %arg9[%mul3A_0, %dma_wait3A_241] : memref<10112x64xf32, #tpu.memory_space<vmem_shared>> -> memref<632x64xf32, #tpu.memory_space<vmem_shared>>
      %dma_wait3A_243 = arith.constant 0 : i32
      %dma_wait3A_244 = tpu.memref_slice %arg7[%mul3A_0, %dma_wait3A_243] : memref<10112x64xf32, #tpu.memory_space<hbm>> -> memref<632x64xf32, #tpu.memory_space<hbm>>
      tpu.wait_dma2 semaphore(%run_scoped3A_236 : memref<!tpu.dma_semaphore, #tpu.memory_space<semaphore_mem>>) src(%dma_wait3A_244 : memref<632x64xf32, #tpu.memory_space<hbm>>) dst(%dma_wait3A_242 : memref<632x64xf32, #tpu.memory_space<vmem_shared>>)
      tpu.yield
    }) : () -> ()
    %run_scoped3A = arith.constant 0 : i32
    "tpu.region"() ({
      %run_scoped3A_236 = tpu.sem_alloc : memref<!tpu.dma_semaphore, #tpu.memory_space<semaphore_mem>>
      %dma_start3A_237 = arith.constant 0 : i32
      %dma_start3A_238 = arith.constant 0 : i32
      %dma_start3A_239 = tpu.memref_slice %arg5[%arg0, %run_scoped3A, %arg1, %dma_start3A_237, %dma_start3A_238] : memref<2x6x16x158x128xi32, #tpu.memory_space<hbm>> -> memref<1x1x1x158x128xi32, #tpu.memory_space<hbm>>
      %dma_start3A_240 = tpu.memref_squeeze %dma_start3A_239 : memref<1x1x1x158x128xi32, #tpu.memory_space<hbm>> -> memref<158x128xi32, #tpu.memory_space<hbm>>
      %dma_start3A_241 = arith.constant 0 : i32
      %dma_start3A_242 = arith.constant 0 : i32
      %dma_start3A_243 = tpu.memref_slice %arg5[%arg0, %run_scoped3A, %arg1, %dma_start3A_241, %dma_start3A_242] : memref<2x6x16x158x128xi32, #tpu.memory_space<hbm>> -> memref<1x1x1x158x128xi32, #tpu.memory_space<hbm>>
      %dma_start3A_244 = tpu.memref_squeeze %dma_start3A_243 : memref<1x1x1x158x128xi32, #tpu.memory_space<hbm>> -> memref<158x128xi32, #tpu.memory_space<hbm>>
      tpu.enqueue_dma source(%dma_start3A_244 : memref<158x128xi32, #tpu.memory_space<hbm>>) target(%arg10 : memref<158x128xi32, #tpu.memory_space<vmem>>) target_semaphore(%run_scoped3A_236 : memref<!tpu.dma_semaphore, #tpu.memory_space<semaphore_mem>>)
      %dma_wait3A_245 = arith.constant 0 : i32
      %dma_wait3A_246 = arith.constant 0 : i32
      %dma_wait3A_247 = tpu.memref_slice %arg5[%arg0, %run_scoped3A, %arg1, %dma_wait3A_245, %dma_wait3A_246] : memref<2x6x16x158x128xi32, #tpu.memory_space<hbm>> -> memref<1x1x1x158x128xi32, #tpu.memory_space<hbm>>
      %dma_wait3A_248 = tpu.memref_squeeze %dma_wait3A_247 : memref<1x1x1x158x128xi32, #tpu.memory_space<hbm>> -> memref<158x128xi32, #tpu.memory_space<hbm>>
      %dma_wait3A_249 = arith.constant 0 : i32
      %dma_wait3A_250 = arith.constant 0 : i32
      %dma_wait3A_251 = tpu.memref_slice %arg5[%arg0, %run_scoped3A, %arg1, %dma_wait3A_249, %dma_wait3A_250] : memref<2x6x16x158x128xi32, #tpu.memory_space<hbm>> -> memref<1x1x1x158x128xi32, #tpu.memory_space<hbm>>
      %dma_wait3A_252 = tpu.memref_squeeze %dma_wait3A_251 : memref<1x1x1x158x128xi32, #tpu.memory_space<hbm>> -> memref<158x128xi32, #tpu.memory_space<hbm>>
      tpu.wait_dma2 semaphore(%run_scoped3A_236 : memref<!tpu.dma_semaphore, #tpu.memory_space<semaphore_mem>>) src(%dma_wait3A_252 : memref<158x128xi32, #tpu.memory_space<hbm>>) dst(%arg10 : memref<158x128xi32, #tpu.memory_space<vmem>>)
      tpu.yield
    }) : () -> ()
    %run_scoped3A_1 = arith.constant 0 : i32
    "tpu.region"() ({
      %run_scoped3A_236 = tpu.sem_alloc : memref<!tpu.dma_semaphore, #tpu.memory_space<semaphore_mem>>
      %dma_start3A_237 = arith.constant 0 : i32
      %dma_start3A_238 = arith.constant 0 : i32
      %dma_start3A_239 = tpu.memref_slice %arg6[%run_scoped3A_1, %arg1, %dma_start3A_237, %dma_start3A_238] : memref<6x16x158x128xi32, #tpu.memory_space<hbm>> -> memref<1x1x158x128xi32, #tpu.memory_space<hbm>>
      %dma_start3A_240 = tpu.memref_squeeze %dma_start3A_239 : memref<1x1x158x128xi32, #tpu.memory_space<hbm>> -> memref<158x128xi32, #tpu.memory_space<hbm>>
      %dma_start3A_241 = arith.constant 0 : i32
      %dma_start3A_242 = arith.constant 0 : i32
      %dma_start3A_243 = tpu.memref_slice %arg6[%run_scoped3A_1, %arg1, %dma_start3A_241, %dma_start3A_242] : memref<6x16x158x128xi32, #tpu.memory_space<hbm>> -> memref<1x1x158x128xi32, #tpu.memory_space<hbm>>
      %dma_start3A_244 = tpu.memref_squeeze %dma_start3A_243 : memref<1x1x158x128xi32, #tpu.memory_space<hbm>> -> memref<158x128xi32, #tpu.memory_space<hbm>>
      tpu.enqueue_dma source(%dma_start3A_244 : memref<158x128xi32, #tpu.memory_space<hbm>>) target(%arg11 : memref<158x128xi32, #tpu.memory_space<vmem>>) target_semaphore(%run_scoped3A_236 : memref<!tpu.dma_semaphore, #tpu.memory_space<semaphore_mem>>)
      %dma_wait3A_245 = arith.constant 0 : i32
      %dma_wait3A_246 = arith.constant 0 : i32
      %dma_wait3A_247 = tpu.memref_slice %arg6[%run_scoped3A_1, %arg1, %dma_wait3A_245, %dma_wait3A_246] : memref<6x16x158x128xi32, #tpu.memory_space<hbm>> -> memref<1x1x158x128xi32, #tpu.memory_space<hbm>>
      %dma_wait3A_248 = tpu.memref_squeeze %dma_wait3A_247 : memref<1x1x158x128xi32, #tpu.memory_space<hbm>> -> memref<158x128xi32, #tpu.memory_space<hbm>>
      %dma_wait3A_249 = arith.constant 0 : i32
      %dma_wait3A_250 = arith.constant 0 : i32
      %dma_wait3A_251 = tpu.memref_slice %arg6[%run_scoped3A_1, %arg1, %dma_wait3A_249, %dma_wait3A_250] : memref<6x16x158x128xi32, #tpu.memory_space<hbm>> -> memref<1x1x158x128xi32, #tpu.memory_space<hbm>>
      %dma_wait3A_252 = tpu.memref_squeeze %dma_wait3A_251 : memref<1x1x158x128xi32, #tpu.memory_space<hbm>> -> memref<158x128xi32, #tpu.memory_space<hbm>>
      tpu.wait_dma2 semaphore(%run_scoped3A_236 : memref<!tpu.dma_semaphore, #tpu.memory_space<semaphore_mem>>) src(%dma_wait3A_252 : memref<158x128xi32, #tpu.memory_space<hbm>>) dst(%arg11 : memref<158x128xi32, #tpu.memory_space<vmem>>)
      tpu.yield
    }) : () -> ()
    %barrier3A = arith.constant 0 : index
    tpu.barrier barrier_id(%barrier3A)
    %dma_start3A = arith.constant 0 : i32
    %dma_start3A_2 = arith.constant 0 : i32
    %dma_start3A_3 = tpu.memref_slice %arg10[%dma_start3A, %dma_start3A_2] : memref<158x128xi32, #tpu.memory_space<vmem>> -> memref<1x128xi32, #tpu.memory_space<vmem>>
    %dma_start3A_4 = tpu.memref_squeeze %dma_start3A_3 : memref<1x128xi32, #tpu.memory_space<vmem>> -> memref<128xi32, #tpu.memory_space<vmem>>
    %dma_start3A_5 = arith.constant 0 : i32
    %dma_start3A_6 = arith.constant 0 : i32
    %dma_start3A_7 = tpu.memref_slice %arg2[%dma_start3A_5, %dma_start3A_6] : memref<20224x64xf32, #tpu.memory_space<hbm>> -> memref<20224x64xf32, #tpu.memory_space<hbm>>
    tpu.enqueue_indirect_dma source(%dma_start3A_7 : memref<20224x64xf32, #tpu.memory_space<hbm>>) target(%arg12 : memref<128x64xf32, #tpu.memory_space<vmem>>) offsets(%dma_start3A_4 : memref<128xi32, #tpu.memory_space<vmem>>) semaphore(%arg14 : memref<!tpu.dma_semaphore, #tpu.memory_space<semaphore_mem>>)
    %dma_start3A_8 = arith.constant 1 : i32
    %dma_start3A_9 = arith.constant 0 : i32
    %dma_start3A_10 = tpu.memref_slice %arg10[%dma_start3A_8, %dma_start3A_9] : memref<158x128xi32, #tpu.memory_space<vmem>> -> memref<1x128xi32, #tpu.memory_space<vmem>>
    %dma_start3A_11 = tpu.memref_squeeze %dma_start3A_10 : memref<1x128xi32, #tpu.memory_space<vmem>> -> memref<128xi32, #tpu.memory_space<vmem>>
    %dma_start3A_12 = arith.constant 0 : i32
    %dma_start3A_13 = arith.constant 0 : i32
    %dma_start3A_14 = tpu.memref_slice %arg2[%dma_start3A_12, %dma_start3A_13] : memref<20224x64xf32, #tpu.memory_space<hbm>> -> memref<20224x64xf32, #tpu.memory_space<hbm>>
    tpu.enqueue_indirect_dma source(%dma_start3A_14 : memref<20224x64xf32, #tpu.memory_space<hbm>>) target(%arg13 : memref<128x64xf32, #tpu.memory_space<vmem>>) offsets(%dma_start3A_11 : memref<128xi32, #tpu.memory_space<vmem>>) semaphore(%arg15 : memref<!tpu.dma_semaphore, #tpu.memory_space<semaphore_mem>>)
    %scan3A = arith.constant 0 : i32
    %scan3A_15 = arith.constant 78 : i32
    %scan3A_16 = arith.addi %scan3A, %scan3A_15 : i32
    %scan3A_17 = arith.constant 1 : i32
    scf.for %scan3A_236 = %scan3A to %scan3A_16 step %scan3A_17  : i32 {
      %mul3A_237 = arith.constant 2 : i32
      %mul3A_238 = arith.muli %scan3A_236, %mul3A_237 : i32
      %add3A = arith.constant 0 : i32
      %add3A_239 = arith.addi %add3A, %mul3A_238 : i32
      %dma_wait3A_240 = arith.constant 0 : i32
      %dma_wait3A_241 = tpu.memref_slice %arg10[%add3A_239, %dma_wait3A_240] : memref<158x128xi32, #tpu.memory_space<vmem>> -> memref<1x128xi32, #tpu.memory_space<vmem>>
      %dma_wait3A_242 = tpu.memref_squeeze %dma_wait3A_241 : memref<1x128xi32, #tpu.memory_space<vmem>> -> memref<128xi32, #tpu.memory_space<vmem>>
      %dma_wait3A_243 = arith.constant 0 : i32
      %dma_wait3A_244 = arith.constant 0 : i32
      %dma_wait3A_245 = tpu.memref_slice %arg2[%dma_wait3A_243, %dma_wait3A_244] : memref<20224x64xf32, #tpu.memory_space<hbm>> -> memref<20224x64xf32, #tpu.memory_space<hbm>>
      tpu.wait_indirect_dma semaphore(%arg14 : memref<!tpu.dma_semaphore, #tpu.memory_space<semaphore_mem>>) src(%dma_wait3A_245 : memref<20224x64xf32, #tpu.memory_space<hbm>>) dst(%arg12 : memref<128x64xf32, #tpu.memory_space<vmem>>)
      "tpu.region"() ({
        %run_scoped3A_272 = tpu.sem_alloc : memref<!tpu.dma_semaphore, #tpu.memory_space<semaphore_mem>>
        %dma_start3A_273 = arith.constant 0 : i32
        %dma_start3A_274 = tpu.memref_slice %arg11[%add3A_239, %dma_start3A_273] : memref<158x128xi32, #tpu.memory_space<vmem>> -> memref<1x128xi32, #tpu.memory_space<vmem>>
        %dma_start3A_275 = tpu.memref_squeeze %dma_start3A_274 : memref<1x128xi32, #tpu.memory_space<vmem>> -> memref<128xi32, #tpu.memory_space<vmem>>
        %dma_start3A_276 = arith.constant 0 : i32
        %dma_start3A_277 = arith.constant 0 : i32
        %dma_start3A_278 = tpu.memref_slice %arg9[%dma_start3A_276, %dma_start3A_277] : memref<10112x64xf32, #tpu.memory_space<vmem_shared>> -> memref<10112x64xf32, #tpu.memory_space<vmem_shared>>
        tpu.enqueue_indirect_dma source(%arg12 : memref<128x64xf32, #tpu.memory_space<vmem>>) target(%dma_start3A_278 : memref<10112x64xf32, #tpu.memory_space<vmem_shared>>) offsets(%dma_start3A_275 : memref<128xi32, #tpu.memory_space<vmem>>) semaphore(%run_scoped3A_272 : memref<!tpu.dma_semaphore, #tpu.memory_space<semaphore_mem>>) {add = true}
        %dma_wait3A_279 = arith.constant 0 : i32
        %dma_wait3A_280 = tpu.memref_slice %arg11[%add3A_239, %dma_wait3A_279] : memref<158x128xi32, #tpu.memory_space<vmem>> -> memref<1x128xi32, #tpu.memory_space<vmem>>
        %dma_wait3A_281 = tpu.memref_squeeze %dma_wait3A_280 : memref<1x128xi32, #tpu.memory_space<vmem>> -> memref<128xi32, #tpu.memory_space<vmem>>
        %dma_wait3A_282 = arith.constant 0 : i32
        %dma_wait3A_283 = arith.constant 0 : i32
        %dma_wait3A_284 = tpu.memref_slice %arg9[%dma_wait3A_282, %dma_wait3A_283] : memref<10112x64xf32, #tpu.memory_space<vmem_shared>> -> memref<10112x64xf32, #tpu.memory_space<vmem_shared>>
        tpu.wait_indirect_dma semaphore(%run_scoped3A_272 : memref<!tpu.dma_semaphore, #tpu.memory_space<semaphore_mem>>) src(%arg12 : memref<128x64xf32, #tpu.memory_space<vmem>>) dst(%dma_wait3A_284 : memref<10112x64xf32, #tpu.memory_space<vmem_shared>>)
        tpu.yield
      }) : () -> ()
      %add3A_246 = arith.constant 2 : i32
      %add3A_247 = arith.addi %add3A_239, %add3A_246 : i32
      %dma_start3A_248 = arith.constant 0 : i32
      %dma_start3A_249 = tpu.memref_slice %arg10[%add3A_247, %dma_start3A_248] : memref<158x128xi32, #tpu.memory_space<vmem>> -> memref<1x128xi32, #tpu.memory_space<vmem>>
      %dma_start3A_250 = tpu.memref_squeeze %dma_start3A_249 : memref<1x128xi32, #tpu.memory_space<vmem>> -> memref<128xi32, #tpu.memory_space<vmem>>
      %dma_start3A_251 = arith.constant 0 : i32
      %dma_start3A_252 = arith.constant 0 : i32
      %dma_start3A_253 = tpu.memref_slice %arg2[%dma_start3A_251, %dma_start3A_252] : memref<20224x64xf32, #tpu.memory_space<hbm>> -> memref<20224x64xf32, #tpu.memory_space<hbm>>
      tpu.enqueue_indirect_dma source(%dma_start3A_253 : memref<20224x64xf32, #tpu.memory_space<hbm>>) target(%arg12 : memref<128x64xf32, #tpu.memory_space<vmem>>) offsets(%dma_start3A_250 : memref<128xi32, #tpu.memory_space<vmem>>) semaphore(%arg14 : memref<!tpu.dma_semaphore, #tpu.memory_space<semaphore_mem>>)
      %add3A_254 = arith.constant 1 : i32
      %add3A_255 = arith.addi %add3A_239, %add3A_254 : i32
      %dma_wait3A_256 = arith.constant 0 : i32
      %dma_wait3A_257 = tpu.memref_slice %arg10[%add3A_255, %dma_wait3A_256] : memref<158x128xi32, #tpu.memory_space<vmem>> -> memref<1x128xi32, #tpu.memory_space<vmem>>
      %dma_wait3A_258 = tpu.memref_squeeze %dma_wait3A_257 : memref<1x128xi32, #tpu.memory_space<vmem>> -> memref<128xi32, #tpu.memory_space<vmem>>
      %dma_wait3A_259 = arith.constant 0 : i32
      %dma_wait3A_260 = arith.constant 0 : i32
      %dma_wait3A_261 = tpu.memref_slice %arg2[%dma_wait3A_259, %dma_wait3A_260] : memref<20224x64xf32, #tpu.memory_space<hbm>> -> memref<20224x64xf32, #tpu.memory_space<hbm>>
      tpu.wait_indirect_dma semaphore(%arg15 : memref<!tpu.dma_semaphore, #tpu.memory_space<semaphore_mem>>) src(%dma_wait3A_261 : memref<20224x64xf32, #tpu.memory_space<hbm>>) dst(%arg13 : memref<128x64xf32, #tpu.memory_space<vmem>>)
      %add3A_262 = arith.constant 1 : i32
      %add3A_263 = arith.addi %add3A_239, %add3A_262 : i32
      "tpu.region"() ({
        %run_scoped3A_272 = tpu.sem_alloc : memref<!tpu.dma_semaphore, #tpu.memory_space<semaphore_mem>>
        %dma_start3A_273 = arith.constant 0 : i32
        %dma_start3A_274 = tpu.memref_slice %arg11[%add3A_263, %dma_start3A_273] : memref<158x128xi32, #tpu.memory_space<vmem>> -> memref<1x128xi32, #tpu.memory_space<vmem>>
        %dma_start3A_275 = tpu.memref_squeeze %dma_start3A_274 : memref<1x128xi32, #tpu.memory_space<vmem>> -> memref<128xi32, #tpu.memory_space<vmem>>
        %dma_start3A_276 = arith.constant 0 : i32
        %dma_start3A_277 = arith.constant 0 : i32
        %dma_start3A_278 = tpu.memref_slice %arg9[%dma_start3A_276, %dma_start3A_277] : memref<10112x64xf32, #tpu.memory_space<vmem_shared>> -> memref<10112x64xf32, #tpu.memory_space<vmem_shared>>
        tpu.enqueue_indirect_dma source(%arg13 : memref<128x64xf32, #tpu.memory_space<vmem>>) target(%dma_start3A_278 : memref<10112x64xf32, #tpu.memory_space<vmem_shared>>) offsets(%dma_start3A_275 : memref<128xi32, #tpu.memory_space<vmem>>) semaphore(%run_scoped3A_272 : memref<!tpu.dma_semaphore, #tpu.memory_space<semaphore_mem>>) {add = true}
        %dma_wait3A_279 = arith.constant 0 : i32
        %dma_wait3A_280 = tpu.memref_slice %arg11[%add3A_263, %dma_wait3A_279] : memref<158x128xi32, #tpu.memory_space<vmem>> -> memref<1x128xi32, #tpu.memory_space<vmem>>
        %dma_wait3A_281 = tpu.memref_squeeze %dma_wait3A_280 : memref<1x128xi32, #tpu.memory_space<vmem>> -> memref<128xi32, #tpu.memory_space<vmem>>
        %dma_wait3A_282 = arith.constant 0 : i32
        %dma_wait3A_283 = arith.constant 0 : i32
        %dma_wait3A_284 = tpu.memref_slice %arg9[%dma_wait3A_282, %dma_wait3A_283] : memref<10112x64xf32, #tpu.memory_space<vmem_shared>> -> memref<10112x64xf32, #tpu.memory_space<vmem_shared>>
        tpu.wait_indirect_dma semaphore(%run_scoped3A_272 : memref<!tpu.dma_semaphore, #tpu.memory_space<semaphore_mem>>) src(%arg13 : memref<128x64xf32, #tpu.memory_space<vmem>>) dst(%dma_wait3A_284 : memref<10112x64xf32, #tpu.memory_space<vmem_shared>>)
        tpu.yield
      }) : () -> ()
      %add3A_264 = arith.constant 3 : i32
      %add3A_265 = arith.addi %add3A_239, %add3A_264 : i32
      %dma_start3A_266 = arith.constant 0 : i32
      %dma_start3A_267 = tpu.memref_slice %arg10[%add3A_265, %dma_start3A_266] : memref<158x128xi32, #tpu.memory_space<vmem>> -> memref<1x128xi32, #tpu.memory_space<vmem>>
      %dma_start3A_268 = tpu.memref_squeeze %dma_start3A_267 : memref<1x128xi32, #tpu.memory_space<vmem>> -> memref<128xi32, #tpu.memory_space<vmem>>
      %dma_start3A_269 = arith.constant 0 : i32
      %dma_start3A_270 = arith.constant 0 : i32
      %dma_start3A_271 = tpu.memref_slice %arg2[%dma_start3A_269, %dma_start3A_270] : memref<20224x64xf32, #tpu.memory_space<hbm>> -> memref<20224x64xf32, #tpu.memory_space<hbm>>
      tpu.enqueue_indirect_dma source(%dma_start3A_271 : memref<20224x64xf32, #tpu.memory_space<hbm>>) target(%arg13 : memref<128x64xf32, #tpu.memory_space<vmem>>) offsets(%dma_start3A_268 : memref<128xi32, #tpu.memory_space<vmem>>) semaphore(%arg15 : memref<!tpu.dma_semaphore, #tpu.memory_space<semaphore_mem>>)
    }
    %scan3A_18 = arith.constant 78 : i32
    %dma_wait3A = arith.constant 156 : i32
    %dma_wait3A_19 = arith.constant 0 : i32
    %dma_wait3A_20 = tpu.memref_slice %arg10[%dma_wait3A, %dma_wait3A_19] : memref<158x128xi32, #tpu.memory_space<vmem>> -> memref<1x128xi32, #tpu.memory_space<vmem>>
    %dma_wait3A_21 = tpu.memref_squeeze %dma_wait3A_20 : memref<1x128xi32, #tpu.memory_space<vmem>> -> memref<128xi32, #tpu.memory_space<vmem>>
    %dma_wait3A_22 = arith.constant 0 : i32
    %dma_wait3A_23 = arith.constant 0 : i32
    %dma_wait3A_24 = tpu.memref_slice %arg2[%dma_wait3A_22, %dma_wait3A_23] : memref<20224x64xf32, #tpu.memory_space<hbm>> -> memref<20224x64xf32, #tpu.memory_space<hbm>>
    tpu.wait_indirect_dma semaphore(%arg14 : memref<!tpu.dma_semaphore, #tpu.memory_space<semaphore_mem>>) src(%dma_wait3A_24 : memref<20224x64xf32, #tpu.memory_space<hbm>>) dst(%arg12 : memref<128x64xf32, #tpu.memory_space<vmem>>)
    %run_scoped3A_25 = arith.constant 156 : i32
    "tpu.region"() ({
      %run_scoped3A_236 = tpu.sem_alloc : memref<!tpu.dma_semaphore, #tpu.memory_space<semaphore_mem>>
      %dma_start3A_237 = arith.constant 0 : i32
      %dma_start3A_238 = tpu.memref_slice %arg11[%run_scoped3A_25, %dma_start3A_237] : memref<158x128xi32, #tpu.memory_space<vmem>> -> memref<1x128xi32, #tpu.memory_space<vmem>>
      %dma_start3A_239 = tpu.memref_squeeze %dma_start3A_238 : memref<1x128xi32, #tpu.memory_space<vmem>> -> memref<128xi32, #tpu.memory_space<vmem>>
      %dma_start3A_240 = arith.constant 0 : i32
      %dma_start3A_241 = arith.constant 0 : i32
      %dma_start3A_242 = tpu.memref_slice %arg9[%dma_start3A_240, %dma_start3A_241] : memref<10112x64xf32, #tpu.memory_space<vmem_shared>> -> memref<10112x64xf32, #tpu.memory_space<vmem_shared>>
      tpu.enqueue_indirect_dma source(%arg12 : memref<128x64xf32, #tpu.memory_space<vmem>>) target(%dma_start3A_242 : memref<10112x64xf32, #tpu.memory_space<vmem_shared>>) offsets(%dma_start3A_239 : memref<128xi32, #tpu.memory_space<vmem>>) semaphore(%run_scoped3A_236 : memref<!tpu.dma_semaphore, #tpu.memory_space<semaphore_mem>>) {add = true}
      %dma_wait3A_243 = arith.constant 0 : i32
      %dma_wait3A_244 = tpu.memref_slice %arg11[%run_scoped3A_25, %dma_wait3A_243] : memref<158x128xi32, #tpu.memory_space<vmem>> -> memref<1x128xi32, #tpu.memory_space<vmem>>
      %dma_wait3A_245 = tpu.memref_squeeze %dma_wait3A_244 : memref<1x128xi32, #tpu.memory_space<vmem>> -> memref<128xi32, #tpu.memory_space<vmem>>
      %dma_wait3A_246 = arith.constant 0 : i32
      %dma_wait3A_247 = arith.constant 0 : i32
      %dma_wait3A_248 = tpu.memref_slice %arg9[%dma_wait3A_246, %dma_wait3A_247] : memref<10112x64xf32, #tpu.memory_space<vmem_shared>> -> memref<10112x64xf32, #tpu.memory_space<vmem_shared>>
      tpu.wait_indirect_dma semaphore(%run_scoped3A_236 : memref<!tpu.dma_semaphore, #tpu.memory_space<semaphore_mem>>) src(%arg12 : memref<128x64xf32, #tpu.memory_space<vmem>>) dst(%dma_wait3A_248 : memref<10112x64xf32, #tpu.memory_space<vmem_shared>>)
      tpu.yield
    }) : () -> ()
    %dma_wait3A_26 = arith.constant 157 : i32
    %dma_wait3A_27 = arith.constant 0 : i32
    %dma_wait3A_28 = tpu.memref_slice %arg10[%dma_wait3A_26, %dma_wait3A_27] : memref<158x128xi32, #tpu.memory_space<vmem>> -> memref<1x128xi32, #tpu.memory_space<vmem>>
    %dma_wait3A_29 = tpu.memref_squeeze %dma_wait3A_28 : memref<1x128xi32, #tpu.memory_space<vmem>> -> memref<128xi32, #tpu.memory_space<vmem>>
    %dma_wait3A_30 = arith.constant 0 : i32
    %dma_wait3A_31 = arith.constant 0 : i32
    %dma_wait3A_32 = tpu.memref_slice %arg2[%dma_wait3A_30, %dma_wait3A_31] : memref<20224x64xf32, #tpu.memory_space<hbm>> -> memref<20224x64xf32, #tpu.memory_space<hbm>>
    tpu.wait_indirect_dma semaphore(%arg15 : memref<!tpu.dma_semaphore, #tpu.memory_space<semaphore_mem>>) src(%dma_wait3A_32 : memref<20224x64xf32, #tpu.memory_space<hbm>>) dst(%arg13 : memref<128x64xf32, #tpu.memory_space<vmem>>)
    %run_scoped3A_33 = arith.constant 157 : i32
    "tpu.region"() ({
      %run_scoped3A_236 = tpu.sem_alloc : memref<!tpu.dma_semaphore, #tpu.memory_space<semaphore_mem>>
      %dma_start3A_237 = arith.constant 0 : i32
      %dma_start3A_238 = tpu.memref_slice %arg11[%run_scoped3A_33, %dma_start3A_237] : memref<158x128xi32, #tpu.memory_space<vmem>> -> memref<1x128xi32, #tpu.memory_space<vmem>>
      %dma_start3A_239 = tpu.memref_squeeze %dma_start3A_238 : memref<1x128xi32, #tpu.memory_space<vmem>> -> memref<128xi32, #tpu.memory_space<vmem>>
      %dma_start3A_240 = arith.constant 0 : i32
      %dma_start3A_241 = arith.constant 0 : i32
      %dma_start3A_242 = tpu.memref_slice %arg9[%dma_start3A_240, %dma_start3A_241] : memref<10112x64xf32, #tpu.memory_space<vmem_shared>> -> memref<10112x64xf32, #tpu.memory_space<vmem_shared>>
      tpu.enqueue_indirect_dma source(%arg13 : memref<128x64xf32, #tpu.memory_space<vmem>>) target(%dma_start3A_242 : memref<10112x64xf32, #tpu.memory_space<vmem_shared>>) offsets(%dma_start3A_239 : memref<128xi32, #tpu.memory_space<vmem>>) semaphore(%run_scoped3A_236 : memref<!tpu.dma_semaphore, #tpu.memory_space<semaphore_mem>>) {add = true}
      %dma_wait3A_243 = arith.constant 0 : i32
      %dma_wait3A_244 = tpu.memref_slice %arg11[%run_scoped3A_33, %dma_wait3A_243] : memref<158x128xi32, #tpu.memory_space<vmem>> -> memref<1x128xi32, #tpu.memory_space<vmem>>
      %dma_wait3A_245 = tpu.memref_squeeze %dma_wait3A_244 : memref<1x128xi32, #tpu.memory_space<vmem>> -> memref<128xi32, #tpu.memory_space<vmem>>
      %dma_wait3A_246 = arith.constant 0 : i32
      %dma_wait3A_247 = arith.constant 0 : i32
      %dma_wait3A_248 = tpu.memref_slice %arg9[%dma_wait3A_246, %dma_wait3A_247] : memref<10112x64xf32, #tpu.memory_space<vmem_shared>> -> memref<10112x64xf32, #tpu.memory_space<vmem_shared>>
      tpu.wait_indirect_dma semaphore(%run_scoped3A_236 : memref<!tpu.dma_semaphore, #tpu.memory_space<semaphore_mem>>) src(%arg13 : memref<128x64xf32, #tpu.memory_space<vmem>>) dst(%dma_wait3A_248 : memref<10112x64xf32, #tpu.memory_space<vmem_shared>>)
      tpu.yield
    }) : () -> ()
    %barrier3A_34 = arith.constant 0 : index
    tpu.barrier barrier_id(%barrier3A_34)
    %run_scoped3A_35 = arith.constant 0 : i32
    "tpu.region"() ({
      %run_scoped3A_236 = tpu.sem_alloc : memref<!tpu.dma_semaphore, #tpu.memory_space<semaphore_mem>>
      %dma_start3A_237 = arith.constant 0 : i32
      %dma_start3A_238 = tpu.memref_slice %arg8[%run_scoped3A_35, %arg0, %mul3A_0, %dma_start3A_237] : memref<6x2x10112x64xf32, #tpu.memory_space<hbm>> -> memref<1x1x632x64xf32, #tpu.memory_space<hbm>>
      %dma_start3A_239 = tpu.memref_squeeze %dma_start3A_238 : memref<1x1x632x64xf32, #tpu.memory_space<hbm>> -> memref<632x64xf32, #tpu.memory_space<hbm>>
      %dma_start3A_240 = arith.constant 0 : i32
      %dma_start3A_241 = tpu.memref_slice %arg9[%mul3A_0, %dma_start3A_240] : memref<10112x64xf32, #tpu.memory_space<vmem_shared>> -> memref<632x64xf32, #tpu.memory_space<vmem_shared>>
      tpu.enqueue_dma source(%dma_start3A_241 : memref<632x64xf32, #tpu.memory_space<vmem_shared>>) target(%dma_start3A_239 : memref<632x64xf32, #tpu.memory_space<hbm>>) target_semaphore(%run_scoped3A_236 : memref<!tpu.dma_semaphore, #tpu.memory_space<semaphore_mem>>)
      %dma_wait3A_242 = arith.constant 0 : i32
      %dma_wait3A_243 = tpu.memref_slice %arg8[%run_scoped3A_35, %arg0, %mul3A_0, %dma_wait3A_242] : memref<6x2x10112x64xf32, #tpu.memory_space<hbm>> -> memref<1x1x632x64xf32, #tpu.memory_space<hbm>>
      %dma_wait3A_244 = tpu.memref_squeeze %dma_wait3A_243 : memref<1x1x632x64xf32, #tpu.memory_space<hbm>> -> memref<632x64xf32, #tpu.memory_space<hbm>>
      %dma_wait3A_245 = arith.constant 0 : i32
      %dma_wait3A_246 = tpu.memref_slice %arg9[%mul3A_0, %dma_wait3A_245] : memref<10112x64xf32, #tpu.memory_space<vmem_shared>> -> memref<632x64xf32, #tpu.memory_space<vmem_shared>>
      tpu.wait_dma2 semaphore(%run_scoped3A_236 : memref<!tpu.dma_semaphore, #tpu.memory_space<semaphore_mem>>) src(%dma_wait3A_246 : memref<632x64xf32, #tpu.memory_space<vmem_shared>>) dst(%dma_wait3A_244 : memref<632x64xf32, #tpu.memory_space<hbm>>)
      tpu.yield
    }) : () -> ()
    "tpu.region"() ({
      %run_scoped3A_236 = tpu.sem_alloc : memref<!tpu.dma_semaphore, #tpu.memory_space<semaphore_mem>>
      %dma_start3A_237 = arith.constant 0 : i32
      %dma_start3A_238 = tpu.memref_slice %arg9[%mul3A_0, %dma_start3A_237] : memref<10112x64xf32, #tpu.memory_space<vmem_shared>> -> memref<632x64xf32, #tpu.memory_space<vmem_shared>>
      %dma_start3A_239 = arith.constant 0 : i32
      %dma_start3A_240 = tpu.memref_slice %arg7[%mul3A_0, %dma_start3A_239] : memref<10112x64xf32, #tpu.memory_space<hbm>> -> memref<632x64xf32, #tpu.memory_space<hbm>>
      tpu.enqueue_dma source(%dma_start3A_240 : memref<632x64xf32, #tpu.memory_space<hbm>>) target(%dma_start3A_238 : memref<632x64xf32, #tpu.memory_space<vmem_shared>>) target_semaphore(%run_scoped3A_236 : memref<!tpu.dma_semaphore, #tpu.memory_space<semaphore_mem>>)
      %dma_wait3A_241 = arith.constant 0 : i32
      %dma_wait3A_242 = tpu.memref_slice %arg9[%mul3A_0, %dma_wait3A_241] : memref<10112x64xf32, #tpu.memory_space<vmem_shared>> -> memref<632x64xf32, #tpu.memory_space<vmem_shared>>
      %dma_wait3A_243 = arith.constant 0 : i32
      %dma_wait3A_244 = tpu.memref_slice %arg7[%mul3A_0, %dma_wait3A_243] : memref<10112x64xf32, #tpu.memory_space<hbm>> -> memref<632x64xf32, #tpu.memory_space<hbm>>
      tpu.wait_dma2 semaphore(%run_scoped3A_236 : memref<!tpu.dma_semaphore, #tpu.memory_space<semaphore_mem>>) src(%dma_wait3A_244 : memref<632x64xf32, #tpu.memory_space<hbm>>) dst(%dma_wait3A_242 : memref<632x64xf32, #tpu.memory_space<vmem_shared>>)
      tpu.yield
    }) : () -> ()
    %run_scoped3A_36 = arith.constant 1 : i32
    "tpu.region"() ({
      %run_scoped3A_236 = tpu.sem_alloc : memref<!tpu.dma_semaphore, #tpu.memory_space<semaphore_mem>>
      %dma_start3A_237 = arith.constant 0 : i32
      %dma_start3A_238 = arith.constant 0 : i32
      %dma_start3A_239 = tpu.memref_slice %arg5[%arg0, %run_scoped3A_36, %arg1, %dma_start3A_237, %dma_start3A_238] : memref<2x6x16x158x128xi32, #tpu.memory_space<hbm>> -> memref<1x1x1x158x128xi32, #tpu.memory_space<hbm>>
      %dma_start3A_240 = tpu.memref_squeeze %dma_start3A_239 : memref<1x1x1x158x128xi32, #tpu.memory_space<hbm>> -> memref<158x128xi32, #tpu.memory_space<hbm>>
      %dma_start3A_241 = arith.constant 0 : i32
      %dma_start3A_242 = arith.constant 0 : i32
      %dma_start3A_243 = tpu.memref_slice %arg5[%arg0, %run_scoped3A_36, %arg1, %dma_start3A_241, %dma_start3A_242] : memref<2x6x16x158x128xi32, #tpu.memory_space<hbm>> -> memref<1x1x1x158x128xi32, #tpu.memory_space<hbm>>
      %dma_start3A_244 = tpu.memref_squeeze %dma_start3A_243 : memref<1x1x1x158x128xi32, #tpu.memory_space<hbm>> -> memref<158x128xi32, #tpu.memory_space<hbm>>
      tpu.enqueue_dma source(%dma_start3A_244 : memref<158x128xi32, #tpu.memory_space<hbm>>) target(%arg10 : memref<158x128xi32, #tpu.memory_space<vmem>>) target_semaphore(%run_scoped3A_236 : memref<!tpu.dma_semaphore, #tpu.memory_space<semaphore_mem>>)
      %dma_wait3A_245 = arith.constant 0 : i32
      %dma_wait3A_246 = arith.constant 0 : i32
      %dma_wait3A_247 = tpu.memref_slice %arg5[%arg0, %run_scoped3A_36, %arg1, %dma_wait3A_245, %dma_wait3A_246] : memref<2x6x16x158x128xi32, #tpu.memory_space<hbm>> -> memref<1x1x1x158x128xi32, #tpu.memory_space<hbm>>
      %dma_wait3A_248 = tpu.memref_squeeze %dma_wait3A_247 : memref<1x1x1x158x128xi32, #tpu.memory_space<hbm>> -> memref<158x128xi32, #tpu.memory_space<hbm>>
      %dma_wait3A_249 = arith.constant 0 : i32
      %dma_wait3A_250 = arith.constant 0 : i32
      %dma_wait3A_251 = tpu.memref_slice %arg5[%arg0, %run_scoped3A_36, %arg1, %dma_wait3A_249, %dma_wait3A_250] : memref<2x6x16x158x128xi32, #tpu.memory_space<hbm>> -> memref<1x1x1x158x128xi32, #tpu.memory_space<hbm>>
      %dma_wait3A_252 = tpu.memref_squeeze %dma_wait3A_251 : memref<1x1x1x158x128xi32, #tpu.memory_space<hbm>> -> memref<158x128xi32, #tpu.memory_space<hbm>>
      tpu.wait_dma2 semaphore(%run_scoped3A_236 : memref<!tpu.dma_semaphore, #tpu.memory_space<semaphore_mem>>) src(%dma_wait3A_252 : memref<158x128xi32, #tpu.memory_space<hbm>>) dst(%arg10 : memref<158x128xi32, #tpu.memory_space<vmem>>)
      tpu.yield
    }) : () -> ()
    %run_scoped3A_37 = arith.constant 1 : i32
    "tpu.region"() ({
      %run_scoped3A_236 = tpu.sem_alloc : memref<!tpu.dma_semaphore, #tpu.memory_space<semaphore_mem>>
      %dma_start3A_237 = arith.constant 0 : i32
      %dma_start3A_238 = arith.constant 0 : i32
      %dma_start3A_239 = tpu.memref_slice %arg6[%run_scoped3A_37, %arg1, %dma_start3A_237, %dma_start3A_238] : memref<6x16x158x128xi32, #tpu.memory_space<hbm>> -> memref<1x1x158x128xi32, #tpu.memory_space<hbm>>
      %dma_start3A_240 = tpu.memref_squeeze %dma_start3A_239 : memref<1x1x158x128xi32, #tpu.memory_space<hbm>> -> memref<158x128xi32, #tpu.memory_space<hbm>>
      %dma_start3A_241 = arith.constant 0 : i32
      %dma_start3A_242 = arith.constant 0 : i32
      %dma_start3A_243 = tpu.memref_slice %arg6[%run_scoped3A_37, %arg1, %dma_start3A_241, %dma_start3A_242] : memref<6x16x158x128xi32, #tpu.memory_space<hbm>> -> memref<1x1x158x128xi32, #tpu.memory_space<hbm>>
      %dma_start3A_244 = tpu.memref_squeeze %dma_start3A_243 : memref<1x1x158x128xi32, #tpu.memory_space<hbm>> -> memref<158x128xi32, #tpu.memory_space<hbm>>
      tpu.enqueue_dma source(%dma_start3A_244 : memref<158x128xi32, #tpu.memory_space<hbm>>) target(%arg11 : memref<158x128xi32, #tpu.memory_space<vmem>>) target_semaphore(%run_scoped3A_236 : memref<!tpu.dma_semaphore, #tpu.memory_space<semaphore_mem>>)
      %dma_wait3A_245 = arith.constant 0 : i32
      %dma_wait3A_246 = arith.constant 0 : i32
      %dma_wait3A_247 = tpu.memref_slice %arg6[%run_scoped3A_37, %arg1, %dma_wait3A_245, %dma_wait3A_246] : memref<6x16x158x128xi32, #tpu.memory_space<hbm>> -> memref<1x1x158x128xi32, #tpu.memory_space<hbm>>
      %dma_wait3A_248 = tpu.memref_squeeze %dma_wait3A_247 : memref<1x1x158x128xi32, #tpu.memory_space<hbm>> -> memref<158x128xi32, #tpu.memory_space<hbm>>
      %dma_wait3A_249 = arith.constant 0 : i32
      %dma_wait3A_250 = arith.constant 0 : i32
      %dma_wait3A_251 = tpu.memref_slice %arg6[%run_scoped3A_37, %arg1, %dma_wait3A_249, %dma_wait3A_250] : memref<6x16x158x128xi32, #tpu.memory_space<hbm>> -> memref<1x1x158x128xi32, #tpu.memory_space<hbm>>
      %dma_wait3A_252 = tpu.memref_squeeze %dma_wait3A_251 : memref<1x1x158x128xi32, #tpu.memory_space<hbm>> -> memref<158x128xi32, #tpu.memory_space<hbm>>
      tpu.wait_dma2 semaphore(%run_scoped3A_236 : memref<!tpu.dma_semaphore, #tpu.memory_space<semaphore_mem>>) src(%dma_wait3A_252 : memref<158x128xi32, #tpu.memory_space<hbm>>) dst(%arg11 : memref<158x128xi32, #tpu.memory_space<vmem>>)
      tpu.yield
    }) : () -> ()
    %barrier3A_38 = arith.constant 0 : index
    tpu.barrier barrier_id(%barrier3A_38)
    %dma_start3A_39 = arith.constant 0 : i32
    %dma_start3A_40 = arith.constant 0 : i32
    %dma_start3A_41 = tpu.memref_slice %arg10[%dma_start3A_39, %dma_start3A_40] : memref<158x128xi32, #tpu.memory_space<vmem>> -> memref<1x128xi32, #tpu.memory_space<vmem>>
    %dma_start3A_42 = tpu.memref_squeeze %dma_start3A_41 : memref<1x128xi32, #tpu.memory_space<vmem>> -> memref<128xi32, #tpu.memory_space<vmem>>
    %dma_start3A_43 = arith.constant 0 : i32
    %dma_start3A_44 = arith.constant 0 : i32
    %dma_start3A_45 = tpu.memref_slice %arg3[%dma_start3A_43, %dma_start3A_44] : memref<20224x64xf32, #tpu.memory_space<hbm>> -> memref<20224x64xf32, #tpu.memory_space<hbm>>
    tpu.enqueue_indirect_dma source(%dma_start3A_45 : memref<20224x64xf32, #tpu.memory_space<hbm>>) target(%arg12 : memref<128x64xf32, #tpu.memory_space<vmem>>) offsets(%dma_start3A_42 : memref<128xi32, #tpu.memory_space<vmem>>) semaphore(%arg14 : memref<!tpu.dma_semaphore, #tpu.memory_space<semaphore_mem>>)
    %dma_start3A_46 = arith.constant 1 : i32
    %dma_start3A_47 = arith.constant 0 : i32
    %dma_start3A_48 = tpu.memref_slice %arg10[%dma_start3A_46, %dma_start3A_47] : memref<158x128xi32, #tpu.memory_space<vmem>> -> memref<1x128xi32, #tpu.memory_space<vmem>>
    %dma_start3A_49 = tpu.memref_squeeze %dma_start3A_48 : memref<1x128xi32, #tpu.memory_space<vmem>> -> memref<128xi32, #tpu.memory_space<vmem>>
    %dma_start3A_50 = arith.constant 0 : i32
    %dma_start3A_51 = arith.constant 0 : i32
    %dma_start3A_52 = tpu.memref_slice %arg3[%dma_start3A_50, %dma_start3A_51] : memref<20224x64xf32, #tpu.memory_space<hbm>> -> memref<20224x64xf32, #tpu.memory_space<hbm>>
    tpu.enqueue_indirect_dma source(%dma_start3A_52 : memref<20224x64xf32, #tpu.memory_space<hbm>>) target(%arg13 : memref<128x64xf32, #tpu.memory_space<vmem>>) offsets(%dma_start3A_49 : memref<128xi32, #tpu.memory_space<vmem>>) semaphore(%arg15 : memref<!tpu.dma_semaphore, #tpu.memory_space<semaphore_mem>>)
    %scan3A_53 = arith.constant 0 : i32
    %scan3A_54 = arith.constant 78 : i32
    %scan3A_55 = arith.addi %scan3A_53, %scan3A_54 : i32
    %scan3A_56 = arith.constant 1 : i32
    scf.for %scan3A_236 = %scan3A_53 to %scan3A_55 step %scan3A_56  : i32 {
      %mul3A_237 = arith.constant 2 : i32
      %mul3A_238 = arith.muli %scan3A_236, %mul3A_237 : i32
      %add3A = arith.constant 0 : i32
      %add3A_239 = arith.addi %add3A, %mul3A_238 : i32
      %dma_wait3A_240 = arith.constant 0 : i32
      %dma_wait3A_241 = tpu.memref_slice %arg10[%add3A_239, %dma_wait3A_240] : memref<158x128xi32, #tpu.memory_space<vmem>> -> memref<1x128xi32, #tpu.memory_space<vmem>>
      %dma_wait3A_242 = tpu.memref_squeeze %dma_wait3A_241 : memref<1x128xi32, #tpu.memory_space<vmem>> -> memref<128xi32, #tpu.memory_space<vmem>>
      %dma_wait3A_243 = arith.constant 0 : i32
      %dma_wait3A_244 = arith.constant 0 : i32
      %dma_wait3A_245 = tpu.memref_slice %arg3[%dma_wait3A_243, %dma_wait3A_244] : memref<20224x64xf32, #tpu.memory_space<hbm>> -> memref<20224x64xf32, #tpu.memory_space<hbm>>
      tpu.wait_indirect_dma semaphore(%arg14 : memref<!tpu.dma_semaphore, #tpu.memory_space<semaphore_mem>>) src(%dma_wait3A_245 : memref<20224x64xf32, #tpu.memory_space<hbm>>) dst(%arg12 : memref<128x64xf32, #tpu.memory_space<vmem>>)
      "tpu.region"() ({
        %run_scoped3A_272 = tpu.sem_alloc : memref<!tpu.dma_semaphore, #tpu.memory_space<semaphore_mem>>
        %dma_start3A_273 = arith.constant 0 : i32
        %dma_start3A_274 = tpu.memref_slice %arg11[%add3A_239, %dma_start3A_273] : memref<158x128xi32, #tpu.memory_space<vmem>> -> memref<1x128xi32, #tpu.memory_space<vmem>>
        %dma_start3A_275 = tpu.memref_squeeze %dma_start3A_274 : memref<1x128xi32, #tpu.memory_space<vmem>> -> memref<128xi32, #tpu.memory_space<vmem>>
        %dma_start3A_276 = arith.constant 0 : i32
        %dma_start3A_277 = arith.constant 0 : i32
        %dma_start3A_278 = tpu.memref_slice %arg9[%dma_start3A_276, %dma_start3A_277] : memref<10112x64xf32, #tpu.memory_space<vmem_shared>> -> memref<10112x64xf32, #tpu.memory_space<vmem_shared>>
        tpu.enqueue_indirect_dma source(%arg12 : memref<128x64xf32, #tpu.memory_space<vmem>>) target(%dma_start3A_278 : memref<10112x64xf32, #tpu.memory_space<vmem_shared>>) offsets(%dma_start3A_275 : memref<128xi32, #tpu.memory_space<vmem>>) semaphore(%run_scoped3A_272 : memref<!tpu.dma_semaphore, #tpu.memory_space<semaphore_mem>>) {add = true}
        %dma_wait3A_279 = arith.constant 0 : i32
        %dma_wait3A_280 = tpu.memref_slice %arg11[%add3A_239, %dma_wait3A_279] : memref<158x128xi32, #tpu.memory_space<vmem>> -> memref<1x128xi32, #tpu.memory_space<vmem>>
        %dma_wait3A_281 = tpu.memref_squeeze %dma_wait3A_280 : memref<1x128xi32, #tpu.memory_space<vmem>> -> memref<128xi32, #tpu.memory_space<vmem>>
        %dma_wait3A_282 = arith.constant 0 : i32
        %dma_wait3A_283 = arith.constant 0 : i32
        %dma_wait3A_284 = tpu.memref_slice %arg9[%dma_wait3A_282, %dma_wait3A_283] : memref<10112x64xf32, #tpu.memory_space<vmem_shared>> -> memref<10112x64xf32, #tpu.memory_space<vmem_shared>>
        tpu.wait_indirect_dma semaphore(%run_scoped3A_272 : memref<!tpu.dma_semaphore, #tpu.memory_space<semaphore_mem>>) src(%arg12 : memref<128x64xf32, #tpu.memory_space<vmem>>) dst(%dma_wait3A_284 : memref<10112x64xf32, #tpu.memory_space<vmem_shared>>)
        tpu.yield
      }) : () -> ()
      %add3A_246 = arith.constant 2 : i32
      %add3A_247 = arith.addi %add3A_239, %add3A_246 : i32
      %dma_start3A_248 = arith.constant 0 : i32
      %dma_start3A_249 = tpu.memref_slice %arg10[%add3A_247, %dma_start3A_248] : memref<158x128xi32, #tpu.memory_space<vmem>> -> memref<1x128xi32, #tpu.memory_space<vmem>>
      %dma_start3A_250 = tpu.memref_squeeze %dma_start3A_249 : memref<1x128xi32, #tpu.memory_space<vmem>> -> memref<128xi32, #tpu.memory_space<vmem>>
      %dma_start3A_251 = arith.constant 0 : i32
      %dma_start3A_252 = arith.constant 0 : i32
      %dma_start3A_253 = tpu.memref_slice %arg3[%dma_start3A_251, %dma_start3A_252] : memref<20224x64xf32, #tpu.memory_space<hbm>> -> memref<20224x64xf32, #tpu.memory_space<hbm>>
      tpu.enqueue_indirect_dma source(%dma_start3A_253 : memref<20224x64xf32, #tpu.memory_space<hbm>>) target(%arg12 : memref<128x64xf32, #tpu.memory_space<vmem>>) offsets(%dma_start3A_250 : memref<128xi32, #tpu.memory_space<vmem>>) semaphore(%arg14 : memref<!tpu.dma_semaphore, #tpu.memory_space<semaphore_mem>>)
      %add3A_254 = arith.constant 1 : i32
      %add3A_255 = arith.addi %add3A_239, %add3A_254 : i32
      %dma_wait3A_256 = arith.constant 0 : i32
      %dma_wait3A_257 = tpu.memref_slice %arg10[%add3A_255, %dma_wait3A_256] : memref<158x128xi32, #tpu.memory_space<vmem>> -> memref<1x128xi32, #tpu.memory_space<vmem>>
      %dma_wait3A_258 = tpu.memref_squeeze %dma_wait3A_257 : memref<1x128xi32, #tpu.memory_space<vmem>> -> memref<128xi32, #tpu.memory_space<vmem>>
      %dma_wait3A_259 = arith.constant 0 : i32
      %dma_wait3A_260 = arith.constant 0 : i32
      %dma_wait3A_261 = tpu.memref_slice %arg3[%dma_wait3A_259, %dma_wait3A_260] : memref<20224x64xf32, #tpu.memory_space<hbm>> -> memref<20224x64xf32, #tpu.memory_space<hbm>>
      tpu.wait_indirect_dma semaphore(%arg15 : memref<!tpu.dma_semaphore, #tpu.memory_space<semaphore_mem>>) src(%dma_wait3A_261 : memref<20224x64xf32, #tpu.memory_space<hbm>>) dst(%arg13 : memref<128x64xf32, #tpu.memory_space<vmem>>)
      %add3A_262 = arith.constant 1 : i32
      %add3A_263 = arith.addi %add3A_239, %add3A_262 : i32
      "tpu.region"() ({
        %run_scoped3A_272 = tpu.sem_alloc : memref<!tpu.dma_semaphore, #tpu.memory_space<semaphore_mem>>
        %dma_start3A_273 = arith.constant 0 : i32
        %dma_start3A_274 = tpu.memref_slice %arg11[%add3A_263, %dma_start3A_273] : memref<158x128xi32, #tpu.memory_space<vmem>> -> memref<1x128xi32, #tpu.memory_space<vmem>>
        %dma_start3A_275 = tpu.memref_squeeze %dma_start3A_274 : memref<1x128xi32, #tpu.memory_space<vmem>> -> memref<128xi32, #tpu.memory_space<vmem>>
        %dma_start3A_276 = arith.constant 0 : i32
        %dma_start3A_277 = arith.constant 0 : i32
        %dma_start3A_278 = tpu.memref_slice %arg9[%dma_start3A_276, %dma_start3A_277] : memref<10112x64xf32, #tpu.memory_space<vmem_shared>> -> memref<10112x64xf32, #tpu.memory_space<vmem_shared>>
        tpu.enqueue_indirect_dma source(%arg13 : memref<128x64xf32, #tpu.memory_space<vmem>>) target(%dma_start3A_278 : memref<10112x64xf32, #tpu.memory_space<vmem_shared>>) offsets(%dma_start3A_275 : memref<128xi32, #tpu.memory_space<vmem>>) semaphore(%run_scoped3A_272 : memref<!tpu.dma_semaphore, #tpu.memory_space<semaphore_mem>>) {add = true}
        %dma_wait3A_279 = arith.constant 0 : i32
        %dma_wait3A_280 = tpu.memref_slice %arg11[%add3A_263, %dma_wait3A_279] : memref<158x128xi32, #tpu.memory_space<vmem>> -> memref<1x128xi32, #tpu.memory_space<vmem>>
        %dma_wait3A_281 = tpu.memref_squeeze %dma_wait3A_280 : memref<1x128xi32, #tpu.memory_space<vmem>> -> memref<128xi32, #tpu.memory_space<vmem>>
        %dma_wait3A_282 = arith.constant 0 : i32
        %dma_wait3A_283 = arith.constant 0 : i32
        %dma_wait3A_284 = tpu.memref_slice %arg9[%dma_wait3A_282, %dma_wait3A_283] : memref<10112x64xf32, #tpu.memory_space<vmem_shared>> -> memref<10112x64xf32, #tpu.memory_space<vmem_shared>>
        tpu.wait_indirect_dma semaphore(%run_scoped3A_272 : memref<!tpu.dma_semaphore, #tpu.memory_space<semaphore_mem>>) src(%arg13 : memref<128x64xf32, #tpu.memory_space<vmem>>) dst(%dma_wait3A_284 : memref<10112x64xf32, #tpu.memory_space<vmem_shared>>)
        tpu.yield
      }) : () -> ()
      %add3A_264 = arith.constant 3 : i32
      %add3A_265 = arith.addi %add3A_239, %add3A_264 : i32
      %dma_start3A_266 = arith.constant 0 : i32
      %dma_start3A_267 = tpu.memref_slice %arg10[%add3A_265, %dma_start3A_266] : memref<158x128xi32, #tpu.memory_space<vmem>> -> memref<1x128xi32, #tpu.memory_space<vmem>>
      %dma_start3A_268 = tpu.memref_squeeze %dma_start3A_267 : memref<1x128xi32, #tpu.memory_space<vmem>> -> memref<128xi32, #tpu.memory_space<vmem>>
      %dma_start3A_269 = arith.constant 0 : i32
      %dma_start3A_270 = arith.constant 0 : i32
      %dma_start3A_271 = tpu.memref_slice %arg3[%dma_start3A_269, %dma_start3A_270] : memref<20224x64xf32, #tpu.memory_space<hbm>> -> memref<20224x64xf32, #tpu.memory_space<hbm>>
      tpu.enqueue_indirect_dma source(%dma_start3A_271 : memref<20224x64xf32, #tpu.memory_space<hbm>>) target(%arg13 : memref<128x64xf32, #tpu.memory_space<vmem>>) offsets(%dma_start3A_268 : memref<128xi32, #tpu.memory_space<vmem>>) semaphore(%arg15 : memref<!tpu.dma_semaphore, #tpu.memory_space<semaphore_mem>>)
    }
    %scan3A_57 = arith.constant 78 : i32
    %dma_wait3A_58 = arith.constant 156 : i32
    %dma_wait3A_59 = arith.constant 0 : i32
    %dma_wait3A_60 = tpu.memref_slice %arg10[%dma_wait3A_58, %dma_wait3A_59] : memref<158x128xi32, #tpu.memory_space<vmem>> -> memref<1x128xi32, #tpu.memory_space<vmem>>
    %dma_wait3A_61 = tpu.memref_squeeze %dma_wait3A_60 : memref<1x128xi32, #tpu.memory_space<vmem>> -> memref<128xi32, #tpu.memory_space<vmem>>
    %dma_wait3A_62 = arith.constant 0 : i32
    %dma_wait3A_63 = arith.constant 0 : i32
    %dma_wait3A_64 = tpu.memref_slice %arg3[%dma_wait3A_62, %dma_wait3A_63] : memref<20224x64xf32, #tpu.memory_space<hbm>> -> memref<20224x64xf32, #tpu.memory_space<hbm>>
    tpu.wait_indirect_dma semaphore(%arg14 : memref<!tpu.dma_semaphore, #tpu.memory_space<semaphore_mem>>) src(%dma_wait3A_64 : memref<20224x64xf32, #tpu.memory_space<hbm>>) dst(%arg12 : memref<128x64xf32, #tpu.memory_space<vmem>>)
    %run_scoped3A_65 = arith.constant 156 : i32
    "tpu.region"() ({
      %run_scoped3A_236 = tpu.sem_alloc : memref<!tpu.dma_semaphore, #tpu.memory_space<semaphore_mem>>
      %dma_start3A_237 = arith.constant 0 : i32
      %dma_start3A_238 = tpu.memref_slice %arg11[%run_scoped3A_65, %dma_start3A_237] : memref<158x128xi32, #tpu.memory_space<vmem>> -> memref<1x128xi32, #tpu.memory_space<vmem>>
      %dma_start3A_239 = tpu.memref_squeeze %dma_start3A_238 : memref<1x128xi32, #tpu.memory_space<vmem>> -> memref<128xi32, #tpu.memory_space<vmem>>
      %dma_start3A_240 = arith.constant 0 : i32
      %dma_start3A_241 = arith.constant 0 : i32
      %dma_start3A_242 = tpu.memref_slice %arg9[%dma_start3A_240, %dma_start3A_241] : memref<10112x64xf32, #tpu.memory_space<vmem_shared>> -> memref<10112x64xf32, #tpu.memory_space<vmem_shared>>
      tpu.enqueue_indirect_dma source(%arg12 : memref<128x64xf32, #tpu.memory_space<vmem>>) target(%dma_start3A_242 : memref<10112x64xf32, #tpu.memory_space<vmem_shared>>) offsets(%dma_start3A_239 : memref<128xi32, #tpu.memory_space<vmem>>) semaphore(%run_scoped3A_236 : memref<!tpu.dma_semaphore, #tpu.memory_space<semaphore_mem>>) {add = true}
      %dma_wait3A_243 = arith.constant 0 : i32
      %dma_wait3A_244 = tpu.memref_slice %arg11[%run_scoped3A_65, %dma_wait3A_243] : memref<158x128xi32, #tpu.memory_space<vmem>> -> memref<1x128xi32, #tpu.memory_space<vmem>>
      %dma_wait3A_245 = tpu.memref_squeeze %dma_wait3A_244 : memref<1x128xi32, #tpu.memory_space<vmem>> -> memref<128xi32, #tpu.memory_space<vmem>>
      %dma_wait3A_246 = arith.constant 0 : i32
      %dma_wait3A_247 = arith.constant 0 : i32
      %dma_wait3A_248 = tpu.memref_slice %arg9[%dma_wait3A_246, %dma_wait3A_247] : memref<10112x64xf32, #tpu.memory_space<vmem_shared>> -> memref<10112x64xf32, #tpu.memory_space<vmem_shared>>
      tpu.wait_indirect_dma semaphore(%run_scoped3A_236 : memref<!tpu.dma_semaphore, #tpu.memory_space<semaphore_mem>>) src(%arg12 : memref<128x64xf32, #tpu.memory_space<vmem>>) dst(%dma_wait3A_248 : memref<10112x64xf32, #tpu.memory_space<vmem_shared>>)
      tpu.yield
    }) : () -> ()
    %dma_wait3A_66 = arith.constant 157 : i32
    %dma_wait3A_67 = arith.constant 0 : i32
    %dma_wait3A_68 = tpu.memref_slice %arg10[%dma_wait3A_66, %dma_wait3A_67] : memref<158x128xi32, #tpu.memory_space<vmem>> -> memref<1x128xi32, #tpu.memory_space<vmem>>
    %dma_wait3A_69 = tpu.memref_squeeze %dma_wait3A_68 : memref<1x128xi32, #tpu.memory_space<vmem>> -> memref<128xi32, #tpu.memory_space<vmem>>
    %dma_wait3A_70 = arith.constant 0 : i32
    %dma_wait3A_71 = arith.constant 0 : i32
    %dma_wait3A_72 = tpu.memref_slice %arg3[%dma_wait3A_70, %dma_wait3A_71] : memref<20224x64xf32, #tpu.memory_space<hbm>> -> memref<20224x64xf32, #tpu.memory_space<hbm>>
    tpu.wait_indirect_dma semaphore(%arg15 : memref<!tpu.dma_semaphore, #tpu.memory_space<semaphore_mem>>) src(%dma_wait3A_72 : memref<20224x64xf32, #tpu.memory_space<hbm>>) dst(%arg13 : memref<128x64xf32, #tpu.memory_space<vmem>>)
    %run_scoped3A_73 = arith.constant 157 : i32
    "tpu.region"() ({
      %run_scoped3A_236 = tpu.sem_alloc : memref<!tpu.dma_semaphore, #tpu.memory_space<semaphore_mem>>
      %dma_start3A_237 = arith.constant 0 : i32
      %dma_start3A_238 = tpu.memref_slice %arg11[%run_scoped3A_73, %dma_start3A_237] : memref<158x128xi32, #tpu.memory_space<vmem>> -> memref<1x128xi32, #tpu.memory_space<vmem>>
      %dma_start3A_239 = tpu.memref_squeeze %dma_start3A_238 : memref<1x128xi32, #tpu.memory_space<vmem>> -> memref<128xi32, #tpu.memory_space<vmem>>
      %dma_start3A_240 = arith.constant 0 : i32
      %dma_start3A_241 = arith.constant 0 : i32
      %dma_start3A_242 = tpu.memref_slice %arg9[%dma_start3A_240, %dma_start3A_241] : memref<10112x64xf32, #tpu.memory_space<vmem_shared>> -> memref<10112x64xf32, #tpu.memory_space<vmem_shared>>
      tpu.enqueue_indirect_dma source(%arg13 : memref<128x64xf32, #tpu.memory_space<vmem>>) target(%dma_start3A_242 : memref<10112x64xf32, #tpu.memory_space<vmem_shared>>) offsets(%dma_start3A_239 : memref<128xi32, #tpu.memory_space<vmem>>) semaphore(%run_scoped3A_236 : memref<!tpu.dma_semaphore, #tpu.memory_space<semaphore_mem>>) {add = true}
      %dma_wait3A_243 = arith.constant 0 : i32
      %dma_wait3A_244 = tpu.memref_slice %arg11[%run_scoped3A_73, %dma_wait3A_243] : memref<158x128xi32, #tpu.memory_space<vmem>> -> memref<1x128xi32, #tpu.memory_space<vmem>>
      %dma_wait3A_245 = tpu.memref_squeeze %dma_wait3A_244 : memref<1x128xi32, #tpu.memory_space<vmem>> -> memref<128xi32, #tpu.memory_space<vmem>>
      %dma_wait3A_246 = arith.constant 0 : i32
      %dma_wait3A_247 = arith.constant 0 : i32
      %dma_wait3A_248 = tpu.memref_slice %arg9[%dma_wait3A_246, %dma_wait3A_247] : memref<10112x64xf32, #tpu.memory_space<vmem_shared>> -> memref<10112x64xf32, #tpu.memory_space<vmem_shared>>
      tpu.wait_indirect_dma semaphore(%run_scoped3A_236 : memref<!tpu.dma_semaphore, #tpu.memory_space<semaphore_mem>>) src(%arg13 : memref<128x64xf32, #tpu.memory_space<vmem>>) dst(%dma_wait3A_248 : memref<10112x64xf32, #tpu.memory_space<vmem_shared>>)
      tpu.yield
    }) : () -> ()
    %barrier3A_74 = arith.constant 0 : index
    tpu.barrier barrier_id(%barrier3A_74)
    %run_scoped3A_75 = arith.constant 1 : i32
    "tpu.region"() ({
      %run_scoped3A_236 = tpu.sem_alloc : memref<!tpu.dma_semaphore, #tpu.memory_space<semaphore_mem>>
      %dma_start3A_237 = arith.constant 0 : i32
      %dma_start3A_238 = tpu.memref_slice %arg8[%run_scoped3A_75, %arg0, %mul3A_0, %dma_start3A_237] : memref<6x2x10112x64xf32, #tpu.memory_space<hbm>> -> memref<1x1x632x64xf32, #tpu.memory_space<hbm>>
      %dma_start3A_239 = tpu.memref_squeeze %dma_start3A_238 : memref<1x1x632x64xf32, #tpu.memory_space<hbm>> -> memref<632x64xf32, #tpu.memory_space<hbm>>
      %dma_start3A_240 = arith.constant 0 : i32
      %dma_start3A_241 = tpu.memref_slice %arg9[%mul3A_0, %dma_start3A_240] : memref<10112x64xf32, #tpu.memory_space<vmem_shared>> -> memref<632x64xf32, #tpu.memory_space<vmem_shared>>
      tpu.enqueue_dma source(%dma_start3A_241 : memref<632x64xf32, #tpu.memory_space<vmem_shared>>) target(%dma_start3A_239 : memref<632x64xf32, #tpu.memory_space<hbm>>) target_semaphore(%run_scoped3A_236 : memref<!tpu.dma_semaphore, #tpu.memory_space<semaphore_mem>>)
      %dma_wait3A_242 = arith.constant 0 : i32
      %dma_wait3A_243 = tpu.memref_slice %arg8[%run_scoped3A_75, %arg0, %mul3A_0, %dma_wait3A_242] : memref<6x2x10112x64xf32, #tpu.memory_space<hbm>> -> memref<1x1x632x64xf32, #tpu.memory_space<hbm>>
      %dma_wait3A_244 = tpu.memref_squeeze %dma_wait3A_243 : memref<1x1x632x64xf32, #tpu.memory_space<hbm>> -> memref<632x64xf32, #tpu.memory_space<hbm>>
      %dma_wait3A_245 = arith.constant 0 : i32
      %dma_wait3A_246 = tpu.memref_slice %arg9[%mul3A_0, %dma_wait3A_245] : memref<10112x64xf32, #tpu.memory_space<vmem_shared>> -> memref<632x64xf32, #tpu.memory_space<vmem_shared>>
      tpu.wait_dma2 semaphore(%run_scoped3A_236 : memref<!tpu.dma_semaphore, #tpu.memory_space<semaphore_mem>>) src(%dma_wait3A_246 : memref<632x64xf32, #tpu.memory_space<vmem_shared>>) dst(%dma_wait3A_244 : memref<632x64xf32, #tpu.memory_space<hbm>>)
      tpu.yield
    }) : () -> ()
    "tpu.region"() ({
      %run_scoped3A_236 = tpu.sem_alloc : memref<!tpu.dma_semaphore, #tpu.memory_space<semaphore_mem>>
      %dma_start3A_237 = arith.constant 0 : i32
      %dma_start3A_238 = tpu.memref_slice %arg9[%mul3A_0, %dma_start3A_237] : memref<10112x64xf32, #tpu.memory_space<vmem_shared>> -> memref<632x64xf32, #tpu.memory_space<vmem_shared>>
      %dma_start3A_239 = arith.constant 0 : i32
      %dma_start3A_240 = tpu.memref_slice %arg7[%mul3A_0, %dma_start3A_239] : memref<10112x64xf32, #tpu.memory_space<hbm>> -> memref<632x64xf32, #tpu.memory_space<hbm>>
      tpu.enqueue_dma source(%dma_start3A_240 : memref<632x64xf32, #tpu.memory_space<hbm>>) target(%dma_start3A_238 : memref<632x64xf32, #tpu.memory_space<vmem_shared>>) target_semaphore(%run_scoped3A_236 : memref<!tpu.dma_semaphore, #tpu.memory_space<semaphore_mem>>)
      %dma_wait3A_241 = arith.constant 0 : i32
      %dma_wait3A_242 = tpu.memref_slice %arg9[%mul3A_0, %dma_wait3A_241] : memref<10112x64xf32, #tpu.memory_space<vmem_shared>> -> memref<632x64xf32, #tpu.memory_space<vmem_shared>>
      %dma_wait3A_243 = arith.constant 0 : i32
      %dma_wait3A_244 = tpu.memref_slice %arg7[%mul3A_0, %dma_wait3A_243] : memref<10112x64xf32, #tpu.memory_space<hbm>> -> memref<632x64xf32, #tpu.memory_space<hbm>>
      tpu.wait_dma2 semaphore(%run_scoped3A_236 : memref<!tpu.dma_semaphore, #tpu.memory_space<semaphore_mem>>) src(%dma_wait3A_244 : memref<632x64xf32, #tpu.memory_space<hbm>>) dst(%dma_wait3A_242 : memref<632x64xf32, #tpu.memory_space<vmem_shared>>)
      tpu.yield
    }) : () -> ()
    %run_scoped3A_76 = arith.constant 2 : i32
    "tpu.region"() ({
      %run_scoped3A_236 = tpu.sem_alloc : memref<!tpu.dma_semaphore, #tpu.memory_space<semaphore_mem>>
      %dma_start3A_237 = arith.constant 0 : i32
      %dma_start3A_238 = arith.constant 0 : i32
      %dma_start3A_239 = tpu.memref_slice %arg5[%arg0, %run_scoped3A_76, %arg1, %dma_start3A_237, %dma_start3A_238] : memref<2x6x16x158x128xi32, #tpu.memory_space<hbm>> -> memref<1x1x1x158x128xi32, #tpu.memory_space<hbm>>
      %dma_start3A_240 = tpu.memref_squeeze %dma_start3A_239 : memref<1x1x1x158x128xi32, #tpu.memory_space<hbm>> -> memref<158x128xi32, #tpu.memory_space<hbm>>
      %dma_start3A_241 = arith.constant 0 : i32
      %dma_start3A_242 = arith.constant 0 : i32
      %dma_start3A_243 = tpu.memref_slice %arg5[%arg0, %run_scoped3A_76, %arg1, %dma_start3A_241, %dma_start3A_242] : memref<2x6x16x158x128xi32, #tpu.memory_space<hbm>> -> memref<1x1x1x158x128xi32, #tpu.memory_space<hbm>>
      %dma_start3A_244 = tpu.memref_squeeze %dma_start3A_243 : memref<1x1x1x158x128xi32, #tpu.memory_space<hbm>> -> memref<158x128xi32, #tpu.memory_space<hbm>>
      tpu.enqueue_dma source(%dma_start3A_244 : memref<158x128xi32, #tpu.memory_space<hbm>>) target(%arg10 : memref<158x128xi32, #tpu.memory_space<vmem>>) target_semaphore(%run_scoped3A_236 : memref<!tpu.dma_semaphore, #tpu.memory_space<semaphore_mem>>)
      %dma_wait3A_245 = arith.constant 0 : i32
      %dma_wait3A_246 = arith.constant 0 : i32
      %dma_wait3A_247 = tpu.memref_slice %arg5[%arg0, %run_scoped3A_76, %arg1, %dma_wait3A_245, %dma_wait3A_246] : memref<2x6x16x158x128xi32, #tpu.memory_space<hbm>> -> memref<1x1x1x158x128xi32, #tpu.memory_space<hbm>>
      %dma_wait3A_248 = tpu.memref_squeeze %dma_wait3A_247 : memref<1x1x1x158x128xi32, #tpu.memory_space<hbm>> -> memref<158x128xi32, #tpu.memory_space<hbm>>
      %dma_wait3A_249 = arith.constant 0 : i32
      %dma_wait3A_250 = arith.constant 0 : i32
      %dma_wait3A_251 = tpu.memref_slice %arg5[%arg0, %run_scoped3A_76, %arg1, %dma_wait3A_249, %dma_wait3A_250] : memref<2x6x16x158x128xi32, #tpu.memory_space<hbm>> -> memref<1x1x1x158x128xi32, #tpu.memory_space<hbm>>
      %dma_wait3A_252 = tpu.memref_squeeze %dma_wait3A_251 : memref<1x1x1x158x128xi32, #tpu.memory_space<hbm>> -> memref<158x128xi32, #tpu.memory_space<hbm>>
      tpu.wait_dma2 semaphore(%run_scoped3A_236 : memref<!tpu.dma_semaphore, #tpu.memory_space<semaphore_mem>>) src(%dma_wait3A_252 : memref<158x128xi32, #tpu.memory_space<hbm>>) dst(%arg10 : memref<158x128xi32, #tpu.memory_space<vmem>>)
      tpu.yield
    }) : () -> ()
    %run_scoped3A_77 = arith.constant 2 : i32
    "tpu.region"() ({
      %run_scoped3A_236 = tpu.sem_alloc : memref<!tpu.dma_semaphore, #tpu.memory_space<semaphore_mem>>
      %dma_start3A_237 = arith.constant 0 : i32
      %dma_start3A_238 = arith.constant 0 : i32
      %dma_start3A_239 = tpu.memref_slice %arg6[%run_scoped3A_77, %arg1, %dma_start3A_237, %dma_start3A_238] : memref<6x16x158x128xi32, #tpu.memory_space<hbm>> -> memref<1x1x158x128xi32, #tpu.memory_space<hbm>>
      %dma_start3A_240 = tpu.memref_squeeze %dma_start3A_239 : memref<1x1x158x128xi32, #tpu.memory_space<hbm>> -> memref<158x128xi32, #tpu.memory_space<hbm>>
      %dma_start3A_241 = arith.constant 0 : i32
      %dma_start3A_242 = arith.constant 0 : i32
      %dma_start3A_243 = tpu.memref_slice %arg6[%run_scoped3A_77, %arg1, %dma_start3A_241, %dma_start3A_242] : memref<6x16x158x128xi32, #tpu.memory_space<hbm>> -> memref<1x1x158x128xi32, #tpu.memory_space<hbm>>
      %dma_start3A_244 = tpu.memref_squeeze %dma_start3A_243 : memref<1x1x158x128xi32, #tpu.memory_space<hbm>> -> memref<158x128xi32, #tpu.memory_space<hbm>>
      tpu.enqueue_dma source(%dma_start3A_244 : memref<158x128xi32, #tpu.memory_space<hbm>>) target(%arg11 : memref<158x128xi32, #tpu.memory_space<vmem>>) target_semaphore(%run_scoped3A_236 : memref<!tpu.dma_semaphore, #tpu.memory_space<semaphore_mem>>)
      %dma_wait3A_245 = arith.constant 0 : i32
      %dma_wait3A_246 = arith.constant 0 : i32
      %dma_wait3A_247 = tpu.memref_slice %arg6[%run_scoped3A_77, %arg1, %dma_wait3A_245, %dma_wait3A_246] : memref<6x16x158x128xi32, #tpu.memory_space<hbm>> -> memref<1x1x158x128xi32, #tpu.memory_space<hbm>>
      %dma_wait3A_248 = tpu.memref_squeeze %dma_wait3A_247 : memref<1x1x158x128xi32, #tpu.memory_space<hbm>> -> memref<158x128xi32, #tpu.memory_space<hbm>>
      %dma_wait3A_249 = arith.constant 0 : i32
      %dma_wait3A_250 = arith.constant 0 : i32
      %dma_wait3A_251 = tpu.memref_slice %arg6[%run_scoped3A_77, %arg1, %dma_wait3A_249, %dma_wait3A_250] : memref<6x16x158x128xi32, #tpu.memory_space<hbm>> -> memref<1x1x158x128xi32, #tpu.memory_space<hbm>>
      %dma_wait3A_252 = tpu.memref_squeeze %dma_wait3A_251 : memref<1x1x158x128xi32, #tpu.memory_space<hbm>> -> memref<158x128xi32, #tpu.memory_space<hbm>>
      tpu.wait_dma2 semaphore(%run_scoped3A_236 : memref<!tpu.dma_semaphore, #tpu.memory_space<semaphore_mem>>) src(%dma_wait3A_252 : memref<158x128xi32, #tpu.memory_space<hbm>>) dst(%arg11 : memref<158x128xi32, #tpu.memory_space<vmem>>)
      tpu.yield
    }) : () -> ()
    %barrier3A_78 = arith.constant 0 : index
    tpu.barrier barrier_id(%barrier3A_78)
    %dma_start3A_79 = arith.constant 0 : i32
    %dma_start3A_80 = arith.constant 0 : i32
    %dma_start3A_81 = tpu.memref_slice %arg10[%dma_start3A_79, %dma_start3A_80] : memref<158x128xi32, #tpu.memory_space<vmem>> -> memref<1x128xi32, #tpu.memory_space<vmem>>
    %dma_start3A_82 = tpu.memref_squeeze %dma_start3A_81 : memref<1x128xi32, #tpu.memory_space<vmem>> -> memref<128xi32, #tpu.memory_space<vmem>>
    %dma_start3A_83 = arith.constant 0 : i32
    %dma_start3A_84 = arith.constant 0 : i32
    %dma_start3A_85 = tpu.memref_slice %arg4[%dma_start3A_83, %dma_start3A_84] : memref<20224x64xf32, #tpu.memory_space<hbm>> -> memref<20224x64xf32, #tpu.memory_space<hbm>>
    tpu.enqueue_indirect_dma source(%dma_start3A_85 : memref<20224x64xf32, #tpu.memory_space<hbm>>) target(%arg12 : memref<128x64xf32, #tpu.memory_space<vmem>>) offsets(%dma_start3A_82 : memref<128xi32, #tpu.memory_space<vmem>>) semaphore(%arg14 : memref<!tpu.dma_semaphore, #tpu.memory_space<semaphore_mem>>)
    %dma_start3A_86 = arith.constant 1 : i32
    %dma_start3A_87 = arith.constant 0 : i32
    %dma_start3A_88 = tpu.memref_slice %arg10[%dma_start3A_86, %dma_start3A_87] : memref<158x128xi32, #tpu.memory_space<vmem>> -> memref<1x128xi32, #tpu.memory_space<vmem>>
    %dma_start3A_89 = tpu.memref_squeeze %dma_start3A_88 : memref<1x128xi32, #tpu.memory_space<vmem>> -> memref<128xi32, #tpu.memory_space<vmem>>
    %dma_start3A_90 = arith.constant 0 : i32
    %dma_start3A_91 = arith.constant 0 : i32
    %dma_start3A_92 = tpu.memref_slice %arg4[%dma_start3A_90, %dma_start3A_91] : memref<20224x64xf32, #tpu.memory_space<hbm>> -> memref<20224x64xf32, #tpu.memory_space<hbm>>
    tpu.enqueue_indirect_dma source(%dma_start3A_92 : memref<20224x64xf32, #tpu.memory_space<hbm>>) target(%arg13 : memref<128x64xf32, #tpu.memory_space<vmem>>) offsets(%dma_start3A_89 : memref<128xi32, #tpu.memory_space<vmem>>) semaphore(%arg15 : memref<!tpu.dma_semaphore, #tpu.memory_space<semaphore_mem>>)
    %scan3A_93 = arith.constant 0 : i32
    %scan3A_94 = arith.constant 78 : i32
    %scan3A_95 = arith.addi %scan3A_93, %scan3A_94 : i32
    %scan3A_96 = arith.constant 1 : i32
    scf.for %scan3A_236 = %scan3A_93 to %scan3A_95 step %scan3A_96  : i32 {
      %mul3A_237 = arith.constant 2 : i32
      %mul3A_238 = arith.muli %scan3A_236, %mul3A_237 : i32
      %add3A = arith.constant 0 : i32
      %add3A_239 = arith.addi %add3A, %mul3A_238 : i32
      %dma_wait3A_240 = arith.constant 0 : i32
      %dma_wait3A_241 = tpu.memref_slice %arg10[%add3A_239, %dma_wait3A_240] : memref<158x128xi32, #tpu.memory_space<vmem>> -> memref<1x128xi32, #tpu.memory_space<vmem>>
      %dma_wait3A_242 = tpu.memref_squeeze %dma_wait3A_241 : memref<1x128xi32, #tpu.memory_space<vmem>> -> memref<128xi32, #tpu.memory_space<vmem>>
      %dma_wait3A_243 = arith.constant 0 : i32
      %dma_wait3A_244 = arith.constant 0 : i32
      %dma_wait3A_245 = tpu.memref_slice %arg4[%dma_wait3A_243, %dma_wait3A_244] : memref<20224x64xf32, #tpu.memory_space<hbm>> -> memref<20224x64xf32, #tpu.memory_space<hbm>>
      tpu.wait_indirect_dma semaphore(%arg14 : memref<!tpu.dma_semaphore, #tpu.memory_space<semaphore_mem>>) src(%dma_wait3A_245 : memref<20224x64xf32, #tpu.memory_space<hbm>>) dst(%arg12 : memref<128x64xf32, #tpu.memory_space<vmem>>)
      "tpu.region"() ({
        %run_scoped3A_272 = tpu.sem_alloc : memref<!tpu.dma_semaphore, #tpu.memory_space<semaphore_mem>>
        %dma_start3A_273 = arith.constant 0 : i32
        %dma_start3A_274 = tpu.memref_slice %arg11[%add3A_239, %dma_start3A_273] : memref<158x128xi32, #tpu.memory_space<vmem>> -> memref<1x128xi32, #tpu.memory_space<vmem>>
        %dma_start3A_275 = tpu.memref_squeeze %dma_start3A_274 : memref<1x128xi32, #tpu.memory_space<vmem>> -> memref<128xi32, #tpu.memory_space<vmem>>
        %dma_start3A_276 = arith.constant 0 : i32
        %dma_start3A_277 = arith.constant 0 : i32
        %dma_start3A_278 = tpu.memref_slice %arg9[%dma_start3A_276, %dma_start3A_277] : memref<10112x64xf32, #tpu.memory_space<vmem_shared>> -> memref<10112x64xf32, #tpu.memory_space<vmem_shared>>
        tpu.enqueue_indirect_dma source(%arg12 : memref<128x64xf32, #tpu.memory_space<vmem>>) target(%dma_start3A_278 : memref<10112x64xf32, #tpu.memory_space<vmem_shared>>) offsets(%dma_start3A_275 : memref<128xi32, #tpu.memory_space<vmem>>) semaphore(%run_scoped3A_272 : memref<!tpu.dma_semaphore, #tpu.memory_space<semaphore_mem>>) {add = true}
        %dma_wait3A_279 = arith.constant 0 : i32
        %dma_wait3A_280 = tpu.memref_slice %arg11[%add3A_239, %dma_wait3A_279] : memref<158x128xi32, #tpu.memory_space<vmem>> -> memref<1x128xi32, #tpu.memory_space<vmem>>
        %dma_wait3A_281 = tpu.memref_squeeze %dma_wait3A_280 : memref<1x128xi32, #tpu.memory_space<vmem>> -> memref<128xi32, #tpu.memory_space<vmem>>
        %dma_wait3A_282 = arith.constant 0 : i32
        %dma_wait3A_283 = arith.constant 0 : i32
        %dma_wait3A_284 = tpu.memref_slice %arg9[%dma_wait3A_282, %dma_wait3A_283] : memref<10112x64xf32, #tpu.memory_space<vmem_shared>> -> memref<10112x64xf32, #tpu.memory_space<vmem_shared>>
        tpu.wait_indirect_dma semaphore(%run_scoped3A_272 : memref<!tpu.dma_semaphore, #tpu.memory_space<semaphore_mem>>) src(%arg12 : memref<128x64xf32, #tpu.memory_space<vmem>>) dst(%dma_wait3A_284 : memref<10112x64xf32, #tpu.memory_space<vmem_shared>>)
        tpu.yield
      }) : () -> ()
      %add3A_246 = arith.constant 2 : i32
      %add3A_247 = arith.addi %add3A_239, %add3A_246 : i32
      %dma_start3A_248 = arith.constant 0 : i32
      %dma_start3A_249 = tpu.memref_slice %arg10[%add3A_247, %dma_start3A_248] : memref<158x128xi32, #tpu.memory_space<vmem>> -> memref<1x128xi32, #tpu.memory_space<vmem>>
      %dma_start3A_250 = tpu.memref_squeeze %dma_start3A_249 : memref<1x128xi32, #tpu.memory_space<vmem>> -> memref<128xi32, #tpu.memory_space<vmem>>
      %dma_start3A_251 = arith.constant 0 : i32
      %dma_start3A_252 = arith.constant 0 : i32
      %dma_start3A_253 = tpu.memref_slice %arg4[%dma_start3A_251, %dma_start3A_252] : memref<20224x64xf32, #tpu.memory_space<hbm>> -> memref<20224x64xf32, #tpu.memory_space<hbm>>
      tpu.enqueue_indirect_dma source(%dma_start3A_253 : memref<20224x64xf32, #tpu.memory_space<hbm>>) target(%arg12 : memref<128x64xf32, #tpu.memory_space<vmem>>) offsets(%dma_start3A_250 : memref<128xi32, #tpu.memory_space<vmem>>) semaphore(%arg14 : memref<!tpu.dma_semaphore, #tpu.memory_space<semaphore_mem>>)
      %add3A_254 = arith.constant 1 : i32
      %add3A_255 = arith.addi %add3A_239, %add3A_254 : i32
      %dma_wait3A_256 = arith.constant 0 : i32
      %dma_wait3A_257 = tpu.memref_slice %arg10[%add3A_255, %dma_wait3A_256] : memref<158x128xi32, #tpu.memory_space<vmem>> -> memref<1x128xi32, #tpu.memory_space<vmem>>
      %dma_wait3A_258 = tpu.memref_squeeze %dma_wait3A_257 : memref<1x128xi32, #tpu.memory_space<vmem>> -> memref<128xi32, #tpu.memory_space<vmem>>
      %dma_wait3A_259 = arith.constant 0 : i32
      %dma_wait3A_260 = arith.constant 0 : i32
      %dma_wait3A_261 = tpu.memref_slice %arg4[%dma_wait3A_259, %dma_wait3A_260] : memref<20224x64xf32, #tpu.memory_space<hbm>> -> memref<20224x64xf32, #tpu.memory_space<hbm>>
      tpu.wait_indirect_dma semaphore(%arg15 : memref<!tpu.dma_semaphore, #tpu.memory_space<semaphore_mem>>) src(%dma_wait3A_261 : memref<20224x64xf32, #tpu.memory_space<hbm>>) dst(%arg13 : memref<128x64xf32, #tpu.memory_space<vmem>>)
      %add3A_262 = arith.constant 1 : i32
      %add3A_263 = arith.addi %add3A_239, %add3A_262 : i32
      "tpu.region"() ({
        %run_scoped3A_272 = tpu.sem_alloc : memref<!tpu.dma_semaphore, #tpu.memory_space<semaphore_mem>>
        %dma_start3A_273 = arith.constant 0 : i32
        %dma_start3A_274 = tpu.memref_slice %arg11[%add3A_263, %dma_start3A_273] : memref<158x128xi32, #tpu.memory_space<vmem>> -> memref<1x128xi32, #tpu.memory_space<vmem>>
        %dma_start3A_275 = tpu.memref_squeeze %dma_start3A_274 : memref<1x128xi32, #tpu.memory_space<vmem>> -> memref<128xi32, #tpu.memory_space<vmem>>
        %dma_start3A_276 = arith.constant 0 : i32
        %dma_start3A_277 = arith.constant 0 : i32
        %dma_start3A_278 = tpu.memref_slice %arg9[%dma_start3A_276, %dma_start3A_277] : memref<10112x64xf32, #tpu.memory_space<vmem_shared>> -> memref<10112x64xf32, #tpu.memory_space<vmem_shared>>
        tpu.enqueue_indirect_dma source(%arg13 : memref<128x64xf32, #tpu.memory_space<vmem>>) target(%dma_start3A_278 : memref<10112x64xf32, #tpu.memory_space<vmem_shared>>) offsets(%dma_start3A_275 : memref<128xi32, #tpu.memory_space<vmem>>) semaphore(%run_scoped3A_272 : memref<!tpu.dma_semaphore, #tpu.memory_space<semaphore_mem>>) {add = true}
        %dma_wait3A_279 = arith.constant 0 : i32
        %dma_wait3A_280 = tpu.memref_slice %arg11[%add3A_263, %dma_wait3A_279] : memref<158x128xi32, #tpu.memory_space<vmem>> -> memref<1x128xi32, #tpu.memory_space<vmem>>
        %dma_wait3A_281 = tpu.memref_squeeze %dma_wait3A_280 : memref<1x128xi32, #tpu.memory_space<vmem>> -> memref<128xi32, #tpu.memory_space<vmem>>
        %dma_wait3A_282 = arith.constant 0 : i32
        %dma_wait3A_283 = arith.constant 0 : i32
        %dma_wait3A_284 = tpu.memref_slice %arg9[%dma_wait3A_282, %dma_wait3A_283] : memref<10112x64xf32, #tpu.memory_space<vmem_shared>> -> memref<10112x64xf32, #tpu.memory_space<vmem_shared>>
        tpu.wait_indirect_dma semaphore(%run_scoped3A_272 : memref<!tpu.dma_semaphore, #tpu.memory_space<semaphore_mem>>) src(%arg13 : memref<128x64xf32, #tpu.memory_space<vmem>>) dst(%dma_wait3A_284 : memref<10112x64xf32, #tpu.memory_space<vmem_shared>>)
        tpu.yield
      }) : () -> ()
      %add3A_264 = arith.constant 3 : i32
      %add3A_265 = arith.addi %add3A_239, %add3A_264 : i32
      %dma_start3A_266 = arith.constant 0 : i32
      %dma_start3A_267 = tpu.memref_slice %arg10[%add3A_265, %dma_start3A_266] : memref<158x128xi32, #tpu.memory_space<vmem>> -> memref<1x128xi32, #tpu.memory_space<vmem>>
      %dma_start3A_268 = tpu.memref_squeeze %dma_start3A_267 : memref<1x128xi32, #tpu.memory_space<vmem>> -> memref<128xi32, #tpu.memory_space<vmem>>
      %dma_start3A_269 = arith.constant 0 : i32
      %dma_start3A_270 = arith.constant 0 : i32
      %dma_start3A_271 = tpu.memref_slice %arg4[%dma_start3A_269, %dma_start3A_270] : memref<20224x64xf32, #tpu.memory_space<hbm>> -> memref<20224x64xf32, #tpu.memory_space<hbm>>
      tpu.enqueue_indirect_dma source(%dma_start3A_271 : memref<20224x64xf32, #tpu.memory_space<hbm>>) target(%arg13 : memref<128x64xf32, #tpu.memory_space<vmem>>) offsets(%dma_start3A_268 : memref<128xi32, #tpu.memory_space<vmem>>) semaphore(%arg15 : memref<!tpu.dma_semaphore, #tpu.memory_space<semaphore_mem>>)
    }
    %scan3A_97 = arith.constant 78 : i32
    %dma_wait3A_98 = arith.constant 156 : i32
    %dma_wait3A_99 = arith.constant 0 : i32
    %dma_wait3A_100 = tpu.memref_slice %arg10[%dma_wait3A_98, %dma_wait3A_99] : memref<158x128xi32, #tpu.memory_space<vmem>> -> memref<1x128xi32, #tpu.memory_space<vmem>>
    %dma_wait3A_101 = tpu.memref_squeeze %dma_wait3A_100 : memref<1x128xi32, #tpu.memory_space<vmem>> -> memref<128xi32, #tpu.memory_space<vmem>>
    %dma_wait3A_102 = arith.constant 0 : i32
    %dma_wait3A_103 = arith.constant 0 : i32
    %dma_wait3A_104 = tpu.memref_slice %arg4[%dma_wait3A_102, %dma_wait3A_103] : memref<20224x64xf32, #tpu.memory_space<hbm>> -> memref<20224x64xf32, #tpu.memory_space<hbm>>
    tpu.wait_indirect_dma semaphore(%arg14 : memref<!tpu.dma_semaphore, #tpu.memory_space<semaphore_mem>>) src(%dma_wait3A_104 : memref<20224x64xf32, #tpu.memory_space<hbm>>) dst(%arg12 : memref<128x64xf32, #tpu.memory_space<vmem>>)
    %run_scoped3A_105 = arith.constant 156 : i32
    "tpu.region"() ({
      %run_scoped3A_236 = tpu.sem_alloc : memref<!tpu.dma_semaphore, #tpu.memory_space<semaphore_mem>>
      %dma_start3A_237 = arith.constant 0 : i32
      %dma_start3A_238 = tpu.memref_slice %arg11[%run_scoped3A_105, %dma_start3A_237] : memref<158x128xi32, #tpu.memory_space<vmem>> -> memref<1x128xi32, #tpu.memory_space<vmem>>
      %dma_start3A_239 = tpu.memref_squeeze %dma_start3A_238 : memref<1x128xi32, #tpu.memory_space<vmem>> -> memref<128xi32, #tpu.memory_space<vmem>>
      %dma_start3A_240 = arith.constant 0 : i32
      %dma_start3A_241 = arith.constant 0 : i32
      %dma_start3A_242 = tpu.memref_slice %arg9[%dma_start3A_240, %dma_start3A_241] : memref<10112x64xf32, #tpu.memory_space<vmem_shared>> -> memref<10112x64xf32, #tpu.memory_space<vmem_shared>>
      tpu.enqueue_indirect_dma source(%arg12 : memref<128x64xf32, #tpu.memory_space<vmem>>) target(%dma_start3A_242 : memref<10112x64xf32, #tpu.memory_space<vmem_shared>>) offsets(%dma_start3A_239 : memref<128xi32, #tpu.memory_space<vmem>>) semaphore(%run_scoped3A_236 : memref<!tpu.dma_semaphore, #tpu.memory_space<semaphore_mem>>) {add = true}
      %dma_wait3A_243 = arith.constant 0 : i32
      %dma_wait3A_244 = tpu.memref_slice %arg11[%run_scoped3A_105, %dma_wait3A_243] : memref<158x128xi32, #tpu.memory_space<vmem>> -> memref<1x128xi32, #tpu.memory_space<vmem>>
      %dma_wait3A_245 = tpu.memref_squeeze %dma_wait3A_244 : memref<1x128xi32, #tpu.memory_space<vmem>> -> memref<128xi32, #tpu.memory_space<vmem>>
      %dma_wait3A_246 = arith.constant 0 : i32
      %dma_wait3A_247 = arith.constant 0 : i32
      %dma_wait3A_248 = tpu.memref_slice %arg9[%dma_wait3A_246, %dma_wait3A_247] : memref<10112x64xf32, #tpu.memory_space<vmem_shared>> -> memref<10112x64xf32, #tpu.memory_space<vmem_shared>>
      tpu.wait_indirect_dma semaphore(%run_scoped3A_236 : memref<!tpu.dma_semaphore, #tpu.memory_space<semaphore_mem>>) src(%arg12 : memref<128x64xf32, #tpu.memory_space<vmem>>) dst(%dma_wait3A_248 : memref<10112x64xf32, #tpu.memory_space<vmem_shared>>)
      tpu.yield
    }) : () -> ()
    %dma_wait3A_106 = arith.constant 157 : i32
    %dma_wait3A_107 = arith.constant 0 : i32
    %dma_wait3A_108 = tpu.memref_slice %arg10[%dma_wait3A_106, %dma_wait3A_107] : memref<158x128xi32, #tpu.memory_space<vmem>> -> memref<1x128xi32, #tpu.memory_space<vmem>>
    %dma_wait3A_109 = tpu.memref_squeeze %dma_wait3A_108 : memref<1x128xi32, #tpu.memory_space<vmem>> -> memref<128xi32, #tpu.memory_space<vmem>>
    %dma_wait3A_110 = arith.constant 0 : i32
    %dma_wait3A_111 = arith.constant 0 : i32
    %dma_wait3A_112 = tpu.memref_slice %arg4[%dma_wait3A_110, %dma_wait3A_111] : memref<20224x64xf32, #tpu.memory_space<hbm>> -> memref<20224x64xf32, #tpu.memory_space<hbm>>
    tpu.wait_indirect_dma semaphore(%arg15 : memref<!tpu.dma_semaphore, #tpu.memory_space<semaphore_mem>>) src(%dma_wait3A_112 : memref<20224x64xf32, #tpu.memory_space<hbm>>) dst(%arg13 : memref<128x64xf32, #tpu.memory_space<vmem>>)
    %run_scoped3A_113 = arith.constant 157 : i32
    "tpu.region"() ({
      %run_scoped3A_236 = tpu.sem_alloc : memref<!tpu.dma_semaphore, #tpu.memory_space<semaphore_mem>>
      %dma_start3A_237 = arith.constant 0 : i32
      %dma_start3A_238 = tpu.memref_slice %arg11[%run_scoped3A_113, %dma_start3A_237] : memref<158x128xi32, #tpu.memory_space<vmem>> -> memref<1x128xi32, #tpu.memory_space<vmem>>
      %dma_start3A_239 = tpu.memref_squeeze %dma_start3A_238 : memref<1x128xi32, #tpu.memory_space<vmem>> -> memref<128xi32, #tpu.memory_space<vmem>>
      %dma_start3A_240 = arith.constant 0 : i32
      %dma_start3A_241 = arith.constant 0 : i32
      %dma_start3A_242 = tpu.memref_slice %arg9[%dma_start3A_240, %dma_start3A_241] : memref<10112x64xf32, #tpu.memory_space<vmem_shared>> -> memref<10112x64xf32, #tpu.memory_space<vmem_shared>>
      tpu.enqueue_indirect_dma source(%arg13 : memref<128x64xf32, #tpu.memory_space<vmem>>) target(%dma_start3A_242 : memref<10112x64xf32, #tpu.memory_space<vmem_shared>>) offsets(%dma_start3A_239 : memref<128xi32, #tpu.memory_space<vmem>>) semaphore(%run_scoped3A_236 : memref<!tpu.dma_semaphore, #tpu.memory_space<semaphore_mem>>) {add = true}
      %dma_wait3A_243 = arith.constant 0 : i32
      %dma_wait3A_244 = tpu.memref_slice %arg11[%run_scoped3A_113, %dma_wait3A_243] : memref<158x128xi32, #tpu.memory_space<vmem>> -> memref<1x128xi32, #tpu.memory_space<vmem>>
      %dma_wait3A_245 = tpu.memref_squeeze %dma_wait3A_244 : memref<1x128xi32, #tpu.memory_space<vmem>> -> memref<128xi32, #tpu.memory_space<vmem>>
      %dma_wait3A_246 = arith.constant 0 : i32
      %dma_wait3A_247 = arith.constant 0 : i32
      %dma_wait3A_248 = tpu.memref_slice %arg9[%dma_wait3A_246, %dma_wait3A_247] : memref<10112x64xf32, #tpu.memory_space<vmem_shared>> -> memref<10112x64xf32, #tpu.memory_space<vmem_shared>>
      tpu.wait_indirect_dma semaphore(%run_scoped3A_236 : memref<!tpu.dma_semaphore, #tpu.memory_space<semaphore_mem>>) src(%arg13 : memref<128x64xf32, #tpu.memory_space<vmem>>) dst(%dma_wait3A_248 : memref<10112x64xf32, #tpu.memory_space<vmem_shared>>)
      tpu.yield
    }) : () -> ()
    %barrier3A_114 = arith.constant 0 : index
    tpu.barrier barrier_id(%barrier3A_114)
    %run_scoped3A_115 = arith.constant 2 : i32
    "tpu.region"() ({
      %run_scoped3A_236 = tpu.sem_alloc : memref<!tpu.dma_semaphore, #tpu.memory_space<semaphore_mem>>
      %dma_start3A_237 = arith.constant 0 : i32
      %dma_start3A_238 = tpu.memref_slice %arg8[%run_scoped3A_115, %arg0, %mul3A_0, %dma_start3A_237] : memref<6x2x10112x64xf32, #tpu.memory_space<hbm>> -> memref<1x1x632x64xf32, #tpu.memory_space<hbm>>
      %dma_start3A_239 = tpu.memref_squeeze %dma_start3A_238 : memref<1x1x632x64xf32, #tpu.memory_space<hbm>> -> memref<632x64xf32, #tpu.memory_space<hbm>>
      %dma_start3A_240 = arith.constant 0 : i32
      %dma_start3A_241 = tpu.memref_slice %arg9[%mul3A_0, %dma_start3A_240] : memref<10112x64xf32, #tpu.memory_space<vmem_shared>> -> memref<632x64xf32, #tpu.memory_space<vmem_shared>>
      tpu.enqueue_dma source(%dma_start3A_241 : memref<632x64xf32, #tpu.memory_space<vmem_shared>>) target(%dma_start3A_239 : memref<632x64xf32, #tpu.memory_space<hbm>>) target_semaphore(%run_scoped3A_236 : memref<!tpu.dma_semaphore, #tpu.memory_space<semaphore_mem>>)
      %dma_wait3A_242 = arith.constant 0 : i32
      %dma_wait3A_243 = tpu.memref_slice %arg8[%run_scoped3A_115, %arg0, %mul3A_0, %dma_wait3A_242] : memref<6x2x10112x64xf32, #tpu.memory_space<hbm>> -> memref<1x1x632x64xf32, #tpu.memory_space<hbm>>
      %dma_wait3A_244 = tpu.memref_squeeze %dma_wait3A_243 : memref<1x1x632x64xf32, #tpu.memory_space<hbm>> -> memref<632x64xf32, #tpu.memory_space<hbm>>
      %dma_wait3A_245 = arith.constant 0 : i32
      %dma_wait3A_246 = tpu.memref_slice %arg9[%mul3A_0, %dma_wait3A_245] : memref<10112x64xf32, #tpu.memory_space<vmem_shared>> -> memref<632x64xf32, #tpu.memory_space<vmem_shared>>
      tpu.wait_dma2 semaphore(%run_scoped3A_236 : memref<!tpu.dma_semaphore, #tpu.memory_space<semaphore_mem>>) src(%dma_wait3A_246 : memref<632x64xf32, #tpu.memory_space<vmem_shared>>) dst(%dma_wait3A_244 : memref<632x64xf32, #tpu.memory_space<hbm>>)
      tpu.yield
    }) : () -> ()
    "tpu.region"() ({
      %run_scoped3A_236 = tpu.sem_alloc : memref<!tpu.dma_semaphore, #tpu.memory_space<semaphore_mem>>
      %dma_start3A_237 = arith.constant 0 : i32
      %dma_start3A_238 = tpu.memref_slice %arg9[%mul3A_0, %dma_start3A_237] : memref<10112x64xf32, #tpu.memory_space<vmem_shared>> -> memref<632x64xf32, #tpu.memory_space<vmem_shared>>
      %dma_start3A_239 = arith.constant 0 : i32
      %dma_start3A_240 = tpu.memref_slice %arg7[%mul3A_0, %dma_start3A_239] : memref<10112x64xf32, #tpu.memory_space<hbm>> -> memref<632x64xf32, #tpu.memory_space<hbm>>
      tpu.enqueue_dma source(%dma_start3A_240 : memref<632x64xf32, #tpu.memory_space<hbm>>) target(%dma_start3A_238 : memref<632x64xf32, #tpu.memory_space<vmem_shared>>) target_semaphore(%run_scoped3A_236 : memref<!tpu.dma_semaphore, #tpu.memory_space<semaphore_mem>>)
      %dma_wait3A_241 = arith.constant 0 : i32
      %dma_wait3A_242 = tpu.memref_slice %arg9[%mul3A_0, %dma_wait3A_241] : memref<10112x64xf32, #tpu.memory_space<vmem_shared>> -> memref<632x64xf32, #tpu.memory_space<vmem_shared>>
      %dma_wait3A_243 = arith.constant 0 : i32
      %dma_wait3A_244 = tpu.memref_slice %arg7[%mul3A_0, %dma_wait3A_243] : memref<10112x64xf32, #tpu.memory_space<hbm>> -> memref<632x64xf32, #tpu.memory_space<hbm>>
      tpu.wait_dma2 semaphore(%run_scoped3A_236 : memref<!tpu.dma_semaphore, #tpu.memory_space<semaphore_mem>>) src(%dma_wait3A_244 : memref<632x64xf32, #tpu.memory_space<hbm>>) dst(%dma_wait3A_242 : memref<632x64xf32, #tpu.memory_space<vmem_shared>>)
      tpu.yield
    }) : () -> ()
    %run_scoped3A_116 = arith.constant 3 : i32
    "tpu.region"() ({
      %run_scoped3A_236 = tpu.sem_alloc : memref<!tpu.dma_semaphore, #tpu.memory_space<semaphore_mem>>
      %dma_start3A_237 = arith.constant 0 : i32
      %dma_start3A_238 = arith.constant 0 : i32
      %dma_start3A_239 = tpu.memref_slice %arg5[%arg0, %run_scoped3A_116, %arg1, %dma_start3A_237, %dma_start3A_238] : memref<2x6x16x158x128xi32, #tpu.memory_space<hbm>> -> memref<1x1x1x158x128xi32, #tpu.memory_space<hbm>>
      %dma_start3A_240 = tpu.memref_squeeze %dma_start3A_239 : memref<1x1x1x158x128xi32, #tpu.memory_space<hbm>> -> memref<158x128xi32, #tpu.memory_space<hbm>>
      %dma_start3A_241 = arith.constant 0 : i32
      %dma_start3A_242 = arith.constant 0 : i32
      %dma_start3A_243 = tpu.memref_slice %arg5[%arg0, %run_scoped3A_116, %arg1, %dma_start3A_241, %dma_start3A_242] : memref<2x6x16x158x128xi32, #tpu.memory_space<hbm>> -> memref<1x1x1x158x128xi32, #tpu.memory_space<hbm>>
      %dma_start3A_244 = tpu.memref_squeeze %dma_start3A_243 : memref<1x1x1x158x128xi32, #tpu.memory_space<hbm>> -> memref<158x128xi32, #tpu.memory_space<hbm>>
      tpu.enqueue_dma source(%dma_start3A_244 : memref<158x128xi32, #tpu.memory_space<hbm>>) target(%arg10 : memref<158x128xi32, #tpu.memory_space<vmem>>) target_semaphore(%run_scoped3A_236 : memref<!tpu.dma_semaphore, #tpu.memory_space<semaphore_mem>>)
      %dma_wait3A_245 = arith.constant 0 : i32
      %dma_wait3A_246 = arith.constant 0 : i32
      %dma_wait3A_247 = tpu.memref_slice %arg5[%arg0, %run_scoped3A_116, %arg1, %dma_wait3A_245, %dma_wait3A_246] : memref<2x6x16x158x128xi32, #tpu.memory_space<hbm>> -> memref<1x1x1x158x128xi32, #tpu.memory_space<hbm>>
      %dma_wait3A_248 = tpu.memref_squeeze %dma_wait3A_247 : memref<1x1x1x158x128xi32, #tpu.memory_space<hbm>> -> memref<158x128xi32, #tpu.memory_space<hbm>>
      %dma_wait3A_249 = arith.constant 0 : i32
      %dma_wait3A_250 = arith.constant 0 : i32
      %dma_wait3A_251 = tpu.memref_slice %arg5[%arg0, %run_scoped3A_116, %arg1, %dma_wait3A_249, %dma_wait3A_250] : memref<2x6x16x158x128xi32, #tpu.memory_space<hbm>> -> memref<1x1x1x158x128xi32, #tpu.memory_space<hbm>>
      %dma_wait3A_252 = tpu.memref_squeeze %dma_wait3A_251 : memref<1x1x1x158x128xi32, #tpu.memory_space<hbm>> -> memref<158x128xi32, #tpu.memory_space<hbm>>
      tpu.wait_dma2 semaphore(%run_scoped3A_236 : memref<!tpu.dma_semaphore, #tpu.memory_space<semaphore_mem>>) src(%dma_wait3A_252 : memref<158x128xi32, #tpu.memory_space<hbm>>) dst(%arg10 : memref<158x128xi32, #tpu.memory_space<vmem>>)
      tpu.yield
    }) : () -> ()
    %run_scoped3A_117 = arith.constant 3 : i32
    "tpu.region"() ({
      %run_scoped3A_236 = tpu.sem_alloc : memref<!tpu.dma_semaphore, #tpu.memory_space<semaphore_mem>>
      %dma_start3A_237 = arith.constant 0 : i32
      %dma_start3A_238 = arith.constant 0 : i32
      %dma_start3A_239 = tpu.memref_slice %arg6[%run_scoped3A_117, %arg1, %dma_start3A_237, %dma_start3A_238] : memref<6x16x158x128xi32, #tpu.memory_space<hbm>> -> memref<1x1x158x128xi32, #tpu.memory_space<hbm>>
      %dma_start3A_240 = tpu.memref_squeeze %dma_start3A_239 : memref<1x1x158x128xi32, #tpu.memory_space<hbm>> -> memref<158x128xi32, #tpu.memory_space<hbm>>
      %dma_start3A_241 = arith.constant 0 : i32
      %dma_start3A_242 = arith.constant 0 : i32
      %dma_start3A_243 = tpu.memref_slice %arg6[%run_scoped3A_117, %arg1, %dma_start3A_241, %dma_start3A_242] : memref<6x16x158x128xi32, #tpu.memory_space<hbm>> -> memref<1x1x158x128xi32, #tpu.memory_space<hbm>>
      %dma_start3A_244 = tpu.memref_squeeze %dma_start3A_243 : memref<1x1x158x128xi32, #tpu.memory_space<hbm>> -> memref<158x128xi32, #tpu.memory_space<hbm>>
      tpu.enqueue_dma source(%dma_start3A_244 : memref<158x128xi32, #tpu.memory_space<hbm>>) target(%arg11 : memref<158x128xi32, #tpu.memory_space<vmem>>) target_semaphore(%run_scoped3A_236 : memref<!tpu.dma_semaphore, #tpu.memory_space<semaphore_mem>>)
      %dma_wait3A_245 = arith.constant 0 : i32
      %dma_wait3A_246 = arith.constant 0 : i32
      %dma_wait3A_247 = tpu.memref_slice %arg6[%run_scoped3A_117, %arg1, %dma_wait3A_245, %dma_wait3A_246] : memref<6x16x158x128xi32, #tpu.memory_space<hbm>> -> memref<1x1x158x128xi32, #tpu.memory_space<hbm>>
      %dma_wait3A_248 = tpu.memref_squeeze %dma_wait3A_247 : memref<1x1x158x128xi32, #tpu.memory_space<hbm>> -> memref<158x128xi32, #tpu.memory_space<hbm>>
      %dma_wait3A_249 = arith.constant 0 : i32
      %dma_wait3A_250 = arith.constant 0 : i32
      %dma_wait3A_251 = tpu.memref_slice %arg6[%run_scoped3A_117, %arg1, %dma_wait3A_249, %dma_wait3A_250] : memref<6x16x158x128xi32, #tpu.memory_space<hbm>> -> memref<1x1x158x128xi32, #tpu.memory_space<hbm>>
      %dma_wait3A_252 = tpu.memref_squeeze %dma_wait3A_251 : memref<1x1x158x128xi32, #tpu.memory_space<hbm>> -> memref<158x128xi32, #tpu.memory_space<hbm>>
      tpu.wait_dma2 semaphore(%run_scoped3A_236 : memref<!tpu.dma_semaphore, #tpu.memory_space<semaphore_mem>>) src(%dma_wait3A_252 : memref<158x128xi32, #tpu.memory_space<hbm>>) dst(%arg11 : memref<158x128xi32, #tpu.memory_space<vmem>>)
      tpu.yield
    }) : () -> ()
    %barrier3A_118 = arith.constant 0 : index
    tpu.barrier barrier_id(%barrier3A_118)
    %dma_start3A_119 = arith.constant 0 : i32
    %dma_start3A_120 = arith.constant 0 : i32
    %dma_start3A_121 = tpu.memref_slice %arg10[%dma_start3A_119, %dma_start3A_120] : memref<158x128xi32, #tpu.memory_space<vmem>> -> memref<1x128xi32, #tpu.memory_space<vmem>>
    %dma_start3A_122 = tpu.memref_squeeze %dma_start3A_121 : memref<1x128xi32, #tpu.memory_space<vmem>> -> memref<128xi32, #tpu.memory_space<vmem>>
    %dma_start3A_123 = arith.constant 0 : i32
    %dma_start3A_124 = arith.constant 0 : i32
    %dma_start3A_125 = tpu.memref_slice %arg2[%dma_start3A_123, %dma_start3A_124] : memref<20224x64xf32, #tpu.memory_space<hbm>> -> memref<20224x64xf32, #tpu.memory_space<hbm>>
    tpu.enqueue_indirect_dma source(%dma_start3A_125 : memref<20224x64xf32, #tpu.memory_space<hbm>>) target(%arg12 : memref<128x64xf32, #tpu.memory_space<vmem>>) offsets(%dma_start3A_122 : memref<128xi32, #tpu.memory_space<vmem>>) semaphore(%arg14 : memref<!tpu.dma_semaphore, #tpu.memory_space<semaphore_mem>>)
    %dma_start3A_126 = arith.constant 1 : i32
    %dma_start3A_127 = arith.constant 0 : i32
    %dma_start3A_128 = tpu.memref_slice %arg10[%dma_start3A_126, %dma_start3A_127] : memref<158x128xi32, #tpu.memory_space<vmem>> -> memref<1x128xi32, #tpu.memory_space<vmem>>
    %dma_start3A_129 = tpu.memref_squeeze %dma_start3A_128 : memref<1x128xi32, #tpu.memory_space<vmem>> -> memref<128xi32, #tpu.memory_space<vmem>>
    %dma_start3A_130 = arith.constant 0 : i32
    %dma_start3A_131 = arith.constant 0 : i32
    %dma_start3A_132 = tpu.memref_slice %arg2[%dma_start3A_130, %dma_start3A_131] : memref<20224x64xf32, #tpu.memory_space<hbm>> -> memref<20224x64xf32, #tpu.memory_space<hbm>>
    tpu.enqueue_indirect_dma source(%dma_start3A_132 : memref<20224x64xf32, #tpu.memory_space<hbm>>) target(%arg13 : memref<128x64xf32, #tpu.memory_space<vmem>>) offsets(%dma_start3A_129 : memref<128xi32, #tpu.memory_space<vmem>>) semaphore(%arg15 : memref<!tpu.dma_semaphore, #tpu.memory_space<semaphore_mem>>)
    %scan3A_133 = arith.constant 0 : i32
    %scan3A_134 = arith.constant 78 : i32
    %scan3A_135 = arith.addi %scan3A_133, %scan3A_134 : i32
    %scan3A_136 = arith.constant 1 : i32
    scf.for %scan3A_236 = %scan3A_133 to %scan3A_135 step %scan3A_136  : i32 {
      %mul3A_237 = arith.constant 2 : i32
      %mul3A_238 = arith.muli %scan3A_236, %mul3A_237 : i32
      %add3A = arith.constant 0 : i32
      %add3A_239 = arith.addi %add3A, %mul3A_238 : i32
      %dma_wait3A_240 = arith.constant 0 : i32
      %dma_wait3A_241 = tpu.memref_slice %arg10[%add3A_239, %dma_wait3A_240] : memref<158x128xi32, #tpu.memory_space<vmem>> -> memref<1x128xi32, #tpu.memory_space<vmem>>
      %dma_wait3A_242 = tpu.memref_squeeze %dma_wait3A_241 : memref<1x128xi32, #tpu.memory_space<vmem>> -> memref<128xi32, #tpu.memory_space<vmem>>
      %dma_wait3A_243 = arith.constant 0 : i32
      %dma_wait3A_244 = arith.constant 0 : i32
      %dma_wait3A_245 = tpu.memref_slice %arg2[%dma_wait3A_243, %dma_wait3A_244] : memref<20224x64xf32, #tpu.memory_space<hbm>> -> memref<20224x64xf32, #tpu.memory_space<hbm>>
      tpu.wait_indirect_dma semaphore(%arg14 : memref<!tpu.dma_semaphore, #tpu.memory_space<semaphore_mem>>) src(%dma_wait3A_245 : memref<20224x64xf32, #tpu.memory_space<hbm>>) dst(%arg12 : memref<128x64xf32, #tpu.memory_space<vmem>>)
      "tpu.region"() ({
        %run_scoped3A_272 = tpu.sem_alloc : memref<!tpu.dma_semaphore, #tpu.memory_space<semaphore_mem>>
        %dma_start3A_273 = arith.constant 0 : i32
        %dma_start3A_274 = tpu.memref_slice %arg11[%add3A_239, %dma_start3A_273] : memref<158x128xi32, #tpu.memory_space<vmem>> -> memref<1x128xi32, #tpu.memory_space<vmem>>
        %dma_start3A_275 = tpu.memref_squeeze %dma_start3A_274 : memref<1x128xi32, #tpu.memory_space<vmem>> -> memref<128xi32, #tpu.memory_space<vmem>>
        %dma_start3A_276 = arith.constant 0 : i32
        %dma_start3A_277 = arith.constant 0 : i32
        %dma_start3A_278 = tpu.memref_slice %arg9[%dma_start3A_276, %dma_start3A_277] : memref<10112x64xf32, #tpu.memory_space<vmem_shared>> -> memref<10112x64xf32, #tpu.memory_space<vmem_shared>>
        tpu.enqueue_indirect_dma source(%arg12 : memref<128x64xf32, #tpu.memory_space<vmem>>) target(%dma_start3A_278 : memref<10112x64xf32, #tpu.memory_space<vmem_shared>>) offsets(%dma_start3A_275 : memref<128xi32, #tpu.memory_space<vmem>>) semaphore(%run_scoped3A_272 : memref<!tpu.dma_semaphore, #tpu.memory_space<semaphore_mem>>) {add = true}
        %dma_wait3A_279 = arith.constant 0 : i32
        %dma_wait3A_280 = tpu.memref_slice %arg11[%add3A_239, %dma_wait3A_279] : memref<158x128xi32, #tpu.memory_space<vmem>> -> memref<1x128xi32, #tpu.memory_space<vmem>>
        %dma_wait3A_281 = tpu.memref_squeeze %dma_wait3A_280 : memref<1x128xi32, #tpu.memory_space<vmem>> -> memref<128xi32, #tpu.memory_space<vmem>>
        %dma_wait3A_282 = arith.constant 0 : i32
        %dma_wait3A_283 = arith.constant 0 : i32
        %dma_wait3A_284 = tpu.memref_slice %arg9[%dma_wait3A_282, %dma_wait3A_283] : memref<10112x64xf32, #tpu.memory_space<vmem_shared>> -> memref<10112x64xf32, #tpu.memory_space<vmem_shared>>
        tpu.wait_indirect_dma semaphore(%run_scoped3A_272 : memref<!tpu.dma_semaphore, #tpu.memory_space<semaphore_mem>>) src(%arg12 : memref<128x64xf32, #tpu.memory_space<vmem>>) dst(%dma_wait3A_284 : memref<10112x64xf32, #tpu.memory_space<vmem_shared>>)
        tpu.yield
      }) : () -> ()
      %add3A_246 = arith.constant 2 : i32
      %add3A_247 = arith.addi %add3A_239, %add3A_246 : i32
      %dma_start3A_248 = arith.constant 0 : i32
      %dma_start3A_249 = tpu.memref_slice %arg10[%add3A_247, %dma_start3A_248] : memref<158x128xi32, #tpu.memory_space<vmem>> -> memref<1x128xi32, #tpu.memory_space<vmem>>
      %dma_start3A_250 = tpu.memref_squeeze %dma_start3A_249 : memref<1x128xi32, #tpu.memory_space<vmem>> -> memref<128xi32, #tpu.memory_space<vmem>>
      %dma_start3A_251 = arith.constant 0 : i32
      %dma_start3A_252 = arith.constant 0 : i32
      %dma_start3A_253 = tpu.memref_slice %arg2[%dma_start3A_251, %dma_start3A_252] : memref<20224x64xf32, #tpu.memory_space<hbm>> -> memref<20224x64xf32, #tpu.memory_space<hbm>>
      tpu.enqueue_indirect_dma source(%dma_start3A_253 : memref<20224x64xf32, #tpu.memory_space<hbm>>) target(%arg12 : memref<128x64xf32, #tpu.memory_space<vmem>>) offsets(%dma_start3A_250 : memref<128xi32, #tpu.memory_space<vmem>>) semaphore(%arg14 : memref<!tpu.dma_semaphore, #tpu.memory_space<semaphore_mem>>)
      %add3A_254 = arith.constant 1 : i32
      %add3A_255 = arith.addi %add3A_239, %add3A_254 : i32
      %dma_wait3A_256 = arith.constant 0 : i32
      %dma_wait3A_257 = tpu.memref_slice %arg10[%add3A_255, %dma_wait3A_256] : memref<158x128xi32, #tpu.memory_space<vmem>> -> memref<1x128xi32, #tpu.memory_space<vmem>>
      %dma_wait3A_258 = tpu.memref_squeeze %dma_wait3A_257 : memref<1x128xi32, #tpu.memory_space<vmem>> -> memref<128xi32, #tpu.memory_space<vmem>>
      %dma_wait3A_259 = arith.constant 0 : i32
      %dma_wait3A_260 = arith.constant 0 : i32
      %dma_wait3A_261 = tpu.memref_slice %arg2[%dma_wait3A_259, %dma_wait3A_260] : memref<20224x64xf32, #tpu.memory_space<hbm>> -> memref<20224x64xf32, #tpu.memory_space<hbm>>
      tpu.wait_indirect_dma semaphore(%arg15 : memref<!tpu.dma_semaphore, #tpu.memory_space<semaphore_mem>>) src(%dma_wait3A_261 : memref<20224x64xf32, #tpu.memory_space<hbm>>) dst(%arg13 : memref<128x64xf32, #tpu.memory_space<vmem>>)
      %add3A_262 = arith.constant 1 : i32
      %add3A_263 = arith.addi %add3A_239, %add3A_262 : i32
      "tpu.region"() ({
        %run_scoped3A_272 = tpu.sem_alloc : memref<!tpu.dma_semaphore, #tpu.memory_space<semaphore_mem>>
        %dma_start3A_273 = arith.constant 0 : i32
        %dma_start3A_274 = tpu.memref_slice %arg11[%add3A_263, %dma_start3A_273] : memref<158x128xi32, #tpu.memory_space<vmem>> -> memref<1x128xi32, #tpu.memory_space<vmem>>
        %dma_start3A_275 = tpu.memref_squeeze %dma_start3A_274 : memref<1x128xi32, #tpu.memory_space<vmem>> -> memref<128xi32, #tpu.memory_space<vmem>>
        %dma_start3A_276 = arith.constant 0 : i32
        %dma_start3A_277 = arith.constant 0 : i32
        %dma_start3A_278 = tpu.memref_slice %arg9[%dma_start3A_276, %dma_start3A_277] : memref<10112x64xf32, #tpu.memory_space<vmem_shared>> -> memref<10112x64xf32, #tpu.memory_space<vmem_shared>>
        tpu.enqueue_indirect_dma source(%arg13 : memref<128x64xf32, #tpu.memory_space<vmem>>) target(%dma_start3A_278 : memref<10112x64xf32, #tpu.memory_space<vmem_shared>>) offsets(%dma_start3A_275 : memref<128xi32, #tpu.memory_space<vmem>>) semaphore(%run_scoped3A_272 : memref<!tpu.dma_semaphore, #tpu.memory_space<semaphore_mem>>) {add = true}
        %dma_wait3A_279 = arith.constant 0 : i32
        %dma_wait3A_280 = tpu.memref_slice %arg11[%add3A_263, %dma_wait3A_279] : memref<158x128xi32, #tpu.memory_space<vmem>> -> memref<1x128xi32, #tpu.memory_space<vmem>>
        %dma_wait3A_281 = tpu.memref_squeeze %dma_wait3A_280 : memref<1x128xi32, #tpu.memory_space<vmem>> -> memref<128xi32, #tpu.memory_space<vmem>>
        %dma_wait3A_282 = arith.constant 0 : i32
        %dma_wait3A_283 = arith.constant 0 : i32
        %dma_wait3A_284 = tpu.memref_slice %arg9[%dma_wait3A_282, %dma_wait3A_283] : memref<10112x64xf32, #tpu.memory_space<vmem_shared>> -> memref<10112x64xf32, #tpu.memory_space<vmem_shared>>
        tpu.wait_indirect_dma semaphore(%run_scoped3A_272 : memref<!tpu.dma_semaphore, #tpu.memory_space<semaphore_mem>>) src(%arg13 : memref<128x64xf32, #tpu.memory_space<vmem>>) dst(%dma_wait3A_284 : memref<10112x64xf32, #tpu.memory_space<vmem_shared>>)
        tpu.yield
      }) : () -> ()
      %add3A_264 = arith.constant 3 : i32
      %add3A_265 = arith.addi %add3A_239, %add3A_264 : i32
      %dma_start3A_266 = arith.constant 0 : i32
      %dma_start3A_267 = tpu.memref_slice %arg10[%add3A_265, %dma_start3A_266] : memref<158x128xi32, #tpu.memory_space<vmem>> -> memref<1x128xi32, #tpu.memory_space<vmem>>
      %dma_start3A_268 = tpu.memref_squeeze %dma_start3A_267 : memref<1x128xi32, #tpu.memory_space<vmem>> -> memref<128xi32, #tpu.memory_space<vmem>>
      %dma_start3A_269 = arith.constant 0 : i32
      %dma_start3A_270 = arith.constant 0 : i32
      %dma_start3A_271 = tpu.memref_slice %arg2[%dma_start3A_269, %dma_start3A_270] : memref<20224x64xf32, #tpu.memory_space<hbm>> -> memref<20224x64xf32, #tpu.memory_space<hbm>>
      tpu.enqueue_indirect_dma source(%dma_start3A_271 : memref<20224x64xf32, #tpu.memory_space<hbm>>) target(%arg13 : memref<128x64xf32, #tpu.memory_space<vmem>>) offsets(%dma_start3A_268 : memref<128xi32, #tpu.memory_space<vmem>>) semaphore(%arg15 : memref<!tpu.dma_semaphore, #tpu.memory_space<semaphore_mem>>)
    }
    %scan3A_137 = arith.constant 78 : i32
    %dma_wait3A_138 = arith.constant 156 : i32
    %dma_wait3A_139 = arith.constant 0 : i32
    %dma_wait3A_140 = tpu.memref_slice %arg10[%dma_wait3A_138, %dma_wait3A_139] : memref<158x128xi32, #tpu.memory_space<vmem>> -> memref<1x128xi32, #tpu.memory_space<vmem>>
    %dma_wait3A_141 = tpu.memref_squeeze %dma_wait3A_140 : memref<1x128xi32, #tpu.memory_space<vmem>> -> memref<128xi32, #tpu.memory_space<vmem>>
    %dma_wait3A_142 = arith.constant 0 : i32
    %dma_wait3A_143 = arith.constant 0 : i32
    %dma_wait3A_144 = tpu.memref_slice %arg2[%dma_wait3A_142, %dma_wait3A_143] : memref<20224x64xf32, #tpu.memory_space<hbm>> -> memref<20224x64xf32, #tpu.memory_space<hbm>>
    tpu.wait_indirect_dma semaphore(%arg14 : memref<!tpu.dma_semaphore, #tpu.memory_space<semaphore_mem>>) src(%dma_wait3A_144 : memref<20224x64xf32, #tpu.memory_space<hbm>>) dst(%arg12 : memref<128x64xf32, #tpu.memory_space<vmem>>)
    %run_scoped3A_145 = arith.constant 156 : i32
    "tpu.region"() ({
      %run_scoped3A_236 = tpu.sem_alloc : memref<!tpu.dma_semaphore, #tpu.memory_space<semaphore_mem>>
      %dma_start3A_237 = arith.constant 0 : i32
      %dma_start3A_238 = tpu.memref_slice %arg11[%run_scoped3A_145, %dma_start3A_237] : memref<158x128xi32, #tpu.memory_space<vmem>> -> memref<1x128xi32, #tpu.memory_space<vmem>>
      %dma_start3A_239 = tpu.memref_squeeze %dma_start3A_238 : memref<1x128xi32, #tpu.memory_space<vmem>> -> memref<128xi32, #tpu.memory_space<vmem>>
      %dma_start3A_240 = arith.constant 0 : i32
      %dma_start3A_241 = arith.constant 0 : i32
      %dma_start3A_242 = tpu.memref_slice %arg9[%dma_start3A_240, %dma_start3A_241] : memref<10112x64xf32, #tpu.memory_space<vmem_shared>> -> memref<10112x64xf32, #tpu.memory_space<vmem_shared>>
      tpu.enqueue_indirect_dma source(%arg12 : memref<128x64xf32, #tpu.memory_space<vmem>>) target(%dma_start3A_242 : memref<10112x64xf32, #tpu.memory_space<vmem_shared>>) offsets(%dma_start3A_239 : memref<128xi32, #tpu.memory_space<vmem>>) semaphore(%run_scoped3A_236 : memref<!tpu.dma_semaphore, #tpu.memory_space<semaphore_mem>>) {add = true}
      %dma_wait3A_243 = arith.constant 0 : i32
      %dma_wait3A_244 = tpu.memref_slice %arg11[%run_scoped3A_145, %dma_wait3A_243] : memref<158x128xi32, #tpu.memory_space<vmem>> -> memref<1x128xi32, #tpu.memory_space<vmem>>
      %dma_wait3A_245 = tpu.memref_squeeze %dma_wait3A_244 : memref<1x128xi32, #tpu.memory_space<vmem>> -> memref<128xi32, #tpu.memory_space<vmem>>
      %dma_wait3A_246 = arith.constant 0 : i32
      %dma_wait3A_247 = arith.constant 0 : i32
      %dma_wait3A_248 = tpu.memref_slice %arg9[%dma_wait3A_246, %dma_wait3A_247] : memref<10112x64xf32, #tpu.memory_space<vmem_shared>> -> memref<10112x64xf32, #tpu.memory_space<vmem_shared>>
      tpu.wait_indirect_dma semaphore(%run_scoped3A_236 : memref<!tpu.dma_semaphore, #tpu.memory_space<semaphore_mem>>) src(%arg12 : memref<128x64xf32, #tpu.memory_space<vmem>>) dst(%dma_wait3A_248 : memref<10112x64xf32, #tpu.memory_space<vmem_shared>>)
      tpu.yield
    }) : () -> ()
    %dma_wait3A_146 = arith.constant 157 : i32
    %dma_wait3A_147 = arith.constant 0 : i32
    %dma_wait3A_148 = tpu.memref_slice %arg10[%dma_wait3A_146, %dma_wait3A_147] : memref<158x128xi32, #tpu.memory_space<vmem>> -> memref<1x128xi32, #tpu.memory_space<vmem>>
    %dma_wait3A_149 = tpu.memref_squeeze %dma_wait3A_148 : memref<1x128xi32, #tpu.memory_space<vmem>> -> memref<128xi32, #tpu.memory_space<vmem>>
    %dma_wait3A_150 = arith.constant 0 : i32
    %dma_wait3A_151 = arith.constant 0 : i32
    %dma_wait3A_152 = tpu.memref_slice %arg2[%dma_wait3A_150, %dma_wait3A_151] : memref<20224x64xf32, #tpu.memory_space<hbm>> -> memref<20224x64xf32, #tpu.memory_space<hbm>>
    tpu.wait_indirect_dma semaphore(%arg15 : memref<!tpu.dma_semaphore, #tpu.memory_space<semaphore_mem>>) src(%dma_wait3A_152 : memref<20224x64xf32, #tpu.memory_space<hbm>>) dst(%arg13 : memref<128x64xf32, #tpu.memory_space<vmem>>)
    %run_scoped3A_153 = arith.constant 157 : i32
    "tpu.region"() ({
      %run_scoped3A_236 = tpu.sem_alloc : memref<!tpu.dma_semaphore, #tpu.memory_space<semaphore_mem>>
      %dma_start3A_237 = arith.constant 0 : i32
      %dma_start3A_238 = tpu.memref_slice %arg11[%run_scoped3A_153, %dma_start3A_237] : memref<158x128xi32, #tpu.memory_space<vmem>> -> memref<1x128xi32, #tpu.memory_space<vmem>>
      %dma_start3A_239 = tpu.memref_squeeze %dma_start3A_238 : memref<1x128xi32, #tpu.memory_space<vmem>> -> memref<128xi32, #tpu.memory_space<vmem>>
      %dma_start3A_240 = arith.constant 0 : i32
      %dma_start3A_241 = arith.constant 0 : i32
      %dma_start3A_242 = tpu.memref_slice %arg9[%dma_start3A_240, %dma_start3A_241] : memref<10112x64xf32, #tpu.memory_space<vmem_shared>> -> memref<10112x64xf32, #tpu.memory_space<vmem_shared>>
      tpu.enqueue_indirect_dma source(%arg13 : memref<128x64xf32, #tpu.memory_space<vmem>>) target(%dma_start3A_242 : memref<10112x64xf32, #tpu.memory_space<vmem_shared>>) offsets(%dma_start3A_239 : memref<128xi32, #tpu.memory_space<vmem>>) semaphore(%run_scoped3A_236 : memref<!tpu.dma_semaphore, #tpu.memory_space<semaphore_mem>>) {add = true}
      %dma_wait3A_243 = arith.constant 0 : i32
      %dma_wait3A_244 = tpu.memref_slice %arg11[%run_scoped3A_153, %dma_wait3A_243] : memref<158x128xi32, #tpu.memory_space<vmem>> -> memref<1x128xi32, #tpu.memory_space<vmem>>
      %dma_wait3A_245 = tpu.memref_squeeze %dma_wait3A_244 : memref<1x128xi32, #tpu.memory_space<vmem>> -> memref<128xi32, #tpu.memory_space<vmem>>
      %dma_wait3A_246 = arith.constant 0 : i32
      %dma_wait3A_247 = arith.constant 0 : i32
      %dma_wait3A_248 = tpu.memref_slice %arg9[%dma_wait3A_246, %dma_wait3A_247] : memref<10112x64xf32, #tpu.memory_space<vmem_shared>> -> memref<10112x64xf32, #tpu.memory_space<vmem_shared>>
      tpu.wait_indirect_dma semaphore(%run_scoped3A_236 : memref<!tpu.dma_semaphore, #tpu.memory_space<semaphore_mem>>) src(%arg13 : memref<128x64xf32, #tpu.memory_space<vmem>>) dst(%dma_wait3A_248 : memref<10112x64xf32, #tpu.memory_space<vmem_shared>>)
      tpu.yield
    }) : () -> ()
    %barrier3A_154 = arith.constant 0 : index
    tpu.barrier barrier_id(%barrier3A_154)
    %run_scoped3A_155 = arith.constant 3 : i32
    "tpu.region"() ({
      %run_scoped3A_236 = tpu.sem_alloc : memref<!tpu.dma_semaphore, #tpu.memory_space<semaphore_mem>>
      %dma_start3A_237 = arith.constant 0 : i32
      %dma_start3A_238 = tpu.memref_slice %arg8[%run_scoped3A_155, %arg0, %mul3A_0, %dma_start3A_237] : memref<6x2x10112x64xf32, #tpu.memory_space<hbm>> -> memref<1x1x632x64xf32, #tpu.memory_space<hbm>>
      %dma_start3A_239 = tpu.memref_squeeze %dma_start3A_238 : memref<1x1x632x64xf32, #tpu.memory_space<hbm>> -> memref<632x64xf32, #tpu.memory_space<hbm>>
      %dma_start3A_240 = arith.constant 0 : i32
      %dma_start3A_241 = tpu.memref_slice %arg9[%mul3A_0, %dma_start3A_240] : memref<10112x64xf32, #tpu.memory_space<vmem_shared>> -> memref<632x64xf32, #tpu.memory_space<vmem_shared>>
      tpu.enqueue_dma source(%dma_start3A_241 : memref<632x64xf32, #tpu.memory_space<vmem_shared>>) target(%dma_start3A_239 : memref<632x64xf32, #tpu.memory_space<hbm>>) target_semaphore(%run_scoped3A_236 : memref<!tpu.dma_semaphore, #tpu.memory_space<semaphore_mem>>)
      %dma_wait3A_242 = arith.constant 0 : i32
      %dma_wait3A_243 = tpu.memref_slice %arg8[%run_scoped3A_155, %arg0, %mul3A_0, %dma_wait3A_242] : memref<6x2x10112x64xf32, #tpu.memory_space<hbm>> -> memref<1x1x632x64xf32, #tpu.memory_space<hbm>>
      %dma_wait3A_244 = tpu.memref_squeeze %dma_wait3A_243 : memref<1x1x632x64xf32, #tpu.memory_space<hbm>> -> memref<632x64xf32, #tpu.memory_space<hbm>>
      %dma_wait3A_245 = arith.constant 0 : i32
      %dma_wait3A_246 = tpu.memref_slice %arg9[%mul3A_0, %dma_wait3A_245] : memref<10112x64xf32, #tpu.memory_space<vmem_shared>> -> memref<632x64xf32, #tpu.memory_space<vmem_shared>>
      tpu.wait_dma2 semaphore(%run_scoped3A_236 : memref<!tpu.dma_semaphore, #tpu.memory_space<semaphore_mem>>) src(%dma_wait3A_246 : memref<632x64xf32, #tpu.memory_space<vmem_shared>>) dst(%dma_wait3A_244 : memref<632x64xf32, #tpu.memory_space<hbm>>)
      tpu.yield
    }) : () -> ()
    "tpu.region"() ({
      %run_scoped3A_236 = tpu.sem_alloc : memref<!tpu.dma_semaphore, #tpu.memory_space<semaphore_mem>>
      %dma_start3A_237 = arith.constant 0 : i32
      %dma_start3A_238 = tpu.memref_slice %arg9[%mul3A_0, %dma_start3A_237] : memref<10112x64xf32, #tpu.memory_space<vmem_shared>> -> memref<632x64xf32, #tpu.memory_space<vmem_shared>>
      %dma_start3A_239 = arith.constant 0 : i32
      %dma_start3A_240 = tpu.memref_slice %arg7[%mul3A_0, %dma_start3A_239] : memref<10112x64xf32, #tpu.memory_space<hbm>> -> memref<632x64xf32, #tpu.memory_space<hbm>>
      tpu.enqueue_dma source(%dma_start3A_240 : memref<632x64xf32, #tpu.memory_space<hbm>>) target(%dma_start3A_238 : memref<632x64xf32, #tpu.memory_space<vmem_shared>>) target_semaphore(%run_scoped3A_236 : memref<!tpu.dma_semaphore, #tpu.memory_space<semaphore_mem>>)
      %dma_wait3A_241 = arith.constant 0 : i32
      %dma_wait3A_242 = tpu.memref_slice %arg9[%mul3A_0, %dma_wait3A_241] : memref<10112x64xf32, #tpu.memory_space<vmem_shared>> -> memref<632x64xf32, #tpu.memory_space<vmem_shared>>
      %dma_wait3A_243 = arith.constant 0 : i32
      %dma_wait3A_244 = tpu.memref_slice %arg7[%mul3A_0, %dma_wait3A_243] : memref<10112x64xf32, #tpu.memory_space<hbm>> -> memref<632x64xf32, #tpu.memory_space<hbm>>
      tpu.wait_dma2 semaphore(%run_scoped3A_236 : memref<!tpu.dma_semaphore, #tpu.memory_space<semaphore_mem>>) src(%dma_wait3A_244 : memref<632x64xf32, #tpu.memory_space<hbm>>) dst(%dma_wait3A_242 : memref<632x64xf32, #tpu.memory_space<vmem_shared>>)
      tpu.yield
    }) : () -> ()
    %run_scoped3A_156 = arith.constant 4 : i32
    "tpu.region"() ({
      %run_scoped3A_236 = tpu.sem_alloc : memref<!tpu.dma_semaphore, #tpu.memory_space<semaphore_mem>>
      %dma_start3A_237 = arith.constant 0 : i32
      %dma_start3A_238 = arith.constant 0 : i32
      %dma_start3A_239 = tpu.memref_slice %arg5[%arg0, %run_scoped3A_156, %arg1, %dma_start3A_237, %dma_start3A_238] : memref<2x6x16x158x128xi32, #tpu.memory_space<hbm>> -> memref<1x1x1x158x128xi32, #tpu.memory_space<hbm>>
      %dma_start3A_240 = tpu.memref_squeeze %dma_start3A_239 : memref<1x1x1x158x128xi32, #tpu.memory_space<hbm>> -> memref<158x128xi32, #tpu.memory_space<hbm>>
      %dma_start3A_241 = arith.constant 0 : i32
      %dma_start3A_242 = arith.constant 0 : i32
      %dma_start3A_243 = tpu.memref_slice %arg5[%arg0, %run_scoped3A_156, %arg1, %dma_start3A_241, %dma_start3A_242] : memref<2x6x16x158x128xi32, #tpu.memory_space<hbm>> -> memref<1x1x1x158x128xi32, #tpu.memory_space<hbm>>
      %dma_start3A_244 = tpu.memref_squeeze %dma_start3A_243 : memref<1x1x1x158x128xi32, #tpu.memory_space<hbm>> -> memref<158x128xi32, #tpu.memory_space<hbm>>
      tpu.enqueue_dma source(%dma_start3A_244 : memref<158x128xi32, #tpu.memory_space<hbm>>) target(%arg10 : memref<158x128xi32, #tpu.memory_space<vmem>>) target_semaphore(%run_scoped3A_236 : memref<!tpu.dma_semaphore, #tpu.memory_space<semaphore_mem>>)
      %dma_wait3A_245 = arith.constant 0 : i32
      %dma_wait3A_246 = arith.constant 0 : i32
      %dma_wait3A_247 = tpu.memref_slice %arg5[%arg0, %run_scoped3A_156, %arg1, %dma_wait3A_245, %dma_wait3A_246] : memref<2x6x16x158x128xi32, #tpu.memory_space<hbm>> -> memref<1x1x1x158x128xi32, #tpu.memory_space<hbm>>
      %dma_wait3A_248 = tpu.memref_squeeze %dma_wait3A_247 : memref<1x1x1x158x128xi32, #tpu.memory_space<hbm>> -> memref<158x128xi32, #tpu.memory_space<hbm>>
      %dma_wait3A_249 = arith.constant 0 : i32
      %dma_wait3A_250 = arith.constant 0 : i32
      %dma_wait3A_251 = tpu.memref_slice %arg5[%arg0, %run_scoped3A_156, %arg1, %dma_wait3A_249, %dma_wait3A_250] : memref<2x6x16x158x128xi32, #tpu.memory_space<hbm>> -> memref<1x1x1x158x128xi32, #tpu.memory_space<hbm>>
      %dma_wait3A_252 = tpu.memref_squeeze %dma_wait3A_251 : memref<1x1x1x158x128xi32, #tpu.memory_space<hbm>> -> memref<158x128xi32, #tpu.memory_space<hbm>>
      tpu.wait_dma2 semaphore(%run_scoped3A_236 : memref<!tpu.dma_semaphore, #tpu.memory_space<semaphore_mem>>) src(%dma_wait3A_252 : memref<158x128xi32, #tpu.memory_space<hbm>>) dst(%arg10 : memref<158x128xi32, #tpu.memory_space<vmem>>)
      tpu.yield
    }) : () -> ()
    %run_scoped3A_157 = arith.constant 4 : i32
    "tpu.region"() ({
      %run_scoped3A_236 = tpu.sem_alloc : memref<!tpu.dma_semaphore, #tpu.memory_space<semaphore_mem>>
      %dma_start3A_237 = arith.constant 0 : i32
      %dma_start3A_238 = arith.constant 0 : i32
      %dma_start3A_239 = tpu.memref_slice %arg6[%run_scoped3A_157, %arg1, %dma_start3A_237, %dma_start3A_238] : memref<6x16x158x128xi32, #tpu.memory_space<hbm>> -> memref<1x1x158x128xi32, #tpu.memory_space<hbm>>
      %dma_start3A_240 = tpu.memref_squeeze %dma_start3A_239 : memref<1x1x158x128xi32, #tpu.memory_space<hbm>> -> memref<158x128xi32, #tpu.memory_space<hbm>>
      %dma_start3A_241 = arith.constant 0 : i32
      %dma_start3A_242 = arith.constant 0 : i32
      %dma_start3A_243 = tpu.memref_slice %arg6[%run_scoped3A_157, %arg1, %dma_start3A_241, %dma_start3A_242] : memref<6x16x158x128xi32, #tpu.memory_space<hbm>> -> memref<1x1x158x128xi32, #tpu.memory_space<hbm>>
      %dma_start3A_244 = tpu.memref_squeeze %dma_start3A_243 : memref<1x1x158x128xi32, #tpu.memory_space<hbm>> -> memref<158x128xi32, #tpu.memory_space<hbm>>
      tpu.enqueue_dma source(%dma_start3A_244 : memref<158x128xi32, #tpu.memory_space<hbm>>) target(%arg11 : memref<158x128xi32, #tpu.memory_space<vmem>>) target_semaphore(%run_scoped3A_236 : memref<!tpu.dma_semaphore, #tpu.memory_space<semaphore_mem>>)
      %dma_wait3A_245 = arith.constant 0 : i32
      %dma_wait3A_246 = arith.constant 0 : i32
      %dma_wait3A_247 = tpu.memref_slice %arg6[%run_scoped3A_157, %arg1, %dma_wait3A_245, %dma_wait3A_246] : memref<6x16x158x128xi32, #tpu.memory_space<hbm>> -> memref<1x1x158x128xi32, #tpu.memory_space<hbm>>
      %dma_wait3A_248 = tpu.memref_squeeze %dma_wait3A_247 : memref<1x1x158x128xi32, #tpu.memory_space<hbm>> -> memref<158x128xi32, #tpu.memory_space<hbm>>
      %dma_wait3A_249 = arith.constant 0 : i32
      %dma_wait3A_250 = arith.constant 0 : i32
      %dma_wait3A_251 = tpu.memref_slice %arg6[%run_scoped3A_157, %arg1, %dma_wait3A_249, %dma_wait3A_250] : memref<6x16x158x128xi32, #tpu.memory_space<hbm>> -> memref<1x1x158x128xi32, #tpu.memory_space<hbm>>
      %dma_wait3A_252 = tpu.memref_squeeze %dma_wait3A_251 : memref<1x1x158x128xi32, #tpu.memory_space<hbm>> -> memref<158x128xi32, #tpu.memory_space<hbm>>
      tpu.wait_dma2 semaphore(%run_scoped3A_236 : memref<!tpu.dma_semaphore, #tpu.memory_space<semaphore_mem>>) src(%dma_wait3A_252 : memref<158x128xi32, #tpu.memory_space<hbm>>) dst(%arg11 : memref<158x128xi32, #tpu.memory_space<vmem>>)
      tpu.yield
    }) : () -> ()
    %barrier3A_158 = arith.constant 0 : index
    tpu.barrier barrier_id(%barrier3A_158)
    %dma_start3A_159 = arith.constant 0 : i32
    %dma_start3A_160 = arith.constant 0 : i32
    %dma_start3A_161 = tpu.memref_slice %arg10[%dma_start3A_159, %dma_start3A_160] : memref<158x128xi32, #tpu.memory_space<vmem>> -> memref<1x128xi32, #tpu.memory_space<vmem>>
    %dma_start3A_162 = tpu.memref_squeeze %dma_start3A_161 : memref<1x128xi32, #tpu.memory_space<vmem>> -> memref<128xi32, #tpu.memory_space<vmem>>
    %dma_start3A_163 = arith.constant 0 : i32
    %dma_start3A_164 = arith.constant 0 : i32
    %dma_start3A_165 = tpu.memref_slice %arg2[%dma_start3A_163, %dma_start3A_164] : memref<20224x64xf32, #tpu.memory_space<hbm>> -> memref<20224x64xf32, #tpu.memory_space<hbm>>
    tpu.enqueue_indirect_dma source(%dma_start3A_165 : memref<20224x64xf32, #tpu.memory_space<hbm>>) target(%arg12 : memref<128x64xf32, #tpu.memory_space<vmem>>) offsets(%dma_start3A_162 : memref<128xi32, #tpu.memory_space<vmem>>) semaphore(%arg14 : memref<!tpu.dma_semaphore, #tpu.memory_space<semaphore_mem>>)
    %dma_start3A_166 = arith.constant 1 : i32
    %dma_start3A_167 = arith.constant 0 : i32
    %dma_start3A_168 = tpu.memref_slice %arg10[%dma_start3A_166, %dma_start3A_167] : memref<158x128xi32, #tpu.memory_space<vmem>> -> memref<1x128xi32, #tpu.memory_space<vmem>>
    %dma_start3A_169 = tpu.memref_squeeze %dma_start3A_168 : memref<1x128xi32, #tpu.memory_space<vmem>> -> memref<128xi32, #tpu.memory_space<vmem>>
    %dma_start3A_170 = arith.constant 0 : i32
    %dma_start3A_171 = arith.constant 0 : i32
    %dma_start3A_172 = tpu.memref_slice %arg2[%dma_start3A_170, %dma_start3A_171] : memref<20224x64xf32, #tpu.memory_space<hbm>> -> memref<20224x64xf32, #tpu.memory_space<hbm>>
    tpu.enqueue_indirect_dma source(%dma_start3A_172 : memref<20224x64xf32, #tpu.memory_space<hbm>>) target(%arg13 : memref<128x64xf32, #tpu.memory_space<vmem>>) offsets(%dma_start3A_169 : memref<128xi32, #tpu.memory_space<vmem>>) semaphore(%arg15 : memref<!tpu.dma_semaphore, #tpu.memory_space<semaphore_mem>>)
    %scan3A_173 = arith.constant 0 : i32
    %scan3A_174 = arith.constant 78 : i32
    %scan3A_175 = arith.addi %scan3A_173, %scan3A_174 : i32
    %scan3A_176 = arith.constant 1 : i32
    scf.for %scan3A_236 = %scan3A_173 to %scan3A_175 step %scan3A_176  : i32 {
      %mul3A_237 = arith.constant 2 : i32
      %mul3A_238 = arith.muli %scan3A_236, %mul3A_237 : i32
      %add3A = arith.constant 0 : i32
      %add3A_239 = arith.addi %add3A, %mul3A_238 : i32
      %dma_wait3A_240 = arith.constant 0 : i32
      %dma_wait3A_241 = tpu.memref_slice %arg10[%add3A_239, %dma_wait3A_240] : memref<158x128xi32, #tpu.memory_space<vmem>> -> memref<1x128xi32, #tpu.memory_space<vmem>>
      %dma_wait3A_242 = tpu.memref_squeeze %dma_wait3A_241 : memref<1x128xi32, #tpu.memory_space<vmem>> -> memref<128xi32, #tpu.memory_space<vmem>>
      %dma_wait3A_243 = arith.constant 0 : i32
      %dma_wait3A_244 = arith.constant 0 : i32
      %dma_wait3A_245 = tpu.memref_slice %arg2[%dma_wait3A_243, %dma_wait3A_244] : memref<20224x64xf32, #tpu.memory_space<hbm>> -> memref<20224x64xf32, #tpu.memory_space<hbm>>
      tpu.wait_indirect_dma semaphore(%arg14 : memref<!tpu.dma_semaphore, #tpu.memory_space<semaphore_mem>>) src(%dma_wait3A_245 : memref<20224x64xf32, #tpu.memory_space<hbm>>) dst(%arg12 : memref<128x64xf32, #tpu.memory_space<vmem>>)
      "tpu.region"() ({
        %run_scoped3A_272 = tpu.sem_alloc : memref<!tpu.dma_semaphore, #tpu.memory_space<semaphore_mem>>
        %dma_start3A_273 = arith.constant 0 : i32
        %dma_start3A_274 = tpu.memref_slice %arg11[%add3A_239, %dma_start3A_273] : memref<158x128xi32, #tpu.memory_space<vmem>> -> memref<1x128xi32, #tpu.memory_space<vmem>>
        %dma_start3A_275 = tpu.memref_squeeze %dma_start3A_274 : memref<1x128xi32, #tpu.memory_space<vmem>> -> memref<128xi32, #tpu.memory_space<vmem>>
        %dma_start3A_276 = arith.constant 0 : i32
        %dma_start3A_277 = arith.constant 0 : i32
        %dma_start3A_278 = tpu.memref_slice %arg9[%dma_start3A_276, %dma_start3A_277] : memref<10112x64xf32, #tpu.memory_space<vmem_shared>> -> memref<10112x64xf32, #tpu.memory_space<vmem_shared>>
        tpu.enqueue_indirect_dma source(%arg12 : memref<128x64xf32, #tpu.memory_space<vmem>>) target(%dma_start3A_278 : memref<10112x64xf32, #tpu.memory_space<vmem_shared>>) offsets(%dma_start3A_275 : memref<128xi32, #tpu.memory_space<vmem>>) semaphore(%run_scoped3A_272 : memref<!tpu.dma_semaphore, #tpu.memory_space<semaphore_mem>>) {add = true}
        %dma_wait3A_279 = arith.constant 0 : i32
        %dma_wait3A_280 = tpu.memref_slice %arg11[%add3A_239, %dma_wait3A_279] : memref<158x128xi32, #tpu.memory_space<vmem>> -> memref<1x128xi32, #tpu.memory_space<vmem>>
        %dma_wait3A_281 = tpu.memref_squeeze %dma_wait3A_280 : memref<1x128xi32, #tpu.memory_space<vmem>> -> memref<128xi32, #tpu.memory_space<vmem>>
        %dma_wait3A_282 = arith.constant 0 : i32
        %dma_wait3A_283 = arith.constant 0 : i32
        %dma_wait3A_284 = tpu.memref_slice %arg9[%dma_wait3A_282, %dma_wait3A_283] : memref<10112x64xf32, #tpu.memory_space<vmem_shared>> -> memref<10112x64xf32, #tpu.memory_space<vmem_shared>>
        tpu.wait_indirect_dma semaphore(%run_scoped3A_272 : memref<!tpu.dma_semaphore, #tpu.memory_space<semaphore_mem>>) src(%arg12 : memref<128x64xf32, #tpu.memory_space<vmem>>) dst(%dma_wait3A_284 : memref<10112x64xf32, #tpu.memory_space<vmem_shared>>)
        tpu.yield
      }) : () -> ()
      %add3A_246 = arith.constant 2 : i32
      %add3A_247 = arith.addi %add3A_239, %add3A_246 : i32
      %dma_start3A_248 = arith.constant 0 : i32
      %dma_start3A_249 = tpu.memref_slice %arg10[%add3A_247, %dma_start3A_248] : memref<158x128xi32, #tpu.memory_space<vmem>> -> memref<1x128xi32, #tpu.memory_space<vmem>>
      %dma_start3A_250 = tpu.memref_squeeze %dma_start3A_249 : memref<1x128xi32, #tpu.memory_space<vmem>> -> memref<128xi32, #tpu.memory_space<vmem>>
      %dma_start3A_251 = arith.constant 0 : i32
      %dma_start3A_252 = arith.constant 0 : i32
      %dma_start3A_253 = tpu.memref_slice %arg2[%dma_start3A_251, %dma_start3A_252] : memref<20224x64xf32, #tpu.memory_space<hbm>> -> memref<20224x64xf32, #tpu.memory_space<hbm>>
      tpu.enqueue_indirect_dma source(%dma_start3A_253 : memref<20224x64xf32, #tpu.memory_space<hbm>>) target(%arg12 : memref<128x64xf32, #tpu.memory_space<vmem>>) offsets(%dma_start3A_250 : memref<128xi32, #tpu.memory_space<vmem>>) semaphore(%arg14 : memref<!tpu.dma_semaphore, #tpu.memory_space<semaphore_mem>>)
      %add3A_254 = arith.constant 1 : i32
      %add3A_255 = arith.addi %add3A_239, %add3A_254 : i32
      %dma_wait3A_256 = arith.constant 0 : i32
      %dma_wait3A_257 = tpu.memref_slice %arg10[%add3A_255, %dma_wait3A_256] : memref<158x128xi32, #tpu.memory_space<vmem>> -> memref<1x128xi32, #tpu.memory_space<vmem>>
      %dma_wait3A_258 = tpu.memref_squeeze %dma_wait3A_257 : memref<1x128xi32, #tpu.memory_space<vmem>> -> memref<128xi32, #tpu.memory_space<vmem>>
      %dma_wait3A_259 = arith.constant 0 : i32
      %dma_wait3A_260 = arith.constant 0 : i32
      %dma_wait3A_261 = tpu.memref_slice %arg2[%dma_wait3A_259, %dma_wait3A_260] : memref<20224x64xf32, #tpu.memory_space<hbm>> -> memref<20224x64xf32, #tpu.memory_space<hbm>>
      tpu.wait_indirect_dma semaphore(%arg15 : memref<!tpu.dma_semaphore, #tpu.memory_space<semaphore_mem>>) src(%dma_wait3A_261 : memref<20224x64xf32, #tpu.memory_space<hbm>>) dst(%arg13 : memref<128x64xf32, #tpu.memory_space<vmem>>)
      %add3A_262 = arith.constant 1 : i32
      %add3A_263 = arith.addi %add3A_239, %add3A_262 : i32
      "tpu.region"() ({
        %run_scoped3A_272 = tpu.sem_alloc : memref<!tpu.dma_semaphore, #tpu.memory_space<semaphore_mem>>
        %dma_start3A_273 = arith.constant 0 : i32
        %dma_start3A_274 = tpu.memref_slice %arg11[%add3A_263, %dma_start3A_273] : memref<158x128xi32, #tpu.memory_space<vmem>> -> memref<1x128xi32, #tpu.memory_space<vmem>>
        %dma_start3A_275 = tpu.memref_squeeze %dma_start3A_274 : memref<1x128xi32, #tpu.memory_space<vmem>> -> memref<128xi32, #tpu.memory_space<vmem>>
        %dma_start3A_276 = arith.constant 0 : i32
        %dma_start3A_277 = arith.constant 0 : i32
        %dma_start3A_278 = tpu.memref_slice %arg9[%dma_start3A_276, %dma_start3A_277] : memref<10112x64xf32, #tpu.memory_space<vmem_shared>> -> memref<10112x64xf32, #tpu.memory_space<vmem_shared>>
        tpu.enqueue_indirect_dma source(%arg13 : memref<128x64xf32, #tpu.memory_space<vmem>>) target(%dma_start3A_278 : memref<10112x64xf32, #tpu.memory_space<vmem_shared>>) offsets(%dma_start3A_275 : memref<128xi32, #tpu.memory_space<vmem>>) semaphore(%run_scoped3A_272 : memref<!tpu.dma_semaphore, #tpu.memory_space<semaphore_mem>>) {add = true}
        %dma_wait3A_279 = arith.constant 0 : i32
        %dma_wait3A_280 = tpu.memref_slice %arg11[%add3A_263, %dma_wait3A_279] : memref<158x128xi32, #tpu.memory_space<vmem>> -> memref<1x128xi32, #tpu.memory_space<vmem>>
        %dma_wait3A_281 = tpu.memref_squeeze %dma_wait3A_280 : memref<1x128xi32, #tpu.memory_space<vmem>> -> memref<128xi32, #tpu.memory_space<vmem>>
        %dma_wait3A_282 = arith.constant 0 : i32
        %dma_wait3A_283 = arith.constant 0 : i32
        %dma_wait3A_284 = tpu.memref_slice %arg9[%dma_wait3A_282, %dma_wait3A_283] : memref<10112x64xf32, #tpu.memory_space<vmem_shared>> -> memref<10112x64xf32, #tpu.memory_space<vmem_shared>>
        tpu.wait_indirect_dma semaphore(%run_scoped3A_272 : memref<!tpu.dma_semaphore, #tpu.memory_space<semaphore_mem>>) src(%arg13 : memref<128x64xf32, #tpu.memory_space<vmem>>) dst(%dma_wait3A_284 : memref<10112x64xf32, #tpu.memory_space<vmem_shared>>)
        tpu.yield
      }) : () -> ()
      %add3A_264 = arith.constant 3 : i32
      %add3A_265 = arith.addi %add3A_239, %add3A_264 : i32
      %dma_start3A_266 = arith.constant 0 : i32
      %dma_start3A_267 = tpu.memref_slice %arg10[%add3A_265, %dma_start3A_266] : memref<158x128xi32, #tpu.memory_space<vmem>> -> memref<1x128xi32, #tpu.memory_space<vmem>>
      %dma_start3A_268 = tpu.memref_squeeze %dma_start3A_267 : memref<1x128xi32, #tpu.memory_space<vmem>> -> memref<128xi32, #tpu.memory_space<vmem>>
      %dma_start3A_269 = arith.constant 0 : i32
      %dma_start3A_270 = arith.constant 0 : i32
      %dma_start3A_271 = tpu.memref_slice %arg2[%dma_start3A_269, %dma_start3A_270] : memref<20224x64xf32, #tpu.memory_space<hbm>> -> memref<20224x64xf32, #tpu.memory_space<hbm>>
      tpu.enqueue_indirect_dma source(%dma_start3A_271 : memref<20224x64xf32, #tpu.memory_space<hbm>>) target(%arg13 : memref<128x64xf32, #tpu.memory_space<vmem>>) offsets(%dma_start3A_268 : memref<128xi32, #tpu.memory_space<vmem>>) semaphore(%arg15 : memref<!tpu.dma_semaphore, #tpu.memory_space<semaphore_mem>>)
    }
    %scan3A_177 = arith.constant 78 : i32
    %dma_wait3A_178 = arith.constant 156 : i32
    %dma_wait3A_179 = arith.constant 0 : i32
    %dma_wait3A_180 = tpu.memref_slice %arg10[%dma_wait3A_178, %dma_wait3A_179] : memref<158x128xi32, #tpu.memory_space<vmem>> -> memref<1x128xi32, #tpu.memory_space<vmem>>
    %dma_wait3A_181 = tpu.memref_squeeze %dma_wait3A_180 : memref<1x128xi32, #tpu.memory_space<vmem>> -> memref<128xi32, #tpu.memory_space<vmem>>
    %dma_wait3A_182 = arith.constant 0 : i32
    %dma_wait3A_183 = arith.constant 0 : i32
    %dma_wait3A_184 = tpu.memref_slice %arg2[%dma_wait3A_182, %dma_wait3A_183] : memref<20224x64xf32, #tpu.memory_space<hbm>> -> memref<20224x64xf32, #tpu.memory_space<hbm>>
    tpu.wait_indirect_dma semaphore(%arg14 : memref<!tpu.dma_semaphore, #tpu.memory_space<semaphore_mem>>) src(%dma_wait3A_184 : memref<20224x64xf32, #tpu.memory_space<hbm>>) dst(%arg12 : memref<128x64xf32, #tpu.memory_space<vmem>>)
    %run_scoped3A_185 = arith.constant 156 : i32
    "tpu.region"() ({
      %run_scoped3A_236 = tpu.sem_alloc : memref<!tpu.dma_semaphore, #tpu.memory_space<semaphore_mem>>
      %dma_start3A_237 = arith.constant 0 : i32
      %dma_start3A_238 = tpu.memref_slice %arg11[%run_scoped3A_185, %dma_start3A_237] : memref<158x128xi32, #tpu.memory_space<vmem>> -> memref<1x128xi32, #tpu.memory_space<vmem>>
      %dma_start3A_239 = tpu.memref_squeeze %dma_start3A_238 : memref<1x128xi32, #tpu.memory_space<vmem>> -> memref<128xi32, #tpu.memory_space<vmem>>
      %dma_start3A_240 = arith.constant 0 : i32
      %dma_start3A_241 = arith.constant 0 : i32
      %dma_start3A_242 = tpu.memref_slice %arg9[%dma_start3A_240, %dma_start3A_241] : memref<10112x64xf32, #tpu.memory_space<vmem_shared>> -> memref<10112x64xf32, #tpu.memory_space<vmem_shared>>
      tpu.enqueue_indirect_dma source(%arg12 : memref<128x64xf32, #tpu.memory_space<vmem>>) target(%dma_start3A_242 : memref<10112x64xf32, #tpu.memory_space<vmem_shared>>) offsets(%dma_start3A_239 : memref<128xi32, #tpu.memory_space<vmem>>) semaphore(%run_scoped3A_236 : memref<!tpu.dma_semaphore, #tpu.memory_space<semaphore_mem>>) {add = true}
      %dma_wait3A_243 = arith.constant 0 : i32
      %dma_wait3A_244 = tpu.memref_slice %arg11[%run_scoped3A_185, %dma_wait3A_243] : memref<158x128xi32, #tpu.memory_space<vmem>> -> memref<1x128xi32, #tpu.memory_space<vmem>>
      %dma_wait3A_245 = tpu.memref_squeeze %dma_wait3A_244 : memref<1x128xi32, #tpu.memory_space<vmem>> -> memref<128xi32, #tpu.memory_space<vmem>>
      %dma_wait3A_246 = arith.constant 0 : i32
      %dma_wait3A_247 = arith.constant 0 : i32
      %dma_wait3A_248 = tpu.memref_slice %arg9[%dma_wait3A_246, %dma_wait3A_247] : memref<10112x64xf32, #tpu.memory_space<vmem_shared>> -> memref<10112x64xf32, #tpu.memory_space<vmem_shared>>
      tpu.wait_indirect_dma semaphore(%run_scoped3A_236 : memref<!tpu.dma_semaphore, #tpu.memory_space<semaphore_mem>>) src(%arg12 : memref<128x64xf32, #tpu.memory_space<vmem>>) dst(%dma_wait3A_248 : memref<10112x64xf32, #tpu.memory_space<vmem_shared>>)
      tpu.yield
    }) : () -> ()
    %dma_wait3A_186 = arith.constant 157 : i32
    %dma_wait3A_187 = arith.constant 0 : i32
    %dma_wait3A_188 = tpu.memref_slice %arg10[%dma_wait3A_186, %dma_wait3A_187] : memref<158x128xi32, #tpu.memory_space<vmem>> -> memref<1x128xi32, #tpu.memory_space<vmem>>
    %dma_wait3A_189 = tpu.memref_squeeze %dma_wait3A_188 : memref<1x128xi32, #tpu.memory_space<vmem>> -> memref<128xi32, #tpu.memory_space<vmem>>
    %dma_wait3A_190 = arith.constant 0 : i32
    %dma_wait3A_191 = arith.constant 0 : i32
    %dma_wait3A_192 = tpu.memref_slice %arg2[%dma_wait3A_190, %dma_wait3A_191] : memref<20224x64xf32, #tpu.memory_space<hbm>> -> memref<20224x64xf32, #tpu.memory_space<hbm>>
    tpu.wait_indirect_dma semaphore(%arg15 : memref<!tpu.dma_semaphore, #tpu.memory_space<semaphore_mem>>) src(%dma_wait3A_192 : memref<20224x64xf32, #tpu.memory_space<hbm>>) dst(%arg13 : memref<128x64xf32, #tpu.memory_space<vmem>>)
    %run_scoped3A_193 = arith.constant 157 : i32
    "tpu.region"() ({
      %run_scoped3A_236 = tpu.sem_alloc : memref<!tpu.dma_semaphore, #tpu.memory_space<semaphore_mem>>
      %dma_start3A_237 = arith.constant 0 : i32
      %dma_start3A_238 = tpu.memref_slice %arg11[%run_scoped3A_193, %dma_start3A_237] : memref<158x128xi32, #tpu.memory_space<vmem>> -> memref<1x128xi32, #tpu.memory_space<vmem>>
      %dma_start3A_239 = tpu.memref_squeeze %dma_start3A_238 : memref<1x128xi32, #tpu.memory_space<vmem>> -> memref<128xi32, #tpu.memory_space<vmem>>
      %dma_start3A_240 = arith.constant 0 : i32
      %dma_start3A_241 = arith.constant 0 : i32
      %dma_start3A_242 = tpu.memref_slice %arg9[%dma_start3A_240, %dma_start3A_241] : memref<10112x64xf32, #tpu.memory_space<vmem_shared>> -> memref<10112x64xf32, #tpu.memory_space<vmem_shared>>
      tpu.enqueue_indirect_dma source(%arg13 : memref<128x64xf32, #tpu.memory_space<vmem>>) target(%dma_start3A_242 : memref<10112x64xf32, #tpu.memory_space<vmem_shared>>) offsets(%dma_start3A_239 : memref<128xi32, #tpu.memory_space<vmem>>) semaphore(%run_scoped3A_236 : memref<!tpu.dma_semaphore, #tpu.memory_space<semaphore_mem>>) {add = true}
      %dma_wait3A_243 = arith.constant 0 : i32
      %dma_wait3A_244 = tpu.memref_slice %arg11[%run_scoped3A_193, %dma_wait3A_243] : memref<158x128xi32, #tpu.memory_space<vmem>> -> memref<1x128xi32, #tpu.memory_space<vmem>>
      %dma_wait3A_245 = tpu.memref_squeeze %dma_wait3A_244 : memref<1x128xi32, #tpu.memory_space<vmem>> -> memref<128xi32, #tpu.memory_space<vmem>>
      %dma_wait3A_246 = arith.constant 0 : i32
      %dma_wait3A_247 = arith.constant 0 : i32
      %dma_wait3A_248 = tpu.memref_slice %arg9[%dma_wait3A_246, %dma_wait3A_247] : memref<10112x64xf32, #tpu.memory_space<vmem_shared>> -> memref<10112x64xf32, #tpu.memory_space<vmem_shared>>
      tpu.wait_indirect_dma semaphore(%run_scoped3A_236 : memref<!tpu.dma_semaphore, #tpu.memory_space<semaphore_mem>>) src(%arg13 : memref<128x64xf32, #tpu.memory_space<vmem>>) dst(%dma_wait3A_248 : memref<10112x64xf32, #tpu.memory_space<vmem_shared>>)
      tpu.yield
    }) : () -> ()
    %barrier3A_194 = arith.constant 0 : index
    tpu.barrier barrier_id(%barrier3A_194)
    %run_scoped3A_195 = arith.constant 4 : i32
    "tpu.region"() ({
      %run_scoped3A_236 = tpu.sem_alloc : memref<!tpu.dma_semaphore, #tpu.memory_space<semaphore_mem>>
      %dma_start3A_237 = arith.constant 0 : i32
      %dma_start3A_238 = tpu.memref_slice %arg8[%run_scoped3A_195, %arg0, %mul3A_0, %dma_start3A_237] : memref<6x2x10112x64xf32, #tpu.memory_space<hbm>> -> memref<1x1x632x64xf32, #tpu.memory_space<hbm>>
      %dma_start3A_239 = tpu.memref_squeeze %dma_start3A_238 : memref<1x1x632x64xf32, #tpu.memory_space<hbm>> -> memref<632x64xf32, #tpu.memory_space<hbm>>
      %dma_start3A_240 = arith.constant 0 : i32
      %dma_start3A_241 = tpu.memref_slice %arg9[%mul3A_0, %dma_start3A_240] : memref<10112x64xf32, #tpu.memory_space<vmem_shared>> -> memref<632x64xf32, #tpu.memory_space<vmem_shared>>
      tpu.enqueue_dma source(%dma_start3A_241 : memref<632x64xf32, #tpu.memory_space<vmem_shared>>) target(%dma_start3A_239 : memref<632x64xf32, #tpu.memory_space<hbm>>) target_semaphore(%run_scoped3A_236 : memref<!tpu.dma_semaphore, #tpu.memory_space<semaphore_mem>>)
      %dma_wait3A_242 = arith.constant 0 : i32
      %dma_wait3A_243 = tpu.memref_slice %arg8[%run_scoped3A_195, %arg0, %mul3A_0, %dma_wait3A_242] : memref<6x2x10112x64xf32, #tpu.memory_space<hbm>> -> memref<1x1x632x64xf32, #tpu.memory_space<hbm>>
      %dma_wait3A_244 = tpu.memref_squeeze %dma_wait3A_243 : memref<1x1x632x64xf32, #tpu.memory_space<hbm>> -> memref<632x64xf32, #tpu.memory_space<hbm>>
      %dma_wait3A_245 = arith.constant 0 : i32
      %dma_wait3A_246 = tpu.memref_slice %arg9[%mul3A_0, %dma_wait3A_245] : memref<10112x64xf32, #tpu.memory_space<vmem_shared>> -> memref<632x64xf32, #tpu.memory_space<vmem_shared>>
      tpu.wait_dma2 semaphore(%run_scoped3A_236 : memref<!tpu.dma_semaphore, #tpu.memory_space<semaphore_mem>>) src(%dma_wait3A_246 : memref<632x64xf32, #tpu.memory_space<vmem_shared>>) dst(%dma_wait3A_244 : memref<632x64xf32, #tpu.memory_space<hbm>>)
      tpu.yield
    }) : () -> ()
    "tpu.region"() ({
      %run_scoped3A_236 = tpu.sem_alloc : memref<!tpu.dma_semaphore, #tpu.memory_space<semaphore_mem>>
      %dma_start3A_237 = arith.constant 0 : i32
      %dma_start3A_238 = tpu.memref_slice %arg9[%mul3A_0, %dma_start3A_237] : memref<10112x64xf32, #tpu.memory_space<vmem_shared>> -> memref<632x64xf32, #tpu.memory_space<vmem_shared>>
      %dma_start3A_239 = arith.constant 0 : i32
      %dma_start3A_240 = tpu.memref_slice %arg7[%mul3A_0, %dma_start3A_239] : memref<10112x64xf32, #tpu.memory_space<hbm>> -> memref<632x64xf32, #tpu.memory_space<hbm>>
      tpu.enqueue_dma source(%dma_start3A_240 : memref<632x64xf32, #tpu.memory_space<hbm>>) target(%dma_start3A_238 : memref<632x64xf32, #tpu.memory_space<vmem_shared>>) target_semaphore(%run_scoped3A_236 : memref<!tpu.dma_semaphore, #tpu.memory_space<semaphore_mem>>)
      %dma_wait3A_241 = arith.constant 0 : i32
      %dma_wait3A_242 = tpu.memref_slice %arg9[%mul3A_0, %dma_wait3A_241] : memref<10112x64xf32, #tpu.memory_space<vmem_shared>> -> memref<632x64xf32, #tpu.memory_space<vmem_shared>>
      %dma_wait3A_243 = arith.constant 0 : i32
      %dma_wait3A_244 = tpu.memref_slice %arg7[%mul3A_0, %dma_wait3A_243] : memref<10112x64xf32, #tpu.memory_space<hbm>> -> memref<632x64xf32, #tpu.memory_space<hbm>>
      tpu.wait_dma2 semaphore(%run_scoped3A_236 : memref<!tpu.dma_semaphore, #tpu.memory_space<semaphore_mem>>) src(%dma_wait3A_244 : memref<632x64xf32, #tpu.memory_space<hbm>>) dst(%dma_wait3A_242 : memref<632x64xf32, #tpu.memory_space<vmem_shared>>)
      tpu.yield
    }) : () -> ()
    %run_scoped3A_196 = arith.constant 5 : i32
    "tpu.region"() ({
      %run_scoped3A_236 = tpu.sem_alloc : memref<!tpu.dma_semaphore, #tpu.memory_space<semaphore_mem>>
      %dma_start3A_237 = arith.constant 0 : i32
      %dma_start3A_238 = arith.constant 0 : i32
      %dma_start3A_239 = tpu.memref_slice %arg5[%arg0, %run_scoped3A_196, %arg1, %dma_start3A_237, %dma_start3A_238] : memref<2x6x16x158x128xi32, #tpu.memory_space<hbm>> -> memref<1x1x1x158x128xi32, #tpu.memory_space<hbm>>
      %dma_start3A_240 = tpu.memref_squeeze %dma_start3A_239 : memref<1x1x1x158x128xi32, #tpu.memory_space<hbm>> -> memref<158x128xi32, #tpu.memory_space<hbm>>
      %dma_start3A_241 = arith.constant 0 : i32
      %dma_start3A_242 = arith.constant 0 : i32
      %dma_start3A_243 = tpu.memref_slice %arg5[%arg0, %run_scoped3A_196, %arg1, %dma_start3A_241, %dma_start3A_242] : memref<2x6x16x158x128xi32, #tpu.memory_space<hbm>> -> memref<1x1x1x158x128xi32, #tpu.memory_space<hbm>>
      %dma_start3A_244 = tpu.memref_squeeze %dma_start3A_243 : memref<1x1x1x158x128xi32, #tpu.memory_space<hbm>> -> memref<158x128xi32, #tpu.memory_space<hbm>>
      tpu.enqueue_dma source(%dma_start3A_244 : memref<158x128xi32, #tpu.memory_space<hbm>>) target(%arg10 : memref<158x128xi32, #tpu.memory_space<vmem>>) target_semaphore(%run_scoped3A_236 : memref<!tpu.dma_semaphore, #tpu.memory_space<semaphore_mem>>)
      %dma_wait3A_245 = arith.constant 0 : i32
      %dma_wait3A_246 = arith.constant 0 : i32
      %dma_wait3A_247 = tpu.memref_slice %arg5[%arg0, %run_scoped3A_196, %arg1, %dma_wait3A_245, %dma_wait3A_246] : memref<2x6x16x158x128xi32, #tpu.memory_space<hbm>> -> memref<1x1x1x158x128xi32, #tpu.memory_space<hbm>>
      %dma_wait3A_248 = tpu.memref_squeeze %dma_wait3A_247 : memref<1x1x1x158x128xi32, #tpu.memory_space<hbm>> -> memref<158x128xi32, #tpu.memory_space<hbm>>
      %dma_wait3A_249 = arith.constant 0 : i32
      %dma_wait3A_250 = arith.constant 0 : i32
      %dma_wait3A_251 = tpu.memref_slice %arg5[%arg0, %run_scoped3A_196, %arg1, %dma_wait3A_249, %dma_wait3A_250] : memref<2x6x16x158x128xi32, #tpu.memory_space<hbm>> -> memref<1x1x1x158x128xi32, #tpu.memory_space<hbm>>
      %dma_wait3A_252 = tpu.memref_squeeze %dma_wait3A_251 : memref<1x1x1x158x128xi32, #tpu.memory_space<hbm>> -> memref<158x128xi32, #tpu.memory_space<hbm>>
      tpu.wait_dma2 semaphore(%run_scoped3A_236 : memref<!tpu.dma_semaphore, #tpu.memory_space<semaphore_mem>>) src(%dma_wait3A_252 : memref<158x128xi32, #tpu.memory_space<hbm>>) dst(%arg10 : memref<158x128xi32, #tpu.memory_space<vmem>>)
      tpu.yield
    }) : () -> ()
    %run_scoped3A_197 = arith.constant 5 : i32
    "tpu.region"() ({
      %run_scoped3A_236 = tpu.sem_alloc : memref<!tpu.dma_semaphore, #tpu.memory_space<semaphore_mem>>
      %dma_start3A_237 = arith.constant 0 : i32
      %dma_start3A_238 = arith.constant 0 : i32
      %dma_start3A_239 = tpu.memref_slice %arg6[%run_scoped3A_197, %arg1, %dma_start3A_237, %dma_start3A_238] : memref<6x16x158x128xi32, #tpu.memory_space<hbm>> -> memref<1x1x158x128xi32, #tpu.memory_space<hbm>>
      %dma_start3A_240 = tpu.memref_squeeze %dma_start3A_239 : memref<1x1x158x128xi32, #tpu.memory_space<hbm>> -> memref<158x128xi32, #tpu.memory_space<hbm>>
      %dma_start3A_241 = arith.constant 0 : i32
      %dma_start3A_242 = arith.constant 0 : i32
      %dma_start3A_243 = tpu.memref_slice %arg6[%run_scoped3A_197, %arg1, %dma_start3A_241, %dma_start3A_242] : memref<6x16x158x128xi32, #tpu.memory_space<hbm>> -> memref<1x1x158x128xi32, #tpu.memory_space<hbm>>
      %dma_start3A_244 = tpu.memref_squeeze %dma_start3A_243 : memref<1x1x158x128xi32, #tpu.memory_space<hbm>> -> memref<158x128xi32, #tpu.memory_space<hbm>>
      tpu.enqueue_dma source(%dma_start3A_244 : memref<158x128xi32, #tpu.memory_space<hbm>>) target(%arg11 : memref<158x128xi32, #tpu.memory_space<vmem>>) target_semaphore(%run_scoped3A_236 : memref<!tpu.dma_semaphore, #tpu.memory_space<semaphore_mem>>)
      %dma_wait3A_245 = arith.constant 0 : i32
      %dma_wait3A_246 = arith.constant 0 : i32
      %dma_wait3A_247 = tpu.memref_slice %arg6[%run_scoped3A_197, %arg1, %dma_wait3A_245, %dma_wait3A_246] : memref<6x16x158x128xi32, #tpu.memory_space<hbm>> -> memref<1x1x158x128xi32, #tpu.memory_space<hbm>>
      %dma_wait3A_248 = tpu.memref_squeeze %dma_wait3A_247 : memref<1x1x158x128xi32, #tpu.memory_space<hbm>> -> memref<158x128xi32, #tpu.memory_space<hbm>>
      %dma_wait3A_249 = arith.constant 0 : i32
      %dma_wait3A_250 = arith.constant 0 : i32
      %dma_wait3A_251 = tpu.memref_slice %arg6[%run_scoped3A_197, %arg1, %dma_wait3A_249, %dma_wait3A_250] : memref<6x16x158x128xi32, #tpu.memory_space<hbm>> -> memref<1x1x158x128xi32, #tpu.memory_space<hbm>>
      %dma_wait3A_252 = tpu.memref_squeeze %dma_wait3A_251 : memref<1x1x158x128xi32, #tpu.memory_space<hbm>> -> memref<158x128xi32, #tpu.memory_space<hbm>>
      tpu.wait_dma2 semaphore(%run_scoped3A_236 : memref<!tpu.dma_semaphore, #tpu.memory_space<semaphore_mem>>) src(%dma_wait3A_252 : memref<158x128xi32, #tpu.memory_space<hbm>>) dst(%arg11 : memref<158x128xi32, #tpu.memory_space<vmem>>)
      tpu.yield
    }) : () -> ()
    %barrier3A_198 = arith.constant 0 : index
    tpu.barrier barrier_id(%barrier3A_198)
    %dma_start3A_199 = arith.constant 0 : i32
    %dma_start3A_200 = arith.constant 0 : i32
    %dma_start3A_201 = tpu.memref_slice %arg10[%dma_start3A_199, %dma_start3A_200] : memref<158x128xi32, #tpu.memory_space<vmem>> -> memref<1x128xi32, #tpu.memory_space<vmem>>
    %dma_start3A_202 = tpu.memref_squeeze %dma_start3A_201 : memref<1x128xi32, #tpu.memory_space<vmem>> -> memref<128xi32, #tpu.memory_space<vmem>>
    %dma_start3A_203 = arith.constant 0 : i32
    %dma_start3A_204 = arith.constant 0 : i32
    %dma_start3A_205 = tpu.memref_slice %arg3[%dma_start3A_203, %dma_start3A_204] : memref<20224x64xf32, #tpu.memory_space<hbm>> -> memref<20224x64xf32, #tpu.memory_space<hbm>>
    tpu.enqueue_indirect_dma source(%dma_start3A_205 : memref<20224x64xf32, #tpu.memory_space<hbm>>) target(%arg12 : memref<128x64xf32, #tpu.memory_space<vmem>>) offsets(%dma_start3A_202 : memref<128xi32, #tpu.memory_space<vmem>>) semaphore(%arg14 : memref<!tpu.dma_semaphore, #tpu.memory_space<semaphore_mem>>)
    %dma_start3A_206 = arith.constant 1 : i32
    %dma_start3A_207 = arith.constant 0 : i32
    %dma_start3A_208 = tpu.memref_slice %arg10[%dma_start3A_206, %dma_start3A_207] : memref<158x128xi32, #tpu.memory_space<vmem>> -> memref<1x128xi32, #tpu.memory_space<vmem>>
    %dma_start3A_209 = tpu.memref_squeeze %dma_start3A_208 : memref<1x128xi32, #tpu.memory_space<vmem>> -> memref<128xi32, #tpu.memory_space<vmem>>
    %dma_start3A_210 = arith.constant 0 : i32
    %dma_start3A_211 = arith.constant 0 : i32
    %dma_start3A_212 = tpu.memref_slice %arg3[%dma_start3A_210, %dma_start3A_211] : memref<20224x64xf32, #tpu.memory_space<hbm>> -> memref<20224x64xf32, #tpu.memory_space<hbm>>
    tpu.enqueue_indirect_dma source(%dma_start3A_212 : memref<20224x64xf32, #tpu.memory_space<hbm>>) target(%arg13 : memref<128x64xf32, #tpu.memory_space<vmem>>) offsets(%dma_start3A_209 : memref<128xi32, #tpu.memory_space<vmem>>) semaphore(%arg15 : memref<!tpu.dma_semaphore, #tpu.memory_space<semaphore_mem>>)
    %scan3A_213 = arith.constant 0 : i32
    %scan3A_214 = arith.constant 78 : i32
    %scan3A_215 = arith.addi %scan3A_213, %scan3A_214 : i32
    %scan3A_216 = arith.constant 1 : i32
    scf.for %scan3A_236 = %scan3A_213 to %scan3A_215 step %scan3A_216  : i32 {
      %mul3A_237 = arith.constant 2 : i32
      %mul3A_238 = arith.muli %scan3A_236, %mul3A_237 : i32
      %add3A = arith.constant 0 : i32
      %add3A_239 = arith.addi %add3A, %mul3A_238 : i32
      %dma_wait3A_240 = arith.constant 0 : i32
      %dma_wait3A_241 = tpu.memref_slice %arg10[%add3A_239, %dma_wait3A_240] : memref<158x128xi32, #tpu.memory_space<vmem>> -> memref<1x128xi32, #tpu.memory_space<vmem>>
      %dma_wait3A_242 = tpu.memref_squeeze %dma_wait3A_241 : memref<1x128xi32, #tpu.memory_space<vmem>> -> memref<128xi32, #tpu.memory_space<vmem>>
      %dma_wait3A_243 = arith.constant 0 : i32
      %dma_wait3A_244 = arith.constant 0 : i32
      %dma_wait3A_245 = tpu.memref_slice %arg3[%dma_wait3A_243, %dma_wait3A_244] : memref<20224x64xf32, #tpu.memory_space<hbm>> -> memref<20224x64xf32, #tpu.memory_space<hbm>>
      tpu.wait_indirect_dma semaphore(%arg14 : memref<!tpu.dma_semaphore, #tpu.memory_space<semaphore_mem>>) src(%dma_wait3A_245 : memref<20224x64xf32, #tpu.memory_space<hbm>>) dst(%arg12 : memref<128x64xf32, #tpu.memory_space<vmem>>)
      "tpu.region"() ({
        %run_scoped3A_272 = tpu.sem_alloc : memref<!tpu.dma_semaphore, #tpu.memory_space<semaphore_mem>>
        %dma_start3A_273 = arith.constant 0 : i32
        %dma_start3A_274 = tpu.memref_slice %arg11[%add3A_239, %dma_start3A_273] : memref<158x128xi32, #tpu.memory_space<vmem>> -> memref<1x128xi32, #tpu.memory_space<vmem>>
        %dma_start3A_275 = tpu.memref_squeeze %dma_start3A_274 : memref<1x128xi32, #tpu.memory_space<vmem>> -> memref<128xi32, #tpu.memory_space<vmem>>
        %dma_start3A_276 = arith.constant 0 : i32
        %dma_start3A_277 = arith.constant 0 : i32
        %dma_start3A_278 = tpu.memref_slice %arg9[%dma_start3A_276, %dma_start3A_277] : memref<10112x64xf32, #tpu.memory_space<vmem_shared>> -> memref<10112x64xf32, #tpu.memory_space<vmem_shared>>
        tpu.enqueue_indirect_dma source(%arg12 : memref<128x64xf32, #tpu.memory_space<vmem>>) target(%dma_start3A_278 : memref<10112x64xf32, #tpu.memory_space<vmem_shared>>) offsets(%dma_start3A_275 : memref<128xi32, #tpu.memory_space<vmem>>) semaphore(%run_scoped3A_272 : memref<!tpu.dma_semaphore, #tpu.memory_space<semaphore_mem>>) {add = true}
        %dma_wait3A_279 = arith.constant 0 : i32
        %dma_wait3A_280 = tpu.memref_slice %arg11[%add3A_239, %dma_wait3A_279] : memref<158x128xi32, #tpu.memory_space<vmem>> -> memref<1x128xi32, #tpu.memory_space<vmem>>
        %dma_wait3A_281 = tpu.memref_squeeze %dma_wait3A_280 : memref<1x128xi32, #tpu.memory_space<vmem>> -> memref<128xi32, #tpu.memory_space<vmem>>
        %dma_wait3A_282 = arith.constant 0 : i32
        %dma_wait3A_283 = arith.constant 0 : i32
        %dma_wait3A_284 = tpu.memref_slice %arg9[%dma_wait3A_282, %dma_wait3A_283] : memref<10112x64xf32, #tpu.memory_space<vmem_shared>> -> memref<10112x64xf32, #tpu.memory_space<vmem_shared>>
        tpu.wait_indirect_dma semaphore(%run_scoped3A_272 : memref<!tpu.dma_semaphore, #tpu.memory_space<semaphore_mem>>) src(%arg12 : memref<128x64xf32, #tpu.memory_space<vmem>>) dst(%dma_wait3A_284 : memref<10112x64xf32, #tpu.memory_space<vmem_shared>>)
        tpu.yield
      }) : () -> ()
      %add3A_246 = arith.constant 2 : i32
      %add3A_247 = arith.addi %add3A_239, %add3A_246 : i32
      %dma_start3A_248 = arith.constant 0 : i32
      %dma_start3A_249 = tpu.memref_slice %arg10[%add3A_247, %dma_start3A_248] : memref<158x128xi32, #tpu.memory_space<vmem>> -> memref<1x128xi32, #tpu.memory_space<vmem>>
      %dma_start3A_250 = tpu.memref_squeeze %dma_start3A_249 : memref<1x128xi32, #tpu.memory_space<vmem>> -> memref<128xi32, #tpu.memory_space<vmem>>
      %dma_start3A_251 = arith.constant 0 : i32
      %dma_start3A_252 = arith.constant 0 : i32
      %dma_start3A_253 = tpu.memref_slice %arg3[%dma_start3A_251, %dma_start3A_252] : memref<20224x64xf32, #tpu.memory_space<hbm>> -> memref<20224x64xf32, #tpu.memory_space<hbm>>
      tpu.enqueue_indirect_dma source(%dma_start3A_253 : memref<20224x64xf32, #tpu.memory_space<hbm>>) target(%arg12 : memref<128x64xf32, #tpu.memory_space<vmem>>) offsets(%dma_start3A_250 : memref<128xi32, #tpu.memory_space<vmem>>) semaphore(%arg14 : memref<!tpu.dma_semaphore, #tpu.memory_space<semaphore_mem>>)
      %add3A_254 = arith.constant 1 : i32
      %add3A_255 = arith.addi %add3A_239, %add3A_254 : i32
      %dma_wait3A_256 = arith.constant 0 : i32
      %dma_wait3A_257 = tpu.memref_slice %arg10[%add3A_255, %dma_wait3A_256] : memref<158x128xi32, #tpu.memory_space<vmem>> -> memref<1x128xi32, #tpu.memory_space<vmem>>
      %dma_wait3A_258 = tpu.memref_squeeze %dma_wait3A_257 : memref<1x128xi32, #tpu.memory_space<vmem>> -> memref<128xi32, #tpu.memory_space<vmem>>
      %dma_wait3A_259 = arith.constant 0 : i32
      %dma_wait3A_260 = arith.constant 0 : i32
      %dma_wait3A_261 = tpu.memref_slice %arg3[%dma_wait3A_259, %dma_wait3A_260] : memref<20224x64xf32, #tpu.memory_space<hbm>> -> memref<20224x64xf32, #tpu.memory_space<hbm>>
      tpu.wait_indirect_dma semaphore(%arg15 : memref<!tpu.dma_semaphore, #tpu.memory_space<semaphore_mem>>) src(%dma_wait3A_261 : memref<20224x64xf32, #tpu.memory_space<hbm>>) dst(%arg13 : memref<128x64xf32, #tpu.memory_space<vmem>>)
      %add3A_262 = arith.constant 1 : i32
      %add3A_263 = arith.addi %add3A_239, %add3A_262 : i32
      "tpu.region"() ({
        %run_scoped3A_272 = tpu.sem_alloc : memref<!tpu.dma_semaphore, #tpu.memory_space<semaphore_mem>>
        %dma_start3A_273 = arith.constant 0 : i32
        %dma_start3A_274 = tpu.memref_slice %arg11[%add3A_263, %dma_start3A_273] : memref<158x128xi32, #tpu.memory_space<vmem>> -> memref<1x128xi32, #tpu.memory_space<vmem>>
        %dma_start3A_275 = tpu.memref_squeeze %dma_start3A_274 : memref<1x128xi32, #tpu.memory_space<vmem>> -> memref<128xi32, #tpu.memory_space<vmem>>
        %dma_start3A_276 = arith.constant 0 : i32
        %dma_start3A_277 = arith.constant 0 : i32
        %dma_start3A_278 = tpu.memref_slice %arg9[%dma_start3A_276, %dma_start3A_277] : memref<10112x64xf32, #tpu.memory_space<vmem_shared>> -> memref<10112x64xf32, #tpu.memory_space<vmem_shared>>
        tpu.enqueue_indirect_dma source(%arg13 : memref<128x64xf32, #tpu.memory_space<vmem>>) target(%dma_start3A_278 : memref<10112x64xf32, #tpu.memory_space<vmem_shared>>) offsets(%dma_start3A_275 : memref<128xi32, #tpu.memory_space<vmem>>) semaphore(%run_scoped3A_272 : memref<!tpu.dma_semaphore, #tpu.memory_space<semaphore_mem>>) {add = true}
        %dma_wait3A_279 = arith.constant 0 : i32
        %dma_wait3A_280 = tpu.memref_slice %arg11[%add3A_263, %dma_wait3A_279] : memref<158x128xi32, #tpu.memory_space<vmem>> -> memref<1x128xi32, #tpu.memory_space<vmem>>
        %dma_wait3A_281 = tpu.memref_squeeze %dma_wait3A_280 : memref<1x128xi32, #tpu.memory_space<vmem>> -> memref<128xi32, #tpu.memory_space<vmem>>
        %dma_wait3A_282 = arith.constant 0 : i32
        %dma_wait3A_283 = arith.constant 0 : i32
        %dma_wait3A_284 = tpu.memref_slice %arg9[%dma_wait3A_282, %dma_wait3A_283] : memref<10112x64xf32, #tpu.memory_space<vmem_shared>> -> memref<10112x64xf32, #tpu.memory_space<vmem_shared>>
        tpu.wait_indirect_dma semaphore(%run_scoped3A_272 : memref<!tpu.dma_semaphore, #tpu.memory_space<semaphore_mem>>) src(%arg13 : memref<128x64xf32, #tpu.memory_space<vmem>>) dst(%dma_wait3A_284 : memref<10112x64xf32, #tpu.memory_space<vmem_shared>>)
        tpu.yield
      }) : () -> ()
      %add3A_264 = arith.constant 3 : i32
      %add3A_265 = arith.addi %add3A_239, %add3A_264 : i32
      %dma_start3A_266 = arith.constant 0 : i32
      %dma_start3A_267 = tpu.memref_slice %arg10[%add3A_265, %dma_start3A_266] : memref<158x128xi32, #tpu.memory_space<vmem>> -> memref<1x128xi32, #tpu.memory_space<vmem>>
      %dma_start3A_268 = tpu.memref_squeeze %dma_start3A_267 : memref<1x128xi32, #tpu.memory_space<vmem>> -> memref<128xi32, #tpu.memory_space<vmem>>
      %dma_start3A_269 = arith.constant 0 : i32
      %dma_start3A_270 = arith.constant 0 : i32
      %dma_start3A_271 = tpu.memref_slice %arg3[%dma_start3A_269, %dma_start3A_270] : memref<20224x64xf32, #tpu.memory_space<hbm>> -> memref<20224x64xf32, #tpu.memory_space<hbm>>
      tpu.enqueue_indirect_dma source(%dma_start3A_271 : memref<20224x64xf32, #tpu.memory_space<hbm>>) target(%arg13 : memref<128x64xf32, #tpu.memory_space<vmem>>) offsets(%dma_start3A_268 : memref<128xi32, #tpu.memory_space<vmem>>) semaphore(%arg15 : memref<!tpu.dma_semaphore, #tpu.memory_space<semaphore_mem>>)
    }
    %scan3A_217 = arith.constant 78 : i32
    %dma_wait3A_218 = arith.constant 156 : i32
    %dma_wait3A_219 = arith.constant 0 : i32
    %dma_wait3A_220 = tpu.memref_slice %arg10[%dma_wait3A_218, %dma_wait3A_219] : memref<158x128xi32, #tpu.memory_space<vmem>> -> memref<1x128xi32, #tpu.memory_space<vmem>>
    %dma_wait3A_221 = tpu.memref_squeeze %dma_wait3A_220 : memref<1x128xi32, #tpu.memory_space<vmem>> -> memref<128xi32, #tpu.memory_space<vmem>>
    %dma_wait3A_222 = arith.constant 0 : i32
    %dma_wait3A_223 = arith.constant 0 : i32
    %dma_wait3A_224 = tpu.memref_slice %arg3[%dma_wait3A_222, %dma_wait3A_223] : memref<20224x64xf32, #tpu.memory_space<hbm>> -> memref<20224x64xf32, #tpu.memory_space<hbm>>
    tpu.wait_indirect_dma semaphore(%arg14 : memref<!tpu.dma_semaphore, #tpu.memory_space<semaphore_mem>>) src(%dma_wait3A_224 : memref<20224x64xf32, #tpu.memory_space<hbm>>) dst(%arg12 : memref<128x64xf32, #tpu.memory_space<vmem>>)
    %run_scoped3A_225 = arith.constant 156 : i32
    "tpu.region"() ({
      %run_scoped3A_236 = tpu.sem_alloc : memref<!tpu.dma_semaphore, #tpu.memory_space<semaphore_mem>>
      %dma_start3A_237 = arith.constant 0 : i32
      %dma_start3A_238 = tpu.memref_slice %arg11[%run_scoped3A_225, %dma_start3A_237] : memref<158x128xi32, #tpu.memory_space<vmem>> -> memref<1x128xi32, #tpu.memory_space<vmem>>
      %dma_start3A_239 = tpu.memref_squeeze %dma_start3A_238 : memref<1x128xi32, #tpu.memory_space<vmem>> -> memref<128xi32, #tpu.memory_space<vmem>>
      %dma_start3A_240 = arith.constant 0 : i32
      %dma_start3A_241 = arith.constant 0 : i32
      %dma_start3A_242 = tpu.memref_slice %arg9[%dma_start3A_240, %dma_start3A_241] : memref<10112x64xf32, #tpu.memory_space<vmem_shared>> -> memref<10112x64xf32, #tpu.memory_space<vmem_shared>>
      tpu.enqueue_indirect_dma source(%arg12 : memref<128x64xf32, #tpu.memory_space<vmem>>) target(%dma_start3A_242 : memref<10112x64xf32, #tpu.memory_space<vmem_shared>>) offsets(%dma_start3A_239 : memref<128xi32, #tpu.memory_space<vmem>>) semaphore(%run_scoped3A_236 : memref<!tpu.dma_semaphore, #tpu.memory_space<semaphore_mem>>) {add = true}
      %dma_wait3A_243 = arith.constant 0 : i32
      %dma_wait3A_244 = tpu.memref_slice %arg11[%run_scoped3A_225, %dma_wait3A_243] : memref<158x128xi32, #tpu.memory_space<vmem>> -> memref<1x128xi32, #tpu.memory_space<vmem>>
      %dma_wait3A_245 = tpu.memref_squeeze %dma_wait3A_244 : memref<1x128xi32, #tpu.memory_space<vmem>> -> memref<128xi32, #tpu.memory_space<vmem>>
      %dma_wait3A_246 = arith.constant 0 : i32
      %dma_wait3A_247 = arith.constant 0 : i32
      %dma_wait3A_248 = tpu.memref_slice %arg9[%dma_wait3A_246, %dma_wait3A_247] : memref<10112x64xf32, #tpu.memory_space<vmem_shared>> -> memref<10112x64xf32, #tpu.memory_space<vmem_shared>>
      tpu.wait_indirect_dma semaphore(%run_scoped3A_236 : memref<!tpu.dma_semaphore, #tpu.memory_space<semaphore_mem>>) src(%arg12 : memref<128x64xf32, #tpu.memory_space<vmem>>) dst(%dma_wait3A_248 : memref<10112x64xf32, #tpu.memory_space<vmem_shared>>)
      tpu.yield
    }) : () -> ()
    %dma_wait3A_226 = arith.constant 157 : i32
    %dma_wait3A_227 = arith.constant 0 : i32
    %dma_wait3A_228 = tpu.memref_slice %arg10[%dma_wait3A_226, %dma_wait3A_227] : memref<158x128xi32, #tpu.memory_space<vmem>> -> memref<1x128xi32, #tpu.memory_space<vmem>>
    %dma_wait3A_229 = tpu.memref_squeeze %dma_wait3A_228 : memref<1x128xi32, #tpu.memory_space<vmem>> -> memref<128xi32, #tpu.memory_space<vmem>>
    %dma_wait3A_230 = arith.constant 0 : i32
    %dma_wait3A_231 = arith.constant 0 : i32
    %dma_wait3A_232 = tpu.memref_slice %arg3[%dma_wait3A_230, %dma_wait3A_231] : memref<20224x64xf32, #tpu.memory_space<hbm>> -> memref<20224x64xf32, #tpu.memory_space<hbm>>
    tpu.wait_indirect_dma semaphore(%arg15 : memref<!tpu.dma_semaphore, #tpu.memory_space<semaphore_mem>>) src(%dma_wait3A_232 : memref<20224x64xf32, #tpu.memory_space<hbm>>) dst(%arg13 : memref<128x64xf32, #tpu.memory_space<vmem>>)
    %run_scoped3A_233 = arith.constant 157 : i32
    "tpu.region"() ({
      %run_scoped3A_236 = tpu.sem_alloc : memref<!tpu.dma_semaphore, #tpu.memory_space<semaphore_mem>>
      %dma_start3A_237 = arith.constant 0 : i32
      %dma_start3A_238 = tpu.memref_slice %arg11[%run_scoped3A_233, %dma_start3A_237] : memref<158x128xi32, #tpu.memory_space<vmem>> -> memref<1x128xi32, #tpu.memory_space<vmem>>
      %dma_start3A_239 = tpu.memref_squeeze %dma_start3A_238 : memref<1x128xi32, #tpu.memory_space<vmem>> -> memref<128xi32, #tpu.memory_space<vmem>>
      %dma_start3A_240 = arith.constant 0 : i32
      %dma_start3A_241 = arith.constant 0 : i32
      %dma_start3A_242 = tpu.memref_slice %arg9[%dma_start3A_240, %dma_start3A_241] : memref<10112x64xf32, #tpu.memory_space<vmem_shared>> -> memref<10112x64xf32, #tpu.memory_space<vmem_shared>>
      tpu.enqueue_indirect_dma source(%arg13 : memref<128x64xf32, #tpu.memory_space<vmem>>) target(%dma_start3A_242 : memref<10112x64xf32, #tpu.memory_space<vmem_shared>>) offsets(%dma_start3A_239 : memref<128xi32, #tpu.memory_space<vmem>>) semaphore(%run_scoped3A_236 : memref<!tpu.dma_semaphore, #tpu.memory_space<semaphore_mem>>) {add = true}
      %dma_wait3A_243 = arith.constant 0 : i32
      %dma_wait3A_244 = tpu.memref_slice %arg11[%run_scoped3A_233, %dma_wait3A_243] : memref<158x128xi32, #tpu.memory_space<vmem>> -> memref<1x128xi32, #tpu.memory_space<vmem>>
      %dma_wait3A_245 = tpu.memref_squeeze %dma_wait3A_244 : memref<1x128xi32, #tpu.memory_space<vmem>> -> memref<128xi32, #tpu.memory_space<vmem>>
      %dma_wait3A_246 = arith.constant 0 : i32
      %dma_wait3A_247 = arith.constant 0 : i32
      %dma_wait3A_248 = tpu.memref_slice %arg9[%dma_wait3A_246, %dma_wait3A_247] : memref<10112x64xf32, #tpu.memory_space<vmem_shared>> -> memref<10112x64xf32, #tpu.memory_space<vmem_shared>>
      tpu.wait_indirect_dma semaphore(%run_scoped3A_236 : memref<!tpu.dma_semaphore, #tpu.memory_space<semaphore_mem>>) src(%arg13 : memref<128x64xf32, #tpu.memory_space<vmem>>) dst(%dma_wait3A_248 : memref<10112x64xf32, #tpu.memory_space<vmem_shared>>)
      tpu.yield
    }) : () -> ()
    %barrier3A_234 = arith.constant 0 : index
    tpu.barrier barrier_id(%barrier3A_234)
    %run_scoped3A_235 = arith.constant 5 : i32
    "tpu.region"() ({
      %run_scoped3A_236 = tpu.sem_alloc : memref<!tpu.dma_semaphore, #tpu.memory_space<semaphore_mem>>
      %dma_start3A_237 = arith.constant 0 : i32
      %dma_start3A_238 = tpu.memref_slice %arg8[%run_scoped3A_235, %arg0, %mul3A_0, %dma_start3A_237] : memref<6x2x10112x64xf32, #tpu.memory_space<hbm>> -> memref<1x1x632x64xf32, #tpu.memory_space<hbm>>
      %dma_start3A_239 = tpu.memref_squeeze %dma_start3A_238 : memref<1x1x632x64xf32, #tpu.memory_space<hbm>> -> memref<632x64xf32, #tpu.memory_space<hbm>>
      %dma_start3A_240 = arith.constant 0 : i32
      %dma_start3A_241 = tpu.memref_slice %arg9[%mul3A_0, %dma_start3A_240] : memref<10112x64xf32, #tpu.memory_space<vmem_shared>> -> memref<632x64xf32, #tpu.memory_space<vmem_shared>>
      tpu.enqueue_dma source(%dma_start3A_241 : memref<632x64xf32, #tpu.memory_space<vmem_shared>>) target(%dma_start3A_239 : memref<632x64xf32, #tpu.memory_space<hbm>>) target_semaphore(%run_scoped3A_236 : memref<!tpu.dma_semaphore, #tpu.memory_space<semaphore_mem>>)
      %dma_wait3A_242 = arith.constant 0 : i32
      %dma_wait3A_243 = tpu.memref_slice %arg8[%run_scoped3A_235, %arg0, %mul3A_0, %dma_wait3A_242] : memref<6x2x10112x64xf32, #tpu.memory_space<hbm>> -> memref<1x1x632x64xf32, #tpu.memory_space<hbm>>
      %dma_wait3A_244 = tpu.memref_squeeze %dma_wait3A_243 : memref<1x1x632x64xf32, #tpu.memory_space<hbm>> -> memref<632x64xf32, #tpu.memory_space<hbm>>
      %dma_wait3A_245 = arith.constant 0 : i32
      %dma_wait3A_246 = tpu.memref_slice %arg9[%mul3A_0, %dma_wait3A_245] : memref<10112x64xf32, #tpu.memory_space<vmem_shared>> -> memref<632x64xf32, #tpu.memory_space<vmem_shared>>
      tpu.wait_dma2 semaphore(%run_scoped3A_236 : memref<!tpu.dma_semaphore, #tpu.memory_space<semaphore_mem>>) src(%dma_wait3A_246 : memref<632x64xf32, #tpu.memory_space<vmem_shared>>) dst(%dma_wait3A_244 : memref<632x64xf32, #tpu.memory_space<hbm>>)
      tpu.yield
    }) : () -> ()
    return
  }
}

#map = affine_map<(d0, d1) -> (0, 0)>
#map1 = affine_map<(d0, d1) -> (0, 0, 0, 0, 0)>
#map2 = affine_map<(d0, d1) -> (0, 0, 0, 0)>
module attributes {stable_mosaic.version = 14 : i64} {
  func.func @_sc_body(%arg0: i32, %arg1: i32, %arg2: memref<20224x64xf32, #tpu.memory_space<hbm>>, %arg3: memref<20224x64xf32, #tpu.memory_space<hbm>>, %arg4: memref<20224x64xf32, #tpu.memory_space<hbm>>, %arg5: memref<2x6x16x158x128xi32, #tpu.memory_space<hbm>>, %arg6: memref<6x16x158x128xi32, #tpu.memory_space<hbm>>, %arg7: memref<10112x64xf32, #tpu.memory_space<hbm>>, %arg8: memref<6x2x10112x64xf32, #tpu.memory_space<hbm>>, %arg9: memref<10112x64xf32, #tpu.memory_space<vmem_shared>>, %arg10: memref<158x128xi32, #tpu.memory_space<vmem>>, %arg11: memref<158x128xi32, #tpu.memory_space<vmem>>, %arg12: memref<128x64xf32, #tpu.memory_space<vmem>>, %arg13: memref<128x64xf32, #tpu.memory_space<vmem>>, %arg14: memref<!tpu.dma_semaphore, #tpu.memory_space<semaphore_mem>>, %arg15: memref<!tpu.dma_semaphore, #tpu.memory_space<semaphore_mem>>) attributes {dimension_semantics = [#tpu.dimension_semantics<core_parallel>, #tpu.dimension_semantics<subcore_parallel>], iteration_bounds = array<i64: 2, 16>, scalar_prefetch = 0 : i64, scratch_operands = 7 : i64, tpu.core_type = #tpu.core_type<sc_vector_subcore>, window_params = [{transform_indices = #map}, {transform_indices = #map}, {transform_indices = #map}, {transform_indices = #map1}, {transform_indices = #map2}, {transform_indices = #map}, {transform_indices = #map2}]} {
    %mul3A = arith.constant 632 : i32
    %mul3A_0 = arith.muli %arg1, %mul3A : i32
    "tpu.region"() ({
      %run_scoped3A_236 = tpu.sem_alloc : memref<!tpu.dma_semaphore, #tpu.memory_space<semaphore_mem>>
      %dma_start3A_237 = arith.constant 0 : i32
      %dma_start3A_238 = tpu.memref_slice %arg9[%mul3A_0, %dma_start3A_237] : memref<10112x64xf32, #tpu.memory_space<vmem_shared>> -> memref<632x64xf32, #tpu.memory_space<vmem_shared>>
      %dma_start3A_239 = arith.constant 0 : i32
      %dma_start3A_240 = tpu.memref_slice %arg7[%mul3A_0, %dma_start3A_239] : memref<10112x64xf32, #tpu.memory_space<hbm>> -> memref<632x64xf32, #tpu.memory_space<hbm>>
      tpu.enqueue_dma source(%dma_start3A_240 : memref<632x64xf32, #tpu.memory_space<hbm>>) target(%dma_start3A_238 : memref<632x64xf32, #tpu.memory_space<vmem_shared>>) target_semaphore(%run_scoped3A_236 : memref<!tpu.dma_semaphore, #tpu.memory_space<semaphore_mem>>)
      %dma_wait3A_241 = arith.constant 0 : i32
      %dma_wait3A_242 = tpu.memref_slice %arg9[%mul3A_0, %dma_wait3A_241] : memref<10112x64xf32, #tpu.memory_space<vmem_shared>> -> memref<632x64xf32, #tpu.memory_space<vmem_shared>>
      %dma_wait3A_243 = arith.constant 0 : i32
      %dma_wait3A_244 = tpu.memref_slice %arg7[%mul3A_0, %dma_wait3A_243] : memref<10112x64xf32, #tpu.memory_space<hbm>> -> memref<632x64xf32, #tpu.memory_space<hbm>>
      tpu.wait_dma2 semaphore(%run_scoped3A_236 : memref<!tpu.dma_semaphore, #tpu.memory_space<semaphore_mem>>) src(%dma_wait3A_244 : memref<632x64xf32, #tpu.memory_space<hbm>>) dst(%dma_wait3A_242 : memref<632x64xf32, #tpu.memory_space<vmem_shared>>)
      tpu.yield
    }) : () -> ()
    %run_scoped3A = arith.constant 0 : i32
    "tpu.region"() ({
      %run_scoped3A_236 = tpu.sem_alloc : memref<!tpu.dma_semaphore, #tpu.memory_space<semaphore_mem>>
      %dma_start3A_237 = arith.constant 0 : i32
      %dma_start3A_238 = arith.constant 0 : i32
      %dma_start3A_239 = tpu.memref_slice %arg5[%arg0, %run_scoped3A, %arg1, %dma_start3A_237, %dma_start3A_238] : memref<2x6x16x158x128xi32, #tpu.memory_space<hbm>> -> memref<1x1x1x158x128xi32, #tpu.memory_space<hbm>>
      %dma_start3A_240 = tpu.memref_squeeze %dma_start3A_239 : memref<1x1x1x158x128xi32, #tpu.memory_space<hbm>> -> memref<158x128xi32, #tpu.memory_space<hbm>>
      %dma_start3A_241 = arith.constant 0 : i32
      %dma_start3A_242 = arith.constant 0 : i32
      %dma_start3A_243 = tpu.memref_slice %arg5[%arg0, %run_scoped3A, %arg1, %dma_start3A_241, %dma_start3A_242] : memref<2x6x16x158x128xi32, #tpu.memory_space<hbm>> -> memref<1x1x1x158x128xi32, #tpu.memory_space<hbm>>
      %dma_start3A_244 = tpu.memref_squeeze %dma_start3A_243 : memref<1x1x1x158x128xi32, #tpu.memory_space<hbm>> -> memref<158x128xi32, #tpu.memory_space<hbm>>
      tpu.enqueue_dma source(%dma_start3A_244 : memref<158x128xi32, #tpu.memory_space<hbm>>) target(%arg10 : memref<158x128xi32, #tpu.memory_space<vmem>>) target_semaphore(%run_scoped3A_236 : memref<!tpu.dma_semaphore, #tpu.memory_space<semaphore_mem>>)
      %dma_wait3A_245 = arith.constant 0 : i32
      %dma_wait3A_246 = arith.constant 0 : i32
      %dma_wait3A_247 = tpu.memref_slice %arg5[%arg0, %run_scoped3A, %arg1, %dma_wait3A_245, %dma_wait3A_246] : memref<2x6x16x158x128xi32, #tpu.memory_space<hbm>> -> memref<1x1x1x158x128xi32, #tpu.memory_space<hbm>>
      %dma_wait3A_248 = tpu.memref_squeeze %dma_wait3A_247 : memref<1x1x1x158x128xi32, #tpu.memory_space<hbm>> -> memref<158x128xi32, #tpu.memory_space<hbm>>
      %dma_wait3A_249 = arith.constant 0 : i32
      %dma_wait3A_250 = arith.constant 0 : i32
      %dma_wait3A_251 = tpu.memref_slice %arg5[%arg0, %run_scoped3A, %arg1, %dma_wait3A_249, %dma_wait3A_250] : memref<2x6x16x158x128xi32, #tpu.memory_space<hbm>> -> memref<1x1x1x158x128xi32, #tpu.memory_space<hbm>>
      %dma_wait3A_252 = tpu.memref_squeeze %dma_wait3A_251 : memref<1x1x1x158x128xi32, #tpu.memory_space<hbm>> -> memref<158x128xi32, #tpu.memory_space<hbm>>
      tpu.wait_dma2 semaphore(%run_scoped3A_236 : memref<!tpu.dma_semaphore, #tpu.memory_space<semaphore_mem>>) src(%dma_wait3A_252 : memref<158x128xi32, #tpu.memory_space<hbm>>) dst(%arg10 : memref<158x128xi32, #tpu.memory_space<vmem>>)
      tpu.yield
    }) : () -> ()
    %run_scoped3A_1 = arith.constant 0 : i32
    "tpu.region"() ({
      %run_scoped3A_236 = tpu.sem_alloc : memref<!tpu.dma_semaphore, #tpu.memory_space<semaphore_mem>>
      %dma_start3A_237 = arith.constant 0 : i32
      %dma_start3A_238 = arith.constant 0 : i32
      %dma_start3A_239 = tpu.memref_slice %arg6[%run_scoped3A_1, %arg1, %dma_start3A_237, %dma_start3A_238] : memref<6x16x158x128xi32, #tpu.memory_space<hbm>> -> memref<1x1x158x128xi32, #tpu.memory_space<hbm>>
      %dma_start3A_240 = tpu.memref_squeeze %dma_start3A_239 : memref<1x1x158x128xi32, #tpu.memory_space<hbm>> -> memref<158x128xi32, #tpu.memory_space<hbm>>
      %dma_start3A_241 = arith.constant 0 : i32
      %dma_start3A_242 = arith.constant 0 : i32
      %dma_start3A_243 = tpu.memref_slice %arg6[%run_scoped3A_1, %arg1, %dma_start3A_241, %dma_start3A_242] : memref<6x16x158x128xi32, #tpu.memory_space<hbm>> -> memref<1x1x158x128xi32, #tpu.memory_space<hbm>>
      %dma_start3A_244 = tpu.memref_squeeze %dma_start3A_243 : memref<1x1x158x128xi32, #tpu.memory_space<hbm>> -> memref<158x128xi32, #tpu.memory_space<hbm>>
      tpu.enqueue_dma source(%dma_start3A_244 : memref<158x128xi32, #tpu.memory_space<hbm>>) target(%arg11 : memref<158x128xi32, #tpu.memory_space<vmem>>) target_semaphore(%run_scoped3A_236 : memref<!tpu.dma_semaphore, #tpu.memory_space<semaphore_mem>>)
      %dma_wait3A_245 = arith.constant 0 : i32
      %dma_wait3A_246 = arith.constant 0 : i32
      %dma_wait3A_247 = tpu.memref_slice %arg6[%run_scoped3A_1, %arg1, %dma_wait3A_245, %dma_wait3A_246] : memref<6x16x158x128xi32, #tpu.memory_space<hbm>> -> memref<1x1x158x128xi32, #tpu.memory_space<hbm>>
      %dma_wait3A_248 = tpu.memref_squeeze %dma_wait3A_247 : memref<1x1x158x128xi32, #tpu.memory_space<hbm>> -> memref<158x128xi32, #tpu.memory_space<hbm>>
      %dma_wait3A_249 = arith.constant 0 : i32
      %dma_wait3A_250 = arith.constant 0 : i32
      %dma_wait3A_251 = tpu.memref_slice %arg6[%run_scoped3A_1, %arg1, %dma_wait3A_249, %dma_wait3A_250] : memref<6x16x158x128xi32, #tpu.memory_space<hbm>> -> memref<1x1x158x128xi32, #tpu.memory_space<hbm>>
      %dma_wait3A_252 = tpu.memref_squeeze %dma_wait3A_251 : memref<1x1x158x128xi32, #tpu.memory_space<hbm>> -> memref<158x128xi32, #tpu.memory_space<hbm>>
      tpu.wait_dma2 semaphore(%run_scoped3A_236 : memref<!tpu.dma_semaphore, #tpu.memory_space<semaphore_mem>>) src(%dma_wait3A_252 : memref<158x128xi32, #tpu.memory_space<hbm>>) dst(%arg11 : memref<158x128xi32, #tpu.memory_space<vmem>>)
      tpu.yield
    }) : () -> ()
    %barrier3A = arith.constant 0 : index
    tpu.barrier barrier_id(%barrier3A)
    %dma_start3A = arith.constant 0 : i32
    %dma_start3A_2 = arith.constant 0 : i32
    %dma_start3A_3 = tpu.memref_slice %arg10[%dma_start3A, %dma_start3A_2] : memref<158x128xi32, #tpu.memory_space<vmem>> -> memref<1x128xi32, #tpu.memory_space<vmem>>
    %dma_start3A_4 = tpu.memref_squeeze %dma_start3A_3 : memref<1x128xi32, #tpu.memory_space<vmem>> -> memref<128xi32, #tpu.memory_space<vmem>>
    %dma_start3A_5 = arith.constant 0 : i32
    %dma_start3A_6 = arith.constant 0 : i32
    %dma_start3A_7 = tpu.memref_slice %arg2[%dma_start3A_5, %dma_start3A_6] : memref<20224x64xf32, #tpu.memory_space<hbm>> -> memref<20224x64xf32, #tpu.memory_space<hbm>>
    tpu.enqueue_indirect_dma source(%dma_start3A_7 : memref<20224x64xf32, #tpu.memory_space<hbm>>) target(%arg12 : memref<128x64xf32, #tpu.memory_space<vmem>>) offsets(%dma_start3A_4 : memref<128xi32, #tpu.memory_space<vmem>>) semaphore(%arg14 : memref<!tpu.dma_semaphore, #tpu.memory_space<semaphore_mem>>)
    %dma_start3A_8 = arith.constant 1 : i32
    %dma_start3A_9 = arith.constant 0 : i32
    %dma_start3A_10 = tpu.memref_slice %arg10[%dma_start3A_8, %dma_start3A_9] : memref<158x128xi32, #tpu.memory_space<vmem>> -> memref<1x128xi32, #tpu.memory_space<vmem>>
    %dma_start3A_11 = tpu.memref_squeeze %dma_start3A_10 : memref<1x128xi32, #tpu.memory_space<vmem>> -> memref<128xi32, #tpu.memory_space<vmem>>
    %dma_start3A_12 = arith.constant 0 : i32
    %dma_start3A_13 = arith.constant 0 : i32
    %dma_start3A_14 = tpu.memref_slice %arg2[%dma_start3A_12, %dma_start3A_13] : memref<20224x64xf32, #tpu.memory_space<hbm>> -> memref<20224x64xf32, #tpu.memory_space<hbm>>
    tpu.enqueue_indirect_dma source(%dma_start3A_14 : memref<20224x64xf32, #tpu.memory_space<hbm>>) target(%arg13 : memref<128x64xf32, #tpu.memory_space<vmem>>) offsets(%dma_start3A_11 : memref<128xi32, #tpu.memory_space<vmem>>) semaphore(%arg15 : memref<!tpu.dma_semaphore, #tpu.memory_space<semaphore_mem>>)
    %scan3A = arith.constant 0 : i32
    %scan3A_15 = arith.constant 78 : i32
    %scan3A_16 = arith.addi %scan3A, %scan3A_15 : i32
    %scan3A_17 = arith.constant 1 : i32
    scf.for %scan3A_236 = %scan3A to %scan3A_16 step %scan3A_17  : i32 {
      %mul3A_237 = arith.constant 2 : i32
      %mul3A_238 = arith.muli %scan3A_236, %mul3A_237 : i32
      %add3A = arith.constant 0 : i32
      %add3A_239 = arith.addi %add3A, %mul3A_238 : i32
      %dma_wait3A_240 = arith.constant 0 : i32
      %dma_wait3A_241 = tpu.memref_slice %arg10[%add3A_239, %dma_wait3A_240] : memref<158x128xi32, #tpu.memory_space<vmem>> -> memref<1x128xi32, #tpu.memory_space<vmem>>
      %dma_wait3A_242 = tpu.memref_squeeze %dma_wait3A_241 : memref<1x128xi32, #tpu.memory_space<vmem>> -> memref<128xi32, #tpu.memory_space<vmem>>
      %dma_wait3A_243 = arith.constant 0 : i32
      %dma_wait3A_244 = arith.constant 0 : i32
      %dma_wait3A_245 = tpu.memref_slice %arg2[%dma_wait3A_243, %dma_wait3A_244] : memref<20224x64xf32, #tpu.memory_space<hbm>> -> memref<20224x64xf32, #tpu.memory_space<hbm>>
      tpu.wait_indirect_dma semaphore(%arg14 : memref<!tpu.dma_semaphore, #tpu.memory_space<semaphore_mem>>) src(%dma_wait3A_245 : memref<20224x64xf32, #tpu.memory_space<hbm>>) dst(%arg12 : memref<128x64xf32, #tpu.memory_space<vmem>>)
      "tpu.region"() ({
        %run_scoped3A_272 = tpu.sem_alloc : memref<!tpu.dma_semaphore, #tpu.memory_space<semaphore_mem>>
        %dma_start3A_273 = arith.constant 0 : i32
        %dma_start3A_274 = tpu.memref_slice %arg11[%add3A_239, %dma_start3A_273] : memref<158x128xi32, #tpu.memory_space<vmem>> -> memref<1x128xi32, #tpu.memory_space<vmem>>
        %dma_start3A_275 = tpu.memref_squeeze %dma_start3A_274 : memref<1x128xi32, #tpu.memory_space<vmem>> -> memref<128xi32, #tpu.memory_space<vmem>>
        %dma_start3A_276 = arith.constant 0 : i32
        %dma_start3A_277 = arith.constant 0 : i32
        %dma_start3A_278 = tpu.memref_slice %arg9[%dma_start3A_276, %dma_start3A_277] : memref<10112x64xf32, #tpu.memory_space<vmem_shared>> -> memref<10112x64xf32, #tpu.memory_space<vmem_shared>>
        tpu.enqueue_indirect_dma source(%arg12 : memref<128x64xf32, #tpu.memory_space<vmem>>) target(%dma_start3A_278 : memref<10112x64xf32, #tpu.memory_space<vmem_shared>>) offsets(%dma_start3A_275 : memref<128xi32, #tpu.memory_space<vmem>>) semaphore(%run_scoped3A_272 : memref<!tpu.dma_semaphore, #tpu.memory_space<semaphore_mem>>) {add = true}
        %dma_wait3A_279 = arith.constant 0 : i32
        %dma_wait3A_280 = tpu.memref_slice %arg11[%add3A_239, %dma_wait3A_279] : memref<158x128xi32, #tpu.memory_space<vmem>> -> memref<1x128xi32, #tpu.memory_space<vmem>>
        %dma_wait3A_281 = tpu.memref_squeeze %dma_wait3A_280 : memref<1x128xi32, #tpu.memory_space<vmem>> -> memref<128xi32, #tpu.memory_space<vmem>>
        %dma_wait3A_282 = arith.constant 0 : i32
        %dma_wait3A_283 = arith.constant 0 : i32
        %dma_wait3A_284 = tpu.memref_slice %arg9[%dma_wait3A_282, %dma_wait3A_283] : memref<10112x64xf32, #tpu.memory_space<vmem_shared>> -> memref<10112x64xf32, #tpu.memory_space<vmem_shared>>
        tpu.wait_indirect_dma semaphore(%run_scoped3A_272 : memref<!tpu.dma_semaphore, #tpu.memory_space<semaphore_mem>>) src(%arg12 : memref<128x64xf32, #tpu.memory_space<vmem>>) dst(%dma_wait3A_284 : memref<10112x64xf32, #tpu.memory_space<vmem_shared>>)
        tpu.yield
      }) : () -> ()
      %add3A_246 = arith.constant 2 : i32
      %add3A_247 = arith.addi %add3A_239, %add3A_246 : i32
      %dma_start3A_248 = arith.constant 0 : i32
      %dma_start3A_249 = tpu.memref_slice %arg10[%add3A_247, %dma_start3A_248] : memref<158x128xi32, #tpu.memory_space<vmem>> -> memref<1x128xi32, #tpu.memory_space<vmem>>
      %dma_start3A_250 = tpu.memref_squeeze %dma_start3A_249 : memref<1x128xi32, #tpu.memory_space<vmem>> -> memref<128xi32, #tpu.memory_space<vmem>>
      %dma_start3A_251 = arith.constant 0 : i32
      %dma_start3A_252 = arith.constant 0 : i32
      %dma_start3A_253 = tpu.memref_slice %arg2[%dma_start3A_251, %dma_start3A_252] : memref<20224x64xf32, #tpu.memory_space<hbm>> -> memref<20224x64xf32, #tpu.memory_space<hbm>>
      tpu.enqueue_indirect_dma source(%dma_start3A_253 : memref<20224x64xf32, #tpu.memory_space<hbm>>) target(%arg12 : memref<128x64xf32, #tpu.memory_space<vmem>>) offsets(%dma_start3A_250 : memref<128xi32, #tpu.memory_space<vmem>>) semaphore(%arg14 : memref<!tpu.dma_semaphore, #tpu.memory_space<semaphore_mem>>)
      %add3A_254 = arith.constant 1 : i32
      %add3A_255 = arith.addi %add3A_239, %add3A_254 : i32
      %dma_wait3A_256 = arith.constant 0 : i32
      %dma_wait3A_257 = tpu.memref_slice %arg10[%add3A_255, %dma_wait3A_256] : memref<158x128xi32, #tpu.memory_space<vmem>> -> memref<1x128xi32, #tpu.memory_space<vmem>>
      %dma_wait3A_258 = tpu.memref_squeeze %dma_wait3A_257 : memref<1x128xi32, #tpu.memory_space<vmem>> -> memref<128xi32, #tpu.memory_space<vmem>>
      %dma_wait3A_259 = arith.constant 0 : i32
      %dma_wait3A_260 = arith.constant 0 : i32
      %dma_wait3A_261 = tpu.memref_slice %arg2[%dma_wait3A_259, %dma_wait3A_260] : memref<20224x64xf32, #tpu.memory_space<hbm>> -> memref<20224x64xf32, #tpu.memory_space<hbm>>
      tpu.wait_indirect_dma semaphore(%arg15 : memref<!tpu.dma_semaphore, #tpu.memory_space<semaphore_mem>>) src(%dma_wait3A_261 : memref<20224x64xf32, #tpu.memory_space<hbm>>) dst(%arg13 : memref<128x64xf32, #tpu.memory_space<vmem>>)
      %add3A_262 = arith.constant 1 : i32
      %add3A_263 = arith.addi %add3A_239, %add3A_262 : i32
      "tpu.region"() ({
        %run_scoped3A_272 = tpu.sem_alloc : memref<!tpu.dma_semaphore, #tpu.memory_space<semaphore_mem>>
        %dma_start3A_273 = arith.constant 0 : i32
        %dma_start3A_274 = tpu.memref_slice %arg11[%add3A_263, %dma_start3A_273] : memref<158x128xi32, #tpu.memory_space<vmem>> -> memref<1x128xi32, #tpu.memory_space<vmem>>
        %dma_start3A_275 = tpu.memref_squeeze %dma_start3A_274 : memref<1x128xi32, #tpu.memory_space<vmem>> -> memref<128xi32, #tpu.memory_space<vmem>>
        %dma_start3A_276 = arith.constant 0 : i32
        %dma_start3A_277 = arith.constant 0 : i32
        %dma_start3A_278 = tpu.memref_slice %arg9[%dma_start3A_276, %dma_start3A_277] : memref<10112x64xf32, #tpu.memory_space<vmem_shared>> -> memref<10112x64xf32, #tpu.memory_space<vmem_shared>>
        tpu.enqueue_indirect_dma source(%arg13 : memref<128x64xf32, #tpu.memory_space<vmem>>) target(%dma_start3A_278 : memref<10112x64xf32, #tpu.memory_space<vmem_shared>>) offsets(%dma_start3A_275 : memref<128xi32, #tpu.memory_space<vmem>>) semaphore(%run_scoped3A_272 : memref<!tpu.dma_semaphore, #tpu.memory_space<semaphore_mem>>) {add = true}
        %dma_wait3A_279 = arith.constant 0 : i32
        %dma_wait3A_280 = tpu.memref_slice %arg11[%add3A_263, %dma_wait3A_279] : memref<158x128xi32, #tpu.memory_space<vmem>> -> memref<1x128xi32, #tpu.memory_space<vmem>>
        %dma_wait3A_281 = tpu.memref_squeeze %dma_wait3A_280 : memref<1x128xi32, #tpu.memory_space<vmem>> -> memref<128xi32, #tpu.memory_space<vmem>>
        %dma_wait3A_282 = arith.constant 0 : i32
        %dma_wait3A_283 = arith.constant 0 : i32
        %dma_wait3A_284 = tpu.memref_slice %arg9[%dma_wait3A_282, %dma_wait3A_283] : memref<10112x64xf32, #tpu.memory_space<vmem_shared>> -> memref<10112x64xf32, #tpu.memory_space<vmem_shared>>
        tpu.wait_indirect_dma semaphore(%run_scoped3A_272 : memref<!tpu.dma_semaphore, #tpu.memory_space<semaphore_mem>>) src(%arg13 : memref<128x64xf32, #tpu.memory_space<vmem>>) dst(%dma_wait3A_284 : memref<10112x64xf32, #tpu.memory_space<vmem_shared>>)
        tpu.yield
      }) : () -> ()
      %add3A_264 = arith.constant 3 : i32
      %add3A_265 = arith.addi %add3A_239, %add3A_264 : i32
      %dma_start3A_266 = arith.constant 0 : i32
      %dma_start3A_267 = tpu.memref_slice %arg10[%add3A_265, %dma_start3A_266] : memref<158x128xi32, #tpu.memory_space<vmem>> -> memref<1x128xi32, #tpu.memory_space<vmem>>
      %dma_start3A_268 = tpu.memref_squeeze %dma_start3A_267 : memref<1x128xi32, #tpu.memory_space<vmem>> -> memref<128xi32, #tpu.memory_space<vmem>>
      %dma_start3A_269 = arith.constant 0 : i32
      %dma_start3A_270 = arith.constant 0 : i32
      %dma_start3A_271 = tpu.memref_slice %arg2[%dma_start3A_269, %dma_start3A_270] : memref<20224x64xf32, #tpu.memory_space<hbm>> -> memref<20224x64xf32, #tpu.memory_space<hbm>>
      tpu.enqueue_indirect_dma source(%dma_start3A_271 : memref<20224x64xf32, #tpu.memory_space<hbm>>) target(%arg13 : memref<128x64xf32, #tpu.memory_space<vmem>>) offsets(%dma_start3A_268 : memref<128xi32, #tpu.memory_space<vmem>>) semaphore(%arg15 : memref<!tpu.dma_semaphore, #tpu.memory_space<semaphore_mem>>)
    }
    %scan3A_18 = arith.constant 78 : i32
    %dma_wait3A = arith.constant 156 : i32
    %dma_wait3A_19 = arith.constant 0 : i32
    %dma_wait3A_20 = tpu.memref_slice %arg10[%dma_wait3A, %dma_wait3A_19] : memref<158x128xi32, #tpu.memory_space<vmem>> -> memref<1x128xi32, #tpu.memory_space<vmem>>
    %dma_wait3A_21 = tpu.memref_squeeze %dma_wait3A_20 : memref<1x128xi32, #tpu.memory_space<vmem>> -> memref<128xi32, #tpu.memory_space<vmem>>
    %dma_wait3A_22 = arith.constant 0 : i32
    %dma_wait3A_23 = arith.constant 0 : i32
    %dma_wait3A_24 = tpu.memref_slice %arg2[%dma_wait3A_22, %dma_wait3A_23] : memref<20224x64xf32, #tpu.memory_space<hbm>> -> memref<20224x64xf32, #tpu.memory_space<hbm>>
    tpu.wait_indirect_dma semaphore(%arg14 : memref<!tpu.dma_semaphore, #tpu.memory_space<semaphore_mem>>) src(%dma_wait3A_24 : memref<20224x64xf32, #tpu.memory_space<hbm>>) dst(%arg12 : memref<128x64xf32, #tpu.memory_space<vmem>>)
    %run_scoped3A_25 = arith.constant 156 : i32
    "tpu.region"() ({
      %run_scoped3A_236 = tpu.sem_alloc : memref<!tpu.dma_semaphore, #tpu.memory_space<semaphore_mem>>
      %dma_start3A_237 = arith.constant 0 : i32
      %dma_start3A_238 = tpu.memref_slice %arg11[%run_scoped3A_25, %dma_start3A_237] : memref<158x128xi32, #tpu.memory_space<vmem>> -> memref<1x128xi32, #tpu.memory_space<vmem>>
      %dma_start3A_239 = tpu.memref_squeeze %dma_start3A_238 : memref<1x128xi32, #tpu.memory_space<vmem>> -> memref<128xi32, #tpu.memory_space<vmem>>
      %dma_start3A_240 = arith.constant 0 : i32
      %dma_start3A_241 = arith.constant 0 : i32
      %dma_start3A_242 = tpu.memref_slice %arg9[%dma_start3A_240, %dma_start3A_241] : memref<10112x64xf32, #tpu.memory_space<vmem_shared>> -> memref<10112x64xf32, #tpu.memory_space<vmem_shared>>
      tpu.enqueue_indirect_dma source(%arg12 : memref<128x64xf32, #tpu.memory_space<vmem>>) target(%dma_start3A_242 : memref<10112x64xf32, #tpu.memory_space<vmem_shared>>) offsets(%dma_start3A_239 : memref<128xi32, #tpu.memory_space<vmem>>) semaphore(%run_scoped3A_236 : memref<!tpu.dma_semaphore, #tpu.memory_space<semaphore_mem>>) {add = true}
      %dma_wait3A_243 = arith.constant 0 : i32
      %dma_wait3A_244 = tpu.memref_slice %arg11[%run_scoped3A_25, %dma_wait3A_243] : memref<158x128xi32, #tpu.memory_space<vmem>> -> memref<1x128xi32, #tpu.memory_space<vmem>>
      %dma_wait3A_245 = tpu.memref_squeeze %dma_wait3A_244 : memref<1x128xi32, #tpu.memory_space<vmem>> -> memref<128xi32, #tpu.memory_space<vmem>>
      %dma_wait3A_246 = arith.constant 0 : i32
      %dma_wait3A_247 = arith.constant 0 : i32
      %dma_wait3A_248 = tpu.memref_slice %arg9[%dma_wait3A_246, %dma_wait3A_247] : memref<10112x64xf32, #tpu.memory_space<vmem_shared>> -> memref<10112x64xf32, #tpu.memory_space<vmem_shared>>
      tpu.wait_indirect_dma semaphore(%run_scoped3A_236 : memref<!tpu.dma_semaphore, #tpu.memory_space<semaphore_mem>>) src(%arg12 : memref<128x64xf32, #tpu.memory_space<vmem>>) dst(%dma_wait3A_248 : memref<10112x64xf32, #tpu.memory_space<vmem_shared>>)
      tpu.yield
    }) : () -> ()
    %dma_wait3A_26 = arith.constant 157 : i32
    %dma_wait3A_27 = arith.constant 0 : i32
    %dma_wait3A_28 = tpu.memref_slice %arg10[%dma_wait3A_26, %dma_wait3A_27] : memref<158x128xi32, #tpu.memory_space<vmem>> -> memref<1x128xi32, #tpu.memory_space<vmem>>
    %dma_wait3A_29 = tpu.memref_squeeze %dma_wait3A_28 : memref<1x128xi32, #tpu.memory_space<vmem>> -> memref<128xi32, #tpu.memory_space<vmem>>
    %dma_wait3A_30 = arith.constant 0 : i32
    %dma_wait3A_31 = arith.constant 0 : i32
    %dma_wait3A_32 = tpu.memref_slice %arg2[%dma_wait3A_30, %dma_wait3A_31] : memref<20224x64xf32, #tpu.memory_space<hbm>> -> memref<20224x64xf32, #tpu.memory_space<hbm>>
    tpu.wait_indirect_dma semaphore(%arg15 : memref<!tpu.dma_semaphore, #tpu.memory_space<semaphore_mem>>) src(%dma_wait3A_32 : memref<20224x64xf32, #tpu.memory_space<hbm>>) dst(%arg13 : memref<128x64xf32, #tpu.memory_space<vmem>>)
    %run_scoped3A_33 = arith.constant 157 : i32
    "tpu.region"() ({
      %run_scoped3A_236 = tpu.sem_alloc : memref<!tpu.dma_semaphore, #tpu.memory_space<semaphore_mem>>
      %dma_start3A_237 = arith.constant 0 : i32
      %dma_start3A_238 = tpu.memref_slice %arg11[%run_scoped3A_33, %dma_start3A_237] : memref<158x128xi32, #tpu.memory_space<vmem>> -> memref<1x128xi32, #tpu.memory_space<vmem>>
      %dma_start3A_239 = tpu.memref_squeeze %dma_start3A_238 : memref<1x128xi32, #tpu.memory_space<vmem>> -> memref<128xi32, #tpu.memory_space<vmem>>
      %dma_start3A_240 = arith.constant 0 : i32
      %dma_start3A_241 = arith.constant 0 : i32
      %dma_start3A_242 = tpu.memref_slice %arg9[%dma_start3A_240, %dma_start3A_241] : memref<10112x64xf32, #tpu.memory_space<vmem_shared>> -> memref<10112x64xf32, #tpu.memory_space<vmem_shared>>
      tpu.enqueue_indirect_dma source(%arg13 : memref<128x64xf32, #tpu.memory_space<vmem>>) target(%dma_start3A_242 : memref<10112x64xf32, #tpu.memory_space<vmem_shared>>) offsets(%dma_start3A_239 : memref<128xi32, #tpu.memory_space<vmem>>) semaphore(%run_scoped3A_236 : memref<!tpu.dma_semaphore, #tpu.memory_space<semaphore_mem>>) {add = true}
      %dma_wait3A_243 = arith.constant 0 : i32
      %dma_wait3A_244 = tpu.memref_slice %arg11[%run_scoped3A_33, %dma_wait3A_243] : memref<158x128xi32, #tpu.memory_space<vmem>> -> memref<1x128xi32, #tpu.memory_space<vmem>>
      %dma_wait3A_245 = tpu.memref_squeeze %dma_wait3A_244 : memref<1x128xi32, #tpu.memory_space<vmem>> -> memref<128xi32, #tpu.memory_space<vmem>>
      %dma_wait3A_246 = arith.constant 0 : i32
      %dma_wait3A_247 = arith.constant 0 : i32
      %dma_wait3A_248 = tpu.memref_slice %arg9[%dma_wait3A_246, %dma_wait3A_247] : memref<10112x64xf32, #tpu.memory_space<vmem_shared>> -> memref<10112x64xf32, #tpu.memory_space<vmem_shared>>
      tpu.wait_indirect_dma semaphore(%run_scoped3A_236 : memref<!tpu.dma_semaphore, #tpu.memory_space<semaphore_mem>>) src(%arg13 : memref<128x64xf32, #tpu.memory_space<vmem>>) dst(%dma_wait3A_248 : memref<10112x64xf32, #tpu.memory_space<vmem_shared>>)
      tpu.yield
    }) : () -> ()
    %barrier3A_34 = arith.constant 0 : index
    tpu.barrier barrier_id(%barrier3A_34)
    %run_scoped3A_35 = arith.constant 0 : i32
    "tpu.region"() ({
      %run_scoped3A_236 = tpu.sem_alloc : memref<!tpu.dma_semaphore, #tpu.memory_space<semaphore_mem>>
      %dma_start3A_237 = arith.constant 0 : i32
      %dma_start3A_238 = tpu.memref_slice %arg8[%run_scoped3A_35, %arg0, %mul3A_0, %dma_start3A_237] : memref<6x2x10112x64xf32, #tpu.memory_space<hbm>> -> memref<1x1x632x64xf32, #tpu.memory_space<hbm>>
      %dma_start3A_239 = tpu.memref_squeeze %dma_start3A_238 : memref<1x1x632x64xf32, #tpu.memory_space<hbm>> -> memref<632x64xf32, #tpu.memory_space<hbm>>
      %dma_start3A_240 = arith.constant 0 : i32
      %dma_start3A_241 = tpu.memref_slice %arg9[%mul3A_0, %dma_start3A_240] : memref<10112x64xf32, #tpu.memory_space<vmem_shared>> -> memref<632x64xf32, #tpu.memory_space<vmem_shared>>
      tpu.enqueue_dma source(%dma_start3A_241 : memref<632x64xf32, #tpu.memory_space<vmem_shared>>) target(%dma_start3A_239 : memref<632x64xf32, #tpu.memory_space<hbm>>) target_semaphore(%run_scoped3A_236 : memref<!tpu.dma_semaphore, #tpu.memory_space<semaphore_mem>>)
      %dma_wait3A_242 = arith.constant 0 : i32
      %dma_wait3A_243 = tpu.memref_slice %arg8[%run_scoped3A_35, %arg0, %mul3A_0, %dma_wait3A_242] : memref<6x2x10112x64xf32, #tpu.memory_space<hbm>> -> memref<1x1x632x64xf32, #tpu.memory_space<hbm>>
      %dma_wait3A_244 = tpu.memref_squeeze %dma_wait3A_243 : memref<1x1x632x64xf32, #tpu.memory_space<hbm>> -> memref<632x64xf32, #tpu.memory_space<hbm>>
      %dma_wait3A_245 = arith.constant 0 : i32
      %dma_wait3A_246 = tpu.memref_slice %arg9[%mul3A_0, %dma_wait3A_245] : memref<10112x64xf32, #tpu.memory_space<vmem_shared>> -> memref<632x64xf32, #tpu.memory_space<vmem_shared>>
      tpu.wait_dma2 semaphore(%run_scoped3A_236 : memref<!tpu.dma_semaphore, #tpu.memory_space<semaphore_mem>>) src(%dma_wait3A_246 : memref<632x64xf32, #tpu.memory_space<vmem_shared>>) dst(%dma_wait3A_244 : memref<632x64xf32, #tpu.memory_space<hbm>>)
      tpu.yield
    }) : () -> ()
    "tpu.region"() ({
      %run_scoped3A_236 = tpu.sem_alloc : memref<!tpu.dma_semaphore, #tpu.memory_space<semaphore_mem>>
      %dma_start3A_237 = arith.constant 0 : i32
      %dma_start3A_238 = tpu.memref_slice %arg9[%mul3A_0, %dma_start3A_237] : memref<10112x64xf32, #tpu.memory_space<vmem_shared>> -> memref<632x64xf32, #tpu.memory_space<vmem_shared>>
      %dma_start3A_239 = arith.constant 0 : i32
      %dma_start3A_240 = tpu.memref_slice %arg7[%mul3A_0, %dma_start3A_239] : memref<10112x64xf32, #tpu.memory_space<hbm>> -> memref<632x64xf32, #tpu.memory_space<hbm>>
      tpu.enqueue_dma source(%dma_start3A_240 : memref<632x64xf32, #tpu.memory_space<hbm>>) target(%dma_start3A_238 : memref<632x64xf32, #tpu.memory_space<vmem_shared>>) target_semaphore(%run_scoped3A_236 : memref<!tpu.dma_semaphore, #tpu.memory_space<semaphore_mem>>)
      %dma_wait3A_241 = arith.constant 0 : i32
      %dma_wait3A_242 = tpu.memref_slice %arg9[%mul3A_0, %dma_wait3A_241] : memref<10112x64xf32, #tpu.memory_space<vmem_shared>> -> memref<632x64xf32, #tpu.memory_space<vmem_shared>>
      %dma_wait3A_243 = arith.constant 0 : i32
      %dma_wait3A_244 = tpu.memref_slice %arg7[%mul3A_0, %dma_wait3A_243] : memref<10112x64xf32, #tpu.memory_space<hbm>> -> memref<632x64xf32, #tpu.memory_space<hbm>>
      tpu.wait_dma2 semaphore(%run_scoped3A_236 : memref<!tpu.dma_semaphore, #tpu.memory_space<semaphore_mem>>) src(%dma_wait3A_244 : memref<632x64xf32, #tpu.memory_space<hbm>>) dst(%dma_wait3A_242 : memref<632x64xf32, #tpu.memory_space<vmem_shared>>)
      tpu.yield
    }) : () -> ()
    %run_scoped3A_36 = arith.constant 1 : i32
    "tpu.region"() ({
      %run_scoped3A_236 = tpu.sem_alloc : memref<!tpu.dma_semaphore, #tpu.memory_space<semaphore_mem>>
      %dma_start3A_237 = arith.constant 0 : i32
      %dma_start3A_238 = arith.constant 0 : i32
      %dma_start3A_239 = tpu.memref_slice %arg5[%arg0, %run_scoped3A_36, %arg1, %dma_start3A_237, %dma_start3A_238] : memref<2x6x16x158x128xi32, #tpu.memory_space<hbm>> -> memref<1x1x1x158x128xi32, #tpu.memory_space<hbm>>
      %dma_start3A_240 = tpu.memref_squeeze %dma_start3A_239 : memref<1x1x1x158x128xi32, #tpu.memory_space<hbm>> -> memref<158x128xi32, #tpu.memory_space<hbm>>
      %dma_start3A_241 = arith.constant 0 : i32
      %dma_start3A_242 = arith.constant 0 : i32
      %dma_start3A_243 = tpu.memref_slice %arg5[%arg0, %run_scoped3A_36, %arg1, %dma_start3A_241, %dma_start3A_242] : memref<2x6x16x158x128xi32, #tpu.memory_space<hbm>> -> memref<1x1x1x158x128xi32, #tpu.memory_space<hbm>>
      %dma_start3A_244 = tpu.memref_squeeze %dma_start3A_243 : memref<1x1x1x158x128xi32, #tpu.memory_space<hbm>> -> memref<158x128xi32, #tpu.memory_space<hbm>>
      tpu.enqueue_dma source(%dma_start3A_244 : memref<158x128xi32, #tpu.memory_space<hbm>>) target(%arg10 : memref<158x128xi32, #tpu.memory_space<vmem>>) target_semaphore(%run_scoped3A_236 : memref<!tpu.dma_semaphore, #tpu.memory_space<semaphore_mem>>)
      %dma_wait3A_245 = arith.constant 0 : i32
      %dma_wait3A_246 = arith.constant 0 : i32
      %dma_wait3A_247 = tpu.memref_slice %arg5[%arg0, %run_scoped3A_36, %arg1, %dma_wait3A_245, %dma_wait3A_246] : memref<2x6x16x158x128xi32, #tpu.memory_space<hbm>> -> memref<1x1x1x158x128xi32, #tpu.memory_space<hbm>>
      %dma_wait3A_248 = tpu.memref_squeeze %dma_wait3A_247 : memref<1x1x1x158x128xi32, #tpu.memory_space<hbm>> -> memref<158x128xi32, #tpu.memory_space<hbm>>
      %dma_wait3A_249 = arith.constant 0 : i32
      %dma_wait3A_250 = arith.constant 0 : i32
      %dma_wait3A_251 = tpu.memref_slice %arg5[%arg0, %run_scoped3A_36, %arg1, %dma_wait3A_249, %dma_wait3A_250] : memref<2x6x16x158x128xi32, #tpu.memory_space<hbm>> -> memref<1x1x1x158x128xi32, #tpu.memory_space<hbm>>
      %dma_wait3A_252 = tpu.memref_squeeze %dma_wait3A_251 : memref<1x1x1x158x128xi32, #tpu.memory_space<hbm>> -> memref<158x128xi32, #tpu.memory_space<hbm>>
      tpu.wait_dma2 semaphore(%run_scoped3A_236 : memref<!tpu.dma_semaphore, #tpu.memory_space<semaphore_mem>>) src(%dma_wait3A_252 : memref<158x128xi32, #tpu.memory_space<hbm>>) dst(%arg10 : memref<158x128xi32, #tpu.memory_space<vmem>>)
      tpu.yield
    }) : () -> ()
    %run_scoped3A_37 = arith.constant 1 : i32
    "tpu.region"() ({
      %run_scoped3A_236 = tpu.sem_alloc : memref<!tpu.dma_semaphore, #tpu.memory_space<semaphore_mem>>
      %dma_start3A_237 = arith.constant 0 : i32
      %dma_start3A_238 = arith.constant 0 : i32
      %dma_start3A_239 = tpu.memref_slice %arg6[%run_scoped3A_37, %arg1, %dma_start3A_237, %dma_start3A_238] : memref<6x16x158x128xi32, #tpu.memory_space<hbm>> -> memref<1x1x158x128xi32, #tpu.memory_space<hbm>>
      %dma_start3A_240 = tpu.memref_squeeze %dma_start3A_239 : memref<1x1x158x128xi32, #tpu.memory_space<hbm>> -> memref<158x128xi32, #tpu.memory_space<hbm>>
      %dma_start3A_241 = arith.constant 0 : i32
      %dma_start3A_242 = arith.constant 0 : i32
      %dma_start3A_243 = tpu.memref_slice %arg6[%run_scoped3A_37, %arg1, %dma_start3A_241, %dma_start3A_242] : memref<6x16x158x128xi32, #tpu.memory_space<hbm>> -> memref<1x1x158x128xi32, #tpu.memory_space<hbm>>
      %dma_start3A_244 = tpu.memref_squeeze %dma_start3A_243 : memref<1x1x158x128xi32, #tpu.memory_space<hbm>> -> memref<158x128xi32, #tpu.memory_space<hbm>>
      tpu.enqueue_dma source(%dma_start3A_244 : memref<158x128xi32, #tpu.memory_space<hbm>>) target(%arg11 : memref<158x128xi32, #tpu.memory_space<vmem>>) target_semaphore(%run_scoped3A_236 : memref<!tpu.dma_semaphore, #tpu.memory_space<semaphore_mem>>)
      %dma_wait3A_245 = arith.constant 0 : i32
      %dma_wait3A_246 = arith.constant 0 : i32
      %dma_wait3A_247 = tpu.memref_slice %arg6[%run_scoped3A_37, %arg1, %dma_wait3A_245, %dma_wait3A_246] : memref<6x16x158x128xi32, #tpu.memory_space<hbm>> -> memref<1x1x158x128xi32, #tpu.memory_space<hbm>>
      %dma_wait3A_248 = tpu.memref_squeeze %dma_wait3A_247 : memref<1x1x158x128xi32, #tpu.memory_space<hbm>> -> memref<158x128xi32, #tpu.memory_space<hbm>>
      %dma_wait3A_249 = arith.constant 0 : i32
      %dma_wait3A_250 = arith.constant 0 : i32
      %dma_wait3A_251 = tpu.memref_slice %arg6[%run_scoped3A_37, %arg1, %dma_wait3A_249, %dma_wait3A_250] : memref<6x16x158x128xi32, #tpu.memory_space<hbm>> -> memref<1x1x158x128xi32, #tpu.memory_space<hbm>>
      %dma_wait3A_252 = tpu.memref_squeeze %dma_wait3A_251 : memref<1x1x158x128xi32, #tpu.memory_space<hbm>> -> memref<158x128xi32, #tpu.memory_space<hbm>>
      tpu.wait_dma2 semaphore(%run_scoped3A_236 : memref<!tpu.dma_semaphore, #tpu.memory_space<semaphore_mem>>) src(%dma_wait3A_252 : memref<158x128xi32, #tpu.memory_space<hbm>>) dst(%arg11 : memref<158x128xi32, #tpu.memory_space<vmem>>)
      tpu.yield
    }) : () -> ()
    %barrier3A_38 = arith.constant 0 : index
    tpu.barrier barrier_id(%barrier3A_38)
    %dma_start3A_39 = arith.constant 0 : i32
    %dma_start3A_40 = arith.constant 0 : i32
    %dma_start3A_41 = tpu.memref_slice %arg10[%dma_start3A_39, %dma_start3A_40] : memref<158x128xi32, #tpu.memory_space<vmem>> -> memref<1x128xi32, #tpu.memory_space<vmem>>
    %dma_start3A_42 = tpu.memref_squeeze %dma_start3A_41 : memref<1x128xi32, #tpu.memory_space<vmem>> -> memref<128xi32, #tpu.memory_space<vmem>>
    %dma_start3A_43 = arith.constant 0 : i32
    %dma_start3A_44 = arith.constant 0 : i32
    %dma_start3A_45 = tpu.memref_slice %arg3[%dma_start3A_43, %dma_start3A_44] : memref<20224x64xf32, #tpu.memory_space<hbm>> -> memref<20224x64xf32, #tpu.memory_space<hbm>>
    tpu.enqueue_indirect_dma source(%dma_start3A_45 : memref<20224x64xf32, #tpu.memory_space<hbm>>) target(%arg12 : memref<128x64xf32, #tpu.memory_space<vmem>>) offsets(%dma_start3A_42 : memref<128xi32, #tpu.memory_space<vmem>>) semaphore(%arg14 : memref<!tpu.dma_semaphore, #tpu.memory_space<semaphore_mem>>)
    %dma_start3A_46 = arith.constant 1 : i32
    %dma_start3A_47 = arith.constant 0 : i32
    %dma_start3A_48 = tpu.memref_slice %arg10[%dma_start3A_46, %dma_start3A_47] : memref<158x128xi32, #tpu.memory_space<vmem>> -> memref<1x128xi32, #tpu.memory_space<vmem>>
    %dma_start3A_49 = tpu.memref_squeeze %dma_start3A_48 : memref<1x128xi32, #tpu.memory_space<vmem>> -> memref<128xi32, #tpu.memory_space<vmem>>
    %dma_start3A_50 = arith.constant 0 : i32
    %dma_start3A_51 = arith.constant 0 : i32
    %dma_start3A_52 = tpu.memref_slice %arg3[%dma_start3A_50, %dma_start3A_51] : memref<20224x64xf32, #tpu.memory_space<hbm>> -> memref<20224x64xf32, #tpu.memory_space<hbm>>
    tpu.enqueue_indirect_dma source(%dma_start3A_52 : memref<20224x64xf32, #tpu.memory_space<hbm>>) target(%arg13 : memref<128x64xf32, #tpu.memory_space<vmem>>) offsets(%dma_start3A_49 : memref<128xi32, #tpu.memory_space<vmem>>) semaphore(%arg15 : memref<!tpu.dma_semaphore, #tpu.memory_space<semaphore_mem>>)
    %scan3A_53 = arith.constant 0 : i32
    %scan3A_54 = arith.constant 78 : i32
    %scan3A_55 = arith.addi %scan3A_53, %scan3A_54 : i32
    %scan3A_56 = arith.constant 1 : i32
    scf.for %scan3A_236 = %scan3A_53 to %scan3A_55 step %scan3A_56  : i32 {
      %mul3A_237 = arith.constant 2 : i32
      %mul3A_238 = arith.muli %scan3A_236, %mul3A_237 : i32
      %add3A = arith.constant 0 : i32
      %add3A_239 = arith.addi %add3A, %mul3A_238 : i32
      %dma_wait3A_240 = arith.constant 0 : i32
      %dma_wait3A_241 = tpu.memref_slice %arg10[%add3A_239, %dma_wait3A_240] : memref<158x128xi32, #tpu.memory_space<vmem>> -> memref<1x128xi32, #tpu.memory_space<vmem>>
      %dma_wait3A_242 = tpu.memref_squeeze %dma_wait3A_241 : memref<1x128xi32, #tpu.memory_space<vmem>> -> memref<128xi32, #tpu.memory_space<vmem>>
      %dma_wait3A_243 = arith.constant 0 : i32
      %dma_wait3A_244 = arith.constant 0 : i32
      %dma_wait3A_245 = tpu.memref_slice %arg3[%dma_wait3A_243, %dma_wait3A_244] : memref<20224x64xf32, #tpu.memory_space<hbm>> -> memref<20224x64xf32, #tpu.memory_space<hbm>>
      tpu.wait_indirect_dma semaphore(%arg14 : memref<!tpu.dma_semaphore, #tpu.memory_space<semaphore_mem>>) src(%dma_wait3A_245 : memref<20224x64xf32, #tpu.memory_space<hbm>>) dst(%arg12 : memref<128x64xf32, #tpu.memory_space<vmem>>)
      "tpu.region"() ({
        %run_scoped3A_272 = tpu.sem_alloc : memref<!tpu.dma_semaphore, #tpu.memory_space<semaphore_mem>>
        %dma_start3A_273 = arith.constant 0 : i32
        %dma_start3A_274 = tpu.memref_slice %arg11[%add3A_239, %dma_start3A_273] : memref<158x128xi32, #tpu.memory_space<vmem>> -> memref<1x128xi32, #tpu.memory_space<vmem>>
        %dma_start3A_275 = tpu.memref_squeeze %dma_start3A_274 : memref<1x128xi32, #tpu.memory_space<vmem>> -> memref<128xi32, #tpu.memory_space<vmem>>
        %dma_start3A_276 = arith.constant 0 : i32
        %dma_start3A_277 = arith.constant 0 : i32
        %dma_start3A_278 = tpu.memref_slice %arg9[%dma_start3A_276, %dma_start3A_277] : memref<10112x64xf32, #tpu.memory_space<vmem_shared>> -> memref<10112x64xf32, #tpu.memory_space<vmem_shared>>
        tpu.enqueue_indirect_dma source(%arg12 : memref<128x64xf32, #tpu.memory_space<vmem>>) target(%dma_start3A_278 : memref<10112x64xf32, #tpu.memory_space<vmem_shared>>) offsets(%dma_start3A_275 : memref<128xi32, #tpu.memory_space<vmem>>) semaphore(%run_scoped3A_272 : memref<!tpu.dma_semaphore, #tpu.memory_space<semaphore_mem>>) {add = true}
        %dma_wait3A_279 = arith.constant 0 : i32
        %dma_wait3A_280 = tpu.memref_slice %arg11[%add3A_239, %dma_wait3A_279] : memref<158x128xi32, #tpu.memory_space<vmem>> -> memref<1x128xi32, #tpu.memory_space<vmem>>
        %dma_wait3A_281 = tpu.memref_squeeze %dma_wait3A_280 : memref<1x128xi32, #tpu.memory_space<vmem>> -> memref<128xi32, #tpu.memory_space<vmem>>
        %dma_wait3A_282 = arith.constant 0 : i32
        %dma_wait3A_283 = arith.constant 0 : i32
        %dma_wait3A_284 = tpu.memref_slice %arg9[%dma_wait3A_282, %dma_wait3A_283] : memref<10112x64xf32, #tpu.memory_space<vmem_shared>> -> memref<10112x64xf32, #tpu.memory_space<vmem_shared>>
        tpu.wait_indirect_dma semaphore(%run_scoped3A_272 : memref<!tpu.dma_semaphore, #tpu.memory_space<semaphore_mem>>) src(%arg12 : memref<128x64xf32, #tpu.memory_space<vmem>>) dst(%dma_wait3A_284 : memref<10112x64xf32, #tpu.memory_space<vmem_shared>>)
        tpu.yield
      }) : () -> ()
      %add3A_246 = arith.constant 2 : i32
      %add3A_247 = arith.addi %add3A_239, %add3A_246 : i32
      %dma_start3A_248 = arith.constant 0 : i32
      %dma_start3A_249 = tpu.memref_slice %arg10[%add3A_247, %dma_start3A_248] : memref<158x128xi32, #tpu.memory_space<vmem>> -> memref<1x128xi32, #tpu.memory_space<vmem>>
      %dma_start3A_250 = tpu.memref_squeeze %dma_start3A_249 : memref<1x128xi32, #tpu.memory_space<vmem>> -> memref<128xi32, #tpu.memory_space<vmem>>
      %dma_start3A_251 = arith.constant 0 : i32
      %dma_start3A_252 = arith.constant 0 : i32
      %dma_start3A_253 = tpu.memref_slice %arg3[%dma_start3A_251, %dma_start3A_252] : memref<20224x64xf32, #tpu.memory_space<hbm>> -> memref<20224x64xf32, #tpu.memory_space<hbm>>
      tpu.enqueue_indirect_dma source(%dma_start3A_253 : memref<20224x64xf32, #tpu.memory_space<hbm>>) target(%arg12 : memref<128x64xf32, #tpu.memory_space<vmem>>) offsets(%dma_start3A_250 : memref<128xi32, #tpu.memory_space<vmem>>) semaphore(%arg14 : memref<!tpu.dma_semaphore, #tpu.memory_space<semaphore_mem>>)
      %add3A_254 = arith.constant 1 : i32
      %add3A_255 = arith.addi %add3A_239, %add3A_254 : i32
      %dma_wait3A_256 = arith.constant 0 : i32
      %dma_wait3A_257 = tpu.memref_slice %arg10[%add3A_255, %dma_wait3A_256] : memref<158x128xi32, #tpu.memory_space<vmem>> -> memref<1x128xi32, #tpu.memory_space<vmem>>
      %dma_wait3A_258 = tpu.memref_squeeze %dma_wait3A_257 : memref<1x128xi32, #tpu.memory_space<vmem>> -> memref<128xi32, #tpu.memory_space<vmem>>
      %dma_wait3A_259 = arith.constant 0 : i32
      %dma_wait3A_260 = arith.constant 0 : i32
      %dma_wait3A_261 = tpu.memref_slice %arg3[%dma_wait3A_259, %dma_wait3A_260] : memref<20224x64xf32, #tpu.memory_space<hbm>> -> memref<20224x64xf32, #tpu.memory_space<hbm>>
      tpu.wait_indirect_dma semaphore(%arg15 : memref<!tpu.dma_semaphore, #tpu.memory_space<semaphore_mem>>) src(%dma_wait3A_261 : memref<20224x64xf32, #tpu.memory_space<hbm>>) dst(%arg13 : memref<128x64xf32, #tpu.memory_space<vmem>>)
      %add3A_262 = arith.constant 1 : i32
      %add3A_263 = arith.addi %add3A_239, %add3A_262 : i32
      "tpu.region"() ({
        %run_scoped3A_272 = tpu.sem_alloc : memref<!tpu.dma_semaphore, #tpu.memory_space<semaphore_mem>>
        %dma_start3A_273 = arith.constant 0 : i32
        %dma_start3A_274 = tpu.memref_slice %arg11[%add3A_263, %dma_start3A_273] : memref<158x128xi32, #tpu.memory_space<vmem>> -> memref<1x128xi32, #tpu.memory_space<vmem>>
        %dma_start3A_275 = tpu.memref_squeeze %dma_start3A_274 : memref<1x128xi32, #tpu.memory_space<vmem>> -> memref<128xi32, #tpu.memory_space<vmem>>
        %dma_start3A_276 = arith.constant 0 : i32
        %dma_start3A_277 = arith.constant 0 : i32
        %dma_start3A_278 = tpu.memref_slice %arg9[%dma_start3A_276, %dma_start3A_277] : memref<10112x64xf32, #tpu.memory_space<vmem_shared>> -> memref<10112x64xf32, #tpu.memory_space<vmem_shared>>
        tpu.enqueue_indirect_dma source(%arg13 : memref<128x64xf32, #tpu.memory_space<vmem>>) target(%dma_start3A_278 : memref<10112x64xf32, #tpu.memory_space<vmem_shared>>) offsets(%dma_start3A_275 : memref<128xi32, #tpu.memory_space<vmem>>) semaphore(%run_scoped3A_272 : memref<!tpu.dma_semaphore, #tpu.memory_space<semaphore_mem>>) {add = true}
        %dma_wait3A_279 = arith.constant 0 : i32
        %dma_wait3A_280 = tpu.memref_slice %arg11[%add3A_263, %dma_wait3A_279] : memref<158x128xi32, #tpu.memory_space<vmem>> -> memref<1x128xi32, #tpu.memory_space<vmem>>
        %dma_wait3A_281 = tpu.memref_squeeze %dma_wait3A_280 : memref<1x128xi32, #tpu.memory_space<vmem>> -> memref<128xi32, #tpu.memory_space<vmem>>
        %dma_wait3A_282 = arith.constant 0 : i32
        %dma_wait3A_283 = arith.constant 0 : i32
        %dma_wait3A_284 = tpu.memref_slice %arg9[%dma_wait3A_282, %dma_wait3A_283] : memref<10112x64xf32, #tpu.memory_space<vmem_shared>> -> memref<10112x64xf32, #tpu.memory_space<vmem_shared>>
        tpu.wait_indirect_dma semaphore(%run_scoped3A_272 : memref<!tpu.dma_semaphore, #tpu.memory_space<semaphore_mem>>) src(%arg13 : memref<128x64xf32, #tpu.memory_space<vmem>>) dst(%dma_wait3A_284 : memref<10112x64xf32, #tpu.memory_space<vmem_shared>>)
        tpu.yield
      }) : () -> ()
      %add3A_264 = arith.constant 3 : i32
      %add3A_265 = arith.addi %add3A_239, %add3A_264 : i32
      %dma_start3A_266 = arith.constant 0 : i32
      %dma_start3A_267 = tpu.memref_slice %arg10[%add3A_265, %dma_start3A_266] : memref<158x128xi32, #tpu.memory_space<vmem>> -> memref<1x128xi32, #tpu.memory_space<vmem>>
      %dma_start3A_268 = tpu.memref_squeeze %dma_start3A_267 : memref<1x128xi32, #tpu.memory_space<vmem>> -> memref<128xi32, #tpu.memory_space<vmem>>
      %dma_start3A_269 = arith.constant 0 : i32
      %dma_start3A_270 = arith.constant 0 : i32
      %dma_start3A_271 = tpu.memref_slice %arg3[%dma_start3A_269, %dma_start3A_270] : memref<20224x64xf32, #tpu.memory_space<hbm>> -> memref<20224x64xf32, #tpu.memory_space<hbm>>
      tpu.enqueue_indirect_dma source(%dma_start3A_271 : memref<20224x64xf32, #tpu.memory_space<hbm>>) target(%arg13 : memref<128x64xf32, #tpu.memory_space<vmem>>) offsets(%dma_start3A_268 : memref<128xi32, #tpu.memory_space<vmem>>) semaphore(%arg15 : memref<!tpu.dma_semaphore, #tpu.memory_space<semaphore_mem>>)
    }
    %scan3A_57 = arith.constant 78 : i32
    %dma_wait3A_58 = arith.constant 156 : i32
    %dma_wait3A_59 = arith.constant 0 : i32
    %dma_wait3A_60 = tpu.memref_slice %arg10[%dma_wait3A_58, %dma_wait3A_59] : memref<158x128xi32, #tpu.memory_space<vmem>> -> memref<1x128xi32, #tpu.memory_space<vmem>>
    %dma_wait3A_61 = tpu.memref_squeeze %dma_wait3A_60 : memref<1x128xi32, #tpu.memory_space<vmem>> -> memref<128xi32, #tpu.memory_space<vmem>>
    %dma_wait3A_62 = arith.constant 0 : i32
    %dma_wait3A_63 = arith.constant 0 : i32
    %dma_wait3A_64 = tpu.memref_slice %arg3[%dma_wait3A_62, %dma_wait3A_63] : memref<20224x64xf32, #tpu.memory_space<hbm>> -> memref<20224x64xf32, #tpu.memory_space<hbm>>
    tpu.wait_indirect_dma semaphore(%arg14 : memref<!tpu.dma_semaphore, #tpu.memory_space<semaphore_mem>>) src(%dma_wait3A_64 : memref<20224x64xf32, #tpu.memory_space<hbm>>) dst(%arg12 : memref<128x64xf32, #tpu.memory_space<vmem>>)
    %run_scoped3A_65 = arith.constant 156 : i32
    "tpu.region"() ({
      %run_scoped3A_236 = tpu.sem_alloc : memref<!tpu.dma_semaphore, #tpu.memory_space<semaphore_mem>>
      %dma_start3A_237 = arith.constant 0 : i32
      %dma_start3A_238 = tpu.memref_slice %arg11[%run_scoped3A_65, %dma_start3A_237] : memref<158x128xi32, #tpu.memory_space<vmem>> -> memref<1x128xi32, #tpu.memory_space<vmem>>
      %dma_start3A_239 = tpu.memref_squeeze %dma_start3A_238 : memref<1x128xi32, #tpu.memory_space<vmem>> -> memref<128xi32, #tpu.memory_space<vmem>>
      %dma_start3A_240 = arith.constant 0 : i32
      %dma_start3A_241 = arith.constant 0 : i32
      %dma_start3A_242 = tpu.memref_slice %arg9[%dma_start3A_240, %dma_start3A_241] : memref<10112x64xf32, #tpu.memory_space<vmem_shared>> -> memref<10112x64xf32, #tpu.memory_space<vmem_shared>>
      tpu.enqueue_indirect_dma source(%arg12 : memref<128x64xf32, #tpu.memory_space<vmem>>) target(%dma_start3A_242 : memref<10112x64xf32, #tpu.memory_space<vmem_shared>>) offsets(%dma_start3A_239 : memref<128xi32, #tpu.memory_space<vmem>>) semaphore(%run_scoped3A_236 : memref<!tpu.dma_semaphore, #tpu.memory_space<semaphore_mem>>) {add = true}
      %dma_wait3A_243 = arith.constant 0 : i32
      %dma_wait3A_244 = tpu.memref_slice %arg11[%run_scoped3A_65, %dma_wait3A_243] : memref<158x128xi32, #tpu.memory_space<vmem>> -> memref<1x128xi32, #tpu.memory_space<vmem>>
      %dma_wait3A_245 = tpu.memref_squeeze %dma_wait3A_244 : memref<1x128xi32, #tpu.memory_space<vmem>> -> memref<128xi32, #tpu.memory_space<vmem>>
      %dma_wait3A_246 = arith.constant 0 : i32
      %dma_wait3A_247 = arith.constant 0 : i32
      %dma_wait3A_248 = tpu.memref_slice %arg9[%dma_wait3A_246, %dma_wait3A_247] : memref<10112x64xf32, #tpu.memory_space<vmem_shared>> -> memref<10112x64xf32, #tpu.memory_space<vmem_shared>>
      tpu.wait_indirect_dma semaphore(%run_scoped3A_236 : memref<!tpu.dma_semaphore, #tpu.memory_space<semaphore_mem>>) src(%arg12 : memref<128x64xf32, #tpu.memory_space<vmem>>) dst(%dma_wait3A_248 : memref<10112x64xf32, #tpu.memory_space<vmem_shared>>)
      tpu.yield
    }) : () -> ()
    %dma_wait3A_66 = arith.constant 157 : i32
    %dma_wait3A_67 = arith.constant 0 : i32
    %dma_wait3A_68 = tpu.memref_slice %arg10[%dma_wait3A_66, %dma_wait3A_67] : memref<158x128xi32, #tpu.memory_space<vmem>> -> memref<1x128xi32, #tpu.memory_space<vmem>>
    %dma_wait3A_69 = tpu.memref_squeeze %dma_wait3A_68 : memref<1x128xi32, #tpu.memory_space<vmem>> -> memref<128xi32, #tpu.memory_space<vmem>>
    %dma_wait3A_70 = arith.constant 0 : i32
    %dma_wait3A_71 = arith.constant 0 : i32
    %dma_wait3A_72 = tpu.memref_slice %arg3[%dma_wait3A_70, %dma_wait3A_71] : memref<20224x64xf32, #tpu.memory_space<hbm>> -> memref<20224x64xf32, #tpu.memory_space<hbm>>
    tpu.wait_indirect_dma semaphore(%arg15 : memref<!tpu.dma_semaphore, #tpu.memory_space<semaphore_mem>>) src(%dma_wait3A_72 : memref<20224x64xf32, #tpu.memory_space<hbm>>) dst(%arg13 : memref<128x64xf32, #tpu.memory_space<vmem>>)
    %run_scoped3A_73 = arith.constant 157 : i32
    "tpu.region"() ({
      %run_scoped3A_236 = tpu.sem_alloc : memref<!tpu.dma_semaphore, #tpu.memory_space<semaphore_mem>>
      %dma_start3A_237 = arith.constant 0 : i32
      %dma_start3A_238 = tpu.memref_slice %arg11[%run_scoped3A_73, %dma_start3A_237] : memref<158x128xi32, #tpu.memory_space<vmem>> -> memref<1x128xi32, #tpu.memory_space<vmem>>
      %dma_start3A_239 = tpu.memref_squeeze %dma_start3A_238 : memref<1x128xi32, #tpu.memory_space<vmem>> -> memref<128xi32, #tpu.memory_space<vmem>>
      %dma_start3A_240 = arith.constant 0 : i32
      %dma_start3A_241 = arith.constant 0 : i32
      %dma_start3A_242 = tpu.memref_slice %arg9[%dma_start3A_240, %dma_start3A_241] : memref<10112x64xf32, #tpu.memory_space<vmem_shared>> -> memref<10112x64xf32, #tpu.memory_space<vmem_shared>>
      tpu.enqueue_indirect_dma source(%arg13 : memref<128x64xf32, #tpu.memory_space<vmem>>) target(%dma_start3A_242 : memref<10112x64xf32, #tpu.memory_space<vmem_shared>>) offsets(%dma_start3A_239 : memref<128xi32, #tpu.memory_space<vmem>>) semaphore(%run_scoped3A_236 : memref<!tpu.dma_semaphore, #tpu.memory_space<semaphore_mem>>) {add = true}
      %dma_wait3A_243 = arith.constant 0 : i32
      %dma_wait3A_244 = tpu.memref_slice %arg11[%run_scoped3A_73, %dma_wait3A_243] : memref<158x128xi32, #tpu.memory_space<vmem>> -> memref<1x128xi32, #tpu.memory_space<vmem>>
      %dma_wait3A_245 = tpu.memref_squeeze %dma_wait3A_244 : memref<1x128xi32, #tpu.memory_space<vmem>> -> memref<128xi32, #tpu.memory_space<vmem>>
      %dma_wait3A_246 = arith.constant 0 : i32
      %dma_wait3A_247 = arith.constant 0 : i32
      %dma_wait3A_248 = tpu.memref_slice %arg9[%dma_wait3A_246, %dma_wait3A_247] : memref<10112x64xf32, #tpu.memory_space<vmem_shared>> -> memref<10112x64xf32, #tpu.memory_space<vmem_shared>>
      tpu.wait_indirect_dma semaphore(%run_scoped3A_236 : memref<!tpu.dma_semaphore, #tpu.memory_space<semaphore_mem>>) src(%arg13 : memref<128x64xf32, #tpu.memory_space<vmem>>) dst(%dma_wait3A_248 : memref<10112x64xf32, #tpu.memory_space<vmem_shared>>)
      tpu.yield
    }) : () -> ()
    %barrier3A_74 = arith.constant 0 : index
    tpu.barrier barrier_id(%barrier3A_74)
    %run_scoped3A_75 = arith.constant 1 : i32
    "tpu.region"() ({
      %run_scoped3A_236 = tpu.sem_alloc : memref<!tpu.dma_semaphore, #tpu.memory_space<semaphore_mem>>
      %dma_start3A_237 = arith.constant 0 : i32
      %dma_start3A_238 = tpu.memref_slice %arg8[%run_scoped3A_75, %arg0, %mul3A_0, %dma_start3A_237] : memref<6x2x10112x64xf32, #tpu.memory_space<hbm>> -> memref<1x1x632x64xf32, #tpu.memory_space<hbm>>
      %dma_start3A_239 = tpu.memref_squeeze %dma_start3A_238 : memref<1x1x632x64xf32, #tpu.memory_space<hbm>> -> memref<632x64xf32, #tpu.memory_space<hbm>>
      %dma_start3A_240 = arith.constant 0 : i32
      %dma_start3A_241 = tpu.memref_slice %arg9[%mul3A_0, %dma_start3A_240] : memref<10112x64xf32, #tpu.memory_space<vmem_shared>> -> memref<632x64xf32, #tpu.memory_space<vmem_shared>>
      tpu.enqueue_dma source(%dma_start3A_241 : memref<632x64xf32, #tpu.memory_space<vmem_shared>>) target(%dma_start3A_239 : memref<632x64xf32, #tpu.memory_space<hbm>>) target_semaphore(%run_scoped3A_236 : memref<!tpu.dma_semaphore, #tpu.memory_space<semaphore_mem>>)
      %dma_wait3A_242 = arith.constant 0 : i32
      %dma_wait3A_243 = tpu.memref_slice %arg8[%run_scoped3A_75, %arg0, %mul3A_0, %dma_wait3A_242] : memref<6x2x10112x64xf32, #tpu.memory_space<hbm>> -> memref<1x1x632x64xf32, #tpu.memory_space<hbm>>
      %dma_wait3A_244 = tpu.memref_squeeze %dma_wait3A_243 : memref<1x1x632x64xf32, #tpu.memory_space<hbm>> -> memref<632x64xf32, #tpu.memory_space<hbm>>
      %dma_wait3A_245 = arith.constant 0 : i32
      %dma_wait3A_246 = tpu.memref_slice %arg9[%mul3A_0, %dma_wait3A_245] : memref<10112x64xf32, #tpu.memory_space<vmem_shared>> -> memref<632x64xf32, #tpu.memory_space<vmem_shared>>
      tpu.wait_dma2 semaphore(%run_scoped3A_236 : memref<!tpu.dma_semaphore, #tpu.memory_space<semaphore_mem>>) src(%dma_wait3A_246 : memref<632x64xf32, #tpu.memory_space<vmem_shared>>) dst(%dma_wait3A_244 : memref<632x64xf32, #tpu.memory_space<hbm>>)
      tpu.yield
    }) : () -> ()
    "tpu.region"() ({
      %run_scoped3A_236 = tpu.sem_alloc : memref<!tpu.dma_semaphore, #tpu.memory_space<semaphore_mem>>
      %dma_start3A_237 = arith.constant 0 : i32
      %dma_start3A_238 = tpu.memref_slice %arg9[%mul3A_0, %dma_start3A_237] : memref<10112x64xf32, #tpu.memory_space<vmem_shared>> -> memref<632x64xf32, #tpu.memory_space<vmem_shared>>
      %dma_start3A_239 = arith.constant 0 : i32
      %dma_start3A_240 = tpu.memref_slice %arg7[%mul3A_0, %dma_start3A_239] : memref<10112x64xf32, #tpu.memory_space<hbm>> -> memref<632x64xf32, #tpu.memory_space<hbm>>
      tpu.enqueue_dma source(%dma_start3A_240 : memref<632x64xf32, #tpu.memory_space<hbm>>) target(%dma_start3A_238 : memref<632x64xf32, #tpu.memory_space<vmem_shared>>) target_semaphore(%run_scoped3A_236 : memref<!tpu.dma_semaphore, #tpu.memory_space<semaphore_mem>>)
      %dma_wait3A_241 = arith.constant 0 : i32
      %dma_wait3A_242 = tpu.memref_slice %arg9[%mul3A_0, %dma_wait3A_241] : memref<10112x64xf32, #tpu.memory_space<vmem_shared>> -> memref<632x64xf32, #tpu.memory_space<vmem_shared>>
      %dma_wait3A_243 = arith.constant 0 : i32
      %dma_wait3A_244 = tpu.memref_slice %arg7[%mul3A_0, %dma_wait3A_243] : memref<10112x64xf32, #tpu.memory_space<hbm>> -> memref<632x64xf32, #tpu.memory_space<hbm>>
      tpu.wait_dma2 semaphore(%run_scoped3A_236 : memref<!tpu.dma_semaphore, #tpu.memory_space<semaphore_mem>>) src(%dma_wait3A_244 : memref<632x64xf32, #tpu.memory_space<hbm>>) dst(%dma_wait3A_242 : memref<632x64xf32, #tpu.memory_space<vmem_shared>>)
      tpu.yield
    }) : () -> ()
    %run_scoped3A_76 = arith.constant 2 : i32
    "tpu.region"() ({
      %run_scoped3A_236 = tpu.sem_alloc : memref<!tpu.dma_semaphore, #tpu.memory_space<semaphore_mem>>
      %dma_start3A_237 = arith.constant 0 : i32
      %dma_start3A_238 = arith.constant 0 : i32
      %dma_start3A_239 = tpu.memref_slice %arg5[%arg0, %run_scoped3A_76, %arg1, %dma_start3A_237, %dma_start3A_238] : memref<2x6x16x158x128xi32, #tpu.memory_space<hbm>> -> memref<1x1x1x158x128xi32, #tpu.memory_space<hbm>>
      %dma_start3A_240 = tpu.memref_squeeze %dma_start3A_239 : memref<1x1x1x158x128xi32, #tpu.memory_space<hbm>> -> memref<158x128xi32, #tpu.memory_space<hbm>>
      %dma_start3A_241 = arith.constant 0 : i32
      %dma_start3A_242 = arith.constant 0 : i32
      %dma_start3A_243 = tpu.memref_slice %arg5[%arg0, %run_scoped3A_76, %arg1, %dma_start3A_241, %dma_start3A_242] : memref<2x6x16x158x128xi32, #tpu.memory_space<hbm>> -> memref<1x1x1x158x128xi32, #tpu.memory_space<hbm>>
      %dma_start3A_244 = tpu.memref_squeeze %dma_start3A_243 : memref<1x1x1x158x128xi32, #tpu.memory_space<hbm>> -> memref<158x128xi32, #tpu.memory_space<hbm>>
      tpu.enqueue_dma source(%dma_start3A_244 : memref<158x128xi32, #tpu.memory_space<hbm>>) target(%arg10 : memref<158x128xi32, #tpu.memory_space<vmem>>) target_semaphore(%run_scoped3A_236 : memref<!tpu.dma_semaphore, #tpu.memory_space<semaphore_mem>>)
      %dma_wait3A_245 = arith.constant 0 : i32
      %dma_wait3A_246 = arith.constant 0 : i32
      %dma_wait3A_247 = tpu.memref_slice %arg5[%arg0, %run_scoped3A_76, %arg1, %dma_wait3A_245, %dma_wait3A_246] : memref<2x6x16x158x128xi32, #tpu.memory_space<hbm>> -> memref<1x1x1x158x128xi32, #tpu.memory_space<hbm>>
      %dma_wait3A_248 = tpu.memref_squeeze %dma_wait3A_247 : memref<1x1x1x158x128xi32, #tpu.memory_space<hbm>> -> memref<158x128xi32, #tpu.memory_space<hbm>>
      %dma_wait3A_249 = arith.constant 0 : i32
      %dma_wait3A_250 = arith.constant 0 : i32
      %dma_wait3A_251 = tpu.memref_slice %arg5[%arg0, %run_scoped3A_76, %arg1, %dma_wait3A_249, %dma_wait3A_250] : memref<2x6x16x158x128xi32, #tpu.memory_space<hbm>> -> memref<1x1x1x158x128xi32, #tpu.memory_space<hbm>>
      %dma_wait3A_252 = tpu.memref_squeeze %dma_wait3A_251 : memref<1x1x1x158x128xi32, #tpu.memory_space<hbm>> -> memref<158x128xi32, #tpu.memory_space<hbm>>
      tpu.wait_dma2 semaphore(%run_scoped3A_236 : memref<!tpu.dma_semaphore, #tpu.memory_space<semaphore_mem>>) src(%dma_wait3A_252 : memref<158x128xi32, #tpu.memory_space<hbm>>) dst(%arg10 : memref<158x128xi32, #tpu.memory_space<vmem>>)
      tpu.yield
    }) : () -> ()
    %run_scoped3A_77 = arith.constant 2 : i32
    "tpu.region"() ({
      %run_scoped3A_236 = tpu.sem_alloc : memref<!tpu.dma_semaphore, #tpu.memory_space<semaphore_mem>>
      %dma_start3A_237 = arith.constant 0 : i32
      %dma_start3A_238 = arith.constant 0 : i32
      %dma_start3A_239 = tpu.memref_slice %arg6[%run_scoped3A_77, %arg1, %dma_start3A_237, %dma_start3A_238] : memref<6x16x158x128xi32, #tpu.memory_space<hbm>> -> memref<1x1x158x128xi32, #tpu.memory_space<hbm>>
      %dma_start3A_240 = tpu.memref_squeeze %dma_start3A_239 : memref<1x1x158x128xi32, #tpu.memory_space<hbm>> -> memref<158x128xi32, #tpu.memory_space<hbm>>
      %dma_start3A_241 = arith.constant 0 : i32
      %dma_start3A_242 = arith.constant 0 : i32
      %dma_start3A_243 = tpu.memref_slice %arg6[%run_scoped3A_77, %arg1, %dma_start3A_241, %dma_start3A_242] : memref<6x16x158x128xi32, #tpu.memory_space<hbm>> -> memref<1x1x158x128xi32, #tpu.memory_space<hbm>>
      %dma_start3A_244 = tpu.memref_squeeze %dma_start3A_243 : memref<1x1x158x128xi32, #tpu.memory_space<hbm>> -> memref<158x128xi32, #tpu.memory_space<hbm>>
      tpu.enqueue_dma source(%dma_start3A_244 : memref<158x128xi32, #tpu.memory_space<hbm>>) target(%arg11 : memref<158x128xi32, #tpu.memory_space<vmem>>) target_semaphore(%run_scoped3A_236 : memref<!tpu.dma_semaphore, #tpu.memory_space<semaphore_mem>>)
      %dma_wait3A_245 = arith.constant 0 : i32
      %dma_wait3A_246 = arith.constant 0 : i32
      %dma_wait3A_247 = tpu.memref_slice %arg6[%run_scoped3A_77, %arg1, %dma_wait3A_245, %dma_wait3A_246] : memref<6x16x158x128xi32, #tpu.memory_space<hbm>> -> memref<1x1x158x128xi32, #tpu.memory_space<hbm>>
      %dma_wait3A_248 = tpu.memref_squeeze %dma_wait3A_247 : memref<1x1x158x128xi32, #tpu.memory_space<hbm>> -> memref<158x128xi32, #tpu.memory_space<hbm>>
      %dma_wait3A_249 = arith.constant 0 : i32
      %dma_wait3A_250 = arith.constant 0 : i32
      %dma_wait3A_251 = tpu.memref_slice %arg6[%run_scoped3A_77, %arg1, %dma_wait3A_249, %dma_wait3A_250] : memref<6x16x158x128xi32, #tpu.memory_space<hbm>> -> memref<1x1x158x128xi32, #tpu.memory_space<hbm>>
      %dma_wait3A_252 = tpu.memref_squeeze %dma_wait3A_251 : memref<1x1x158x128xi32, #tpu.memory_space<hbm>> -> memref<158x128xi32, #tpu.memory_space<hbm>>
      tpu.wait_dma2 semaphore(%run_scoped3A_236 : memref<!tpu.dma_semaphore, #tpu.memory_space<semaphore_mem>>) src(%dma_wait3A_252 : memref<158x128xi32, #tpu.memory_space<hbm>>) dst(%arg11 : memref<158x128xi32, #tpu.memory_space<vmem>>)
      tpu.yield
    }) : () -> ()
    %barrier3A_78 = arith.constant 0 : index
    tpu.barrier barrier_id(%barrier3A_78)
    %dma_start3A_79 = arith.constant 0 : i32
    %dma_start3A_80 = arith.constant 0 : i32
    %dma_start3A_81 = tpu.memref_slice %arg10[%dma_start3A_79, %dma_start3A_80] : memref<158x128xi32, #tpu.memory_space<vmem>> -> memref<1x128xi32, #tpu.memory_space<vmem>>
    %dma_start3A_82 = tpu.memref_squeeze %dma_start3A_81 : memref<1x128xi32, #tpu.memory_space<vmem>> -> memref<128xi32, #tpu.memory_space<vmem>>
    %dma_start3A_83 = arith.constant 0 : i32
    %dma_start3A_84 = arith.constant 0 : i32
    %dma_start3A_85 = tpu.memref_slice %arg4[%dma_start3A_83, %dma_start3A_84] : memref<20224x64xf32, #tpu.memory_space<hbm>> -> memref<20224x64xf32, #tpu.memory_space<hbm>>
    tpu.enqueue_indirect_dma source(%dma_start3A_85 : memref<20224x64xf32, #tpu.memory_space<hbm>>) target(%arg12 : memref<128x64xf32, #tpu.memory_space<vmem>>) offsets(%dma_start3A_82 : memref<128xi32, #tpu.memory_space<vmem>>) semaphore(%arg14 : memref<!tpu.dma_semaphore, #tpu.memory_space<semaphore_mem>>)
    %dma_start3A_86 = arith.constant 1 : i32
    %dma_start3A_87 = arith.constant 0 : i32
    %dma_start3A_88 = tpu.memref_slice %arg10[%dma_start3A_86, %dma_start3A_87] : memref<158x128xi32, #tpu.memory_space<vmem>> -> memref<1x128xi32, #tpu.memory_space<vmem>>
    %dma_start3A_89 = tpu.memref_squeeze %dma_start3A_88 : memref<1x128xi32, #tpu.memory_space<vmem>> -> memref<128xi32, #tpu.memory_space<vmem>>
    %dma_start3A_90 = arith.constant 0 : i32
    %dma_start3A_91 = arith.constant 0 : i32
    %dma_start3A_92 = tpu.memref_slice %arg4[%dma_start3A_90, %dma_start3A_91] : memref<20224x64xf32, #tpu.memory_space<hbm>> -> memref<20224x64xf32, #tpu.memory_space<hbm>>
    tpu.enqueue_indirect_dma source(%dma_start3A_92 : memref<20224x64xf32, #tpu.memory_space<hbm>>) target(%arg13 : memref<128x64xf32, #tpu.memory_space<vmem>>) offsets(%dma_start3A_89 : memref<128xi32, #tpu.memory_space<vmem>>) semaphore(%arg15 : memref<!tpu.dma_semaphore, #tpu.memory_space<semaphore_mem>>)
    %scan3A_93 = arith.constant 0 : i32
    %scan3A_94 = arith.constant 78 : i32
    %scan3A_95 = arith.addi %scan3A_93, %scan3A_94 : i32
    %scan3A_96 = arith.constant 1 : i32
    scf.for %scan3A_236 = %scan3A_93 to %scan3A_95 step %scan3A_96  : i32 {
      %mul3A_237 = arith.constant 2 : i32
      %mul3A_238 = arith.muli %scan3A_236, %mul3A_237 : i32
      %add3A = arith.constant 0 : i32
      %add3A_239 = arith.addi %add3A, %mul3A_238 : i32
      %dma_wait3A_240 = arith.constant 0 : i32
      %dma_wait3A_241 = tpu.memref_slice %arg10[%add3A_239, %dma_wait3A_240] : memref<158x128xi32, #tpu.memory_space<vmem>> -> memref<1x128xi32, #tpu.memory_space<vmem>>
      %dma_wait3A_242 = tpu.memref_squeeze %dma_wait3A_241 : memref<1x128xi32, #tpu.memory_space<vmem>> -> memref<128xi32, #tpu.memory_space<vmem>>
      %dma_wait3A_243 = arith.constant 0 : i32
      %dma_wait3A_244 = arith.constant 0 : i32
      %dma_wait3A_245 = tpu.memref_slice %arg4[%dma_wait3A_243, %dma_wait3A_244] : memref<20224x64xf32, #tpu.memory_space<hbm>> -> memref<20224x64xf32, #tpu.memory_space<hbm>>
      tpu.wait_indirect_dma semaphore(%arg14 : memref<!tpu.dma_semaphore, #tpu.memory_space<semaphore_mem>>) src(%dma_wait3A_245 : memref<20224x64xf32, #tpu.memory_space<hbm>>) dst(%arg12 : memref<128x64xf32, #tpu.memory_space<vmem>>)
      "tpu.region"() ({
        %run_scoped3A_272 = tpu.sem_alloc : memref<!tpu.dma_semaphore, #tpu.memory_space<semaphore_mem>>
        %dma_start3A_273 = arith.constant 0 : i32
        %dma_start3A_274 = tpu.memref_slice %arg11[%add3A_239, %dma_start3A_273] : memref<158x128xi32, #tpu.memory_space<vmem>> -> memref<1x128xi32, #tpu.memory_space<vmem>>
        %dma_start3A_275 = tpu.memref_squeeze %dma_start3A_274 : memref<1x128xi32, #tpu.memory_space<vmem>> -> memref<128xi32, #tpu.memory_space<vmem>>
        %dma_start3A_276 = arith.constant 0 : i32
        %dma_start3A_277 = arith.constant 0 : i32
        %dma_start3A_278 = tpu.memref_slice %arg9[%dma_start3A_276, %dma_start3A_277] : memref<10112x64xf32, #tpu.memory_space<vmem_shared>> -> memref<10112x64xf32, #tpu.memory_space<vmem_shared>>
        tpu.enqueue_indirect_dma source(%arg12 : memref<128x64xf32, #tpu.memory_space<vmem>>) target(%dma_start3A_278 : memref<10112x64xf32, #tpu.memory_space<vmem_shared>>) offsets(%dma_start3A_275 : memref<128xi32, #tpu.memory_space<vmem>>) semaphore(%run_scoped3A_272 : memref<!tpu.dma_semaphore, #tpu.memory_space<semaphore_mem>>) {add = true}
        %dma_wait3A_279 = arith.constant 0 : i32
        %dma_wait3A_280 = tpu.memref_slice %arg11[%add3A_239, %dma_wait3A_279] : memref<158x128xi32, #tpu.memory_space<vmem>> -> memref<1x128xi32, #tpu.memory_space<vmem>>
        %dma_wait3A_281 = tpu.memref_squeeze %dma_wait3A_280 : memref<1x128xi32, #tpu.memory_space<vmem>> -> memref<128xi32, #tpu.memory_space<vmem>>
        %dma_wait3A_282 = arith.constant 0 : i32
        %dma_wait3A_283 = arith.constant 0 : i32
        %dma_wait3A_284 = tpu.memref_slice %arg9[%dma_wait3A_282, %dma_wait3A_283] : memref<10112x64xf32, #tpu.memory_space<vmem_shared>> -> memref<10112x64xf32, #tpu.memory_space<vmem_shared>>
        tpu.wait_indirect_dma semaphore(%run_scoped3A_272 : memref<!tpu.dma_semaphore, #tpu.memory_space<semaphore_mem>>) src(%arg12 : memref<128x64xf32, #tpu.memory_space<vmem>>) dst(%dma_wait3A_284 : memref<10112x64xf32, #tpu.memory_space<vmem_shared>>)
        tpu.yield
      }) : () -> ()
      %add3A_246 = arith.constant 2 : i32
      %add3A_247 = arith.addi %add3A_239, %add3A_246 : i32
      %dma_start3A_248 = arith.constant 0 : i32
      %dma_start3A_249 = tpu.memref_slice %arg10[%add3A_247, %dma_start3A_248] : memref<158x128xi32, #tpu.memory_space<vmem>> -> memref<1x128xi32, #tpu.memory_space<vmem>>
      %dma_start3A_250 = tpu.memref_squeeze %dma_start3A_249 : memref<1x128xi32, #tpu.memory_space<vmem>> -> memref<128xi32, #tpu.memory_space<vmem>>
      %dma_start3A_251 = arith.constant 0 : i32
      %dma_start3A_252 = arith.constant 0 : i32
      %dma_start3A_253 = tpu.memref_slice %arg4[%dma_start3A_251, %dma_start3A_252] : memref<20224x64xf32, #tpu.memory_space<hbm>> -> memref<20224x64xf32, #tpu.memory_space<hbm>>
      tpu.enqueue_indirect_dma source(%dma_start3A_253 : memref<20224x64xf32, #tpu.memory_space<hbm>>) target(%arg12 : memref<128x64xf32, #tpu.memory_space<vmem>>) offsets(%dma_start3A_250 : memref<128xi32, #tpu.memory_space<vmem>>) semaphore(%arg14 : memref<!tpu.dma_semaphore, #tpu.memory_space<semaphore_mem>>)
      %add3A_254 = arith.constant 1 : i32
      %add3A_255 = arith.addi %add3A_239, %add3A_254 : i32
      %dma_wait3A_256 = arith.constant 0 : i32
      %dma_wait3A_257 = tpu.memref_slice %arg10[%add3A_255, %dma_wait3A_256] : memref<158x128xi32, #tpu.memory_space<vmem>> -> memref<1x128xi32, #tpu.memory_space<vmem>>
      %dma_wait3A_258 = tpu.memref_squeeze %dma_wait3A_257 : memref<1x128xi32, #tpu.memory_space<vmem>> -> memref<128xi32, #tpu.memory_space<vmem>>
      %dma_wait3A_259 = arith.constant 0 : i32
      %dma_wait3A_260 = arith.constant 0 : i32
      %dma_wait3A_261 = tpu.memref_slice %arg4[%dma_wait3A_259, %dma_wait3A_260] : memref<20224x64xf32, #tpu.memory_space<hbm>> -> memref<20224x64xf32, #tpu.memory_space<hbm>>
      tpu.wait_indirect_dma semaphore(%arg15 : memref<!tpu.dma_semaphore, #tpu.memory_space<semaphore_mem>>) src(%dma_wait3A_261 : memref<20224x64xf32, #tpu.memory_space<hbm>>) dst(%arg13 : memref<128x64xf32, #tpu.memory_space<vmem>>)
      %add3A_262 = arith.constant 1 : i32
      %add3A_263 = arith.addi %add3A_239, %add3A_262 : i32
      "tpu.region"() ({
        %run_scoped3A_272 = tpu.sem_alloc : memref<!tpu.dma_semaphore, #tpu.memory_space<semaphore_mem>>
        %dma_start3A_273 = arith.constant 0 : i32
        %dma_start3A_274 = tpu.memref_slice %arg11[%add3A_263, %dma_start3A_273] : memref<158x128xi32, #tpu.memory_space<vmem>> -> memref<1x128xi32, #tpu.memory_space<vmem>>
        %dma_start3A_275 = tpu.memref_squeeze %dma_start3A_274 : memref<1x128xi32, #tpu.memory_space<vmem>> -> memref<128xi32, #tpu.memory_space<vmem>>
        %dma_start3A_276 = arith.constant 0 : i32
        %dma_start3A_277 = arith.constant 0 : i32
        %dma_start3A_278 = tpu.memref_slice %arg9[%dma_start3A_276, %dma_start3A_277] : memref<10112x64xf32, #tpu.memory_space<vmem_shared>> -> memref<10112x64xf32, #tpu.memory_space<vmem_shared>>
        tpu.enqueue_indirect_dma source(%arg13 : memref<128x64xf32, #tpu.memory_space<vmem>>) target(%dma_start3A_278 : memref<10112x64xf32, #tpu.memory_space<vmem_shared>>) offsets(%dma_start3A_275 : memref<128xi32, #tpu.memory_space<vmem>>) semaphore(%run_scoped3A_272 : memref<!tpu.dma_semaphore, #tpu.memory_space<semaphore_mem>>) {add = true}
        %dma_wait3A_279 = arith.constant 0 : i32
        %dma_wait3A_280 = tpu.memref_slice %arg11[%add3A_263, %dma_wait3A_279] : memref<158x128xi32, #tpu.memory_space<vmem>> -> memref<1x128xi32, #tpu.memory_space<vmem>>
        %dma_wait3A_281 = tpu.memref_squeeze %dma_wait3A_280 : memref<1x128xi32, #tpu.memory_space<vmem>> -> memref<128xi32, #tpu.memory_space<vmem>>
        %dma_wait3A_282 = arith.constant 0 : i32
        %dma_wait3A_283 = arith.constant 0 : i32
        %dma_wait3A_284 = tpu.memref_slice %arg9[%dma_wait3A_282, %dma_wait3A_283] : memref<10112x64xf32, #tpu.memory_space<vmem_shared>> -> memref<10112x64xf32, #tpu.memory_space<vmem_shared>>
        tpu.wait_indirect_dma semaphore(%run_scoped3A_272 : memref<!tpu.dma_semaphore, #tpu.memory_space<semaphore_mem>>) src(%arg13 : memref<128x64xf32, #tpu.memory_space<vmem>>) dst(%dma_wait3A_284 : memref<10112x64xf32, #tpu.memory_space<vmem_shared>>)
        tpu.yield
      }) : () -> ()
      %add3A_264 = arith.constant 3 : i32
      %add3A_265 = arith.addi %add3A_239, %add3A_264 : i32
      %dma_start3A_266 = arith.constant 0 : i32
      %dma_start3A_267 = tpu.memref_slice %arg10[%add3A_265, %dma_start3A_266] : memref<158x128xi32, #tpu.memory_space<vmem>> -> memref<1x128xi32, #tpu.memory_space<vmem>>
      %dma_start3A_268 = tpu.memref_squeeze %dma_start3A_267 : memref<1x128xi32, #tpu.memory_space<vmem>> -> memref<128xi32, #tpu.memory_space<vmem>>
      %dma_start3A_269 = arith.constant 0 : i32
      %dma_start3A_270 = arith.constant 0 : i32
      %dma_start3A_271 = tpu.memref_slice %arg4[%dma_start3A_269, %dma_start3A_270] : memref<20224x64xf32, #tpu.memory_space<hbm>> -> memref<20224x64xf32, #tpu.memory_space<hbm>>
      tpu.enqueue_indirect_dma source(%dma_start3A_271 : memref<20224x64xf32, #tpu.memory_space<hbm>>) target(%arg13 : memref<128x64xf32, #tpu.memory_space<vmem>>) offsets(%dma_start3A_268 : memref<128xi32, #tpu.memory_space<vmem>>) semaphore(%arg15 : memref<!tpu.dma_semaphore, #tpu.memory_space<semaphore_mem>>)
    }
    %scan3A_97 = arith.constant 78 : i32
    %dma_wait3A_98 = arith.constant 156 : i32
    %dma_wait3A_99 = arith.constant 0 : i32
    %dma_wait3A_100 = tpu.memref_slice %arg10[%dma_wait3A_98, %dma_wait3A_99] : memref<158x128xi32, #tpu.memory_space<vmem>> -> memref<1x128xi32, #tpu.memory_space<vmem>>
    %dma_wait3A_101 = tpu.memref_squeeze %dma_wait3A_100 : memref<1x128xi32, #tpu.memory_space<vmem>> -> memref<128xi32, #tpu.memory_space<vmem>>
    %dma_wait3A_102 = arith.constant 0 : i32
    %dma_wait3A_103 = arith.constant 0 : i32
    %dma_wait3A_104 = tpu.memref_slice %arg4[%dma_wait3A_102, %dma_wait3A_103] : memref<20224x64xf32, #tpu.memory_space<hbm>> -> memref<20224x64xf32, #tpu.memory_space<hbm>>
    tpu.wait_indirect_dma semaphore(%arg14 : memref<!tpu.dma_semaphore, #tpu.memory_space<semaphore_mem>>) src(%dma_wait3A_104 : memref<20224x64xf32, #tpu.memory_space<hbm>>) dst(%arg12 : memref<128x64xf32, #tpu.memory_space<vmem>>)
    %run_scoped3A_105 = arith.constant 156 : i32
    "tpu.region"() ({
      %run_scoped3A_236 = tpu.sem_alloc : memref<!tpu.dma_semaphore, #tpu.memory_space<semaphore_mem>>
      %dma_start3A_237 = arith.constant 0 : i32
      %dma_start3A_238 = tpu.memref_slice %arg11[%run_scoped3A_105, %dma_start3A_237] : memref<158x128xi32, #tpu.memory_space<vmem>> -> memref<1x128xi32, #tpu.memory_space<vmem>>
      %dma_start3A_239 = tpu.memref_squeeze %dma_start3A_238 : memref<1x128xi32, #tpu.memory_space<vmem>> -> memref<128xi32, #tpu.memory_space<vmem>>
      %dma_start3A_240 = arith.constant 0 : i32
      %dma_start3A_241 = arith.constant 0 : i32
      %dma_start3A_242 = tpu.memref_slice %arg9[%dma_start3A_240, %dma_start3A_241] : memref<10112x64xf32, #tpu.memory_space<vmem_shared>> -> memref<10112x64xf32, #tpu.memory_space<vmem_shared>>
      tpu.enqueue_indirect_dma source(%arg12 : memref<128x64xf32, #tpu.memory_space<vmem>>) target(%dma_start3A_242 : memref<10112x64xf32, #tpu.memory_space<vmem_shared>>) offsets(%dma_start3A_239 : memref<128xi32, #tpu.memory_space<vmem>>) semaphore(%run_scoped3A_236 : memref<!tpu.dma_semaphore, #tpu.memory_space<semaphore_mem>>) {add = true}
      %dma_wait3A_243 = arith.constant 0 : i32
      %dma_wait3A_244 = tpu.memref_slice %arg11[%run_scoped3A_105, %dma_wait3A_243] : memref<158x128xi32, #tpu.memory_space<vmem>> -> memref<1x128xi32, #tpu.memory_space<vmem>>
      %dma_wait3A_245 = tpu.memref_squeeze %dma_wait3A_244 : memref<1x128xi32, #tpu.memory_space<vmem>> -> memref<128xi32, #tpu.memory_space<vmem>>
      %dma_wait3A_246 = arith.constant 0 : i32
      %dma_wait3A_247 = arith.constant 0 : i32
      %dma_wait3A_248 = tpu.memref_slice %arg9[%dma_wait3A_246, %dma_wait3A_247] : memref<10112x64xf32, #tpu.memory_space<vmem_shared>> -> memref<10112x64xf32, #tpu.memory_space<vmem_shared>>
      tpu.wait_indirect_dma semaphore(%run_scoped3A_236 : memref<!tpu.dma_semaphore, #tpu.memory_space<semaphore_mem>>) src(%arg12 : memref<128x64xf32, #tpu.memory_space<vmem>>) dst(%dma_wait3A_248 : memref<10112x64xf32, #tpu.memory_space<vmem_shared>>)
      tpu.yield
    }) : () -> ()
    %dma_wait3A_106 = arith.constant 157 : i32
    %dma_wait3A_107 = arith.constant 0 : i32
    %dma_wait3A_108 = tpu.memref_slice %arg10[%dma_wait3A_106, %dma_wait3A_107] : memref<158x128xi32, #tpu.memory_space<vmem>> -> memref<1x128xi32, #tpu.memory_space<vmem>>
    %dma_wait3A_109 = tpu.memref_squeeze %dma_wait3A_108 : memref<1x128xi32, #tpu.memory_space<vmem>> -> memref<128xi32, #tpu.memory_space<vmem>>
    %dma_wait3A_110 = arith.constant 0 : i32
    %dma_wait3A_111 = arith.constant 0 : i32
    %dma_wait3A_112 = tpu.memref_slice %arg4[%dma_wait3A_110, %dma_wait3A_111] : memref<20224x64xf32, #tpu.memory_space<hbm>> -> memref<20224x64xf32, #tpu.memory_space<hbm>>
    tpu.wait_indirect_dma semaphore(%arg15 : memref<!tpu.dma_semaphore, #tpu.memory_space<semaphore_mem>>) src(%dma_wait3A_112 : memref<20224x64xf32, #tpu.memory_space<hbm>>) dst(%arg13 : memref<128x64xf32, #tpu.memory_space<vmem>>)
    %run_scoped3A_113 = arith.constant 157 : i32
    "tpu.region"() ({
      %run_scoped3A_236 = tpu.sem_alloc : memref<!tpu.dma_semaphore, #tpu.memory_space<semaphore_mem>>
      %dma_start3A_237 = arith.constant 0 : i32
      %dma_start3A_238 = tpu.memref_slice %arg11[%run_scoped3A_113, %dma_start3A_237] : memref<158x128xi32, #tpu.memory_space<vmem>> -> memref<1x128xi32, #tpu.memory_space<vmem>>
      %dma_start3A_239 = tpu.memref_squeeze %dma_start3A_238 : memref<1x128xi32, #tpu.memory_space<vmem>> -> memref<128xi32, #tpu.memory_space<vmem>>
      %dma_start3A_240 = arith.constant 0 : i32
      %dma_start3A_241 = arith.constant 0 : i32
      %dma_start3A_242 = tpu.memref_slice %arg9[%dma_start3A_240, %dma_start3A_241] : memref<10112x64xf32, #tpu.memory_space<vmem_shared>> -> memref<10112x64xf32, #tpu.memory_space<vmem_shared>>
      tpu.enqueue_indirect_dma source(%arg13 : memref<128x64xf32, #tpu.memory_space<vmem>>) target(%dma_start3A_242 : memref<10112x64xf32, #tpu.memory_space<vmem_shared>>) offsets(%dma_start3A_239 : memref<128xi32, #tpu.memory_space<vmem>>) semaphore(%run_scoped3A_236 : memref<!tpu.dma_semaphore, #tpu.memory_space<semaphore_mem>>) {add = true}
      %dma_wait3A_243 = arith.constant 0 : i32
      %dma_wait3A_244 = tpu.memref_slice %arg11[%run_scoped3A_113, %dma_wait3A_243] : memref<158x128xi32, #tpu.memory_space<vmem>> -> memref<1x128xi32, #tpu.memory_space<vmem>>
      %dma_wait3A_245 = tpu.memref_squeeze %dma_wait3A_244 : memref<1x128xi32, #tpu.memory_space<vmem>> -> memref<128xi32, #tpu.memory_space<vmem>>
      %dma_wait3A_246 = arith.constant 0 : i32
      %dma_wait3A_247 = arith.constant 0 : i32
      %dma_wait3A_248 = tpu.memref_slice %arg9[%dma_wait3A_246, %dma_wait3A_247] : memref<10112x64xf32, #tpu.memory_space<vmem_shared>> -> memref<10112x64xf32, #tpu.memory_space<vmem_shared>>
      tpu.wait_indirect_dma semaphore(%run_scoped3A_236 : memref<!tpu.dma_semaphore, #tpu.memory_space<semaphore_mem>>) src(%arg13 : memref<128x64xf32, #tpu.memory_space<vmem>>) dst(%dma_wait3A_248 : memref<10112x64xf32, #tpu.memory_space<vmem_shared>>)
      tpu.yield
    }) : () -> ()
    %barrier3A_114 = arith.constant 0 : index
    tpu.barrier barrier_id(%barrier3A_114)
    %run_scoped3A_115 = arith.constant 2 : i32
    "tpu.region"() ({
      %run_scoped3A_236 = tpu.sem_alloc : memref<!tpu.dma_semaphore, #tpu.memory_space<semaphore_mem>>
      %dma_start3A_237 = arith.constant 0 : i32
      %dma_start3A_238 = tpu.memref_slice %arg8[%run_scoped3A_115, %arg0, %mul3A_0, %dma_start3A_237] : memref<6x2x10112x64xf32, #tpu.memory_space<hbm>> -> memref<1x1x632x64xf32, #tpu.memory_space<hbm>>
      %dma_start3A_239 = tpu.memref_squeeze %dma_start3A_238 : memref<1x1x632x64xf32, #tpu.memory_space<hbm>> -> memref<632x64xf32, #tpu.memory_space<hbm>>
      %dma_start3A_240 = arith.constant 0 : i32
      %dma_start3A_241 = tpu.memref_slice %arg9[%mul3A_0, %dma_start3A_240] : memref<10112x64xf32, #tpu.memory_space<vmem_shared>> -> memref<632x64xf32, #tpu.memory_space<vmem_shared>>
      tpu.enqueue_dma source(%dma_start3A_241 : memref<632x64xf32, #tpu.memory_space<vmem_shared>>) target(%dma_start3A_239 : memref<632x64xf32, #tpu.memory_space<hbm>>) target_semaphore(%run_scoped3A_236 : memref<!tpu.dma_semaphore, #tpu.memory_space<semaphore_mem>>)
      %dma_wait3A_242 = arith.constant 0 : i32
      %dma_wait3A_243 = tpu.memref_slice %arg8[%run_scoped3A_115, %arg0, %mul3A_0, %dma_wait3A_242] : memref<6x2x10112x64xf32, #tpu.memory_space<hbm>> -> memref<1x1x632x64xf32, #tpu.memory_space<hbm>>
      %dma_wait3A_244 = tpu.memref_squeeze %dma_wait3A_243 : memref<1x1x632x64xf32, #tpu.memory_space<hbm>> -> memref<632x64xf32, #tpu.memory_space<hbm>>
      %dma_wait3A_245 = arith.constant 0 : i32
      %dma_wait3A_246 = tpu.memref_slice %arg9[%mul3A_0, %dma_wait3A_245] : memref<10112x64xf32, #tpu.memory_space<vmem_shared>> -> memref<632x64xf32, #tpu.memory_space<vmem_shared>>
      tpu.wait_dma2 semaphore(%run_scoped3A_236 : memref<!tpu.dma_semaphore, #tpu.memory_space<semaphore_mem>>) src(%dma_wait3A_246 : memref<632x64xf32, #tpu.memory_space<vmem_shared>>) dst(%dma_wait3A_244 : memref<632x64xf32, #tpu.memory_space<hbm>>)
      tpu.yield
    }) : () -> ()
    "tpu.region"() ({
      %run_scoped3A_236 = tpu.sem_alloc : memref<!tpu.dma_semaphore, #tpu.memory_space<semaphore_mem>>
      %dma_start3A_237 = arith.constant 0 : i32
      %dma_start3A_238 = tpu.memref_slice %arg9[%mul3A_0, %dma_start3A_237] : memref<10112x64xf32, #tpu.memory_space<vmem_shared>> -> memref<632x64xf32, #tpu.memory_space<vmem_shared>>
      %dma_start3A_239 = arith.constant 0 : i32
      %dma_start3A_240 = tpu.memref_slice %arg7[%mul3A_0, %dma_start3A_239] : memref<10112x64xf32, #tpu.memory_space<hbm>> -> memref<632x64xf32, #tpu.memory_space<hbm>>
      tpu.enqueue_dma source(%dma_start3A_240 : memref<632x64xf32, #tpu.memory_space<hbm>>) target(%dma_start3A_238 : memref<632x64xf32, #tpu.memory_space<vmem_shared>>) target_semaphore(%run_scoped3A_236 : memref<!tpu.dma_semaphore, #tpu.memory_space<semaphore_mem>>)
      %dma_wait3A_241 = arith.constant 0 : i32
      %dma_wait3A_242 = tpu.memref_slice %arg9[%mul3A_0, %dma_wait3A_241] : memref<10112x64xf32, #tpu.memory_space<vmem_shared>> -> memref<632x64xf32, #tpu.memory_space<vmem_shared>>
      %dma_wait3A_243 = arith.constant 0 : i32
      %dma_wait3A_244 = tpu.memref_slice %arg7[%mul3A_0, %dma_wait3A_243] : memref<10112x64xf32, #tpu.memory_space<hbm>> -> memref<632x64xf32, #tpu.memory_space<hbm>>
      tpu.wait_dma2 semaphore(%run_scoped3A_236 : memref<!tpu.dma_semaphore, #tpu.memory_space<semaphore_mem>>) src(%dma_wait3A_244 : memref<632x64xf32, #tpu.memory_space<hbm>>) dst(%dma_wait3A_242 : memref<632x64xf32, #tpu.memory_space<vmem_shared>>)
      tpu.yield
    }) : () -> ()
    %run_scoped3A_116 = arith.constant 3 : i32
    "tpu.region"() ({
      %run_scoped3A_236 = tpu.sem_alloc : memref<!tpu.dma_semaphore, #tpu.memory_space<semaphore_mem>>
      %dma_start3A_237 = arith.constant 0 : i32
      %dma_start3A_238 = arith.constant 0 : i32
      %dma_start3A_239 = tpu.memref_slice %arg5[%arg0, %run_scoped3A_116, %arg1, %dma_start3A_237, %dma_start3A_238] : memref<2x6x16x158x128xi32, #tpu.memory_space<hbm>> -> memref<1x1x1x158x128xi32, #tpu.memory_space<hbm>>
      %dma_start3A_240 = tpu.memref_squeeze %dma_start3A_239 : memref<1x1x1x158x128xi32, #tpu.memory_space<hbm>> -> memref<158x128xi32, #tpu.memory_space<hbm>>
      %dma_start3A_241 = arith.constant 0 : i32
      %dma_start3A_242 = arith.constant 0 : i32
      %dma_start3A_243 = tpu.memref_slice %arg5[%arg0, %run_scoped3A_116, %arg1, %dma_start3A_241, %dma_start3A_242] : memref<2x6x16x158x128xi32, #tpu.memory_space<hbm>> -> memref<1x1x1x158x128xi32, #tpu.memory_space<hbm>>
      %dma_start3A_244 = tpu.memref_squeeze %dma_start3A_243 : memref<1x1x1x158x128xi32, #tpu.memory_space<hbm>> -> memref<158x128xi32, #tpu.memory_space<hbm>>
      tpu.enqueue_dma source(%dma_start3A_244 : memref<158x128xi32, #tpu.memory_space<hbm>>) target(%arg10 : memref<158x128xi32, #tpu.memory_space<vmem>>) target_semaphore(%run_scoped3A_236 : memref<!tpu.dma_semaphore, #tpu.memory_space<semaphore_mem>>)
      %dma_wait3A_245 = arith.constant 0 : i32
      %dma_wait3A_246 = arith.constant 0 : i32
      %dma_wait3A_247 = tpu.memref_slice %arg5[%arg0, %run_scoped3A_116, %arg1, %dma_wait3A_245, %dma_wait3A_246] : memref<2x6x16x158x128xi32, #tpu.memory_space<hbm>> -> memref<1x1x1x158x128xi32, #tpu.memory_space<hbm>>
      %dma_wait3A_248 = tpu.memref_squeeze %dma_wait3A_247 : memref<1x1x1x158x128xi32, #tpu.memory_space<hbm>> -> memref<158x128xi32, #tpu.memory_space<hbm>>
      %dma_wait3A_249 = arith.constant 0 : i32
      %dma_wait3A_250 = arith.constant 0 : i32
      %dma_wait3A_251 = tpu.memref_slice %arg5[%arg0, %run_scoped3A_116, %arg1, %dma_wait3A_249, %dma_wait3A_250] : memref<2x6x16x158x128xi32, #tpu.memory_space<hbm>> -> memref<1x1x1x158x128xi32, #tpu.memory_space<hbm>>
      %dma_wait3A_252 = tpu.memref_squeeze %dma_wait3A_251 : memref<1x1x1x158x128xi32, #tpu.memory_space<hbm>> -> memref<158x128xi32, #tpu.memory_space<hbm>>
      tpu.wait_dma2 semaphore(%run_scoped3A_236 : memref<!tpu.dma_semaphore, #tpu.memory_space<semaphore_mem>>) src(%dma_wait3A_252 : memref<158x128xi32, #tpu.memory_space<hbm>>) dst(%arg10 : memref<158x128xi32, #tpu.memory_space<vmem>>)
      tpu.yield
    }) : () -> ()
    %run_scoped3A_117 = arith.constant 3 : i32
    "tpu.region"() ({
      %run_scoped3A_236 = tpu.sem_alloc : memref<!tpu.dma_semaphore, #tpu.memory_space<semaphore_mem>>
      %dma_start3A_237 = arith.constant 0 : i32
      %dma_start3A_238 = arith.constant 0 : i32
      %dma_start3A_239 = tpu.memref_slice %arg6[%run_scoped3A_117, %arg1, %dma_start3A_237, %dma_start3A_238] : memref<6x16x158x128xi32, #tpu.memory_space<hbm>> -> memref<1x1x158x128xi32, #tpu.memory_space<hbm>>
      %dma_start3A_240 = tpu.memref_squeeze %dma_start3A_239 : memref<1x1x158x128xi32, #tpu.memory_space<hbm>> -> memref<158x128xi32, #tpu.memory_space<hbm>>
      %dma_start3A_241 = arith.constant 0 : i32
      %dma_start3A_242 = arith.constant 0 : i32
      %dma_start3A_243 = tpu.memref_slice %arg6[%run_scoped3A_117, %arg1, %dma_start3A_241, %dma_start3A_242] : memref<6x16x158x128xi32, #tpu.memory_space<hbm>> -> memref<1x1x158x128xi32, #tpu.memory_space<hbm>>
      %dma_start3A_244 = tpu.memref_squeeze %dma_start3A_243 : memref<1x1x158x128xi32, #tpu.memory_space<hbm>> -> memref<158x128xi32, #tpu.memory_space<hbm>>
      tpu.enqueue_dma source(%dma_start3A_244 : memref<158x128xi32, #tpu.memory_space<hbm>>) target(%arg11 : memref<158x128xi32, #tpu.memory_space<vmem>>) target_semaphore(%run_scoped3A_236 : memref<!tpu.dma_semaphore, #tpu.memory_space<semaphore_mem>>)
      %dma_wait3A_245 = arith.constant 0 : i32
      %dma_wait3A_246 = arith.constant 0 : i32
      %dma_wait3A_247 = tpu.memref_slice %arg6[%run_scoped3A_117, %arg1, %dma_wait3A_245, %dma_wait3A_246] : memref<6x16x158x128xi32, #tpu.memory_space<hbm>> -> memref<1x1x158x128xi32, #tpu.memory_space<hbm>>
      %dma_wait3A_248 = tpu.memref_squeeze %dma_wait3A_247 : memref<1x1x158x128xi32, #tpu.memory_space<hbm>> -> memref<158x128xi32, #tpu.memory_space<hbm>>
      %dma_wait3A_249 = arith.constant 0 : i32
      %dma_wait3A_250 = arith.constant 0 : i32
      %dma_wait3A_251 = tpu.memref_slice %arg6[%run_scoped3A_117, %arg1, %dma_wait3A_249, %dma_wait3A_250] : memref<6x16x158x128xi32, #tpu.memory_space<hbm>> -> memref<1x1x158x128xi32, #tpu.memory_space<hbm>>
      %dma_wait3A_252 = tpu.memref_squeeze %dma_wait3A_251 : memref<1x1x158x128xi32, #tpu.memory_space<hbm>> -> memref<158x128xi32, #tpu.memory_space<hbm>>
      tpu.wait_dma2 semaphore(%run_scoped3A_236 : memref<!tpu.dma_semaphore, #tpu.memory_space<semaphore_mem>>) src(%dma_wait3A_252 : memref<158x128xi32, #tpu.memory_space<hbm>>) dst(%arg11 : memref<158x128xi32, #tpu.memory_space<vmem>>)
      tpu.yield
    }) : () -> ()
    %barrier3A_118 = arith.constant 0 : index
    tpu.barrier barrier_id(%barrier3A_118)
    %dma_start3A_119 = arith.constant 0 : i32
    %dma_start3A_120 = arith.constant 0 : i32
    %dma_start3A_121 = tpu.memref_slice %arg10[%dma_start3A_119, %dma_start3A_120] : memref<158x128xi32, #tpu.memory_space<vmem>> -> memref<1x128xi32, #tpu.memory_space<vmem>>
    %dma_start3A_122 = tpu.memref_squeeze %dma_start3A_121 : memref<1x128xi32, #tpu.memory_space<vmem>> -> memref<128xi32, #tpu.memory_space<vmem>>
    %dma_start3A_123 = arith.constant 0 : i32
    %dma_start3A_124 = arith.constant 0 : i32
    %dma_start3A_125 = tpu.memref_slice %arg2[%dma_start3A_123, %dma_start3A_124] : memref<20224x64xf32, #tpu.memory_space<hbm>> -> memref<20224x64xf32, #tpu.memory_space<hbm>>
    tpu.enqueue_indirect_dma source(%dma_start3A_125 : memref<20224x64xf32, #tpu.memory_space<hbm>>) target(%arg12 : memref<128x64xf32, #tpu.memory_space<vmem>>) offsets(%dma_start3A_122 : memref<128xi32, #tpu.memory_space<vmem>>) semaphore(%arg14 : memref<!tpu.dma_semaphore, #tpu.memory_space<semaphore_mem>>)
    %dma_start3A_126 = arith.constant 1 : i32
    %dma_start3A_127 = arith.constant 0 : i32
    %dma_start3A_128 = tpu.memref_slice %arg10[%dma_start3A_126, %dma_start3A_127] : memref<158x128xi32, #tpu.memory_space<vmem>> -> memref<1x128xi32, #tpu.memory_space<vmem>>
    %dma_start3A_129 = tpu.memref_squeeze %dma_start3A_128 : memref<1x128xi32, #tpu.memory_space<vmem>> -> memref<128xi32, #tpu.memory_space<vmem>>
    %dma_start3A_130 = arith.constant 0 : i32
    %dma_start3A_131 = arith.constant 0 : i32
    %dma_start3A_132 = tpu.memref_slice %arg2[%dma_start3A_130, %dma_start3A_131] : memref<20224x64xf32, #tpu.memory_space<hbm>> -> memref<20224x64xf32, #tpu.memory_space<hbm>>
    tpu.enqueue_indirect_dma source(%dma_start3A_132 : memref<20224x64xf32, #tpu.memory_space<hbm>>) target(%arg13 : memref<128x64xf32, #tpu.memory_space<vmem>>) offsets(%dma_start3A_129 : memref<128xi32, #tpu.memory_space<vmem>>) semaphore(%arg15 : memref<!tpu.dma_semaphore, #tpu.memory_space<semaphore_mem>>)
    %scan3A_133 = arith.constant 0 : i32
    %scan3A_134 = arith.constant 78 : i32
    %scan3A_135 = arith.addi %scan3A_133, %scan3A_134 : i32
    %scan3A_136 = arith.constant 1 : i32
    scf.for %scan3A_236 = %scan3A_133 to %scan3A_135 step %scan3A_136  : i32 {
      %mul3A_237 = arith.constant 2 : i32
      %mul3A_238 = arith.muli %scan3A_236, %mul3A_237 : i32
      %add3A = arith.constant 0 : i32
      %add3A_239 = arith.addi %add3A, %mul3A_238 : i32
      %dma_wait3A_240 = arith.constant 0 : i32
      %dma_wait3A_241 = tpu.memref_slice %arg10[%add3A_239, %dma_wait3A_240] : memref<158x128xi32, #tpu.memory_space<vmem>> -> memref<1x128xi32, #tpu.memory_space<vmem>>
      %dma_wait3A_242 = tpu.memref_squeeze %dma_wait3A_241 : memref<1x128xi32, #tpu.memory_space<vmem>> -> memref<128xi32, #tpu.memory_space<vmem>>
      %dma_wait3A_243 = arith.constant 0 : i32
      %dma_wait3A_244 = arith.constant 0 : i32
      %dma_wait3A_245 = tpu.memref_slice %arg2[%dma_wait3A_243, %dma_wait3A_244] : memref<20224x64xf32, #tpu.memory_space<hbm>> -> memref<20224x64xf32, #tpu.memory_space<hbm>>
      tpu.wait_indirect_dma semaphore(%arg14 : memref<!tpu.dma_semaphore, #tpu.memory_space<semaphore_mem>>) src(%dma_wait3A_245 : memref<20224x64xf32, #tpu.memory_space<hbm>>) dst(%arg12 : memref<128x64xf32, #tpu.memory_space<vmem>>)
      "tpu.region"() ({
        %run_scoped3A_272 = tpu.sem_alloc : memref<!tpu.dma_semaphore, #tpu.memory_space<semaphore_mem>>
        %dma_start3A_273 = arith.constant 0 : i32
        %dma_start3A_274 = tpu.memref_slice %arg11[%add3A_239, %dma_start3A_273] : memref<158x128xi32, #tpu.memory_space<vmem>> -> memref<1x128xi32, #tpu.memory_space<vmem>>
        %dma_start3A_275 = tpu.memref_squeeze %dma_start3A_274 : memref<1x128xi32, #tpu.memory_space<vmem>> -> memref<128xi32, #tpu.memory_space<vmem>>
        %dma_start3A_276 = arith.constant 0 : i32
        %dma_start3A_277 = arith.constant 0 : i32
        %dma_start3A_278 = tpu.memref_slice %arg9[%dma_start3A_276, %dma_start3A_277] : memref<10112x64xf32, #tpu.memory_space<vmem_shared>> -> memref<10112x64xf32, #tpu.memory_space<vmem_shared>>
        tpu.enqueue_indirect_dma source(%arg12 : memref<128x64xf32, #tpu.memory_space<vmem>>) target(%dma_start3A_278 : memref<10112x64xf32, #tpu.memory_space<vmem_shared>>) offsets(%dma_start3A_275 : memref<128xi32, #tpu.memory_space<vmem>>) semaphore(%run_scoped3A_272 : memref<!tpu.dma_semaphore, #tpu.memory_space<semaphore_mem>>) {add = true}
        %dma_wait3A_279 = arith.constant 0 : i32
        %dma_wait3A_280 = tpu.memref_slice %arg11[%add3A_239, %dma_wait3A_279] : memref<158x128xi32, #tpu.memory_space<vmem>> -> memref<1x128xi32, #tpu.memory_space<vmem>>
        %dma_wait3A_281 = tpu.memref_squeeze %dma_wait3A_280 : memref<1x128xi32, #tpu.memory_space<vmem>> -> memref<128xi32, #tpu.memory_space<vmem>>
        %dma_wait3A_282 = arith.constant 0 : i32
        %dma_wait3A_283 = arith.constant 0 : i32
        %dma_wait3A_284 = tpu.memref_slice %arg9[%dma_wait3A_282, %dma_wait3A_283] : memref<10112x64xf32, #tpu.memory_space<vmem_shared>> -> memref<10112x64xf32, #tpu.memory_space<vmem_shared>>
        tpu.wait_indirect_dma semaphore(%run_scoped3A_272 : memref<!tpu.dma_semaphore, #tpu.memory_space<semaphore_mem>>) src(%arg12 : memref<128x64xf32, #tpu.memory_space<vmem>>) dst(%dma_wait3A_284 : memref<10112x64xf32, #tpu.memory_space<vmem_shared>>)
        tpu.yield
      }) : () -> ()
      %add3A_246 = arith.constant 2 : i32
      %add3A_247 = arith.addi %add3A_239, %add3A_246 : i32
      %dma_start3A_248 = arith.constant 0 : i32
      %dma_start3A_249 = tpu.memref_slice %arg10[%add3A_247, %dma_start3A_248] : memref<158x128xi32, #tpu.memory_space<vmem>> -> memref<1x128xi32, #tpu.memory_space<vmem>>
      %dma_start3A_250 = tpu.memref_squeeze %dma_start3A_249 : memref<1x128xi32, #tpu.memory_space<vmem>> -> memref<128xi32, #tpu.memory_space<vmem>>
      %dma_start3A_251 = arith.constant 0 : i32
      %dma_start3A_252 = arith.constant 0 : i32
      %dma_start3A_253 = tpu.memref_slice %arg2[%dma_start3A_251, %dma_start3A_252] : memref<20224x64xf32, #tpu.memory_space<hbm>> -> memref<20224x64xf32, #tpu.memory_space<hbm>>
      tpu.enqueue_indirect_dma source(%dma_start3A_253 : memref<20224x64xf32, #tpu.memory_space<hbm>>) target(%arg12 : memref<128x64xf32, #tpu.memory_space<vmem>>) offsets(%dma_start3A_250 : memref<128xi32, #tpu.memory_space<vmem>>) semaphore(%arg14 : memref<!tpu.dma_semaphore, #tpu.memory_space<semaphore_mem>>)
      %add3A_254 = arith.constant 1 : i32
      %add3A_255 = arith.addi %add3A_239, %add3A_254 : i32
      %dma_wait3A_256 = arith.constant 0 : i32
      %dma_wait3A_257 = tpu.memref_slice %arg10[%add3A_255, %dma_wait3A_256] : memref<158x128xi32, #tpu.memory_space<vmem>> -> memref<1x128xi32, #tpu.memory_space<vmem>>
      %dma_wait3A_258 = tpu.memref_squeeze %dma_wait3A_257 : memref<1x128xi32, #tpu.memory_space<vmem>> -> memref<128xi32, #tpu.memory_space<vmem>>
      %dma_wait3A_259 = arith.constant 0 : i32
      %dma_wait3A_260 = arith.constant 0 : i32
      %dma_wait3A_261 = tpu.memref_slice %arg2[%dma_wait3A_259, %dma_wait3A_260] : memref<20224x64xf32, #tpu.memory_space<hbm>> -> memref<20224x64xf32, #tpu.memory_space<hbm>>
      tpu.wait_indirect_dma semaphore(%arg15 : memref<!tpu.dma_semaphore, #tpu.memory_space<semaphore_mem>>) src(%dma_wait3A_261 : memref<20224x64xf32, #tpu.memory_space<hbm>>) dst(%arg13 : memref<128x64xf32, #tpu.memory_space<vmem>>)
      %add3A_262 = arith.constant 1 : i32
      %add3A_263 = arith.addi %add3A_239, %add3A_262 : i32
      "tpu.region"() ({
        %run_scoped3A_272 = tpu.sem_alloc : memref<!tpu.dma_semaphore, #tpu.memory_space<semaphore_mem>>
        %dma_start3A_273 = arith.constant 0 : i32
        %dma_start3A_274 = tpu.memref_slice %arg11[%add3A_263, %dma_start3A_273] : memref<158x128xi32, #tpu.memory_space<vmem>> -> memref<1x128xi32, #tpu.memory_space<vmem>>
        %dma_start3A_275 = tpu.memref_squeeze %dma_start3A_274 : memref<1x128xi32, #tpu.memory_space<vmem>> -> memref<128xi32, #tpu.memory_space<vmem>>
        %dma_start3A_276 = arith.constant 0 : i32
        %dma_start3A_277 = arith.constant 0 : i32
        %dma_start3A_278 = tpu.memref_slice %arg9[%dma_start3A_276, %dma_start3A_277] : memref<10112x64xf32, #tpu.memory_space<vmem_shared>> -> memref<10112x64xf32, #tpu.memory_space<vmem_shared>>
        tpu.enqueue_indirect_dma source(%arg13 : memref<128x64xf32, #tpu.memory_space<vmem>>) target(%dma_start3A_278 : memref<10112x64xf32, #tpu.memory_space<vmem_shared>>) offsets(%dma_start3A_275 : memref<128xi32, #tpu.memory_space<vmem>>) semaphore(%run_scoped3A_272 : memref<!tpu.dma_semaphore, #tpu.memory_space<semaphore_mem>>) {add = true}
        %dma_wait3A_279 = arith.constant 0 : i32
        %dma_wait3A_280 = tpu.memref_slice %arg11[%add3A_263, %dma_wait3A_279] : memref<158x128xi32, #tpu.memory_space<vmem>> -> memref<1x128xi32, #tpu.memory_space<vmem>>
        %dma_wait3A_281 = tpu.memref_squeeze %dma_wait3A_280 : memref<1x128xi32, #tpu.memory_space<vmem>> -> memref<128xi32, #tpu.memory_space<vmem>>
        %dma_wait3A_282 = arith.constant 0 : i32
        %dma_wait3A_283 = arith.constant 0 : i32
        %dma_wait3A_284 = tpu.memref_slice %arg9[%dma_wait3A_282, %dma_wait3A_283] : memref<10112x64xf32, #tpu.memory_space<vmem_shared>> -> memref<10112x64xf32, #tpu.memory_space<vmem_shared>>
        tpu.wait_indirect_dma semaphore(%run_scoped3A_272 : memref<!tpu.dma_semaphore, #tpu.memory_space<semaphore_mem>>) src(%arg13 : memref<128x64xf32, #tpu.memory_space<vmem>>) dst(%dma_wait3A_284 : memref<10112x64xf32, #tpu.memory_space<vmem_shared>>)
        tpu.yield
      }) : () -> ()
      %add3A_264 = arith.constant 3 : i32
      %add3A_265 = arith.addi %add3A_239, %add3A_264 : i32
      %dma_start3A_266 = arith.constant 0 : i32
      %dma_start3A_267 = tpu.memref_slice %arg10[%add3A_265, %dma_start3A_266] : memref<158x128xi32, #tpu.memory_space<vmem>> -> memref<1x128xi32, #tpu.memory_space<vmem>>
      %dma_start3A_268 = tpu.memref_squeeze %dma_start3A_267 : memref<1x128xi32, #tpu.memory_space<vmem>> -> memref<128xi32, #tpu.memory_space<vmem>>
      %dma_start3A_269 = arith.constant 0 : i32
      %dma_start3A_270 = arith.constant 0 : i32
      %dma_start3A_271 = tpu.memref_slice %arg2[%dma_start3A_269, %dma_start3A_270] : memref<20224x64xf32, #tpu.memory_space<hbm>> -> memref<20224x64xf32, #tpu.memory_space<hbm>>
      tpu.enqueue_indirect_dma source(%dma_start3A_271 : memref<20224x64xf32, #tpu.memory_space<hbm>>) target(%arg13 : memref<128x64xf32, #tpu.memory_space<vmem>>) offsets(%dma_start3A_268 : memref<128xi32, #tpu.memory_space<vmem>>) semaphore(%arg15 : memref<!tpu.dma_semaphore, #tpu.memory_space<semaphore_mem>>)
    }
    %scan3A_137 = arith.constant 78 : i32
    %dma_wait3A_138 = arith.constant 156 : i32
    %dma_wait3A_139 = arith.constant 0 : i32
    %dma_wait3A_140 = tpu.memref_slice %arg10[%dma_wait3A_138, %dma_wait3A_139] : memref<158x128xi32, #tpu.memory_space<vmem>> -> memref<1x128xi32, #tpu.memory_space<vmem>>
    %dma_wait3A_141 = tpu.memref_squeeze %dma_wait3A_140 : memref<1x128xi32, #tpu.memory_space<vmem>> -> memref<128xi32, #tpu.memory_space<vmem>>
    %dma_wait3A_142 = arith.constant 0 : i32
    %dma_wait3A_143 = arith.constant 0 : i32
    %dma_wait3A_144 = tpu.memref_slice %arg2[%dma_wait3A_142, %dma_wait3A_143] : memref<20224x64xf32, #tpu.memory_space<hbm>> -> memref<20224x64xf32, #tpu.memory_space<hbm>>
    tpu.wait_indirect_dma semaphore(%arg14 : memref<!tpu.dma_semaphore, #tpu.memory_space<semaphore_mem>>) src(%dma_wait3A_144 : memref<20224x64xf32, #tpu.memory_space<hbm>>) dst(%arg12 : memref<128x64xf32, #tpu.memory_space<vmem>>)
    %run_scoped3A_145 = arith.constant 156 : i32
    "tpu.region"() ({
      %run_scoped3A_236 = tpu.sem_alloc : memref<!tpu.dma_semaphore, #tpu.memory_space<semaphore_mem>>
      %dma_start3A_237 = arith.constant 0 : i32
      %dma_start3A_238 = tpu.memref_slice %arg11[%run_scoped3A_145, %dma_start3A_237] : memref<158x128xi32, #tpu.memory_space<vmem>> -> memref<1x128xi32, #tpu.memory_space<vmem>>
      %dma_start3A_239 = tpu.memref_squeeze %dma_start3A_238 : memref<1x128xi32, #tpu.memory_space<vmem>> -> memref<128xi32, #tpu.memory_space<vmem>>
      %dma_start3A_240 = arith.constant 0 : i32
      %dma_start3A_241 = arith.constant 0 : i32
      %dma_start3A_242 = tpu.memref_slice %arg9[%dma_start3A_240, %dma_start3A_241] : memref<10112x64xf32, #tpu.memory_space<vmem_shared>> -> memref<10112x64xf32, #tpu.memory_space<vmem_shared>>
      tpu.enqueue_indirect_dma source(%arg12 : memref<128x64xf32, #tpu.memory_space<vmem>>) target(%dma_start3A_242 : memref<10112x64xf32, #tpu.memory_space<vmem_shared>>) offsets(%dma_start3A_239 : memref<128xi32, #tpu.memory_space<vmem>>) semaphore(%run_scoped3A_236 : memref<!tpu.dma_semaphore, #tpu.memory_space<semaphore_mem>>) {add = true}
      %dma_wait3A_243 = arith.constant 0 : i32
      %dma_wait3A_244 = tpu.memref_slice %arg11[%run_scoped3A_145, %dma_wait3A_243] : memref<158x128xi32, #tpu.memory_space<vmem>> -> memref<1x128xi32, #tpu.memory_space<vmem>>
      %dma_wait3A_245 = tpu.memref_squeeze %dma_wait3A_244 : memref<1x128xi32, #tpu.memory_space<vmem>> -> memref<128xi32, #tpu.memory_space<vmem>>
      %dma_wait3A_246 = arith.constant 0 : i32
      %dma_wait3A_247 = arith.constant 0 : i32
      %dma_wait3A_248 = tpu.memref_slice %arg9[%dma_wait3A_246, %dma_wait3A_247] : memref<10112x64xf32, #tpu.memory_space<vmem_shared>> -> memref<10112x64xf32, #tpu.memory_space<vmem_shared>>
      tpu.wait_indirect_dma semaphore(%run_scoped3A_236 : memref<!tpu.dma_semaphore, #tpu.memory_space<semaphore_mem>>) src(%arg12 : memref<128x64xf32, #tpu.memory_space<vmem>>) dst(%dma_wait3A_248 : memref<10112x64xf32, #tpu.memory_space<vmem_shared>>)
      tpu.yield
    }) : () -> ()
    %dma_wait3A_146 = arith.constant 157 : i32
    %dma_wait3A_147 = arith.constant 0 : i32
    %dma_wait3A_148 = tpu.memref_slice %arg10[%dma_wait3A_146, %dma_wait3A_147] : memref<158x128xi32, #tpu.memory_space<vmem>> -> memref<1x128xi32, #tpu.memory_space<vmem>>
    %dma_wait3A_149 = tpu.memref_squeeze %dma_wait3A_148 : memref<1x128xi32, #tpu.memory_space<vmem>> -> memref<128xi32, #tpu.memory_space<vmem>>
    %dma_wait3A_150 = arith.constant 0 : i32
    %dma_wait3A_151 = arith.constant 0 : i32
    %dma_wait3A_152 = tpu.memref_slice %arg2[%dma_wait3A_150, %dma_wait3A_151] : memref<20224x64xf32, #tpu.memory_space<hbm>> -> memref<20224x64xf32, #tpu.memory_space<hbm>>
    tpu.wait_indirect_dma semaphore(%arg15 : memref<!tpu.dma_semaphore, #tpu.memory_space<semaphore_mem>>) src(%dma_wait3A_152 : memref<20224x64xf32, #tpu.memory_space<hbm>>) dst(%arg13 : memref<128x64xf32, #tpu.memory_space<vmem>>)
    %run_scoped3A_153 = arith.constant 157 : i32
    "tpu.region"() ({
      %run_scoped3A_236 = tpu.sem_alloc : memref<!tpu.dma_semaphore, #tpu.memory_space<semaphore_mem>>
      %dma_start3A_237 = arith.constant 0 : i32
      %dma_start3A_238 = tpu.memref_slice %arg11[%run_scoped3A_153, %dma_start3A_237] : memref<158x128xi32, #tpu.memory_space<vmem>> -> memref<1x128xi32, #tpu.memory_space<vmem>>
      %dma_start3A_239 = tpu.memref_squeeze %dma_start3A_238 : memref<1x128xi32, #tpu.memory_space<vmem>> -> memref<128xi32, #tpu.memory_space<vmem>>
      %dma_start3A_240 = arith.constant 0 : i32
      %dma_start3A_241 = arith.constant 0 : i32
      %dma_start3A_242 = tpu.memref_slice %arg9[%dma_start3A_240, %dma_start3A_241] : memref<10112x64xf32, #tpu.memory_space<vmem_shared>> -> memref<10112x64xf32, #tpu.memory_space<vmem_shared>>
      tpu.enqueue_indirect_dma source(%arg13 : memref<128x64xf32, #tpu.memory_space<vmem>>) target(%dma_start3A_242 : memref<10112x64xf32, #tpu.memory_space<vmem_shared>>) offsets(%dma_start3A_239 : memref<128xi32, #tpu.memory_space<vmem>>) semaphore(%run_scoped3A_236 : memref<!tpu.dma_semaphore, #tpu.memory_space<semaphore_mem>>) {add = true}
      %dma_wait3A_243 = arith.constant 0 : i32
      %dma_wait3A_244 = tpu.memref_slice %arg11[%run_scoped3A_153, %dma_wait3A_243] : memref<158x128xi32, #tpu.memory_space<vmem>> -> memref<1x128xi32, #tpu.memory_space<vmem>>
      %dma_wait3A_245 = tpu.memref_squeeze %dma_wait3A_244 : memref<1x128xi32, #tpu.memory_space<vmem>> -> memref<128xi32, #tpu.memory_space<vmem>>
      %dma_wait3A_246 = arith.constant 0 : i32
      %dma_wait3A_247 = arith.constant 0 : i32
      %dma_wait3A_248 = tpu.memref_slice %arg9[%dma_wait3A_246, %dma_wait3A_247] : memref<10112x64xf32, #tpu.memory_space<vmem_shared>> -> memref<10112x64xf32, #tpu.memory_space<vmem_shared>>
      tpu.wait_indirect_dma semaphore(%run_scoped3A_236 : memref<!tpu.dma_semaphore, #tpu.memory_space<semaphore_mem>>) src(%arg13 : memref<128x64xf32, #tpu.memory_space<vmem>>) dst(%dma_wait3A_248 : memref<10112x64xf32, #tpu.memory_space<vmem_shared>>)
      tpu.yield
    }) : () -> ()
    %barrier3A_154 = arith.constant 0 : index
    tpu.barrier barrier_id(%barrier3A_154)
    %run_scoped3A_155 = arith.constant 3 : i32
    "tpu.region"() ({
      %run_scoped3A_236 = tpu.sem_alloc : memref<!tpu.dma_semaphore, #tpu.memory_space<semaphore_mem>>
      %dma_start3A_237 = arith.constant 0 : i32
      %dma_start3A_238 = tpu.memref_slice %arg8[%run_scoped3A_155, %arg0, %mul3A_0, %dma_start3A_237] : memref<6x2x10112x64xf32, #tpu.memory_space<hbm>> -> memref<1x1x632x64xf32, #tpu.memory_space<hbm>>
      %dma_start3A_239 = tpu.memref_squeeze %dma_start3A_238 : memref<1x1x632x64xf32, #tpu.memory_space<hbm>> -> memref<632x64xf32, #tpu.memory_space<hbm>>
      %dma_start3A_240 = arith.constant 0 : i32
      %dma_start3A_241 = tpu.memref_slice %arg9[%mul3A_0, %dma_start3A_240] : memref<10112x64xf32, #tpu.memory_space<vmem_shared>> -> memref<632x64xf32, #tpu.memory_space<vmem_shared>>
      tpu.enqueue_dma source(%dma_start3A_241 : memref<632x64xf32, #tpu.memory_space<vmem_shared>>) target(%dma_start3A_239 : memref<632x64xf32, #tpu.memory_space<hbm>>) target_semaphore(%run_scoped3A_236 : memref<!tpu.dma_semaphore, #tpu.memory_space<semaphore_mem>>)
      %dma_wait3A_242 = arith.constant 0 : i32
      %dma_wait3A_243 = tpu.memref_slice %arg8[%run_scoped3A_155, %arg0, %mul3A_0, %dma_wait3A_242] : memref<6x2x10112x64xf32, #tpu.memory_space<hbm>> -> memref<1x1x632x64xf32, #tpu.memory_space<hbm>>
      %dma_wait3A_244 = tpu.memref_squeeze %dma_wait3A_243 : memref<1x1x632x64xf32, #tpu.memory_space<hbm>> -> memref<632x64xf32, #tpu.memory_space<hbm>>
      %dma_wait3A_245 = arith.constant 0 : i32
      %dma_wait3A_246 = tpu.memref_slice %arg9[%mul3A_0, %dma_wait3A_245] : memref<10112x64xf32, #tpu.memory_space<vmem_shared>> -> memref<632x64xf32, #tpu.memory_space<vmem_shared>>
      tpu.wait_dma2 semaphore(%run_scoped3A_236 : memref<!tpu.dma_semaphore, #tpu.memory_space<semaphore_mem>>) src(%dma_wait3A_246 : memref<632x64xf32, #tpu.memory_space<vmem_shared>>) dst(%dma_wait3A_244 : memref<632x64xf32, #tpu.memory_space<hbm>>)
      tpu.yield
    }) : () -> ()
    "tpu.region"() ({
      %run_scoped3A_236 = tpu.sem_alloc : memref<!tpu.dma_semaphore, #tpu.memory_space<semaphore_mem>>
      %dma_start3A_237 = arith.constant 0 : i32
      %dma_start3A_238 = tpu.memref_slice %arg9[%mul3A_0, %dma_start3A_237] : memref<10112x64xf32, #tpu.memory_space<vmem_shared>> -> memref<632x64xf32, #tpu.memory_space<vmem_shared>>
      %dma_start3A_239 = arith.constant 0 : i32
      %dma_start3A_240 = tpu.memref_slice %arg7[%mul3A_0, %dma_start3A_239] : memref<10112x64xf32, #tpu.memory_space<hbm>> -> memref<632x64xf32, #tpu.memory_space<hbm>>
      tpu.enqueue_dma source(%dma_start3A_240 : memref<632x64xf32, #tpu.memory_space<hbm>>) target(%dma_start3A_238 : memref<632x64xf32, #tpu.memory_space<vmem_shared>>) target_semaphore(%run_scoped3A_236 : memref<!tpu.dma_semaphore, #tpu.memory_space<semaphore_mem>>)
      %dma_wait3A_241 = arith.constant 0 : i32
      %dma_wait3A_242 = tpu.memref_slice %arg9[%mul3A_0, %dma_wait3A_241] : memref<10112x64xf32, #tpu.memory_space<vmem_shared>> -> memref<632x64xf32, #tpu.memory_space<vmem_shared>>
      %dma_wait3A_243 = arith.constant 0 : i32
      %dma_wait3A_244 = tpu.memref_slice %arg7[%mul3A_0, %dma_wait3A_243] : memref<10112x64xf32, #tpu.memory_space<hbm>> -> memref<632x64xf32, #tpu.memory_space<hbm>>
      tpu.wait_dma2 semaphore(%run_scoped3A_236 : memref<!tpu.dma_semaphore, #tpu.memory_space<semaphore_mem>>) src(%dma_wait3A_244 : memref<632x64xf32, #tpu.memory_space<hbm>>) dst(%dma_wait3A_242 : memref<632x64xf32, #tpu.memory_space<vmem_shared>>)
      tpu.yield
    }) : () -> ()
    %run_scoped3A_156 = arith.constant 4 : i32
    "tpu.region"() ({
      %run_scoped3A_236 = tpu.sem_alloc : memref<!tpu.dma_semaphore, #tpu.memory_space<semaphore_mem>>
      %dma_start3A_237 = arith.constant 0 : i32
      %dma_start3A_238 = arith.constant 0 : i32
      %dma_start3A_239 = tpu.memref_slice %arg5[%arg0, %run_scoped3A_156, %arg1, %dma_start3A_237, %dma_start3A_238] : memref<2x6x16x158x128xi32, #tpu.memory_space<hbm>> -> memref<1x1x1x158x128xi32, #tpu.memory_space<hbm>>
      %dma_start3A_240 = tpu.memref_squeeze %dma_start3A_239 : memref<1x1x1x158x128xi32, #tpu.memory_space<hbm>> -> memref<158x128xi32, #tpu.memory_space<hbm>>
      %dma_start3A_241 = arith.constant 0 : i32
      %dma_start3A_242 = arith.constant 0 : i32
      %dma_start3A_243 = tpu.memref_slice %arg5[%arg0, %run_scoped3A_156, %arg1, %dma_start3A_241, %dma_start3A_242] : memref<2x6x16x158x128xi32, #tpu.memory_space<hbm>> -> memref<1x1x1x158x128xi32, #tpu.memory_space<hbm>>
      %dma_start3A_244 = tpu.memref_squeeze %dma_start3A_243 : memref<1x1x1x158x128xi32, #tpu.memory_space<hbm>> -> memref<158x128xi32, #tpu.memory_space<hbm>>
      tpu.enqueue_dma source(%dma_start3A_244 : memref<158x128xi32, #tpu.memory_space<hbm>>) target(%arg10 : memref<158x128xi32, #tpu.memory_space<vmem>>) target_semaphore(%run_scoped3A_236 : memref<!tpu.dma_semaphore, #tpu.memory_space<semaphore_mem>>)
      %dma_wait3A_245 = arith.constant 0 : i32
      %dma_wait3A_246 = arith.constant 0 : i32
      %dma_wait3A_247 = tpu.memref_slice %arg5[%arg0, %run_scoped3A_156, %arg1, %dma_wait3A_245, %dma_wait3A_246] : memref<2x6x16x158x128xi32, #tpu.memory_space<hbm>> -> memref<1x1x1x158x128xi32, #tpu.memory_space<hbm>>
      %dma_wait3A_248 = tpu.memref_squeeze %dma_wait3A_247 : memref<1x1x1x158x128xi32, #tpu.memory_space<hbm>> -> memref<158x128xi32, #tpu.memory_space<hbm>>
      %dma_wait3A_249 = arith.constant 0 : i32
      %dma_wait3A_250 = arith.constant 0 : i32
      %dma_wait3A_251 = tpu.memref_slice %arg5[%arg0, %run_scoped3A_156, %arg1, %dma_wait3A_249, %dma_wait3A_250] : memref<2x6x16x158x128xi32, #tpu.memory_space<hbm>> -> memref<1x1x1x158x128xi32, #tpu.memory_space<hbm>>
      %dma_wait3A_252 = tpu.memref_squeeze %dma_wait3A_251 : memref<1x1x1x158x128xi32, #tpu.memory_space<hbm>> -> memref<158x128xi32, #tpu.memory_space<hbm>>
      tpu.wait_dma2 semaphore(%run_scoped3A_236 : memref<!tpu.dma_semaphore, #tpu.memory_space<semaphore_mem>>) src(%dma_wait3A_252 : memref<158x128xi32, #tpu.memory_space<hbm>>) dst(%arg10 : memref<158x128xi32, #tpu.memory_space<vmem>>)
      tpu.yield
    }) : () -> ()
    %run_scoped3A_157 = arith.constant 4 : i32
    "tpu.region"() ({
      %run_scoped3A_236 = tpu.sem_alloc : memref<!tpu.dma_semaphore, #tpu.memory_space<semaphore_mem>>
      %dma_start3A_237 = arith.constant 0 : i32
      %dma_start3A_238 = arith.constant 0 : i32
      %dma_start3A_239 = tpu.memref_slice %arg6[%run_scoped3A_157, %arg1, %dma_start3A_237, %dma_start3A_238] : memref<6x16x158x128xi32, #tpu.memory_space<hbm>> -> memref<1x1x158x128xi32, #tpu.memory_space<hbm>>
      %dma_start3A_240 = tpu.memref_squeeze %dma_start3A_239 : memref<1x1x158x128xi32, #tpu.memory_space<hbm>> -> memref<158x128xi32, #tpu.memory_space<hbm>>
      %dma_start3A_241 = arith.constant 0 : i32
      %dma_start3A_242 = arith.constant 0 : i32
      %dma_start3A_243 = tpu.memref_slice %arg6[%run_scoped3A_157, %arg1, %dma_start3A_241, %dma_start3A_242] : memref<6x16x158x128xi32, #tpu.memory_space<hbm>> -> memref<1x1x158x128xi32, #tpu.memory_space<hbm>>
      %dma_start3A_244 = tpu.memref_squeeze %dma_start3A_243 : memref<1x1x158x128xi32, #tpu.memory_space<hbm>> -> memref<158x128xi32, #tpu.memory_space<hbm>>
      tpu.enqueue_dma source(%dma_start3A_244 : memref<158x128xi32, #tpu.memory_space<hbm>>) target(%arg11 : memref<158x128xi32, #tpu.memory_space<vmem>>) target_semaphore(%run_scoped3A_236 : memref<!tpu.dma_semaphore, #tpu.memory_space<semaphore_mem>>)
      %dma_wait3A_245 = arith.constant 0 : i32
      %dma_wait3A_246 = arith.constant 0 : i32
      %dma_wait3A_247 = tpu.memref_slice %arg6[%run_scoped3A_157, %arg1, %dma_wait3A_245, %dma_wait3A_246] : memref<6x16x158x128xi32, #tpu.memory_space<hbm>> -> memref<1x1x158x128xi32, #tpu.memory_space<hbm>>
      %dma_wait3A_248 = tpu.memref_squeeze %dma_wait3A_247 : memref<1x1x158x128xi32, #tpu.memory_space<hbm>> -> memref<158x128xi32, #tpu.memory_space<hbm>>
      %dma_wait3A_249 = arith.constant 0 : i32
      %dma_wait3A_250 = arith.constant 0 : i32
      %dma_wait3A_251 = tpu.memref_slice %arg6[%run_scoped3A_157, %arg1, %dma_wait3A_249, %dma_wait3A_250] : memref<6x16x158x128xi32, #tpu.memory_space<hbm>> -> memref<1x1x158x128xi32, #tpu.memory_space<hbm>>
      %dma_wait3A_252 = tpu.memref_squeeze %dma_wait3A_251 : memref<1x1x158x128xi32, #tpu.memory_space<hbm>> -> memref<158x128xi32, #tpu.memory_space<hbm>>
      tpu.wait_dma2 semaphore(%run_scoped3A_236 : memref<!tpu.dma_semaphore, #tpu.memory_space<semaphore_mem>>) src(%dma_wait3A_252 : memref<158x128xi32, #tpu.memory_space<hbm>>) dst(%arg11 : memref<158x128xi32, #tpu.memory_space<vmem>>)
      tpu.yield
    }) : () -> ()
    %barrier3A_158 = arith.constant 0 : index
    tpu.barrier barrier_id(%barrier3A_158)
    %dma_start3A_159 = arith.constant 0 : i32
    %dma_start3A_160 = arith.constant 0 : i32
    %dma_start3A_161 = tpu.memref_slice %arg10[%dma_start3A_159, %dma_start3A_160] : memref<158x128xi32, #tpu.memory_space<vmem>> -> memref<1x128xi32, #tpu.memory_space<vmem>>
    %dma_start3A_162 = tpu.memref_squeeze %dma_start3A_161 : memref<1x128xi32, #tpu.memory_space<vmem>> -> memref<128xi32, #tpu.memory_space<vmem>>
    %dma_start3A_163 = arith.constant 0 : i32
    %dma_start3A_164 = arith.constant 0 : i32
    %dma_start3A_165 = tpu.memref_slice %arg2[%dma_start3A_163, %dma_start3A_164] : memref<20224x64xf32, #tpu.memory_space<hbm>> -> memref<20224x64xf32, #tpu.memory_space<hbm>>
    tpu.enqueue_indirect_dma source(%dma_start3A_165 : memref<20224x64xf32, #tpu.memory_space<hbm>>) target(%arg12 : memref<128x64xf32, #tpu.memory_space<vmem>>) offsets(%dma_start3A_162 : memref<128xi32, #tpu.memory_space<vmem>>) semaphore(%arg14 : memref<!tpu.dma_semaphore, #tpu.memory_space<semaphore_mem>>)
    %dma_start3A_166 = arith.constant 1 : i32
    %dma_start3A_167 = arith.constant 0 : i32
    %dma_start3A_168 = tpu.memref_slice %arg10[%dma_start3A_166, %dma_start3A_167] : memref<158x128xi32, #tpu.memory_space<vmem>> -> memref<1x128xi32, #tpu.memory_space<vmem>>
    %dma_start3A_169 = tpu.memref_squeeze %dma_start3A_168 : memref<1x128xi32, #tpu.memory_space<vmem>> -> memref<128xi32, #tpu.memory_space<vmem>>
    %dma_start3A_170 = arith.constant 0 : i32
    %dma_start3A_171 = arith.constant 0 : i32
    %dma_start3A_172 = tpu.memref_slice %arg2[%dma_start3A_170, %dma_start3A_171] : memref<20224x64xf32, #tpu.memory_space<hbm>> -> memref<20224x64xf32, #tpu.memory_space<hbm>>
    tpu.enqueue_indirect_dma source(%dma_start3A_172 : memref<20224x64xf32, #tpu.memory_space<hbm>>) target(%arg13 : memref<128x64xf32, #tpu.memory_space<vmem>>) offsets(%dma_start3A_169 : memref<128xi32, #tpu.memory_space<vmem>>) semaphore(%arg15 : memref<!tpu.dma_semaphore, #tpu.memory_space<semaphore_mem>>)
    %scan3A_173 = arith.constant 0 : i32
    %scan3A_174 = arith.constant 78 : i32
    %scan3A_175 = arith.addi %scan3A_173, %scan3A_174 : i32
    %scan3A_176 = arith.constant 1 : i32
    scf.for %scan3A_236 = %scan3A_173 to %scan3A_175 step %scan3A_176  : i32 {
      %mul3A_237 = arith.constant 2 : i32
      %mul3A_238 = arith.muli %scan3A_236, %mul3A_237 : i32
      %add3A = arith.constant 0 : i32
      %add3A_239 = arith.addi %add3A, %mul3A_238 : i32
      %dma_wait3A_240 = arith.constant 0 : i32
      %dma_wait3A_241 = tpu.memref_slice %arg10[%add3A_239, %dma_wait3A_240] : memref<158x128xi32, #tpu.memory_space<vmem>> -> memref<1x128xi32, #tpu.memory_space<vmem>>
      %dma_wait3A_242 = tpu.memref_squeeze %dma_wait3A_241 : memref<1x128xi32, #tpu.memory_space<vmem>> -> memref<128xi32, #tpu.memory_space<vmem>>
      %dma_wait3A_243 = arith.constant 0 : i32
      %dma_wait3A_244 = arith.constant 0 : i32
      %dma_wait3A_245 = tpu.memref_slice %arg2[%dma_wait3A_243, %dma_wait3A_244] : memref<20224x64xf32, #tpu.memory_space<hbm>> -> memref<20224x64xf32, #tpu.memory_space<hbm>>
      tpu.wait_indirect_dma semaphore(%arg14 : memref<!tpu.dma_semaphore, #tpu.memory_space<semaphore_mem>>) src(%dma_wait3A_245 : memref<20224x64xf32, #tpu.memory_space<hbm>>) dst(%arg12 : memref<128x64xf32, #tpu.memory_space<vmem>>)
      "tpu.region"() ({
        %run_scoped3A_272 = tpu.sem_alloc : memref<!tpu.dma_semaphore, #tpu.memory_space<semaphore_mem>>
        %dma_start3A_273 = arith.constant 0 : i32
        %dma_start3A_274 = tpu.memref_slice %arg11[%add3A_239, %dma_start3A_273] : memref<158x128xi32, #tpu.memory_space<vmem>> -> memref<1x128xi32, #tpu.memory_space<vmem>>
        %dma_start3A_275 = tpu.memref_squeeze %dma_start3A_274 : memref<1x128xi32, #tpu.memory_space<vmem>> -> memref<128xi32, #tpu.memory_space<vmem>>
        %dma_start3A_276 = arith.constant 0 : i32
        %dma_start3A_277 = arith.constant 0 : i32
        %dma_start3A_278 = tpu.memref_slice %arg9[%dma_start3A_276, %dma_start3A_277] : memref<10112x64xf32, #tpu.memory_space<vmem_shared>> -> memref<10112x64xf32, #tpu.memory_space<vmem_shared>>
        tpu.enqueue_indirect_dma source(%arg12 : memref<128x64xf32, #tpu.memory_space<vmem>>) target(%dma_start3A_278 : memref<10112x64xf32, #tpu.memory_space<vmem_shared>>) offsets(%dma_start3A_275 : memref<128xi32, #tpu.memory_space<vmem>>) semaphore(%run_scoped3A_272 : memref<!tpu.dma_semaphore, #tpu.memory_space<semaphore_mem>>) {add = true}
        %dma_wait3A_279 = arith.constant 0 : i32
        %dma_wait3A_280 = tpu.memref_slice %arg11[%add3A_239, %dma_wait3A_279] : memref<158x128xi32, #tpu.memory_space<vmem>> -> memref<1x128xi32, #tpu.memory_space<vmem>>
        %dma_wait3A_281 = tpu.memref_squeeze %dma_wait3A_280 : memref<1x128xi32, #tpu.memory_space<vmem>> -> memref<128xi32, #tpu.memory_space<vmem>>
        %dma_wait3A_282 = arith.constant 0 : i32
        %dma_wait3A_283 = arith.constant 0 : i32
        %dma_wait3A_284 = tpu.memref_slice %arg9[%dma_wait3A_282, %dma_wait3A_283] : memref<10112x64xf32, #tpu.memory_space<vmem_shared>> -> memref<10112x64xf32, #tpu.memory_space<vmem_shared>>
        tpu.wait_indirect_dma semaphore(%run_scoped3A_272 : memref<!tpu.dma_semaphore, #tpu.memory_space<semaphore_mem>>) src(%arg12 : memref<128x64xf32, #tpu.memory_space<vmem>>) dst(%dma_wait3A_284 : memref<10112x64xf32, #tpu.memory_space<vmem_shared>>)
        tpu.yield
      }) : () -> ()
      %add3A_246 = arith.constant 2 : i32
      %add3A_247 = arith.addi %add3A_239, %add3A_246 : i32
      %dma_start3A_248 = arith.constant 0 : i32
      %dma_start3A_249 = tpu.memref_slice %arg10[%add3A_247, %dma_start3A_248] : memref<158x128xi32, #tpu.memory_space<vmem>> -> memref<1x128xi32, #tpu.memory_space<vmem>>
      %dma_start3A_250 = tpu.memref_squeeze %dma_start3A_249 : memref<1x128xi32, #tpu.memory_space<vmem>> -> memref<128xi32, #tpu.memory_space<vmem>>
      %dma_start3A_251 = arith.constant 0 : i32
      %dma_start3A_252 = arith.constant 0 : i32
      %dma_start3A_253 = tpu.memref_slice %arg2[%dma_start3A_251, %dma_start3A_252] : memref<20224x64xf32, #tpu.memory_space<hbm>> -> memref<20224x64xf32, #tpu.memory_space<hbm>>
      tpu.enqueue_indirect_dma source(%dma_start3A_253 : memref<20224x64xf32, #tpu.memory_space<hbm>>) target(%arg12 : memref<128x64xf32, #tpu.memory_space<vmem>>) offsets(%dma_start3A_250 : memref<128xi32, #tpu.memory_space<vmem>>) semaphore(%arg14 : memref<!tpu.dma_semaphore, #tpu.memory_space<semaphore_mem>>)
      %add3A_254 = arith.constant 1 : i32
      %add3A_255 = arith.addi %add3A_239, %add3A_254 : i32
      %dma_wait3A_256 = arith.constant 0 : i32
      %dma_wait3A_257 = tpu.memref_slice %arg10[%add3A_255, %dma_wait3A_256] : memref<158x128xi32, #tpu.memory_space<vmem>> -> memref<1x128xi32, #tpu.memory_space<vmem>>
      %dma_wait3A_258 = tpu.memref_squeeze %dma_wait3A_257 : memref<1x128xi32, #tpu.memory_space<vmem>> -> memref<128xi32, #tpu.memory_space<vmem>>
      %dma_wait3A_259 = arith.constant 0 : i32
      %dma_wait3A_260 = arith.constant 0 : i32
      %dma_wait3A_261 = tpu.memref_slice %arg2[%dma_wait3A_259, %dma_wait3A_260] : memref<20224x64xf32, #tpu.memory_space<hbm>> -> memref<20224x64xf32, #tpu.memory_space<hbm>>
      tpu.wait_indirect_dma semaphore(%arg15 : memref<!tpu.dma_semaphore, #tpu.memory_space<semaphore_mem>>) src(%dma_wait3A_261 : memref<20224x64xf32, #tpu.memory_space<hbm>>) dst(%arg13 : memref<128x64xf32, #tpu.memory_space<vmem>>)
      %add3A_262 = arith.constant 1 : i32
      %add3A_263 = arith.addi %add3A_239, %add3A_262 : i32
      "tpu.region"() ({
        %run_scoped3A_272 = tpu.sem_alloc : memref<!tpu.dma_semaphore, #tpu.memory_space<semaphore_mem>>
        %dma_start3A_273 = arith.constant 0 : i32
        %dma_start3A_274 = tpu.memref_slice %arg11[%add3A_263, %dma_start3A_273] : memref<158x128xi32, #tpu.memory_space<vmem>> -> memref<1x128xi32, #tpu.memory_space<vmem>>
        %dma_start3A_275 = tpu.memref_squeeze %dma_start3A_274 : memref<1x128xi32, #tpu.memory_space<vmem>> -> memref<128xi32, #tpu.memory_space<vmem>>
        %dma_start3A_276 = arith.constant 0 : i32
        %dma_start3A_277 = arith.constant 0 : i32
        %dma_start3A_278 = tpu.memref_slice %arg9[%dma_start3A_276, %dma_start3A_277] : memref<10112x64xf32, #tpu.memory_space<vmem_shared>> -> memref<10112x64xf32, #tpu.memory_space<vmem_shared>>
        tpu.enqueue_indirect_dma source(%arg13 : memref<128x64xf32, #tpu.memory_space<vmem>>) target(%dma_start3A_278 : memref<10112x64xf32, #tpu.memory_space<vmem_shared>>) offsets(%dma_start3A_275 : memref<128xi32, #tpu.memory_space<vmem>>) semaphore(%run_scoped3A_272 : memref<!tpu.dma_semaphore, #tpu.memory_space<semaphore_mem>>) {add = true}
        %dma_wait3A_279 = arith.constant 0 : i32
        %dma_wait3A_280 = tpu.memref_slice %arg11[%add3A_263, %dma_wait3A_279] : memref<158x128xi32, #tpu.memory_space<vmem>> -> memref<1x128xi32, #tpu.memory_space<vmem>>
        %dma_wait3A_281 = tpu.memref_squeeze %dma_wait3A_280 : memref<1x128xi32, #tpu.memory_space<vmem>> -> memref<128xi32, #tpu.memory_space<vmem>>
        %dma_wait3A_282 = arith.constant 0 : i32
        %dma_wait3A_283 = arith.constant 0 : i32
        %dma_wait3A_284 = tpu.memref_slice %arg9[%dma_wait3A_282, %dma_wait3A_283] : memref<10112x64xf32, #tpu.memory_space<vmem_shared>> -> memref<10112x64xf32, #tpu.memory_space<vmem_shared>>
        tpu.wait_indirect_dma semaphore(%run_scoped3A_272 : memref<!tpu.dma_semaphore, #tpu.memory_space<semaphore_mem>>) src(%arg13 : memref<128x64xf32, #tpu.memory_space<vmem>>) dst(%dma_wait3A_284 : memref<10112x64xf32, #tpu.memory_space<vmem_shared>>)
        tpu.yield
      }) : () -> ()
      %add3A_264 = arith.constant 3 : i32
      %add3A_265 = arith.addi %add3A_239, %add3A_264 : i32
      %dma_start3A_266 = arith.constant 0 : i32
      %dma_start3A_267 = tpu.memref_slice %arg10[%add3A_265, %dma_start3A_266] : memref<158x128xi32, #tpu.memory_space<vmem>> -> memref<1x128xi32, #tpu.memory_space<vmem>>
      %dma_start3A_268 = tpu.memref_squeeze %dma_start3A_267 : memref<1x128xi32, #tpu.memory_space<vmem>> -> memref<128xi32, #tpu.memory_space<vmem>>
      %dma_start3A_269 = arith.constant 0 : i32
      %dma_start3A_270 = arith.constant 0 : i32
      %dma_start3A_271 = tpu.memref_slice %arg2[%dma_start3A_269, %dma_start3A_270] : memref<20224x64xf32, #tpu.memory_space<hbm>> -> memref<20224x64xf32, #tpu.memory_space<hbm>>
      tpu.enqueue_indirect_dma source(%dma_start3A_271 : memref<20224x64xf32, #tpu.memory_space<hbm>>) target(%arg13 : memref<128x64xf32, #tpu.memory_space<vmem>>) offsets(%dma_start3A_268 : memref<128xi32, #tpu.memory_space<vmem>>) semaphore(%arg15 : memref<!tpu.dma_semaphore, #tpu.memory_space<semaphore_mem>>)
    }
    %scan3A_177 = arith.constant 78 : i32
    %dma_wait3A_178 = arith.constant 156 : i32
    %dma_wait3A_179 = arith.constant 0 : i32
    %dma_wait3A_180 = tpu.memref_slice %arg10[%dma_wait3A_178, %dma_wait3A_179] : memref<158x128xi32, #tpu.memory_space<vmem>> -> memref<1x128xi32, #tpu.memory_space<vmem>>
    %dma_wait3A_181 = tpu.memref_squeeze %dma_wait3A_180 : memref<1x128xi32, #tpu.memory_space<vmem>> -> memref<128xi32, #tpu.memory_space<vmem>>
    %dma_wait3A_182 = arith.constant 0 : i32
    %dma_wait3A_183 = arith.constant 0 : i32
    %dma_wait3A_184 = tpu.memref_slice %arg2[%dma_wait3A_182, %dma_wait3A_183] : memref<20224x64xf32, #tpu.memory_space<hbm>> -> memref<20224x64xf32, #tpu.memory_space<hbm>>
    tpu.wait_indirect_dma semaphore(%arg14 : memref<!tpu.dma_semaphore, #tpu.memory_space<semaphore_mem>>) src(%dma_wait3A_184 : memref<20224x64xf32, #tpu.memory_space<hbm>>) dst(%arg12 : memref<128x64xf32, #tpu.memory_space<vmem>>)
    %run_scoped3A_185 = arith.constant 156 : i32
    "tpu.region"() ({
      %run_scoped3A_236 = tpu.sem_alloc : memref<!tpu.dma_semaphore, #tpu.memory_space<semaphore_mem>>
      %dma_start3A_237 = arith.constant 0 : i32
      %dma_start3A_238 = tpu.memref_slice %arg11[%run_scoped3A_185, %dma_start3A_237] : memref<158x128xi32, #tpu.memory_space<vmem>> -> memref<1x128xi32, #tpu.memory_space<vmem>>
      %dma_start3A_239 = tpu.memref_squeeze %dma_start3A_238 : memref<1x128xi32, #tpu.memory_space<vmem>> -> memref<128xi32, #tpu.memory_space<vmem>>
      %dma_start3A_240 = arith.constant 0 : i32
      %dma_start3A_241 = arith.constant 0 : i32
      %dma_start3A_242 = tpu.memref_slice %arg9[%dma_start3A_240, %dma_start3A_241] : memref<10112x64xf32, #tpu.memory_space<vmem_shared>> -> memref<10112x64xf32, #tpu.memory_space<vmem_shared>>
      tpu.enqueue_indirect_dma source(%arg12 : memref<128x64xf32, #tpu.memory_space<vmem>>) target(%dma_start3A_242 : memref<10112x64xf32, #tpu.memory_space<vmem_shared>>) offsets(%dma_start3A_239 : memref<128xi32, #tpu.memory_space<vmem>>) semaphore(%run_scoped3A_236 : memref<!tpu.dma_semaphore, #tpu.memory_space<semaphore_mem>>) {add = true}
      %dma_wait3A_243 = arith.constant 0 : i32
      %dma_wait3A_244 = tpu.memref_slice %arg11[%run_scoped3A_185, %dma_wait3A_243] : memref<158x128xi32, #tpu.memory_space<vmem>> -> memref<1x128xi32, #tpu.memory_space<vmem>>
      %dma_wait3A_245 = tpu.memref_squeeze %dma_wait3A_244 : memref<1x128xi32, #tpu.memory_space<vmem>> -> memref<128xi32, #tpu.memory_space<vmem>>
      %dma_wait3A_246 = arith.constant 0 : i32
      %dma_wait3A_247 = arith.constant 0 : i32
      %dma_wait3A_248 = tpu.memref_slice %arg9[%dma_wait3A_246, %dma_wait3A_247] : memref<10112x64xf32, #tpu.memory_space<vmem_shared>> -> memref<10112x64xf32, #tpu.memory_space<vmem_shared>>
      tpu.wait_indirect_dma semaphore(%run_scoped3A_236 : memref<!tpu.dma_semaphore, #tpu.memory_space<semaphore_mem>>) src(%arg12 : memref<128x64xf32, #tpu.memory_space<vmem>>) dst(%dma_wait3A_248 : memref<10112x64xf32, #tpu.memory_space<vmem_shared>>)
      tpu.yield
    }) : () -> ()
    %dma_wait3A_186 = arith.constant 157 : i32
    %dma_wait3A_187 = arith.constant 0 : i32
    %dma_wait3A_188 = tpu.memref_slice %arg10[%dma_wait3A_186, %dma_wait3A_187] : memref<158x128xi32, #tpu.memory_space<vmem>> -> memref<1x128xi32, #tpu.memory_space<vmem>>
    %dma_wait3A_189 = tpu.memref_squeeze %dma_wait3A_188 : memref<1x128xi32, #tpu.memory_space<vmem>> -> memref<128xi32, #tpu.memory_space<vmem>>
    %dma_wait3A_190 = arith.constant 0 : i32
    %dma_wait3A_191 = arith.constant 0 : i32
    %dma_wait3A_192 = tpu.memref_slice %arg2[%dma_wait3A_190, %dma_wait3A_191] : memref<20224x64xf32, #tpu.memory_space<hbm>> -> memref<20224x64xf32, #tpu.memory_space<hbm>>
    tpu.wait_indirect_dma semaphore(%arg15 : memref<!tpu.dma_semaphore, #tpu.memory_space<semaphore_mem>>) src(%dma_wait3A_192 : memref<20224x64xf32, #tpu.memory_space<hbm>>) dst(%arg13 : memref<128x64xf32, #tpu.memory_space<vmem>>)
    %run_scoped3A_193 = arith.constant 157 : i32
    "tpu.region"() ({
      %run_scoped3A_236 = tpu.sem_alloc : memref<!tpu.dma_semaphore, #tpu.memory_space<semaphore_mem>>
      %dma_start3A_237 = arith.constant 0 : i32
      %dma_start3A_238 = tpu.memref_slice %arg11[%run_scoped3A_193, %dma_start3A_237] : memref<158x128xi32, #tpu.memory_space<vmem>> -> memref<1x128xi32, #tpu.memory_space<vmem>>
      %dma_start3A_239 = tpu.memref_squeeze %dma_start3A_238 : memref<1x128xi32, #tpu.memory_space<vmem>> -> memref<128xi32, #tpu.memory_space<vmem>>
      %dma_start3A_240 = arith.constant 0 : i32
      %dma_start3A_241 = arith.constant 0 : i32
      %dma_start3A_242 = tpu.memref_slice %arg9[%dma_start3A_240, %dma_start3A_241] : memref<10112x64xf32, #tpu.memory_space<vmem_shared>> -> memref<10112x64xf32, #tpu.memory_space<vmem_shared>>
      tpu.enqueue_indirect_dma source(%arg13 : memref<128x64xf32, #tpu.memory_space<vmem>>) target(%dma_start3A_242 : memref<10112x64xf32, #tpu.memory_space<vmem_shared>>) offsets(%dma_start3A_239 : memref<128xi32, #tpu.memory_space<vmem>>) semaphore(%run_scoped3A_236 : memref<!tpu.dma_semaphore, #tpu.memory_space<semaphore_mem>>) {add = true}
      %dma_wait3A_243 = arith.constant 0 : i32
      %dma_wait3A_244 = tpu.memref_slice %arg11[%run_scoped3A_193, %dma_wait3A_243] : memref<158x128xi32, #tpu.memory_space<vmem>> -> memref<1x128xi32, #tpu.memory_space<vmem>>
      %dma_wait3A_245 = tpu.memref_squeeze %dma_wait3A_244 : memref<1x128xi32, #tpu.memory_space<vmem>> -> memref<128xi32, #tpu.memory_space<vmem>>
      %dma_wait3A_246 = arith.constant 0 : i32
      %dma_wait3A_247 = arith.constant 0 : i32
      %dma_wait3A_248 = tpu.memref_slice %arg9[%dma_wait3A_246, %dma_wait3A_247] : memref<10112x64xf32, #tpu.memory_space<vmem_shared>> -> memref<10112x64xf32, #tpu.memory_space<vmem_shared>>
      tpu.wait_indirect_dma semaphore(%run_scoped3A_236 : memref<!tpu.dma_semaphore, #tpu.memory_space<semaphore_mem>>) src(%arg13 : memref<128x64xf32, #tpu.memory_space<vmem>>) dst(%dma_wait3A_248 : memref<10112x64xf32, #tpu.memory_space<vmem_shared>>)
      tpu.yield
    }) : () -> ()
    %barrier3A_194 = arith.constant 0 : index
    tpu.barrier barrier_id(%barrier3A_194)
    %run_scoped3A_195 = arith.constant 4 : i32
    "tpu.region"() ({
      %run_scoped3A_236 = tpu.sem_alloc : memref<!tpu.dma_semaphore, #tpu.memory_space<semaphore_mem>>
      %dma_start3A_237 = arith.constant 0 : i32
      %dma_start3A_238 = tpu.memref_slice %arg8[%run_scoped3A_195, %arg0, %mul3A_0, %dma_start3A_237] : memref<6x2x10112x64xf32, #tpu.memory_space<hbm>> -> memref<1x1x632x64xf32, #tpu.memory_space<hbm>>
      %dma_start3A_239 = tpu.memref_squeeze %dma_start3A_238 : memref<1x1x632x64xf32, #tpu.memory_space<hbm>> -> memref<632x64xf32, #tpu.memory_space<hbm>>
      %dma_start3A_240 = arith.constant 0 : i32
      %dma_start3A_241 = tpu.memref_slice %arg9[%mul3A_0, %dma_start3A_240] : memref<10112x64xf32, #tpu.memory_space<vmem_shared>> -> memref<632x64xf32, #tpu.memory_space<vmem_shared>>
      tpu.enqueue_dma source(%dma_start3A_241 : memref<632x64xf32, #tpu.memory_space<vmem_shared>>) target(%dma_start3A_239 : memref<632x64xf32, #tpu.memory_space<hbm>>) target_semaphore(%run_scoped3A_236 : memref<!tpu.dma_semaphore, #tpu.memory_space<semaphore_mem>>)
      %dma_wait3A_242 = arith.constant 0 : i32
      %dma_wait3A_243 = tpu.memref_slice %arg8[%run_scoped3A_195, %arg0, %mul3A_0, %dma_wait3A_242] : memref<6x2x10112x64xf32, #tpu.memory_space<hbm>> -> memref<1x1x632x64xf32, #tpu.memory_space<hbm>>
      %dma_wait3A_244 = tpu.memref_squeeze %dma_wait3A_243 : memref<1x1x632x64xf32, #tpu.memory_space<hbm>> -> memref<632x64xf32, #tpu.memory_space<hbm>>
      %dma_wait3A_245 = arith.constant 0 : i32
      %dma_wait3A_246 = tpu.memref_slice %arg9[%mul3A_0, %dma_wait3A_245] : memref<10112x64xf32, #tpu.memory_space<vmem_shared>> -> memref<632x64xf32, #tpu.memory_space<vmem_shared>>
      tpu.wait_dma2 semaphore(%run_scoped3A_236 : memref<!tpu.dma_semaphore, #tpu.memory_space<semaphore_mem>>) src(%dma_wait3A_246 : memref<632x64xf32, #tpu.memory_space<vmem_shared>>) dst(%dma_wait3A_244 : memref<632x64xf32, #tpu.memory_space<hbm>>)
      tpu.yield
    }) : () -> ()
    "tpu.region"() ({
      %run_scoped3A_236 = tpu.sem_alloc : memref<!tpu.dma_semaphore, #tpu.memory_space<semaphore_mem>>
      %dma_start3A_237 = arith.constant 0 : i32
      %dma_start3A_238 = tpu.memref_slice %arg9[%mul3A_0, %dma_start3A_237] : memref<10112x64xf32, #tpu.memory_space<vmem_shared>> -> memref<632x64xf32, #tpu.memory_space<vmem_shared>>
      %dma_start3A_239 = arith.constant 0 : i32
      %dma_start3A_240 = tpu.memref_slice %arg7[%mul3A_0, %dma_start3A_239] : memref<10112x64xf32, #tpu.memory_space<hbm>> -> memref<632x64xf32, #tpu.memory_space<hbm>>
      tpu.enqueue_dma source(%dma_start3A_240 : memref<632x64xf32, #tpu.memory_space<hbm>>) target(%dma_start3A_238 : memref<632x64xf32, #tpu.memory_space<vmem_shared>>) target_semaphore(%run_scoped3A_236 : memref<!tpu.dma_semaphore, #tpu.memory_space<semaphore_mem>>)
      %dma_wait3A_241 = arith.constant 0 : i32
      %dma_wait3A_242 = tpu.memref_slice %arg9[%mul3A_0, %dma_wait3A_241] : memref<10112x64xf32, #tpu.memory_space<vmem_shared>> -> memref<632x64xf32, #tpu.memory_space<vmem_shared>>
      %dma_wait3A_243 = arith.constant 0 : i32
      %dma_wait3A_244 = tpu.memref_slice %arg7[%mul3A_0, %dma_wait3A_243] : memref<10112x64xf32, #tpu.memory_space<hbm>> -> memref<632x64xf32, #tpu.memory_space<hbm>>
      tpu.wait_dma2 semaphore(%run_scoped3A_236 : memref<!tpu.dma_semaphore, #tpu.memory_space<semaphore_mem>>) src(%dma_wait3A_244 : memref<632x64xf32, #tpu.memory_space<hbm>>) dst(%dma_wait3A_242 : memref<632x64xf32, #tpu.memory_space<vmem_shared>>)
      tpu.yield
    }) : () -> ()
    %run_scoped3A_196 = arith.constant 5 : i32
    "tpu.region"() ({
      %run_scoped3A_236 = tpu.sem_alloc : memref<!tpu.dma_semaphore, #tpu.memory_space<semaphore_mem>>
      %dma_start3A_237 = arith.constant 0 : i32
      %dma_start3A_238 = arith.constant 0 : i32
      %dma_start3A_239 = tpu.memref_slice %arg5[%arg0, %run_scoped3A_196, %arg1, %dma_start3A_237, %dma_start3A_238] : memref<2x6x16x158x128xi32, #tpu.memory_space<hbm>> -> memref<1x1x1x158x128xi32, #tpu.memory_space<hbm>>
      %dma_start3A_240 = tpu.memref_squeeze %dma_start3A_239 : memref<1x1x1x158x128xi32, #tpu.memory_space<hbm>> -> memref<158x128xi32, #tpu.memory_space<hbm>>
      %dma_start3A_241 = arith.constant 0 : i32
      %dma_start3A_242 = arith.constant 0 : i32
      %dma_start3A_243 = tpu.memref_slice %arg5[%arg0, %run_scoped3A_196, %arg1, %dma_start3A_241, %dma_start3A_242] : memref<2x6x16x158x128xi32, #tpu.memory_space<hbm>> -> memref<1x1x1x158x128xi32, #tpu.memory_space<hbm>>
      %dma_start3A_244 = tpu.memref_squeeze %dma_start3A_243 : memref<1x1x1x158x128xi32, #tpu.memory_space<hbm>> -> memref<158x128xi32, #tpu.memory_space<hbm>>
      tpu.enqueue_dma source(%dma_start3A_244 : memref<158x128xi32, #tpu.memory_space<hbm>>) target(%arg10 : memref<158x128xi32, #tpu.memory_space<vmem>>) target_semaphore(%run_scoped3A_236 : memref<!tpu.dma_semaphore, #tpu.memory_space<semaphore_mem>>)
      %dma_wait3A_245 = arith.constant 0 : i32
      %dma_wait3A_246 = arith.constant 0 : i32
      %dma_wait3A_247 = tpu.memref_slice %arg5[%arg0, %run_scoped3A_196, %arg1, %dma_wait3A_245, %dma_wait3A_246] : memref<2x6x16x158x128xi32, #tpu.memory_space<hbm>> -> memref<1x1x1x158x128xi32, #tpu.memory_space<hbm>>
      %dma_wait3A_248 = tpu.memref_squeeze %dma_wait3A_247 : memref<1x1x1x158x128xi32, #tpu.memory_space<hbm>> -> memref<158x128xi32, #tpu.memory_space<hbm>>
      %dma_wait3A_249 = arith.constant 0 : i32
      %dma_wait3A_250 = arith.constant 0 : i32
      %dma_wait3A_251 = tpu.memref_slice %arg5[%arg0, %run_scoped3A_196, %arg1, %dma_wait3A_249, %dma_wait3A_250] : memref<2x6x16x158x128xi32, #tpu.memory_space<hbm>> -> memref<1x1x1x158x128xi32, #tpu.memory_space<hbm>>
      %dma_wait3A_252 = tpu.memref_squeeze %dma_wait3A_251 : memref<1x1x1x158x128xi32, #tpu.memory_space<hbm>> -> memref<158x128xi32, #tpu.memory_space<hbm>>
      tpu.wait_dma2 semaphore(%run_scoped3A_236 : memref<!tpu.dma_semaphore, #tpu.memory_space<semaphore_mem>>) src(%dma_wait3A_252 : memref<158x128xi32, #tpu.memory_space<hbm>>) dst(%arg10 : memref<158x128xi32, #tpu.memory_space<vmem>>)
      tpu.yield
    }) : () -> ()
    %run_scoped3A_197 = arith.constant 5 : i32
    "tpu.region"() ({
      %run_scoped3A_236 = tpu.sem_alloc : memref<!tpu.dma_semaphore, #tpu.memory_space<semaphore_mem>>
      %dma_start3A_237 = arith.constant 0 : i32
      %dma_start3A_238 = arith.constant 0 : i32
      %dma_start3A_239 = tpu.memref_slice %arg6[%run_scoped3A_197, %arg1, %dma_start3A_237, %dma_start3A_238] : memref<6x16x158x128xi32, #tpu.memory_space<hbm>> -> memref<1x1x158x128xi32, #tpu.memory_space<hbm>>
      %dma_start3A_240 = tpu.memref_squeeze %dma_start3A_239 : memref<1x1x158x128xi32, #tpu.memory_space<hbm>> -> memref<158x128xi32, #tpu.memory_space<hbm>>
      %dma_start3A_241 = arith.constant 0 : i32
      %dma_start3A_242 = arith.constant 0 : i32
      %dma_start3A_243 = tpu.memref_slice %arg6[%run_scoped3A_197, %arg1, %dma_start3A_241, %dma_start3A_242] : memref<6x16x158x128xi32, #tpu.memory_space<hbm>> -> memref<1x1x158x128xi32, #tpu.memory_space<hbm>>
      %dma_start3A_244 = tpu.memref_squeeze %dma_start3A_243 : memref<1x1x158x128xi32, #tpu.memory_space<hbm>> -> memref<158x128xi32, #tpu.memory_space<hbm>>
      tpu.enqueue_dma source(%dma_start3A_244 : memref<158x128xi32, #tpu.memory_space<hbm>>) target(%arg11 : memref<158x128xi32, #tpu.memory_space<vmem>>) target_semaphore(%run_scoped3A_236 : memref<!tpu.dma_semaphore, #tpu.memory_space<semaphore_mem>>)
      %dma_wait3A_245 = arith.constant 0 : i32
      %dma_wait3A_246 = arith.constant 0 : i32
      %dma_wait3A_247 = tpu.memref_slice %arg6[%run_scoped3A_197, %arg1, %dma_wait3A_245, %dma_wait3A_246] : memref<6x16x158x128xi32, #tpu.memory_space<hbm>> -> memref<1x1x158x128xi32, #tpu.memory_space<hbm>>
      %dma_wait3A_248 = tpu.memref_squeeze %dma_wait3A_247 : memref<1x1x158x128xi32, #tpu.memory_space<hbm>> -> memref<158x128xi32, #tpu.memory_space<hbm>>
      %dma_wait3A_249 = arith.constant 0 : i32
      %dma_wait3A_250 = arith.constant 0 : i32
      %dma_wait3A_251 = tpu.memref_slice %arg6[%run_scoped3A_197, %arg1, %dma_wait3A_249, %dma_wait3A_250] : memref<6x16x158x128xi32, #tpu.memory_space<hbm>> -> memref<1x1x158x128xi32, #tpu.memory_space<hbm>>
      %dma_wait3A_252 = tpu.memref_squeeze %dma_wait3A_251 : memref<1x1x158x128xi32, #tpu.memory_space<hbm>> -> memref<158x128xi32, #tpu.memory_space<hbm>>
      tpu.wait_dma2 semaphore(%run_scoped3A_236 : memref<!tpu.dma_semaphore, #tpu.memory_space<semaphore_mem>>) src(%dma_wait3A_252 : memref<158x128xi32, #tpu.memory_space<hbm>>) dst(%arg11 : memref<158x128xi32, #tpu.memory_space<vmem>>)
      tpu.yield
    }) : () -> ()
    %barrier3A_198 = arith.constant 0 : index
    tpu.barrier barrier_id(%barrier3A_198)
    %dma_start3A_199 = arith.constant 0 : i32
    %dma_start3A_200 = arith.constant 0 : i32
    %dma_start3A_201 = tpu.memref_slice %arg10[%dma_start3A_199, %dma_start3A_200] : memref<158x128xi32, #tpu.memory_space<vmem>> -> memref<1x128xi32, #tpu.memory_space<vmem>>
    %dma_start3A_202 = tpu.memref_squeeze %dma_start3A_201 : memref<1x128xi32, #tpu.memory_space<vmem>> -> memref<128xi32, #tpu.memory_space<vmem>>
    %dma_start3A_203 = arith.constant 0 : i32
    %dma_start3A_204 = arith.constant 0 : i32
    %dma_start3A_205 = tpu.memref_slice %arg3[%dma_start3A_203, %dma_start3A_204] : memref<20224x64xf32, #tpu.memory_space<hbm>> -> memref<20224x64xf32, #tpu.memory_space<hbm>>
    tpu.enqueue_indirect_dma source(%dma_start3A_205 : memref<20224x64xf32, #tpu.memory_space<hbm>>) target(%arg12 : memref<128x64xf32, #tpu.memory_space<vmem>>) offsets(%dma_start3A_202 : memref<128xi32, #tpu.memory_space<vmem>>) semaphore(%arg14 : memref<!tpu.dma_semaphore, #tpu.memory_space<semaphore_mem>>)
    %dma_start3A_206 = arith.constant 1 : i32
    %dma_start3A_207 = arith.constant 0 : i32
    %dma_start3A_208 = tpu.memref_slice %arg10[%dma_start3A_206, %dma_start3A_207] : memref<158x128xi32, #tpu.memory_space<vmem>> -> memref<1x128xi32, #tpu.memory_space<vmem>>
    %dma_start3A_209 = tpu.memref_squeeze %dma_start3A_208 : memref<1x128xi32, #tpu.memory_space<vmem>> -> memref<128xi32, #tpu.memory_space<vmem>>
    %dma_start3A_210 = arith.constant 0 : i32
    %dma_start3A_211 = arith.constant 0 : i32
    %dma_start3A_212 = tpu.memref_slice %arg3[%dma_start3A_210, %dma_start3A_211] : memref<20224x64xf32, #tpu.memory_space<hbm>> -> memref<20224x64xf32, #tpu.memory_space<hbm>>
    tpu.enqueue_indirect_dma source(%dma_start3A_212 : memref<20224x64xf32, #tpu.memory_space<hbm>>) target(%arg13 : memref<128x64xf32, #tpu.memory_space<vmem>>) offsets(%dma_start3A_209 : memref<128xi32, #tpu.memory_space<vmem>>) semaphore(%arg15 : memref<!tpu.dma_semaphore, #tpu.memory_space<semaphore_mem>>)
    %scan3A_213 = arith.constant 0 : i32
    %scan3A_214 = arith.constant 78 : i32
    %scan3A_215 = arith.addi %scan3A_213, %scan3A_214 : i32
    %scan3A_216 = arith.constant 1 : i32
    scf.for %scan3A_236 = %scan3A_213 to %scan3A_215 step %scan3A_216  : i32 {
      %mul3A_237 = arith.constant 2 : i32
      %mul3A_238 = arith.muli %scan3A_236, %mul3A_237 : i32
      %add3A = arith.constant 0 : i32
      %add3A_239 = arith.addi %add3A, %mul3A_238 : i32
      %dma_wait3A_240 = arith.constant 0 : i32
      %dma_wait3A_241 = tpu.memref_slice %arg10[%add3A_239, %dma_wait3A_240] : memref<158x128xi32, #tpu.memory_space<vmem>> -> memref<1x128xi32, #tpu.memory_space<vmem>>
      %dma_wait3A_242 = tpu.memref_squeeze %dma_wait3A_241 : memref<1x128xi32, #tpu.memory_space<vmem>> -> memref<128xi32, #tpu.memory_space<vmem>>
      %dma_wait3A_243 = arith.constant 0 : i32
      %dma_wait3A_244 = arith.constant 0 : i32
      %dma_wait3A_245 = tpu.memref_slice %arg3[%dma_wait3A_243, %dma_wait3A_244] : memref<20224x64xf32, #tpu.memory_space<hbm>> -> memref<20224x64xf32, #tpu.memory_space<hbm>>
      tpu.wait_indirect_dma semaphore(%arg14 : memref<!tpu.dma_semaphore, #tpu.memory_space<semaphore_mem>>) src(%dma_wait3A_245 : memref<20224x64xf32, #tpu.memory_space<hbm>>) dst(%arg12 : memref<128x64xf32, #tpu.memory_space<vmem>>)
      "tpu.region"() ({
        %run_scoped3A_272 = tpu.sem_alloc : memref<!tpu.dma_semaphore, #tpu.memory_space<semaphore_mem>>
        %dma_start3A_273 = arith.constant 0 : i32
        %dma_start3A_274 = tpu.memref_slice %arg11[%add3A_239, %dma_start3A_273] : memref<158x128xi32, #tpu.memory_space<vmem>> -> memref<1x128xi32, #tpu.memory_space<vmem>>
        %dma_start3A_275 = tpu.memref_squeeze %dma_start3A_274 : memref<1x128xi32, #tpu.memory_space<vmem>> -> memref<128xi32, #tpu.memory_space<vmem>>
        %dma_start3A_276 = arith.constant 0 : i32
        %dma_start3A_277 = arith.constant 0 : i32
        %dma_start3A_278 = tpu.memref_slice %arg9[%dma_start3A_276, %dma_start3A_277] : memref<10112x64xf32, #tpu.memory_space<vmem_shared>> -> memref<10112x64xf32, #tpu.memory_space<vmem_shared>>
        tpu.enqueue_indirect_dma source(%arg12 : memref<128x64xf32, #tpu.memory_space<vmem>>) target(%dma_start3A_278 : memref<10112x64xf32, #tpu.memory_space<vmem_shared>>) offsets(%dma_start3A_275 : memref<128xi32, #tpu.memory_space<vmem>>) semaphore(%run_scoped3A_272 : memref<!tpu.dma_semaphore, #tpu.memory_space<semaphore_mem>>) {add = true}
        %dma_wait3A_279 = arith.constant 0 : i32
        %dma_wait3A_280 = tpu.memref_slice %arg11[%add3A_239, %dma_wait3A_279] : memref<158x128xi32, #tpu.memory_space<vmem>> -> memref<1x128xi32, #tpu.memory_space<vmem>>
        %dma_wait3A_281 = tpu.memref_squeeze %dma_wait3A_280 : memref<1x128xi32, #tpu.memory_space<vmem>> -> memref<128xi32, #tpu.memory_space<vmem>>
        %dma_wait3A_282 = arith.constant 0 : i32
        %dma_wait3A_283 = arith.constant 0 : i32
        %dma_wait3A_284 = tpu.memref_slice %arg9[%dma_wait3A_282, %dma_wait3A_283] : memref<10112x64xf32, #tpu.memory_space<vmem_shared>> -> memref<10112x64xf32, #tpu.memory_space<vmem_shared>>
        tpu.wait_indirect_dma semaphore(%run_scoped3A_272 : memref<!tpu.dma_semaphore, #tpu.memory_space<semaphore_mem>>) src(%arg12 : memref<128x64xf32, #tpu.memory_space<vmem>>) dst(%dma_wait3A_284 : memref<10112x64xf32, #tpu.memory_space<vmem_shared>>)
        tpu.yield
      }) : () -> ()
      %add3A_246 = arith.constant 2 : i32
      %add3A_247 = arith.addi %add3A_239, %add3A_246 : i32
      %dma_start3A_248 = arith.constant 0 : i32
      %dma_start3A_249 = tpu.memref_slice %arg10[%add3A_247, %dma_start3A_248] : memref<158x128xi32, #tpu.memory_space<vmem>> -> memref<1x128xi32, #tpu.memory_space<vmem>>
      %dma_start3A_250 = tpu.memref_squeeze %dma_start3A_249 : memref<1x128xi32, #tpu.memory_space<vmem>> -> memref<128xi32, #tpu.memory_space<vmem>>
      %dma_start3A_251 = arith.constant 0 : i32
      %dma_start3A_252 = arith.constant 0 : i32
      %dma_start3A_253 = tpu.memref_slice %arg3[%dma_start3A_251, %dma_start3A_252] : memref<20224x64xf32, #tpu.memory_space<hbm>> -> memref<20224x64xf32, #tpu.memory_space<hbm>>
      tpu.enqueue_indirect_dma source(%dma_start3A_253 : memref<20224x64xf32, #tpu.memory_space<hbm>>) target(%arg12 : memref<128x64xf32, #tpu.memory_space<vmem>>) offsets(%dma_start3A_250 : memref<128xi32, #tpu.memory_space<vmem>>) semaphore(%arg14 : memref<!tpu.dma_semaphore, #tpu.memory_space<semaphore_mem>>)
      %add3A_254 = arith.constant 1 : i32
      %add3A_255 = arith.addi %add3A_239, %add3A_254 : i32
      %dma_wait3A_256 = arith.constant 0 : i32
      %dma_wait3A_257 = tpu.memref_slice %arg10[%add3A_255, %dma_wait3A_256] : memref<158x128xi32, #tpu.memory_space<vmem>> -> memref<1x128xi32, #tpu.memory_space<vmem>>
      %dma_wait3A_258 = tpu.memref_squeeze %dma_wait3A_257 : memref<1x128xi32, #tpu.memory_space<vmem>> -> memref<128xi32, #tpu.memory_space<vmem>>
      %dma_wait3A_259 = arith.constant 0 : i32
      %dma_wait3A_260 = arith.constant 0 : i32
      %dma_wait3A_261 = tpu.memref_slice %arg3[%dma_wait3A_259, %dma_wait3A_260] : memref<20224x64xf32, #tpu.memory_space<hbm>> -> memref<20224x64xf32, #tpu.memory_space<hbm>>
      tpu.wait_indirect_dma semaphore(%arg15 : memref<!tpu.dma_semaphore, #tpu.memory_space<semaphore_mem>>) src(%dma_wait3A_261 : memref<20224x64xf32, #tpu.memory_space<hbm>>) dst(%arg13 : memref<128x64xf32, #tpu.memory_space<vmem>>)
      %add3A_262 = arith.constant 1 : i32
      %add3A_263 = arith.addi %add3A_239, %add3A_262 : i32
      "tpu.region"() ({
        %run_scoped3A_272 = tpu.sem_alloc : memref<!tpu.dma_semaphore, #tpu.memory_space<semaphore_mem>>
        %dma_start3A_273 = arith.constant 0 : i32
        %dma_start3A_274 = tpu.memref_slice %arg11[%add3A_263, %dma_start3A_273] : memref<158x128xi32, #tpu.memory_space<vmem>> -> memref<1x128xi32, #tpu.memory_space<vmem>>
        %dma_start3A_275 = tpu.memref_squeeze %dma_start3A_274 : memref<1x128xi32, #tpu.memory_space<vmem>> -> memref<128xi32, #tpu.memory_space<vmem>>
        %dma_start3A_276 = arith.constant 0 : i32
        %dma_start3A_277 = arith.constant 0 : i32
        %dma_start3A_278 = tpu.memref_slice %arg9[%dma_start3A_276, %dma_start3A_277] : memref<10112x64xf32, #tpu.memory_space<vmem_shared>> -> memref<10112x64xf32, #tpu.memory_space<vmem_shared>>
        tpu.enqueue_indirect_dma source(%arg13 : memref<128x64xf32, #tpu.memory_space<vmem>>) target(%dma_start3A_278 : memref<10112x64xf32, #tpu.memory_space<vmem_shared>>) offsets(%dma_start3A_275 : memref<128xi32, #tpu.memory_space<vmem>>) semaphore(%run_scoped3A_272 : memref<!tpu.dma_semaphore, #tpu.memory_space<semaphore_mem>>) {add = true}
        %dma_wait3A_279 = arith.constant 0 : i32
        %dma_wait3A_280 = tpu.memref_slice %arg11[%add3A_263, %dma_wait3A_279] : memref<158x128xi32, #tpu.memory_space<vmem>> -> memref<1x128xi32, #tpu.memory_space<vmem>>
        %dma_wait3A_281 = tpu.memref_squeeze %dma_wait3A_280 : memref<1x128xi32, #tpu.memory_space<vmem>> -> memref<128xi32, #tpu.memory_space<vmem>>
        %dma_wait3A_282 = arith.constant 0 : i32
        %dma_wait3A_283 = arith.constant 0 : i32
        %dma_wait3A_284 = tpu.memref_slice %arg9[%dma_wait3A_282, %dma_wait3A_283] : memref<10112x64xf32, #tpu.memory_space<vmem_shared>> -> memref<10112x64xf32, #tpu.memory_space<vmem_shared>>
        tpu.wait_indirect_dma semaphore(%run_scoped3A_272 : memref<!tpu.dma_semaphore, #tpu.memory_space<semaphore_mem>>) src(%arg13 : memref<128x64xf32, #tpu.memory_space<vmem>>) dst(%dma_wait3A_284 : memref<10112x64xf32, #tpu.memory_space<vmem_shared>>)
        tpu.yield
      }) : () -> ()
      %add3A_264 = arith.constant 3 : i32
      %add3A_265 = arith.addi %add3A_239, %add3A_264 : i32
      %dma_start3A_266 = arith.constant 0 : i32
      %dma_start3A_267 = tpu.memref_slice %arg10[%add3A_265, %dma_start3A_266] : memref<158x128xi32, #tpu.memory_space<vmem>> -> memref<1x128xi32, #tpu.memory_space<vmem>>
      %dma_start3A_268 = tpu.memref_squeeze %dma_start3A_267 : memref<1x128xi32, #tpu.memory_space<vmem>> -> memref<128xi32, #tpu.memory_space<vmem>>
      %dma_start3A_269 = arith.constant 0 : i32
      %dma_start3A_270 = arith.constant 0 : i32
      %dma_start3A_271 = tpu.memref_slice %arg3[%dma_start3A_269, %dma_start3A_270] : memref<20224x64xf32, #tpu.memory_space<hbm>> -> memref<20224x64xf32, #tpu.memory_space<hbm>>
      tpu.enqueue_indirect_dma source(%dma_start3A_271 : memref<20224x64xf32, #tpu.memory_space<hbm>>) target(%arg13 : memref<128x64xf32, #tpu.memory_space<vmem>>) offsets(%dma_start3A_268 : memref<128xi32, #tpu.memory_space<vmem>>) semaphore(%arg15 : memref<!tpu.dma_semaphore, #tpu.memory_space<semaphore_mem>>)
    }
    %scan3A_217 = arith.constant 78 : i32
    %dma_wait3A_218 = arith.constant 156 : i32
    %dma_wait3A_219 = arith.constant 0 : i32
    %dma_wait3A_220 = tpu.memref_slice %arg10[%dma_wait3A_218, %dma_wait3A_219] : memref<158x128xi32, #tpu.memory_space<vmem>> -> memref<1x128xi32, #tpu.memory_space<vmem>>
    %dma_wait3A_221 = tpu.memref_squeeze %dma_wait3A_220 : memref<1x128xi32, #tpu.memory_space<vmem>> -> memref<128xi32, #tpu.memory_space<vmem>>
    %dma_wait3A_222 = arith.constant 0 : i32
    %dma_wait3A_223 = arith.constant 0 : i32
    %dma_wait3A_224 = tpu.memref_slice %arg3[%dma_wait3A_222, %dma_wait3A_223] : memref<20224x64xf32, #tpu.memory_space<hbm>> -> memref<20224x64xf32, #tpu.memory_space<hbm>>
    tpu.wait_indirect_dma semaphore(%arg14 : memref<!tpu.dma_semaphore, #tpu.memory_space<semaphore_mem>>) src(%dma_wait3A_224 : memref<20224x64xf32, #tpu.memory_space<hbm>>) dst(%arg12 : memref<128x64xf32, #tpu.memory_space<vmem>>)
    %run_scoped3A_225 = arith.constant 156 : i32
    "tpu.region"() ({
      %run_scoped3A_236 = tpu.sem_alloc : memref<!tpu.dma_semaphore, #tpu.memory_space<semaphore_mem>>
      %dma_start3A_237 = arith.constant 0 : i32
      %dma_start3A_238 = tpu.memref_slice %arg11[%run_scoped3A_225, %dma_start3A_237] : memref<158x128xi32, #tpu.memory_space<vmem>> -> memref<1x128xi32, #tpu.memory_space<vmem>>
      %dma_start3A_239 = tpu.memref_squeeze %dma_start3A_238 : memref<1x128xi32, #tpu.memory_space<vmem>> -> memref<128xi32, #tpu.memory_space<vmem>>
      %dma_start3A_240 = arith.constant 0 : i32
      %dma_start3A_241 = arith.constant 0 : i32
      %dma_start3A_242 = tpu.memref_slice %arg9[%dma_start3A_240, %dma_start3A_241] : memref<10112x64xf32, #tpu.memory_space<vmem_shared>> -> memref<10112x64xf32, #tpu.memory_space<vmem_shared>>
      tpu.enqueue_indirect_dma source(%arg12 : memref<128x64xf32, #tpu.memory_space<vmem>>) target(%dma_start3A_242 : memref<10112x64xf32, #tpu.memory_space<vmem_shared>>) offsets(%dma_start3A_239 : memref<128xi32, #tpu.memory_space<vmem>>) semaphore(%run_scoped3A_236 : memref<!tpu.dma_semaphore, #tpu.memory_space<semaphore_mem>>) {add = true}
      %dma_wait3A_243 = arith.constant 0 : i32
      %dma_wait3A_244 = tpu.memref_slice %arg11[%run_scoped3A_225, %dma_wait3A_243] : memref<158x128xi32, #tpu.memory_space<vmem>> -> memref<1x128xi32, #tpu.memory_space<vmem>>
      %dma_wait3A_245 = tpu.memref_squeeze %dma_wait3A_244 : memref<1x128xi32, #tpu.memory_space<vmem>> -> memref<128xi32, #tpu.memory_space<vmem>>
      %dma_wait3A_246 = arith.constant 0 : i32
      %dma_wait3A_247 = arith.constant 0 : i32
      %dma_wait3A_248 = tpu.memref_slice %arg9[%dma_wait3A_246, %dma_wait3A_247] : memref<10112x64xf32, #tpu.memory_space<vmem_shared>> -> memref<10112x64xf32, #tpu.memory_space<vmem_shared>>
      tpu.wait_indirect_dma semaphore(%run_scoped3A_236 : memref<!tpu.dma_semaphore, #tpu.memory_space<semaphore_mem>>) src(%arg12 : memref<128x64xf32, #tpu.memory_space<vmem>>) dst(%dma_wait3A_248 : memref<10112x64xf32, #tpu.memory_space<vmem_shared>>)
      tpu.yield
    }) : () -> ()
    %dma_wait3A_226 = arith.constant 157 : i32
    %dma_wait3A_227 = arith.constant 0 : i32
    %dma_wait3A_228 = tpu.memref_slice %arg10[%dma_wait3A_226, %dma_wait3A_227] : memref<158x128xi32, #tpu.memory_space<vmem>> -> memref<1x128xi32, #tpu.memory_space<vmem>>
    %dma_wait3A_229 = tpu.memref_squeeze %dma_wait3A_228 : memref<1x128xi32, #tpu.memory_space<vmem>> -> memref<128xi32, #tpu.memory_space<vmem>>
    %dma_wait3A_230 = arith.constant 0 : i32
    %dma_wait3A_231 = arith.constant 0 : i32
    %dma_wait3A_232 = tpu.memref_slice %arg3[%dma_wait3A_230, %dma_wait3A_231] : memref<20224x64xf32, #tpu.memory_space<hbm>> -> memref<20224x64xf32, #tpu.memory_space<hbm>>
    tpu.wait_indirect_dma semaphore(%arg15 : memref<!tpu.dma_semaphore, #tpu.memory_space<semaphore_mem>>) src(%dma_wait3A_232 : memref<20224x64xf32, #tpu.memory_space<hbm>>) dst(%arg13 : memref<128x64xf32, #tpu.memory_space<vmem>>)
    %run_scoped3A_233 = arith.constant 157 : i32
    "tpu.region"() ({
      %run_scoped3A_236 = tpu.sem_alloc : memref<!tpu.dma_semaphore, #tpu.memory_space<semaphore_mem>>
      %dma_start3A_237 = arith.constant 0 : i32
      %dma_start3A_238 = tpu.memref_slice %arg11[%run_scoped3A_233, %dma_start3A_237] : memref<158x128xi32, #tpu.memory_space<vmem>> -> memref<1x128xi32, #tpu.memory_space<vmem>>
      %dma_start3A_239 = tpu.memref_squeeze %dma_start3A_238 : memref<1x128xi32, #tpu.memory_space<vmem>> -> memref<128xi32, #tpu.memory_space<vmem>>
      %dma_start3A_240 = arith.constant 0 : i32
      %dma_start3A_241 = arith.constant 0 : i32
      %dma_start3A_242 = tpu.memref_slice %arg9[%dma_start3A_240, %dma_start3A_241] : memref<10112x64xf32, #tpu.memory_space<vmem_shared>> -> memref<10112x64xf32, #tpu.memory_space<vmem_shared>>
      tpu.enqueue_indirect_dma source(%arg13 : memref<128x64xf32, #tpu.memory_space<vmem>>) target(%dma_start3A_242 : memref<10112x64xf32, #tpu.memory_space<vmem_shared>>) offsets(%dma_start3A_239 : memref<128xi32, #tpu.memory_space<vmem>>) semaphore(%run_scoped3A_236 : memref<!tpu.dma_semaphore, #tpu.memory_space<semaphore_mem>>) {add = true}
      %dma_wait3A_243 = arith.constant 0 : i32
      %dma_wait3A_244 = tpu.memref_slice %arg11[%run_scoped3A_233, %dma_wait3A_243] : memref<158x128xi32, #tpu.memory_space<vmem>> -> memref<1x128xi32, #tpu.memory_space<vmem>>
      %dma_wait3A_245 = tpu.memref_squeeze %dma_wait3A_244 : memref<1x128xi32, #tpu.memory_space<vmem>> -> memref<128xi32, #tpu.memory_space<vmem>>
      %dma_wait3A_246 = arith.constant 0 : i32
      %dma_wait3A_247 = arith.constant 0 : i32
      %dma_wait3A_248 = tpu.memref_slice %arg9[%dma_wait3A_246, %dma_wait3A_247] : memref<10112x64xf32, #tpu.memory_space<vmem_shared>> -> memref<10112x64xf32, #tpu.memory_space<vmem_shared>>
      tpu.wait_indirect_dma semaphore(%run_scoped3A_236 : memref<!tpu.dma_semaphore, #tpu.memory_space<semaphore_mem>>) src(%arg13 : memref<128x64xf32, #tpu.memory_space<vmem>>) dst(%dma_wait3A_248 : memref<10112x64xf32, #tpu.memory_space<vmem_shared>>)
      tpu.yield
    }) : () -> ()
    %barrier3A_234 = arith.constant 0 : index
    tpu.barrier barrier_id(%barrier3A_234)
    %run_scoped3A_235 = arith.constant 5 : i32
    "tpu.region"() ({
      %run_scoped3A_236 = tpu.sem_alloc : memref<!tpu.dma_semaphore, #tpu.memory_space<semaphore_mem>>
      %dma_start3A_237 = arith.constant 0 : i32
      %dma_start3A_238 = tpu.memref_slice %arg8[%run_scoped3A_235, %arg0, %mul3A_0, %dma_start3A_237] : memref<6x2x10112x64xf32, #tpu.memory_space<hbm>> -> memref<1x1x632x64xf32, #tpu.memory_space<hbm>>
      %dma_start3A_239 = tpu.memref_squeeze %dma_start3A_238 : memref<1x1x632x64xf32, #tpu.memory_space<hbm>> -> memref<632x64xf32, #tpu.memory_space<hbm>>
      %dma_start3A_240 = arith.constant 0 : i32
      %dma_start3A_241 = tpu.memref_slice %arg9[%mul3A_0, %dma_start3A_240] : memref<10112x64xf32, #tpu.memory_space<vmem_shared>> -> memref<632x64xf32, #tpu.memory_space<vmem_shared>>
      tpu.enqueue_dma source(%dma_start3A_241 : memref<632x64xf32, #tpu.memory_space<vmem_shared>>) target(%dma_start3A_239 : memref<632x64xf32, #tpu.memory_space<hbm>>) target_semaphore(%run_scoped3A_236 : memref<!tpu.dma_semaphore, #tpu.memory_space<semaphore_mem>>)
      %dma_wait3A_242 = arith.constant 0 : i32
      %dma_wait3A_243 = tpu.memref_slice %arg8[%run_scoped3A_235, %arg0, %mul3A_0, %dma_wait3A_242] : memref<6x2x10112x64xf32, #tpu.memory_space<hbm>> -> memref<1x1x632x64xf32, #tpu.memory_space<hbm>>
      %dma_wait3A_244 = tpu.memref_squeeze %dma_wait3A_243 : memref<1x1x632x64xf32, #tpu.memory_space<hbm>> -> memref<632x64xf32, #tpu.memory_space<hbm>>
      %dma_wait3A_245 = arith.constant 0 : i32
      %dma_wait3A_246 = tpu.memref_slice %arg9[%mul3A_0, %dma_wait3A_245] : memref<10112x64xf32, #tpu.memory_space<vmem_shared>> -> memref<632x64xf32, #tpu.memory_space<vmem_shared>>
      tpu.wait_dma2 semaphore(%run_scoped3A_236 : memref<!tpu.dma_semaphore, #tpu.memory_space<semaphore_mem>>) src(%dma_wait3A_246 : memref<632x64xf32, #tpu.memory_space<vmem_shared>>) dst(%dma_wait3A_244 : memref<632x64xf32, #tpu.memory_space<hbm>>)
      tpu.yield
    }) : () -> ()
    return
  }
}

module attributes {stable_mosaic.version = 14 : i64} {
  func.func @_proj_body(%arg0: i32, %arg1: i32, %arg2: memref<1x640x128xf32, #tpu.memory_space<vmem>>, %arg3: memref<3x128x128xf32, #tpu.memory_space<vmem>>, %arg4: memref<3x1x128xf32, #tpu.memory_space<vmem>>, %arg5: memref<1x640x128xf32, #tpu.memory_space<vmem>>) attributes {dimension_semantics = [#tpu.dimension_semantics<arbitrary>, #tpu.dimension_semantics<arbitrary>], iteration_bounds = array<i64: 3, 16>, scalar_prefetch = 0 : i64, scratch_operands = 0 : i64, tpu.core_type = #tpu.core_type<tc>, window_params = [{transform_indices = @transform_0, window_bounds = array<i64: 1, 640, 128>}, {pipeline_mode = #tpu.pipeline_mode<synchronous>, transform_indices = @transform_1, window_bounds = array<i64: 3, 128, 128>}, {pipeline_mode = #tpu.pipeline_mode<synchronous>, transform_indices = @transform_2, window_bounds = array<i64: 3, 1, 128>}, {transform_indices = @transform_3, window_bounds = array<i64: 1, 640, 128>}]} {
    %get3A = arith.constant 0 : index
    %get3A_0 = arith.constant 0 : index
    %get3A_1 = arith.constant 0 : index
    %get3A_2 = vector.load %arg2[%get3A, %get3A_0, %get3A_1] : memref<1x640x128xf32, #tpu.memory_space<vmem>>, vector<1x640x128xf32>
    %get3A_3 = vector.shape_cast %get3A_2 : vector<1x640x128xf32> to vector<640x128xf32>
    %get3A_4 = arith.index_cast %arg0 : i32 to index
    %get3A_5 = arith.constant 0 : index
    %get3A_6 = arith.constant 0 : index
    %get3A_7 = vector.load %arg3[%get3A_4, %get3A_5, %get3A_6] : memref<3x128x128xf32, #tpu.memory_space<vmem>>, vector<1x128x128xf32>
    %get3A_8 = vector.shape_cast %get3A_7 : vector<1x128x128xf32> to vector<128x128xf32>
    %dot_general3A = arith.constant dense<0.000000e+00> : vector<640x128xf32>
    %dot_general3A_9 = tpu.matmul %get3A_3, %get3A_8, %dot_general3A {dimension_numbers = #tpu.dot_dimension_numbers<[1], [0], [0], [1], [0, 0, 1, 1], [], []>, transpose_lhs_hint = false} : vector<640x128xf32>, vector<128x128xf32>, vector<640x128xf32> -> vector<640x128xf32>
    %get3A_10 = arith.index_cast %arg0 : i32 to index
    %get3A_11 = arith.constant 0 : index
    %get3A_12 = arith.constant 0 : index
    %get3A_13 = vector.load %arg4[%get3A_10, %get3A_11, %get3A_12] : memref<3x1x128xf32, #tpu.memory_space<vmem>>, vector<1x1x128xf32>
    %get3A_14 = vector.shape_cast %get3A_13 : vector<1x1x128xf32> to vector<1x128xf32>
    %add3A = vector.broadcast %get3A_14 : vector<1x128xf32> to vector<640x128xf32>
    %add3A_15 = arith.addf %dot_general3A_9, %add3A : vector<640x128xf32>
    %swap3A = arith.constant 0 : index
    %swap3A_16 = arith.constant 0 : index
    %swap3A_17 = arith.constant 0 : index
    %swap3A_18 = vector.load %arg5[%swap3A, %swap3A_16, %swap3A_17] : memref<1x640x128xf32, #tpu.memory_space<vmem>>, vector<1x640x128xf32>
    %swap3A_19 = vector.shape_cast %swap3A_18 : vector<1x640x128xf32> to vector<640x128xf32>
    %swap3A_20 = vector.shape_cast %add3A_15 : vector<640x128xf32> to vector<1x640x128xf32>
    tpu.vector_store %arg5[%swap3A, %swap3A_16, %swap3A_17], %swap3A_20 {strides = array<i32>} : memref<1x640x128xf32, #tpu.memory_space<vmem>>, vector<1x640x128xf32>,
    return
  }
  func.func @transform_0(%arg0: i32, %arg1: i32) -> (i32, i32, i32) {
    %c0_i32 = arith.constant 0 : i32
    %c0_i32_0 = arith.constant 0 : i32
    return %arg0, %arg1, %c0_i32 : i32, i32, i32
  }
  func.func @transform_1(%arg0: i32, %arg1: i32) -> (i32, i32, i32) {
    %c0_i32 = arith.constant 0 : i32
    %c0_i32_0 = arith.constant 0 : i32
    %c0_i32_1 = arith.constant 0 : i32
    %c0_i32_2 = arith.constant 0 : i32
    return %c0_i32, %c0_i32_0, %c0_i32_1 : i32, i32, i32
  }
  func.func @transform_2(%arg0: i32, %arg1: i32) -> (i32, i32, i32) {
    %c0_i32 = arith.constant 0 : i32
    %c0_i32_0 = arith.constant 0 : i32
    %c0_i32_1 = arith.constant 0 : i32
    %c0_i32_2 = arith.constant 0 : i32
    return %c0_i32, %c0_i32_0, %c0_i32_1 : i32, i32, i32
  }
  func.func @transform_3(%arg0: i32, %arg1: i32) -> (i32, i32, i32) {
    %c0_i32 = arith.constant 0 : i32
    %c0_i32_0 = arith.constant 0 : i32
    return %arg0, %arg1, %c0_i32 : i32, i32, i32
  }
}

module attributes {stable_mosaic.version = 14 : i64} {
  func.func @_combine_body(%arg0: i32, %arg1: i32, %arg2: memref<1x1x640x64xf32, #tpu.memory_space<vmem>>, %arg3: memref<1x1x640x64xf32, #tpu.memory_space<vmem>>, %arg4: memref<1x1x640x64xf32, #tpu.memory_space<vmem>>, %arg5: memref<1x1x640x64xf32, #tpu.memory_space<vmem>>, %arg6: memref<1x1x640x64xf32, #tpu.memory_space<vmem>>, %arg7: memref<1x1x640x64xf32, #tpu.memory_space<vmem>>, %arg8: memref<1x640x128xf32, #tpu.memory_space<vmem>>, %arg9: memref<3x3x128x128xf32, #tpu.memory_space<vmem>>, %arg10: memref<3x128x128xf32, #tpu.memory_space<vmem>>, %arg11: memref<3x1x128xf32, #tpu.memory_space<vmem>>, %arg12: memref<1x640x128xf32, #tpu.memory_space<vmem>>) attributes {dimension_semantics = [#tpu.dimension_semantics<arbitrary>, #tpu.dimension_semantics<arbitrary>], iteration_bounds = array<i64: 3, 16>, scalar_prefetch = 0 : i64, scratch_operands = 0 : i64, tpu.core_type = #tpu.core_type<tc>, window_params = [{transform_indices = @transform_0, window_bounds = array<i64: 1, 1, 640, 64>}, {transform_indices = @transform_1, window_bounds = array<i64: 1, 1, 640, 64>}, {transform_indices = @transform_2, window_bounds = array<i64: 1, 1, 640, 64>}, {transform_indices = @transform_3, window_bounds = array<i64: 1, 1, 640, 64>}, {transform_indices = @transform_4, window_bounds = array<i64: 1, 1, 640, 64>}, {transform_indices = @transform_5, window_bounds = array<i64: 1, 1, 640, 64>}, {transform_indices = @transform_6, window_bounds = array<i64: 1, 640, 128>}, {pipeline_mode = #tpu.pipeline_mode<synchronous>, transform_indices = @transform_7, window_bounds = array<i64: 3, 3, 128, 128>}, {pipeline_mode = #tpu.pipeline_mode<synchronous>, transform_indices = @transform_8, window_bounds = array<i64: 3, 128, 128>}, {pipeline_mode = #tpu.pipeline_mode<synchronous>, transform_indices = @transform_9, window_bounds = array<i64: 3, 1, 128>}, {transform_indices = @transform_10, window_bounds = array<i64: 1, 640, 128>}]} {
    %get3A = arith.constant 0 : index
    %get3A_0 = arith.constant 0 : index
    %get3A_1 = arith.constant 0 : index
    %get3A_2 = vector.load %arg8[%get3A, %get3A_0, %get3A_1] : memref<1x640x128xf32, #tpu.memory_space<vmem>>, vector<1x640x128xf32>
    %get3A_3 = vector.shape_cast %get3A_2 : vector<1x640x128xf32> to vector<640x128xf32>
    %get3A_4 = arith.index_cast %arg0 : i32 to index
    %get3A_5 = arith.constant 0 : index
    %get3A_6 = arith.constant 0 : index
    %get3A_7 = vector.load %arg10[%get3A_4, %get3A_5, %get3A_6] : memref<3x128x128xf32, #tpu.memory_space<vmem>>, vector<1x128x128xf32>
    %get3A_8 = vector.shape_cast %get3A_7 : vector<1x128x128xf32> to vector<128x128xf32>
    %dot_general3A = arith.constant dense<0.000000e+00> : vector<640x128xf32>
    %dot_general3A_9 = tpu.matmul %get3A_3, %get3A_8, %dot_general3A {dimension_numbers = #tpu.dot_dimension_numbers<[1], [0], [0], [1], [0, 0, 1, 1], [], []>, transpose_lhs_hint = false} : vector<640x128xf32>, vector<128x128xf32>, vector<640x128xf32> -> vector<640x128xf32>
    %get3A_10 = arith.index_cast %arg0 : i32 to index
    %get3A_11 = arith.constant 0 : index
    %get3A_12 = arith.constant 0 : index
    %get3A_13 = vector.load %arg11[%get3A_10, %get3A_11, %get3A_12] : memref<3x1x128xf32, #tpu.memory_space<vmem>>, vector<1x1x128xf32>
    %get3A_14 = vector.shape_cast %get3A_13 : vector<1x1x128xf32> to vector<1x128xf32>
    %add3A = vector.broadcast %get3A_14 : vector<1x128xf32> to vector<640x128xf32>
    %add3A_15 = arith.addf %dot_general3A_9, %add3A : vector<640x128xf32>
    %get3A_16 = arith.index_cast %arg0 : i32 to index
    %get3A_17 = arith.constant 0 : index
    %get3A_18 = arith.constant 0 : index
    %get3A_19 = arith.constant 0 : index
    %get3A_20 = vector.load %arg9[%get3A_16, %get3A_17, %get3A_18, %get3A_19] : memref<3x3x128x128xf32, #tpu.memory_space<vmem>>, vector<1x1x128x128xf32>
    %get3A_21 = vector.shape_cast %get3A_20 : vector<1x1x128x128xf32> to vector<128x128xf32>
    %get3A_22 = arith.constant 0 : index
    %get3A_23 = arith.constant 0 : index
    %get3A_24 = arith.constant 0 : index
    %get3A_25 = arith.constant 0 : index
    %get3A_26 = vector.load %arg2[%get3A_22, %get3A_23, %get3A_24, %get3A_25] : memref<1x1x640x64xf32, #tpu.memory_space<vmem>>, vector<1x1x640x64xf32>
    %get3A_27 = vector.shape_cast %get3A_26 : vector<1x1x640x64xf32> to vector<640x64xf32>
    %slice3A = vector.extract_strided_slice %get3A_21 {offsets = [0, 0], sizes = [64, 128], strides = [1, 1]} : vector<128x128xf32> to vector<64x128xf32>
    %dot_general3A_28 = arith.constant dense<0.000000e+00> : vector<640x128xf32>
    %dot_general3A_29 = tpu.matmul %get3A_27, %slice3A, %dot_general3A_28 {dimension_numbers = #tpu.dot_dimension_numbers<[1], [0], [0], [1], [0, 0, 1, 1], [], []>, transpose_lhs_hint = false} : vector<640x64xf32>, vector<64x128xf32>, vector<640x128xf32> -> vector<640x128xf32>
    %add3A_30 = arith.addf %add3A_15, %dot_general3A_29 : vector<640x128xf32>
    %get3A_31 = arith.constant 0 : index
    %get3A_32 = arith.constant 0 : index
    %get3A_33 = arith.constant 0 : index
    %get3A_34 = arith.constant 0 : index
    %get3A_35 = vector.load %arg3[%get3A_31, %get3A_32, %get3A_33, %get3A_34] : memref<1x1x640x64xf32, #tpu.memory_space<vmem>>, vector<1x1x640x64xf32>
    %get3A_36 = vector.shape_cast %get3A_35 : vector<1x1x640x64xf32> to vector<640x64xf32>
    %slice3A_37 = vector.extract_strided_slice %get3A_21 {offsets = [64, 0], sizes = [64, 128], strides = [1, 1]} : vector<128x128xf32> to vector<64x128xf32>
    %dot_general3A_38 = arith.constant dense<0.000000e+00> : vector<640x128xf32>
    %dot_general3A_39 = tpu.matmul %get3A_36, %slice3A_37, %dot_general3A_38 {dimension_numbers = #tpu.dot_dimension_numbers<[1], [0], [0], [1], [0, 0, 1, 1], [], []>, transpose_lhs_hint = false} : vector<640x64xf32>, vector<64x128xf32>, vector<640x128xf32> -> vector<640x128xf32>
    %add3A_40 = arith.addf %add3A_30, %dot_general3A_39 : vector<640x128xf32>
    %get3A_41 = arith.index_cast %arg0 : i32 to index
    %get3A_42 = arith.constant 1 : index
    %get3A_43 = arith.constant 0 : index
    %get3A_44 = arith.constant 0 : index
    %get3A_45 = vector.load %arg9[%get3A_41, %get3A_42, %get3A_43, %get3A_44] : memref<3x3x128x128xf32, #tpu.memory_space<vmem>>, vector<1x1x128x128xf32>
    %get3A_46 = vector.shape_cast %get3A_45 : vector<1x1x128x128xf32> to vector<128x128xf32>
    %get3A_47 = arith.constant 0 : index
    %get3A_48 = arith.constant 0 : index
    %get3A_49 = arith.constant 0 : index
    %get3A_50 = arith.constant 0 : index
    %get3A_51 = vector.load %arg4[%get3A_47, %get3A_48, %get3A_49, %get3A_50] : memref<1x1x640x64xf32, #tpu.memory_space<vmem>>, vector<1x1x640x64xf32>
    %get3A_52 = vector.shape_cast %get3A_51 : vector<1x1x640x64xf32> to vector<640x64xf32>
    %slice3A_53 = vector.extract_strided_slice %get3A_46 {offsets = [0, 0], sizes = [64, 128], strides = [1, 1]} : vector<128x128xf32> to vector<64x128xf32>
    %dot_general3A_54 = arith.constant dense<0.000000e+00> : vector<640x128xf32>
    %dot_general3A_55 = tpu.matmul %get3A_52, %slice3A_53, %dot_general3A_54 {dimension_numbers = #tpu.dot_dimension_numbers<[1], [0], [0], [1], [0, 0, 1, 1], [], []>, transpose_lhs_hint = false} : vector<640x64xf32>, vector<64x128xf32>, vector<640x128xf32> -> vector<640x128xf32>
    %add3A_56 = arith.addf %add3A_40, %dot_general3A_55 : vector<640x128xf32>
    %get3A_57 = arith.constant 0 : index
    %get3A_58 = arith.constant 0 : index
    %get3A_59 = arith.constant 0 : index
    %get3A_60 = arith.constant 0 : index
    %get3A_61 = vector.load %arg5[%get3A_57, %get3A_58, %get3A_59, %get3A_60] : memref<1x1x640x64xf32, #tpu.memory_space<vmem>>, vector<1x1x640x64xf32>
    %get3A_62 = vector.shape_cast %get3A_61 : vector<1x1x640x64xf32> to vector<640x64xf32>
    %slice3A_63 = vector.extract_strided_slice %get3A_46 {offsets = [64, 0], sizes = [64, 128], strides = [1, 1]} : vector<128x128xf32> to vector<64x128xf32>
    %dot_general3A_64 = arith.constant dense<0.000000e+00> : vector<640x128xf32>
    %dot_general3A_65 = tpu.matmul %get3A_62, %slice3A_63, %dot_general3A_64 {dimension_numbers = #tpu.dot_dimension_numbers<[1], [0], [0], [1], [0, 0, 1, 1], [], []>, transpose_lhs_hint = false} : vector<640x64xf32>, vector<64x128xf32>, vector<640x128xf32> -> vector<640x128xf32>
    %add3A_66 = arith.addf %add3A_56, %dot_general3A_65 : vector<640x128xf32>
    %get3A_67 = arith.index_cast %arg0 : i32 to index
    %get3A_68 = arith.constant 2 : index
    %get3A_69 = arith.constant 0 : index
    %get3A_70 = arith.constant 0 : index
    %get3A_71 = vector.load %arg9[%get3A_67, %get3A_68, %get3A_69, %get3A_70] : memref<3x3x128x128xf32, #tpu.memory_space<vmem>>, vector<1x1x128x128xf32>
    %get3A_72 = vector.shape_cast %get3A_71 : vector<1x1x128x128xf32> to vector<128x128xf32>
    %get3A_73 = arith.constant 0 : index
    %get3A_74 = arith.constant 0 : index
    %get3A_75 = arith.constant 0 : index
    %get3A_76 = arith.constant 0 : index
    %get3A_77 = vector.load %arg6[%get3A_73, %get3A_74, %get3A_75, %get3A_76] : memref<1x1x640x64xf32, #tpu.memory_space<vmem>>, vector<1x1x640x64xf32>
    %get3A_78 = vector.shape_cast %get3A_77 : vector<1x1x640x64xf32> to vector<640x64xf32>
    %slice3A_79 = vector.extract_strided_slice %get3A_72 {offsets = [0, 0], sizes = [64, 128], strides = [1, 1]} : vector<128x128xf32> to vector<64x128xf32>
    %dot_general3A_80 = arith.constant dense<0.000000e+00> : vector<640x128xf32>
    %dot_general3A_81 = tpu.matmul %get3A_78, %slice3A_79, %dot_general3A_80 {dimension_numbers = #tpu.dot_dimension_numbers<[1], [0], [0], [1], [0, 0, 1, 1], [], []>, transpose_lhs_hint = false} : vector<640x64xf32>, vector<64x128xf32>, vector<640x128xf32> -> vector<640x128xf32>
    %add3A_82 = arith.addf %add3A_66, %dot_general3A_81 : vector<640x128xf32>
    %get3A_83 = arith.constant 0 : index
    %get3A_84 = arith.constant 0 : index
    %get3A_85 = arith.constant 0 : index
    %get3A_86 = arith.constant 0 : index
    %get3A_87 = vector.load %arg7[%get3A_83, %get3A_84, %get3A_85, %get3A_86] : memref<1x1x640x64xf32, #tpu.memory_space<vmem>>, vector<1x1x640x64xf32>
    %get3A_88 = vector.shape_cast %get3A_87 : vector<1x1x640x64xf32> to vector<640x64xf32>
    %slice3A_89 = vector.extract_strided_slice %get3A_72 {offsets = [64, 0], sizes = [64, 128], strides = [1, 1]} : vector<128x128xf32> to vector<64x128xf32>
    %dot_general3A_90 = arith.constant dense<0.000000e+00> : vector<640x128xf32>
    %dot_general3A_91 = tpu.matmul %get3A_88, %slice3A_89, %dot_general3A_90 {dimension_numbers = #tpu.dot_dimension_numbers<[1], [0], [0], [1], [0, 0, 1, 1], [], []>, transpose_lhs_hint = false} : vector<640x64xf32>, vector<64x128xf32>, vector<640x128xf32> -> vector<640x128xf32>
    %add3A_92 = arith.addf %add3A_82, %dot_general3A_91 : vector<640x128xf32>
    %gt3A = arith.constant 0.000000e+00 : f32
    %gt3A_93 = vector.broadcast %gt3A : f32 to vector<640x128xf32>
    %gt3A_94 = arith.cmpf ogt, %add3A_92, %gt3A_93 : vector<640x128xf32>
    %mul3A = arith.constant 0.00999999977 : f32
    %mul3A_95 = vector.broadcast %mul3A : f32 to vector<640x128xf32>
    %mul3A_96 = arith.mulf %mul3A_95, %add3A_92 : vector<640x128xf32>
    %select_n3A = arith.select %gt3A_94, %add3A_92, %mul3A_96 : vector<640x128xi1>, vector<640x128xf32>
    %swap3A = arith.constant 0 : index
    %swap3A_97 = arith.constant 0 : index
    %swap3A_98 = arith.constant 0 : index
    %swap3A_99 = vector.load %arg12[%swap3A, %swap3A_97, %swap3A_98] : memref<1x640x128xf32, #tpu.memory_space<vmem>>, vector<1x640x128xf32>
    %swap3A_100 = vector.shape_cast %swap3A_99 : vector<1x640x128xf32> to vector<640x128xf32>
    %swap3A_101 = vector.shape_cast %select_n3A : vector<640x128xf32> to vector<1x640x128xf32>
    tpu.vector_store %arg12[%swap3A, %swap3A_97, %swap3A_98], %swap3A_101 {strides = array<i32>} : memref<1x640x128xf32, #tpu.memory_space<vmem>>, vector<1x640x128xf32>,
    return
  }
  func.func @transform_0(%arg0: i32, %arg1: i32) -> (i32, i32, i32, i32) {
    %c0_i32 = arith.constant 0 : i32
    %c0_i32_0 = arith.constant 0 : i32
    %c0_i32_1 = arith.constant 0 : i32
    return %arg0, %c0_i32, %arg1, %c0_i32_0 : i32, i32, i32, i32
  }
  func.func @transform_1(%arg0: i32, %arg1: i32) -> (i32, i32, i32, i32) {
    %c1_i32 = arith.constant 1 : i32
    %c0_i32 = arith.constant 0 : i32
    %c0_i32_0 = arith.constant 0 : i32
    return %arg0, %c1_i32, %arg1, %c0_i32 : i32, i32, i32, i32
  }
  func.func @transform_2(%arg0: i32, %arg1: i32) -> (i32, i32, i32, i32) {
    %eq3A = arith.constant 0 : i32
    %eq3A_0 = arith.cmpi eq, %arg0, %eq3A : i32
    %add3A = arith.constant 2 : i32
    %add3A_1 = arith.addi %arg0, %add3A : i32
    %jit3A = arith.constant 0 : i32
    %select_n3A = arith.select %eq3A_0, %jit3A, %add3A_1 : i32
    %c0_i32 = arith.constant 0 : i32
    %c0_i32_2 = arith.constant 0 : i32
    %c0_i32_3 = arith.constant 0 : i32
    return %select_n3A, %c0_i32, %arg1, %c0_i32_2 : i32, i32, i32, i32
  }
  func.func @transform_3(%arg0: i32, %arg1: i32) -> (i32, i32, i32, i32) {
    %eq3A = arith.constant 0 : i32
    %eq3A_0 = arith.cmpi eq, %arg0, %eq3A : i32
    %add3A = arith.constant 2 : i32
    %add3A_1 = arith.addi %arg0, %add3A : i32
    %jit3A = arith.constant 0 : i32
    %select_n3A = arith.select %eq3A_0, %jit3A, %add3A_1 : i32
    %c1_i32 = arith.constant 1 : i32
    %c0_i32 = arith.constant 0 : i32
    %c0_i32_2 = arith.constant 0 : i32
    return %select_n3A, %c1_i32, %arg1, %c0_i32 : i32, i32, i32, i32
  }
  func.func @transform_4(%arg0: i32, %arg1: i32) -> (i32, i32, i32, i32) {
    %eq3A = arith.constant 0 : i32
    %eq3A_0 = arith.cmpi eq, %arg0, %eq3A : i32
    %mul3A = arith.constant 2 : i32
    %mul3A_1 = arith.muli %mul3A, %arg0 : i32
    %add3A = arith.constant 1 : i32
    %add3A_2 = arith.addi %mul3A_1, %add3A : i32
    %jit3A = arith.constant 0 : i32
    %select_n3A = arith.select %eq3A_0, %jit3A, %add3A_2 : i32
    %c0_i32 = arith.constant 0 : i32
    %c0_i32_3 = arith.constant 0 : i32
    %c0_i32_4 = arith.constant 0 : i32
    return %select_n3A, %c0_i32, %arg1, %c0_i32_3 : i32, i32, i32, i32
  }
  func.func @transform_5(%arg0: i32, %arg1: i32) -> (i32, i32, i32, i32) {
    %eq3A = arith.constant 0 : i32
    %eq3A_0 = arith.cmpi eq, %arg0, %eq3A : i32
    %mul3A = arith.constant 2 : i32
    %mul3A_1 = arith.muli %mul3A, %arg0 : i32
    %add3A = arith.constant 1 : i32
    %add3A_2 = arith.addi %mul3A_1, %add3A : i32
    %jit3A = arith.constant 0 : i32
    %select_n3A = arith.select %eq3A_0, %jit3A, %add3A_2 : i32
    %c1_i32 = arith.constant 1 : i32
    %c0_i32 = arith.constant 0 : i32
    %c0_i32_3 = arith.constant 0 : i32
    return %select_n3A, %c1_i32, %arg1, %c0_i32 : i32, i32, i32, i32
  }
  func.func @transform_6(%arg0: i32, %arg1: i32) -> (i32, i32, i32) {
    %c0_i32 = arith.constant 0 : i32
    %c0_i32_0 = arith.constant 0 : i32
    return %arg0, %arg1, %c0_i32 : i32, i32, i32
  }
  func.func @transform_7(%arg0: i32, %arg1: i32) -> (i32, i32, i32, i32) {
    %c0_i32 = arith.constant 0 : i32
    %c0_i32_0 = arith.constant 0 : i32
    %c0_i32_1 = arith.constant 0 : i32
    %c0_i32_2 = arith.constant 0 : i32
    %c0_i32_3 = arith.constant 0 : i32
    return %c0_i32, %c0_i32_0, %c0_i32_1, %c0_i32_2 : i32, i32, i32, i32
  }
  func.func @transform_8(%arg0: i32, %arg1: i32) -> (i32, i32, i32) {
    %c0_i32 = arith.constant 0 : i32
    %c0_i32_0 = arith.constant 0 : i32
    %c0_i32_1 = arith.constant 0 : i32
    %c0_i32_2 = arith.constant 0 : i32
    return %c0_i32, %c0_i32_0, %c0_i32_1 : i32, i32, i32
  }
  func.func @transform_9(%arg0: i32, %arg1: i32) -> (i32, i32, i32) {
    %c0_i32 = arith.constant 0 : i32
    %c0_i32_0 = arith.constant 0 : i32
    %c0_i32_1 = arith.constant 0 : i32
    %c0_i32_2 = arith.constant 0 : i32
    return %c0_i32, %c0_i32_0, %c0_i32_1 : i32, i32, i32
  }
  func.func @transform_10(%arg0: i32, %arg1: i32) -> (i32, i32, i32) {
    %c0_i32 = arith.constant 0 : i32
    %c0_i32_0 = arith.constant 0 : i32
    return %arg0, %arg1, %c0_i32 : i32, i32, i32
  }
}

</mosaic_0001>

<sc_bundles>
// kernel: kernel.10.cloned.1.call-start
scs
__scs_entry_jumppad:
0x0: {  	(pc) =	sbr.rel $0x88, $3  }
0x1: {  	(tag) =	ssettag $0x0;
	lr =	simm.s32 $0x1  }
0x2: {  	[smem:$0x3F90] =	sst lr;
	_ =	strace $0xD0000000  }
0x3: {  	_ = 	snop  }
0x4: {  	_ = 	snop  }
0x5: {  	_ = 	snop  }
0x6: {  	_ = 	snop  }
0x7: {  	_ = 	snop  }
__scs_overlays_trampoline_lowered:
0x8: {  	[smem:$0x3F9F] =	sst s0  }
0x9: {  	[smem:$0x3FA0] =	sst s1  }
0xa: {  	[smem:$0x3FA1] =	sst s2  }
0xb: {  	[smem:$0x3FA2] =	sst s3  }
0xc: {  	[smem:$0x3FA3] =	sst s4  }
0xd: {  	[smem:$0x3FA4] =	sst s5  }
0xe: {  	[smem:$0x3FA5] =	sst s6  }
0xf: {  	[smem:$0x3FA6] =	sst s7  }
0x10: {  	[smem:$0x3FA7] =	sst s8  }
0x11: {  	[smem:$0x3FA8] =	sst s9;
	s0 =	simm.s32 @!p0 $0x0  }
0x12: {  	s1 =	sld [smem:$0x3F8E];
	s0 =	simm.s32 @p0 $0x1  }
0x13: {  	[smem:$0x3FA9] =	sst s0;
	s0 =	simm.s32 @!p1 $0x0  }
0x14: {  	s2 =	sld [smem:$0x3F8D];
	s0 =	simm.s32 @p1 $0x1  }
0x15: {  	[smem:$0x3FAA] =	sst s0;
	s0 =	simm.s32 @!p2 $0x0  }
0x16: {  	s3 =	sld [smem:$0x3FDB];
	s0 =	simm.s32 @p2 $0x1  }
0x17: {  	s4 =	simm.s32 $0x1BF5;
	[smem:$0x3FAC] =	sst s0  }
0x18: {  	s0 =	sld [smem:$0x3F8F];
	_ =	swait.ge [sflag:s4], $0x0  }
0x19: {  	s7 =	sld [smem:$0x3F90]  }
0x1a: {  	s8 =	sadd.s32 $0xFFFFE003, lr  }
0x1b: {  	s9 =	sadd.s32 $0xFFFFFEF7, lr;
	s5 =	simm.s32 $0xFFFFFFFF;
	p2 =	slt.u32 s8, $0xFFFFF086  }
0x1c: {  	p1 =	slt.u32 s9, $0xF7A;
	s5 =	simm.s32 @!p2 $0x0  }
0x1d: {  	s5 =	simm.s32 @p1 $0x1;
	p0 =	seq.s32 s7, s2  }
0x1e: {  	s7 =	smul.u32 @!p0 $0xF7A, s2;
	p2 =	seq.s32 @!p0 s5, $0x0  }
0x1f: {  	s9 =	smul.u32 $0xF7A, s1;
	s8 =	simm.s32 @!p0 $0x1BF5;
	p2 =	por !p2, p0  }
0x20: {  	[sflag:s8] =	ssyncset.s32 @!p0 $0xFFFFF086;
	s6 =	sadd.s32 @!p0 s3, s7;
	s7 =	simm.s32 @!p0 $0x108  }
0x21: {  	s3 =	sadd.s32 s3, s9;
	s6 =	sadd.s32 @!p0 $0x88, s6;
	s7 =	simm.s32 @p2 $0x1082  }
0x22: {  	[simem:s7], [sflag:s8] =	dma.local @!p0 [hbm:s6], $0xF7A  }
0x23: {  	s9 =	sor.u32 $0xD0000000, s2;
	s6 =	simm.s32 $0x108;
	_ =	swait.ge @!p0 [sflag:s8], $0x0  }
0x24: {  	s3 =	sadd.s32 $0x88, s3;
	s6 =	simm.s32 @!p1 $0x1082;
	[sflag:s4] =	ssyncset.s32 $0xFFFFF086  }
0x25: {  	[simem:s6], [sflag:s4] =	dma.local [hbm:s3], $0xF7A  }
0x26: {  	[smem:$0x3F90] =	sst s1;
	(tag) =	ssettag s2;
	_ =	strace s9  }
0x27: {  	s1 =	sld [smem:$0x3FA0]  }
0x28: {  	s2 =	sld [smem:$0x3FA1]  }
0x29: {  	s4 =	sld [smem:$0x3FA3]  }
0x2a: {  	p0 =	seq.s32 s5, $0x0;
	s5 =	sld [smem:$0x3FA4]  }
0x2b: {  	s6 =	sld [smem:$0x3FA5]  }
0x2c: {  	s7 =	sld [smem:$0x3FA6]  }
0x2d: {  	s3 =	simm.s32 $0x108;
	s8 =	sld [smem:$0x3FA7]  }
0x2e: {  	s3 =	simm.s32 @!p0 $0x1082;
	s9 =	sld [smem:$0x3FA8]  }
0x2f: {  	lr =	sadd.s32 s0, s3;
	s0 =	sld [smem:$0x3F9F]  }
0x30: {  	s3 =	sld [smem:$0x3FA2]  }
0x31: {  	[smem:$0x3FAB] =	sst s10  }
0x32: {  	s10 =	sld [smem:$0x3FA9];
	_ =	sdelay $0x3  }
0x33: {  	p0 =	seq.s32 s10, $0x1;
	s10 =	sld [smem:$0x3FAB];
	_ =	sdelay $0x3  }
0x34: {  	[smem:$0x3FAB] =	sst s10  }
0x35: {  	s10 =	sld [smem:$0x3FAA];
	_ =	sdelay $0x3  }
0x36: {  	p1 =	seq.s32 s10, $0x1;
	s10 =	sld [smem:$0x3FAB];
	_ =	sdelay $0x3  }
0x37: {  	[smem:$0x3FAB] =	sst s10  }
0x38: {  	s10 =	sld [smem:$0x3FAC]  }
0x39: {  	_ = 	snop;
	(pc) =	sbr.ind lr, $3  }
0x3a: {  	_ = 	snop  }
0x3b: {  	_ = 	snop  }
0x3c: {  	p2 =	seq.s32 s10, $0x1;
	s10 =	sld [smem:$0x3FAB]  }
0x3d: {  	_ =	shalt  }
0x3e: {  	_ =	shalt  }
0x3f: {  	_ =	shalt  }
0x40: {  	_ =	shalt  }
0x41: {  	_ =	shalt  }
0x42: {  	_ =	shalt  }
0x43: {  	_ =	shalt  }
0x44: {  	_ =	shalt  }
0x45: {  	_ =	shalt  }
0x46: {  	_ =	shalt  }
0x47: {  	_ =	shalt  }
0x48: {  	_ =	shalt  }
0x49: {  	_ =	shalt  }
0x4a: {  	_ =	shalt  }
0x4b: {  	_ =	shalt  }
0x4c: {  	_ =	shalt  }
0x4d: {  	_ =	shalt  }
0x4e: {  	_ =	shalt  }
0x4f: {  	_ =	shalt  }
0x50: {  	_ =	shalt  }
0x51: {  	_ =	shalt  }
0x52: {  	_ =	shalt  }
0x53: {  	_ =	shalt  }
0x54: {  	_ =	shalt  }
0x55: {  	_ =	shalt  }
0x56: {  	_ =	shalt  }
0x57: {  	_ =	shalt  }
0x58: {  	_ =	shalt  }
0x59: {  	_ =	shalt  }
0x5a: {  	_ =	shalt  }
0x5b: {  	_ =	shalt  }
0x5c: {  	_ =	shalt  }
0x5d: {  	_ =	shalt  }
0x5e: {  	_ =	shalt  }
0x5f: {  	_ =	shalt  }
0x60: {  	_ =	shalt  }
0x61: {  	_ =	shalt  }
0x62: {  	_ =	shalt  }
0x63: {  	_ =	shalt  }
0x64: {  	_ =	shalt  }
0x65: {  	_ =	shalt  }
0x66: {  	_ =	shalt  }
0x67: {  	_ =	shalt  }
0x68: {  	_ =	shalt  }
0x69: {  	_ =	shalt  }
0x6a: {  	_ =	shalt  }
0x6b: {  	_ =	shalt  }
0x6c: {  	_ =	shalt  }
0x6d: {  	_ =	shalt  }
0x6e: {  	_ =	shalt  }
0x6f: {  	_ =	shalt  }
0x70: {  	_ =	shalt  }
0x71: {  	_ =	shalt  }
0x72: {  	_ =	shalt  }
0x73: {  	_ =	shalt  }
0x74: {  	_ =	shalt  }
0x75: {  	_ =	shalt  }
0x76: {  	_ =	shalt  }
0x77: {  	_ =	shalt  }
0x78: {  	_ =	shalt  }
0x79: {  	_ =	shalt  }
0x7a: {  	_ =	shalt  }
0x7b: {  	_ =	shalt  }
0x7c: {  	_ =	shalt  }
0x7d: {  	_ =	shalt  }
0x7e: {  	_ =	shalt  }
0x7f: {  	_ =	shalt  }
0x80: {  	_ =	shalt  }
0x81: {  	_ =	shalt  }
0x82: {  	_ =	shalt  }
0x83: {  	_ =	shalt  }
0x84: {  	_ =	shalt  }
0x85: {  	_ =	shalt  }
0x86: {  	_ =	shalt  }
0x87: {  	_ =	shalt  }
.Lfunc_end0:
.L_simem_size_0:
called_computation.1_lowered:
.L_overlay_start_0:
0x88: {  	s2 =	sld [smem:$0x3FD9]  }
0x89: {  	s3 =	sld [smem:$0x3FFE];
	_ =	sdelay $0x1  }
0x8a: {  	s1 =	srdreg.scid  }
0x8b: {  	s0 =	sand.u32 $0x1, s1  }
0x8c: {  	s14 =	sshll.u32 s0, $0xA;
	s2 =	sadd.s32 s3, s2  }
0x8d: {  	s2 =	sadd.s32 s2, s14  }
0x8e: {  	[smem:$0x3FB7] =	sst s2  }
0x8f: {  	_ = 	snop  }
0x90: {  	s2 =	sld [smem:$0x3FD0];
	_ =	sdelay $0x2  }
0x91: {  	s15 =	simm.s32 $0xA;
	s4 =	simm.s32 $0x10  }
0x92: {  	[smem:s4], [sflag:s15] =	dma.local [hbm:s2], $0x1  }
0x93: {  	_ =	swait.eq [sflag:s15], $0x1  }
0x94: {  	[sflag:s15] =	ssyncset.done $0x0  }
0x95: {  	[sflag:s15] =	ssyncadd.s32 $0xFFFFFFFF  }
0x96: {  	s16 =	sld [smem:$0x10];
	(tm) =	ssettm $0x1  }
0x97: {  	s17 =	sld [smem:$0x3FFB];
	_ =	sdelay $0x3  }
0x98: {  	_ =	strace s17  }
0x99: {  	s3 =	sld [smem:$0x3FFC];
	_ =	sdelay $0x3  }
0x9a: {  	_ =	strace s3  }
0x9b: {  	s3 =	sld [smem:$0x3FFD];
	_ =	sdelay $0x3  }
0x9c: {  	_ =	strace s3  }
0x9d: {  	_ =	strace $0x8FFFFFFF  }
0x9e: {  	s18 =	sld [smem:$0x3FDB];
	_ =	sdelay $0x1  }
0x9f: {  	s19 =	simm.s32 $_scs_section_size  }
0xa0: {  	s5 =	simm.s32 $_size__tile_overlayer_lowered;
	s6 =	simm.s32 $_tile_overlayer_lowered  }
0xa1: {  	s22 =	simm.s32 $0x1BFF;
	s21 =	sshll.u32 s6, $0x1;
	s3 =	sadd.s32 s19, s18  }
0xa2: {  	s7 =	simm.s32 $0x0;
	s20 =	sshll.u32 s5, $0x1;
	s5 =	sadd.s32 s21, s3  }
0xa3: {  	[timem:s7], [sflag:s22] =	dma.local [hbm:s5], s20  }
0xa4: {  	_ =	swait.ge [sflag:s22], s20  }
0xa5: {  	s4 =	ssub.s32 $0x0, s20;
	[sflag:s22] =	ssyncset.done $0x0  }
0xa6: {  	[sflag:s22] =	ssyncadd.s32 s4;
	_ =	sdelay $0x1  }
0xa7: {  	s23 =	simm.s32 $0x1B8B  }
0xa8: {  	_ =	swait.ge [sflag:s23], $0x1  }
0xa9: {  	[sflag:s23] =	ssyncset.done $0x0  }
0xaa: {  	s25 =	simm.s32 $0x1B8E;
	s24 =	sld [smem:$0x3FFE];
	[sflag:s23] =	ssyncadd.s32 $0xFFFFFFFF  }
0xab: {  	s26 =	simm.s32 $execute0_lowered;
	[smem:$0x3FD2] =	sst s25  }
0xac: {  	s5 =	sshll.u32 s26, $0x1;
	_ =	strace $0x80000049;
	[dreg:$0x1] =	wrdreg $0xFFFFFFFF  }
0xad: {  	s28 =	simm.s32 $_size_execute0_lowered;
	s3 =	sadd.s32 s3, s5;
	[dreg:$0x0] =	wrdreg $0x0  }
0xae: {  	s5 =	sshll.u32 s28, $0x1;
	[dreg:$0x2] =	wrdreg s3  }
0xaf: {  	[dreg:$0x3] =	wrdreg s5  }
0xb0: {  	[dreg:$0x4] =	wrdreg $0xC0  }
0xb1: {  	_ =	task [dreg:s7], $0x5FFFF  }
0xb2: {  	[dreg:$0x1] =	wrdreg $0xFFFFFFFF  }
0xb3: {  	[dreg:$0x0] =	wrdreg $0x60  }
0xb4: {  	[dreg:$0x2] =	wrdreg s24  }
0xb5: {  	[dreg:$0x3] =	wrdreg s16  }
0xb6: {  	[dreg:$0x4] =	wrdreg $0x0  }
0xb7: {  	[dreg:$0x5] =	wrdreg $0x9  }
0xb8: {  	_ =	task.clear_ibuf [dreg:s7], $0x6FFFF;
	_ =	strace $0x90000049  }
0xb9: {  	s29 =	simm.s32 $0x9;
	_ =	strace $0x8000004B  }
0xba: {  	_ =	swait.ge [sflag:s29], $0x1  }
0xbb: {  	[sflag:s29] =	ssyncadd.s32 $0xFFFFFFFF  }
0xbc: {  	_ =	strace $0x9000004B  }
0xbd: {  	_ =	sfence  }
0xbe: {  	s30 =	sld [smem:$0x0];
	_ =	sdelay $0x2  }
0xbf: {  	s31 =	sshll.u32 s1, $0xD;
	s1 =	sshrl.u32 s1, $0x2  }
0xc0: {  	s3 =	sand.u32 $0x4000, s31;
	s1 =	sadd.s32 s1, s30  }
0xc1: {  	s0 =	sor.u32 s3, s0;
	s1 =	sshll.u32 s1, $0x11  }
0xc2: {  	s0 =	sor.u32 s1, s0  }
0xc3: {  	s0 =	sadd.s32 $0x8F2B, s0  }
0xc4: {  	[sflag:s0] =	ssyncadd.remote.s32 $0x1  }
0xc5: {  	_ =	sfence.sel $0xFFFF  }
0xc6: {  	[dreg:$0x0] =	wrdreg $0xFFFFFFFF;
	(pc) =	sbr.abs _section_cstart, $3  }
0xc7: {  	[dreg:$0x1] =	wrdreg $0xFFFFFFFF  }
0xc8: {  	_ =	task.clear_ibuf [dreg:s7], $0x2FFFF;
	_ =	strace $0x9FFFFFFF  }
0xc9: {  	(tm) =	ssettm $0x7FFFFFFF  }
tec
execute0_lowered:
.L_overlay_start_1:
0x0: {  	(tag) =	ssettag $0x1  }
0x1: {  	s0 =	rddreg [dreg:$0x0]  }
0x2: {  	s2 =	rddreg [dreg:$0x1]  }
0x3: {  	s1 =	rddreg [dreg:$0x2];
	s3 =	srdreg.scid;
	s4 =	simm.s32 $0x0  }
0x4: {  	s12 =	stileid.u32;
	s30 =	simm.s32 $0x3;
	s31 =	simm.s32 $0x9E00  }
0x5: {  	s3 =	sand.u32 $0x1, s3;
	[smem:$0x7FF] =	sst s4;
	s7 =	smul.u32 $0x4F00, s12  }
0x6: {  	s9 =	smul.u32 $0x9E00, s12;
	s4 =	sadd.s32 $0x77E00, s0;
	s6 =	sadd.s32 $0x17A200, s0  }
0x7: {  	s15 =	sshll.u32 s12, $0x6;
	s12 =	simm.s32 $0x2;
	s5 =	smul.u32 $0x1DA000, s3  }
0x8: {  	_ =	strace $0x8000004A;
	s10 =	smul.u32 $0x9E000, s3;
	s3 =	ssub.s32 $0x2, s3  }
0x9: {  	s13 =	sshrl.u32 s3, $0x1;
	s14 =	sshrl.u32 s9, $0x3;
	s8 =	sadd.s32 s7, s5  }
0xa: {  	s5 =	sadd.s32 $0x151200, s0;
	s7 =	sshrl.u32 s7, $0x3;
	s26 =	sadd.s32 s9, s10  }
0xb: {  	s3 =	ssub.s32 s3, s13;
	s13 =	simm.s32 $0x13B00;
	s8 =	sshrl.u32 s8, $0x3  }
0xc: {  	s10 =	sadd.s32 s7, s0;
	s7 =	sadd.s32 s2, s14;
	s29 =	smax.u32 s3, $0x1  }
0xd: {  	s2 =	simm.s32 $0x80;
	s3 =	simm.s32 $0x13C00;
	s14 =	simm.s32 $0x13B80  }
0xe: {  	s11 =	sadd.s32 s8, s0;
	s8 =	sshrl.u32 s26, $0x3;
	s17 =	sadd.s32 $0x9F600, s10  }
0xf: {  	s20 =	sadd.s32 $0xA9400, s10;
	s23 =	sadd.s32 $0xB3200, s10;
	s25 =	sadd.s32 $0xBD000, s10  }
0x10: {  	s0 =	sadd.s32 s8, s0;
	s8 =	sor.u32 $0x1C03, s15;
	[dreg:$0x5] =	wrdreg s17  }
0x11: {  	s16 =	sadd.s32 $0xDAA00, s11;
	s19 =	sadd.s32 $0xE4800, s11;
	[dreg:$0x8] =	wrdreg s20  }
0x12: {  	s22 =	sadd.s32 $0xEE600, s11;
	[dreg:$0xb] =	wrdreg s23;
	s24 =	sadd.s32 $0xF8400, s11  }
0x13: {  	[dreg:$0xd] =	wrdreg s25;
	s26 =	sadd.s32 $0x102200, s11;
	s20 =	sadd.s32 $0xC6E00, s10  }
0x14: {  	s23 =	sadd.s32 s9, s1;
	s9 =	simm.s32 $0x9E80;
	[dreg:$0x4] =	wrdreg s16  }
0x15: {  	s15 =	simm.s32 $0x0;
	s18 =	sadd.s32 $0x1A1A00, s0;
	[dreg:$0x7] =	wrdreg s19  }
0x16: {  	s21 =	sadd.s32 $0x1C9200, s0;
	[dreg:$0xa] =	wrdreg s22;
	s22 =	sadd.s32 $0xD0C00, s10  }
0x17: {  	[dreg:$0xc] =	wrdreg s24;
	s24 =	sadd.s32 $0x1F0A00, s0;
	s25 =	sadd.s32 $0x218200, s0  }
0x18: {  	[dreg:$0xe] =	wrdreg s26;
	s26 =	sadd.s32 $0x23FA00, s0;
	s28 =	sadd.s32 $0x267200, s0  }
0x19: {  	s0 =	simm.s32 $0xED00;
	s10 =	simm.s32 $0x15C00;
	[dreg:$0x6] =	wrdreg s18  }
0x1a: {  	[dreg:$0x9] =	wrdreg s21;
	s21 =	sadd.s32 $0x10C000, s11;
	s11 =	simm.s32 $0x1  }
.LBB2_1:
0x1b: {  	s16 =	sshrl.u32 s23, $0x3  }
0x1c: {  	[spmem:s16], [sflag:s8] =	dma.local [hbm:s7], $0x13C0  }
0x1d: {  	_ =	swait.ge [sflag:s30], $0x13C0  }
0x1e: {  	[sflag:s30] =	ssyncset.done $0x0  }
0x1f: {  	s17 =	simm.s32 $0x0;
	s18 =	rddreg [dreg:$0x4];
	[sflag:s30] =	ssyncadd.s32 $0xFFFFEC40  }
0x20: {  	[tilespmem:s31], [sflag:$0x3] =	stream.linear.gather [hbm4b:s18+s17], $0x4F00, $0x38;
	[tilespmem:$0x17C00] =	vst v63  }
0x21: {  	_ =	swait.ge [sflag:s30], $0x4F00  }
0x22: {  	[sflag:s30] =	ssyncset.done $0x0  }
0x23: {  	s19 =	rddreg [dreg:$0x5];
	[sflag:s30] =	ssyncadd.s32 $0xFFFFB100  }
0x24: {  	[tilespmem:s0], [sflag:$0x3] =	stream.linear.gather [hbm4b:s19+s17], $0x4F00, $0x38;
	[tilespmem:$0x17C00] =	vst v63  }
0x25: {  	_ =	swait.ge [sflag:s30], $0x4F00  }
0x26: {  	[sflag:s30] =	ssyncset.done $0x0  }
0x27: {  	[sflag:s30] =	ssyncadd.s32 $0xFFFFB100  }
0x28: {  	[bflag:$0x0] =	sbarrier.arrive $0xFFFF  }
0x29: {  	[tilespmem:s3], [sflag:$0x1] =	stream.indirect.gather [hbm4b:s4+s2], $0x40, s31, s2, $0xb8;
	[tilespmem:$0x17C00] =	vst v63  }
0x2a: {  	_ = 	snop  }
0x2b: {  	[tilespmem:s10], [sflag:$0x2] =	stream.indirect.gather [hbm4b:s4+s2], $0x40, s9, s2, $0xb8;
	[tilespmem:$0x17C00] =	vst v63  }
0x2c: {  	_ =	swait.ge [sflag:s11], $0x2000  }
0x2d: {  	[sflag:s11] =	ssyncset.done $0x0  }
0x2e: {  	s19 =	simm.s32 $0xED00;
	[sflag:s11] =	ssyncadd.s32 $0xFFFFE000  }
0x2f: {  	[spmem:s1] =	stream.indirect.scatter.add.f32 [tilespmem:s3], [sflag:$0x3], $0x40, s19, s2, $0xb8;
	[tilespmem:$0x17C00] =	vst v63  }
0x30: {  	_ =	swait.ge [sflag:s30], $0x2000  }
0x31: {  	[sflag:s30] =	ssyncset.done $0x0  }
0x32: {  	s18 =	simm.s32 $0x9F00;
	[sflag:s30] =	ssyncadd.s32 $0xFFFFE000  }
0x33: {  	[tilespmem:s3], [sflag:$0x1] =	stream.indirect.gather [hbm4b:s4+s2], $0x40, s18, s2, $0xb8;
	[tilespmem:$0x17C00] =	vst v63  }
0x34: {  	_ =	swait.ge [sflag:s12], $0x2000  }
0x35: {  	[sflag:s12] =	ssyncset.done $0x0  }
0x36: {  	s19 =	simm.s32 $0xED80;
	[sflag:s12] =	ssyncadd.s32 $0xFFFFE000  }
0x37: {  	[spmem:s1] =	stream.indirect.scatter.add.f32 [tilespmem:s10], [sflag:$0x3], $0x40, s19, s2, $0xb8;
	[tilespmem:$0x17C00] =	vst v63  }
0x38: {  	_ =	swait.ge [sflag:s30], $0x2000  }
0x39: {  	[sflag:s30] =	ssyncset.done $0x0  }
0x3a: {  	s17 =	simm.s32 $0x400;
	s18 =	simm.s32 $0x9F80;
	[sflag:s30] =	ssyncadd.s32 $0xFFFFE000  }
.LBB2_2:
0x3b: {  	[tilespmem:s10], [sflag:$0x2] =	stream.indirect.gather [hbm4b:s4+s2], $0x40, s18, s2, $0xb8;
	[tilespmem:$0x17C00] =	vst v63  }
0x3c: {  	s18 =	smov.u32 s17  }
0x3d: {  	p0 =	sne.s32 s17, $0x13400;
	s17 =	sadd.s32 $0x400, s17;
	_ =	swait.ge [sflag:s11], $0x2000  }
0x3e: {  	s18 =	sshra.s32 s18, $0x2;
	[sflag:s11] =	ssyncset.done $0x0  }
0x3f: {  	s19 =	sadd.s32 $0xED00, s18;
	[sflag:s11] =	ssyncadd.s32 $0xFFFFE000  }
0x40: {  	[spmem:s1] =	stream.indirect.scatter.add.f32 [tilespmem:s3], [sflag:$0x3], $0x40, s19, s2, $0xb8;
	[tilespmem:$0x17C00] =	vst v63  }
0x41: {  	_ =	swait.ge [sflag:s30], $0x2000  }
0x42: {  	[sflag:s30] =	ssyncset.done $0x0  }
0x43: {  	s19 =	sadd.s32 $0x9F00, s18;
	[sflag:s30] =	ssyncadd.s32 $0xFFFFE000  }
0x44: {  	[tilespmem:s3], [sflag:$0x1] =	stream.indirect.gather [hbm4b:s4+s2], $0x40, s19, s2, $0xb8;
	[tilespmem:$0x17C00] =	vst v63  }
0x45: {  	_ =	swait.ge [sflag:s12], $0x2000  }
0x46: {  	[sflag:s12] =	ssyncset.done $0x0  }
.Ltmp0:
0x47: {  	s19 =	sadd.s32 $0xED80, s18;
	[sflag:s12] =	ssyncadd.s32 $0xFFFFE000;
	(pc) =	sbr.rel @p0 .LBB2_2-.Ltmp0, $4  }
0x48: {  	[spmem:s1] =	stream.indirect.scatter.add.f32 [tilespmem:s10], [sflag:$0x3], $0x40, s19, s2, $0xb8;
	[tilespmem:$0x17C00] =	vst v63  }
0x49: {  	_ =	swait.ge [sflag:s30], $0x2000  }
0x4a: {  	[sflag:s30] =	ssyncset.done $0x0  }
0x4b: {  	s18 =	sadd.s32 $0x9F80, s18;
	[sflag:s30] =	ssyncadd.s32 $0xFFFFE000  }
0x4c: {  	[tilespmem:s10], [sflag:$0x2] =	stream.indirect.gather [hbm4b:s4+s2], $0x40, s18, s2, $0xb8;
	[tilespmem:$0x17C00] =	vst v63  }
0x4d: {  	_ =	swait.ge [sflag:s11], $0x2000  }
0x4e: {  	[sflag:s11] =	ssyncset.done $0x0  }
0x4f: {  	[sflag:s11] =	ssyncadd.s32 $0xFFFFE000  }
0x50: {  	[spmem:s1] =	stream.indirect.scatter.add.f32 [tilespmem:s3], [sflag:$0x3], $0x40, s13, s2, $0xb8;
	[tilespmem:$0x17C00] =	vst v63  }
0x51: {  	_ =	swait.ge [sflag:s30], $0x2000  }
0x52: {  	[sflag:s30] =	ssyncset.done $0x0  }
0x53: {  	[sflag:s30] =	ssyncadd.s32 $0xFFFFE000  }
0x54: {  	_ =	swait.ge [sflag:s12], $0x2000  }
0x55: {  	[sflag:s12] =	ssyncset.done $0x0  }
0x56: {  	[sflag:s12] =	ssyncadd.s32 $0xFFFFE000  }
0x57: {  	[spmem:s1] =	stream.indirect.scatter.add.f32 [tilespmem:s10], [sflag:$0x3], $0x40, s14, s2, $0xb8;
	[tilespmem:$0x17C00] =	vst v63  }
0x58: {  	_ =	swait.ge [sflag:s30], $0x2000  }
0x59: {  	[sflag:s30] =	ssyncset.done $0x0  }
0x5a: {  	[sflag:s30] =	ssyncadd.s32 $0xFFFFE000  }
0x5b: {  	[bflag:$0x0] =	sbarrier.arrive $0xFFFF  }
0x5c: {  	s17 =	rddreg [dreg:$0x6]  }
0x5d: {  	[hbm:s17], [sflag:s8] =	dma.local [spmem:s16], $0x13C0  }
0x5e: {  	_ =	swait.ge [sflag:s30], $0x13C0  }
0x5f: {  	[sflag:s30] =	ssyncset.done $0x0  }
0x60: {  	[sflag:s30] =	ssyncadd.s32 $0xFFFFEC40  }
0x61: {  	[spmem:s16], [sflag:s8] =	dma.local [hbm:s7], $0x13C0  }
0x62: {  	_ =	swait.ge [sflag:s30], $0x13C0  }
0x63: {  	[sflag:s30] =	ssyncset.done $0x0  }
0x64: {  	s17 =	simm.s32 $0x0;
	s19 =	rddreg [dreg:$0x7];
	[sflag:s30] =	ssyncadd.s32 $0xFFFFEC40  }
0x65: {  	[tilespmem:s31], [sflag:$0x3] =	stream.linear.gather [hbm4b:s19+s17], $0x4F00, $0x38;
	[tilespmem:$0x17C00] =	vst v63  }
0x66: {  	_ =	swait.ge [sflag:s30], $0x4F00  }
0x67: {  	[sflag:s30] =	ssyncset.done $0x0  }
0x68: {  	s19 =	rddreg [dreg:$0x8];
	[sflag:s30] =	ssyncadd.s32 $0xFFFFB100  }
0x69: {  	[tilespmem:s0], [sflag:$0x3] =	stream.linear.gather [hbm4b:s19+s17], $0x4F00, $0x38;
	[tilespmem:$0x17C00] =	vst v63  }
0x6a: {  	_ =	swait.ge [sflag:s30], $0x4F00  }
0x6b: {  	[sflag:s30] =	ssyncset.done $0x0  }
0x6c: {  	[sflag:s30] =	ssyncadd.s32 $0xFFFFB100  }
0x6d: {  	[bflag:$0x0] =	sbarrier.arrive $0xFFFF  }
0x6e: {  	[tilespmem:s3], [sflag:$0x1] =	stream.indirect.gather [hbm4b:s5+s2], $0x40, s31, s2, $0xb8;
	[tilespmem:$0x17C00] =	vst v63  }
0x6f: {  	_ = 	snop  }
0x70: {  	[tilespmem:s10], [sflag:$0x2] =	stream.indirect.gather [hbm4b:s5+s2], $0x40, s9, s2, $0xb8;
	[tilespmem:$0x17C00] =	vst v63  }
0x71: {  	_ =	swait.ge [sflag:s11], $0x2000  }
0x72: {  	[sflag:s11] =	ssyncset.done $0x0  }
0x73: {  	s19 =	simm.s32 $0xED00;
	[sflag:s11] =	ssyncadd.s32 $0xFFFFE000  }
0x74: {  	[spmem:s1] =	stream.indirect.scatter.add.f32 [tilespmem:s3], [sflag:$0x3], $0x40, s19, s2, $0xb8;
	[tilespmem:$0x17C00] =	vst v63  }
0x75: {  	_ =	swait.ge [sflag:s30], $0x2000  }
0x76: {  	[sflag:s30] =	ssyncset.done $0x0  }
0x77: {  	s18 =	simm.s32 $0x9F00;
	[sflag:s30] =	ssyncadd.s32 $0xFFFFE000  }
0x78: {  	[tilespmem:s3], [sflag:$0x1] =	stream.indirect.gather [hbm4b:s5+s2], $0x40, s18, s2, $0xb8;
	[tilespmem:$0x17C00] =	vst v63  }
0x79: {  	_ =	swait.ge [sflag:s12], $0x2000  }
0x7a: {  	[sflag:s12] =	ssyncset.done $0x0  }
0x7b: {  	s19 =	simm.s32 $0xED80;
	[sflag:s12] =	ssyncadd.s32 $0xFFFFE000  }
0x7c: {  	[spmem:s1] =	stream.indirect.scatter.add.f32 [tilespmem:s10], [sflag:$0x3], $0x40, s19, s2, $0xb8;
	[tilespmem:$0x17C00] =	vst v63  }
0x7d: {  	_ =	swait.ge [sflag:s30], $0x2000  }
0x7e: {  	[sflag:s30] =	ssyncset.done $0x0  }
0x7f: {  	s17 =	simm.s32 $0x400;
	s18 =	simm.s32 $0x9F80;
	[sflag:s30] =	ssyncadd.s32 $0xFFFFE000  }
.LBB2_4:
0x80: {  	[tilespmem:s10], [sflag:$0x2] =	stream.indirect.gather [hbm4b:s5+s2], $0x40, s18, s2, $0xb8;
	[tilespmem:$0x17C00] =	vst v63  }
0x81: {  	s18 =	smov.u32 s17  }
0x82: {  	p0 =	sne.s32 s17, $0x13400;
	s17 =	sadd.s32 $0x400, s17;
	_ =	swait.ge [sflag:s11], $0x2000  }
0x83: {  	s18 =	sshra.s32 s18, $0x2;
	[sflag:s11] =	ssyncset.done $0x0  }
0x84: {  	s19 =	sadd.s32 $0xED00, s18;
	[sflag:s11] =	ssyncadd.s32 $0xFFFFE000  }
0x85: {  	[spmem:s1] =	stream.indirect.scatter.add.f32 [tilespmem:s3], [sflag:$0x3], $0x40, s19, s2, $0xb8;
	[tilespmem:$0x17C00] =	vst v63  }
0x86: {  	_ =	swait.ge [sflag:s30], $0x2000  }
0x87: {  	[sflag:s30] =	ssyncset.done $0x0  }
0x88: {  	s19 =	sadd.s32 $0x9F00, s18;
	[sflag:s30] =	ssyncadd.s32 $0xFFFFE000  }
0x89: {  	[tilespmem:s3], [sflag:$0x1] =	stream.indirect.gather [hbm4b:s5+s2], $0x40, s19, s2, $0xb8;
	[tilespmem:$0x17C00] =	vst v63  }
0x8a: {  	_ =	swait.ge [sflag:s12], $0x2000  }
0x8b: {  	[sflag:s12] =	ssyncset.done $0x0  }
.Ltmp1:
0x8c: {  	s19 =	sadd.s32 $0xED80, s18;
	[sflag:s12] =	ssyncadd.s32 $0xFFFFE000;
	(pc) =	sbr.rel @p0 .LBB2_4-.Ltmp1, $4  }
0x8d: {  	[spmem:s1] =	stream.indirect.scatter.add.f32 [tilespmem:s10], [sflag:$0x3], $0x40, s19, s2, $0xb8;
	[tilespmem:$0x17C00] =	vst v63  }
0x8e: {  	_ =	swait.ge [sflag:s30], $0x2000  }
0x8f: {  	[sflag:s30] =	ssyncset.done $0x0  }
0x90: {  	s18 =	sadd.s32 $0x9F80, s18;
	[sflag:s30] =	ssyncadd.s32 $0xFFFFE000  }
0x91: {  	[tilespmem:s10], [sflag:$0x2] =	stream.indirect.gather [hbm4b:s5+s2], $0x40, s18, s2, $0xb8;
	[tilespmem:$0x17C00] =	vst v63  }
0x92: {  	_ =	swait.ge [sflag:s11], $0x2000  }
0x93: {  	[sflag:s11] =	ssyncset.done $0x0  }
0x94: {  	[sflag:s11] =	ssyncadd.s32 $0xFFFFE000  }
0x95: {  	[spmem:s1] =	stream.indirect.scatter.add.f32 [tilespmem:s3], [sflag:$0x3], $0x40, s13, s2, $0xb8;
	[tilespmem:$0x17C00] =	vst v63  }
0x96: {  	_ =	swait.ge [sflag:s30], $0x2000  }
0x97: {  	[sflag:s30] =	ssyncset.done $0x0  }
0x98: {  	[sflag:s30] =	ssyncadd.s32 $0xFFFFE000  }
0x99: {  	_ =	swait.ge [sflag:s12], $0x2000  }
0x9a: {  	[sflag:s12] =	ssyncset.done $0x0  }
0x9b: {  	[sflag:s12] =	ssyncadd.s32 $0xFFFFE000  }
0x9c: {  	[spmem:s1] =	stream.indirect.scatter.add.f32 [tilespmem:s10], [sflag:$0x3], $0x40, s14, s2, $0xb8;
	[tilespmem:$0x17C00] =	vst v63  }
0x9d: {  	_ =	swait.ge [sflag:s30], $0x2000  }
0x9e: {  	[sflag:s30] =	ssyncset.done $0x0  }
0x9f: {  	[sflag:s30] =	ssyncadd.s32 $0xFFFFE000  }
0xa0: {  	[bflag:$0x0] =	sbarrier.arrive $0xFFFF  }
0xa1: {  	s17 =	rddreg [dreg:$0x9]  }
0xa2: {  	[hbm:s17], [sflag:s8] =	dma.local [spmem:s16], $0x13C0  }
0xa3: {  	_ =	swait.ge [sflag:s30], $0x13C0  }
0xa4: {  	[sflag:s30] =	ssyncset.done $0x0  }
0xa5: {  	[sflag:s30] =	ssyncadd.s32 $0xFFFFEC40  }
0xa6: {  	[spmem:s16], [sflag:s8] =	dma.local [hbm:s7], $0x13C0  }
0xa7: {  	_ =	swait.ge [sflag:s30], $0x13C0  }
0xa8: {  	[sflag:s30] =	ssyncset.done $0x0  }
0xa9: {  	s17 =	simm.s32 $0x0;
	s19 =	rddreg [dreg:$0xa];
	[sflag:s30] =	ssyncadd.s32 $0xFFFFEC40  }
0xaa: {  	[tilespmem:s31], [sflag:$0x3] =	stream.linear.gather [hbm4b:s19+s17], $0x4F00, $0x38;
	[tilespmem:$0x17C00] =	vst v63  }
0xab: {  	_ =	swait.ge [sflag:s30], $0x4F00  }
0xac: {  	[sflag:s30] =	ssyncset.done $0x0  }
0xad: {  	s19 =	rddreg [dreg:$0xb];
	[sflag:s30] =	ssyncadd.s32 $0xFFFFB100  }
0xae: {  	[tilespmem:s0], [sflag:$0x3] =	stream.linear.gather [hbm4b:s19+s17], $0x4F00, $0x38;
	[tilespmem:$0x17C00] =	vst v63  }
0xaf: {  	_ =	swait.ge [sflag:s30], $0x4F00  }
0xb0: {  	[sflag:s30] =	ssyncset.done $0x0  }
0xb1: {  	[sflag:s30] =	ssyncadd.s32 $0xFFFFB100  }
0xb2: {  	[bflag:$0x0] =	sbarrier.arrive $0xFFFF  }
0xb3: {  	[tilespmem:s3], [sflag:$0x1] =	stream.indirect.gather [hbm4b:s6+s2], $0x40, s31, s2, $0xb8;
	[tilespmem:$0x17C00] =	vst v63  }
0xb4: {  	_ = 	snop  }
0xb5: {  	[tilespmem:s10], [sflag:$0x2] =	stream.indirect.gather [hbm4b:s6+s2], $0x40, s9, s2, $0xb8;
	[tilespmem:$0x17C00] =	vst v63  }
0xb6: {  	_ =	swait.ge [sflag:s11], $0x2000  }
0xb7: {  	[sflag:s11] =	ssyncset.done $0x0  }
0xb8: {  	s19 =	simm.s32 $0xED00;
	[sflag:s11] =	ssyncadd.s32 $0xFFFFE000  }
0xb9: {  	[spmem:s1] =	stream.indirect.scatter.add.f32 [tilespmem:s3], [sflag:$0x3], $0x40, s19, s2, $0xb8;
	[tilespmem:$0x17C00] =	vst v63  }
0xba: {  	_ =	swait.ge [sflag:s30], $0x2000  }
0xbb: {  	[sflag:s30] =	ssyncset.done $0x0  }
0xbc: {  	s18 =	simm.s32 $0x9F00;
	[sflag:s30] =	ssyncadd.s32 $0xFFFFE000  }
0xbd: {  	[tilespmem:s3], [sflag:$0x1] =	stream.indirect.gather [hbm4b:s6+s2], $0x40, s18, s2, $0xb8;
	[tilespmem:$0x17C00] =	vst v63  }
0xbe: {  	_ =	swait.ge [sflag:s12], $0x2000  }
0xbf: {  	[sflag:s12] =	ssyncset.done $0x0  }
0xc0: {  	s19 =	simm.s32 $0xED80;
	[sflag:s12] =	ssyncadd.s32 $0xFFFFE000  }
0xc1: {  	[spmem:s1] =	stream.indirect.scatter.add.f32 [tilespmem:s10], [sflag:$0x3], $0x40, s19, s2, $0xb8;
	[tilespmem:$0x17C00] =	vst v63  }
0xc2: {  	_ =	swait.ge [sflag:s30], $0x2000  }
0xc3: {  	[sflag:s30] =	ssyncset.done $0x0  }
0xc4: {  	s17 =	simm.s32 $0x400;
	s18 =	simm.s32 $0x9F80;
	[sflag:s30] =	ssyncadd.s32 $0xFFFFE000  }
.LBB2_6:
0xc5: {  	[tilespmem:s10], [sflag:$0x2] =	stream.indirect.gather [hbm4b:s6+s2], $0x40, s18, s2, $0xb8;
	[tilespmem:$0x17C00] =	vst v63  }
0xc6: {  	s18 =	smov.u32 s17  }
0xc7: {  	p0 =	sne.s32 s17, $0x13400;
	s17 =	sadd.s32 $0x400, s17;
	_ =	swait.ge [sflag:s11], $0x2000  }
0xc8: {  	s18 =	sshra.s32 s18, $0x2;
	[sflag:s11] =	ssyncset.done $0x0  }
0xc9: {  	s19 =	sadd.s32 $0xED00, s18;
	[sflag:s11] =	ssyncadd.s32 $0xFFFFE000  }
0xca: {  	[spmem:s1] =	stream.indirect.scatter.add.f32 [tilespmem:s3], [sflag:$0x3], $0x40, s19, s2, $0xb8;
	[tilespmem:$0x17C00] =	vst v63  }
0xcb: {  	_ =	swait.ge [sflag:s30], $0x2000  }
0xcc: {  	[sflag:s30] =	ssyncset.done $0x0  }
0xcd: {  	s19 =	sadd.s32 $0x9F00, s18;
	[sflag:s30] =	ssyncadd.s32 $0xFFFFE000  }
0xce: {  	[tilespmem:s3], [sflag:$0x1] =	stream.indirect.gather [hbm4b:s6+s2], $0x40, s19, s2, $0xb8;
	[tilespmem:$0x17C00] =	vst v63  }
0xcf: {  	_ =	swait.ge [sflag:s12], $0x2000  }
0xd0: {  	[sflag:s12] =	ssyncset.done $0x0  }
.Ltmp2:
0xd1: {  	s19 =	sadd.s32 $0xED80, s18;
	[sflag:s12] =	ssyncadd.s32 $0xFFFFE000;
	(pc) =	sbr.rel @p0 .LBB2_6-.Ltmp2, $4  }
0xd2: {  	[spmem:s1] =	stream.indirect.scatter.add.f32 [tilespmem:s10], [sflag:$0x3], $0x40, s19, s2, $0xb8;
	[tilespmem:$0x17C00] =	vst v63  }
0xd3: {  	_ =	swait.ge [sflag:s30], $0x2000  }
0xd4: {  	[sflag:s30] =	ssyncset.done $0x0  }
0xd5: {  	s18 =	sadd.s32 $0x9F80, s18;
	[sflag:s30] =	ssyncadd.s32 $0xFFFFE000  }
0xd6: {  	[tilespmem:s10], [sflag:$0x2] =	stream.indirect.gather [hbm4b:s6+s2], $0x40, s18, s2, $0xb8;
	[tilespmem:$0x17C00] =	vst v63  }
0xd7: {  	_ =	swait.ge [sflag:s11], $0x2000  }
0xd8: {  	[sflag:s11] =	ssyncset.done $0x0  }
0xd9: {  	[sflag:s11] =	ssyncadd.s32 $0xFFFFE000  }
0xda: {  	[spmem:s1] =	stream.indirect.scatter.add.f32 [tilespmem:s3], [sflag:$0x3], $0x40, s13, s2, $0xb8;
	[tilespmem:$0x17C00] =	vst v63  }
0xdb: {  	_ =	swait.ge [sflag:s30], $0x2000  }
0xdc: {  	[sflag:s30] =	ssyncset.done $0x0  }
0xdd: {  	[sflag:s30] =	ssyncadd.s32 $0xFFFFE000  }
0xde: {  	_ =	swait.ge [sflag:s12], $0x2000  }
0xdf: {  	[sflag:s12] =	ssyncset.done $0x0  }
0xe0: {  	[sflag:s12] =	ssyncadd.s32 $0xFFFFE000  }
0xe1: {  	[spmem:s1] =	stream.indirect.scatter.add.f32 [tilespmem:s10], [sflag:$0x3], $0x40, s14, s2, $0xb8;
	[tilespmem:$0x17C00] =	vst v63  }
0xe2: {  	_ =	swait.ge [sflag:s30], $0x2000  }
0xe3: {  	[sflag:s30] =	ssyncset.done $0x0  }
0xe4: {  	[sflag:s30] =	ssyncadd.s32 $0xFFFFE000  }
0xe5: {  	[bflag:$0x0] =	sbarrier.arrive $0xFFFF  }
0xe6: {  	[hbm:s24], [sflag:s8] =	dma.local [spmem:s16], $0x13C0  }
0xe7: {  	_ =	swait.ge [sflag:s30], $0x13C0  }
0xe8: {  	[sflag:s30] =	ssyncset.done $0x0  }
0xe9: {  	[sflag:s30] =	ssyncadd.s32 $0xFFFFEC40  }
0xea: {  	[spmem:s16], [sflag:s8] =	dma.local [hbm:s7], $0x13C0  }
0xeb: {  	_ =	swait.ge [sflag:s30], $0x13C0  }
0xec: {  	[sflag:s30] =	ssyncset.done $0x0  }
0xed: {  	s17 =	simm.s32 $0x0;
	s19 =	rddreg [dreg:$0xc];
	[sflag:s30] =	ssyncadd.s32 $0xFFFFEC40  }
0xee: {  	[tilespmem:s31], [sflag:$0x3] =	stream.linear.gather [hbm4b:s19+s17], $0x4F00, $0x38;
	[tilespmem:$0x17C00] =	vst v63  }
0xef: {  	_ =	swait.ge [sflag:s30], $0x4F00  }
0xf0: {  	[sflag:s30] =	ssyncset.done $0x0  }
0xf1: {  	s19 =	rddreg [dreg:$0xd];
	[sflag:s30] =	ssyncadd.s32 $0xFFFFB100  }
0xf2: {  	[tilespmem:s0], [sflag:$0x3] =	stream.linear.gather [hbm4b:s19+s17], $0x4F00, $0x38;
	[tilespmem:$0x17C00] =	vst v63  }
0xf3: {  	_ =	swait.ge [sflag:s30], $0x4F00  }
0xf4: {  	[sflag:s30] =	ssyncset.done $0x0  }
0xf5: {  	[sflag:s30] =	ssyncadd.s32 $0xFFFFB100  }
0xf6: {  	[bflag:$0x0] =	sbarrier.arrive $0xFFFF  }
0xf7: {  	[tilespmem:s3], [sflag:$0x1] =	stream.indirect.gather [hbm4b:s4+s2], $0x40, s31, s2, $0xb8;
	[tilespmem:$0x17C00] =	vst v63  }
0xf8: {  	_ = 	snop  }
0xf9: {  	[tilespmem:s10], [sflag:$0x2] =	stream.indirect.gather [hbm4b:s4+s2], $0x40, s9, s2, $0xb8;
	[tilespmem:$0x17C00] =	vst v63  }
0xfa: {  	_ =	swait.ge [sflag:s11], $0x2000  }
0xfb: {  	[sflag:s11] =	ssyncset.done $0x0  }
0xfc: {  	s19 =	simm.s32 $0xED00;
	[sflag:s11] =	ssyncadd.s32 $0xFFFFE000  }
0xfd: {  	[spmem:s1] =	stream.indirect.scatter.add.f32 [tilespmem:s3], [sflag:$0x3], $0x40, s19, s2, $0xb8;
	[tilespmem:$0x17C00] =	vst v63  }
0xfe: {  	_ =	swait.ge [sflag:s30], $0x2000  }
0xff: {  	[sflag:s30] =	ssyncset.done $0x0  }
0x100: {  	s18 =	simm.s32 $0x9F00;
	[sflag:s30] =	ssyncadd.s32 $0xFFFFE000  }
0x101: {  	[tilespmem:s3], [sflag:$0x1] =	stream.indirect.gather [hbm4b:s4+s2], $0x40, s18, s2, $0xb8;
	[tilespmem:$0x17C00] =	vst v63  }
0x102: {  	_ =	swait.ge [sflag:s12], $0x2000  }
0x103: {  	[sflag:s12] =	ssyncset.done $0x0  }
0x104: {  	s19 =	simm.s32 $0xED80;
	[sflag:s12] =	ssyncadd.s32 $0xFFFFE000  }
0x105: {  	[spmem:s1] =	stream.indirect.scatter.add.f32 [tilespmem:s10], [sflag:$0x3], $0x40, s19, s2, $0xb8;
	[tilespmem:$0x17C00] =	vst v63  }
0x106: {  	_ =	swait.ge [sflag:s30], $0x2000  }
0x107: {  	[sflag:s30] =	ssyncset.done $0x0  }
0x108: {  	s17 =	simm.s32 $0x400;
	s18 =	simm.s32 $0x9F80;
	[sflag:s30] =	ssyncadd.s32 $0xFFFFE000  }
.LBB2_8:
0x109: {  	[tilespmem:s10], [sflag:$0x2] =	stream.indirect.gather [hbm4b:s4+s2], $0x40, s18, s2, $0xb8;
	[tilespmem:$0x17C00] =	vst v63  }
0x10a: {  	s18 =	smov.u32 s17  }
0x10b: {  	p0 =	sne.s32 s17, $0x13400;
	s17 =	sadd.s32 $0x400, s17;
	_ =	swait.ge [sflag:s11], $0x2000  }
0x10c: {  	s18 =	sshra.s32 s18, $0x2;
	[sflag:s11] =	ssyncset.done $0x0  }
0x10d: {  	s19 =	sadd.s32 $0xED00, s18;
	[sflag:s11] =	ssyncadd.s32 $0xFFFFE000  }
0x10e: {  	[spmem:s1] =	stream.indirect.scatter.add.f32 [tilespmem:s3], [sflag:$0x3], $0x40, s19, s2, $0xb8;
	[tilespmem:$0x17C00] =	vst v63  }
0x10f: {  	_ =	swait.ge [sflag:s30], $0x2000  }
0x110: {  	[sflag:s30] =	ssyncset.done $0x0  }
0x111: {  	s19 =	sadd.s32 $0x9F00, s18;
	[sflag:s30] =	ssyncadd.s32 $0xFFFFE000  }
0x112: {  	[tilespmem:s3], [sflag:$0x1] =	stream.indirect.gather [hbm4b:s4+s2], $0x40, s19, s2, $0xb8;
	[tilespmem:$0x17C00] =	vst v63  }
0x113: {  	_ =	swait.ge [sflag:s12], $0x2000  }
0x114: {  	[sflag:s12] =	ssyncset.done $0x0  }
.Ltmp3:
0x115: {  	s19 =	sadd.s32 $0xED80, s18;
	[sflag:s12] =	ssyncadd.s32 $0xFFFFE000;
	(pc) =	sbr.rel @p0 .LBB2_8-.Ltmp3, $4  }
0x116: {  	[spmem:s1] =	stream.indirect.scatter.add.f32 [tilespmem:s10], [sflag:$0x3], $0x40, s19, s2, $0xb8;
	[tilespmem:$0x17C00] =	vst v63  }
0x117: {  	_ =	swait.ge [sflag:s30], $0x2000  }
0x118: {  	[sflag:s30] =	ssyncset.done $0x0  }
0x119: {  	s18 =	sadd.s32 $0x9F80, s18;
	[sflag:s30] =	ssyncadd.s32 $0xFFFFE000  }
0x11a: {  	[tilespmem:s10], [sflag:$0x2] =	stream.indirect.gather [hbm4b:s4+s2], $0x40, s18, s2, $0xb8;
	[tilespmem:$0x17C00] =	vst v63  }
0x11b: {  	_ =	swait.ge [sflag:s11], $0x2000  }
0x11c: {  	[sflag:s11] =	ssyncset.done $0x0  }
0x11d: {  	[sflag:s11] =	ssyncadd.s32 $0xFFFFE000  }
0x11e: {  	[spmem:s1] =	stream.indirect.scatter.add.f32 [tilespmem:s3], [sflag:$0x3], $0x40, s13, s2, $0xb8;
	[tilespmem:$0x17C00] =	vst v63  }
0x11f: {  	_ =	swait.ge [sflag:s30], $0x2000  }
0x120: {  	[sflag:s30] =	ssyncset.done $0x0  }
0x121: {  	[sflag:s30] =	ssyncadd.s32 $0xFFFFE000  }
0x122: {  	_ =	swait.ge [sflag:s12], $0x2000  }
0x123: {  	[sflag:s12] =	ssyncset.done $0x0  }
0x124: {  	[sflag:s12] =	ssyncadd.s32 $0xFFFFE000  }
0x125: {  	[spmem:s1] =	stream.indirect.scatter.add.f32 [tilespmem:s10], [sflag:$0x3], $0x40, s14, s2, $0xb8;
	[tilespmem:$0x17C00] =	vst v63  }
0x126: {  	_ =	swait.ge [sflag:s30], $0x2000  }
0x127: {  	[sflag:s30] =	ssyncset.done $0x0  }
0x128: {  	[sflag:s30] =	ssyncadd.s32 $0xFFFFE000  }
0x129: {  	[bflag:$0x0] =	sbarrier.arrive $0xFFFF  }
0x12a: {  	[hbm:s25], [sflag:s8] =	dma.local [spmem:s16], $0x13C0  }
0x12b: {  	_ =	swait.ge [sflag:s30], $0x13C0  }
0x12c: {  	[sflag:s30] =	ssyncset.done $0x0  }
0x12d: {  	[sflag:s30] =	ssyncadd.s32 $0xFFFFEC40  }
0x12e: {  	[spmem:s16], [sflag:s8] =	dma.local [hbm:s7], $0x13C0  }
0x12f: {  	_ =	swait.ge [sflag:s30], $0x13C0  }
0x130: {  	[sflag:s30] =	ssyncset.done $0x0  }
0x131: {  	s17 =	simm.s32 $0x0;
	s19 =	rddreg [dreg:$0xe];
	[sflag:s30] =	ssyncadd.s32 $0xFFFFEC40  }
0x132: {  	[tilespmem:s31], [sflag:$0x3] =	stream.linear.gather [hbm4b:s19+s17], $0x4F00, $0x38;
	[tilespmem:$0x17C00] =	vst v63  }
0x133: {  	_ =	swait.ge [sflag:s30], $0x4F00  }
0x134: {  	[sflag:s30] =	ssyncset.done $0x0  }
0x135: {  	[sflag:s30] =	ssyncadd.s32 $0xFFFFB100  }
0x136: {  	[tilespmem:s0], [sflag:$0x3] =	stream.linear.gather [hbm4b:s20+s17], $0x4F00, $0x38;
	[tilespmem:$0x17C00] =	vst v63  }
0x137: {  	_ =	swait.ge [sflag:s30], $0x4F00  }
0x138: {  	[sflag:s30] =	ssyncset.done $0x0  }
0x139: {  	[sflag:s30] =	ssyncadd.s32 $0xFFFFB100  }
0x13a: {  	[bflag:$0x0] =	sbarrier.arrive $0xFFFF  }
0x13b: {  	[tilespmem:s3], [sflag:$0x1] =	stream.indirect.gather [hbm4b:s4+s2], $0x40, s31, s2, $0xb8;
	[tilespmem:$0x17C00] =	vst v63  }
0x13c: {  	_ = 	snop  }
0x13d: {  	[tilespmem:s10], [sflag:$0x2] =	stream.indirect.gather [hbm4b:s4+s2], $0x40, s9, s2, $0xb8;
	[tilespmem:$0x17C00] =	vst v63  }
0x13e: {  	_ =	swait.ge [sflag:s11], $0x2000  }
0x13f: {  	[sflag:s11] =	ssyncset.done $0x0  }
0x140: {  	s19 =	simm.s32 $0xED00;
	[sflag:s11] =	ssyncadd.s32 $0xFFFFE000  }
0x141: {  	[spmem:s1] =	stream.indirect.scatter.add.f32 [tilespmem:s3], [sflag:$0x3], $0x40, s19, s2, $0xb8;
	[tilespmem:$0x17C00] =	vst v63  }
0x142: {  	_ =	swait.ge [sflag:s30], $0x2000  }
0x143: {  	[sflag:s30] =	ssyncset.done $0x0  }
0x144: {  	s18 =	simm.s32 $0x9F00;
	[sflag:s30] =	ssyncadd.s32 $0xFFFFE000  }
0x145: {  	[tilespmem:s3], [sflag:$0x1] =	stream.indirect.gather [hbm4b:s4+s2], $0x40, s18, s2, $0xb8;
	[tilespmem:$0x17C00] =	vst v63  }
0x146: {  	_ =	swait.ge [sflag:s12], $0x2000  }
0x147: {  	[sflag:s12] =	ssyncset.done $0x0  }
0x148: {  	s19 =	simm.s32 $0xED80;
	[sflag:s12] =	ssyncadd.s32 $0xFFFFE000  }
0x149: {  	[spmem:s1] =	stream.indirect.scatter.add.f32 [tilespmem:s10], [sflag:$0x3], $0x40, s19, s2, $0xb8;
	[tilespmem:$0x17C00] =	vst v63  }
0x14a: {  	_ =	swait.ge [sflag:s30], $0x2000  }
0x14b: {  	[sflag:s30] =	ssyncset.done $0x0  }
0x14c: {  	s17 =	simm.s32 $0x400;
	s18 =	simm.s32 $0x9F80;
	[sflag:s30] =	ssyncadd.s32 $0xFFFFE000  }
.LBB2_10:
0x14d: {  	[tilespmem:s10], [sflag:$0x2] =	stream.indirect.gather [hbm4b:s4+s2], $0x40, s18, s2, $0xb8;
	[tilespmem:$0x17C00] =	vst v63  }
0x14e: {  	s18 =	smov.u32 s17  }
0x14f: {  	p0 =	sne.s32 s17, $0x13400;
	s17 =	sadd.s32 $0x400, s17;
	_ =	swait.ge [sflag:s11], $0x2000  }
0x150: {  	s18 =	sshra.s32 s18, $0x2;
	[sflag:s11] =	ssyncset.done $0x0  }
0x151: {  	s19 =	sadd.s32 $0xED00, s18;
	[sflag:s11] =	ssyncadd.s32 $0xFFFFE000  }
0x152: {  	[spmem:s1] =	stream.indirect.scatter.add.f32 [tilespmem:s3], [sflag:$0x3], $0x40, s19, s2, $0xb8;
	[tilespmem:$0x17C00] =	vst v63  }
0x153: {  	_ =	swait.ge [sflag:s30], $0x2000  }
0x154: {  	[sflag:s30] =	ssyncset.done $0x0  }
0x155: {  	s19 =	sadd.s32 $0x9F00, s18;
	[sflag:s30] =	ssyncadd.s32 $0xFFFFE000  }
0x156: {  	[tilespmem:s3], [sflag:$0x1] =	stream.indirect.gather [hbm4b:s4+s2], $0x40, s19, s2, $0xb8;
	[tilespmem:$0x17C00] =	vst v63  }
0x157: {  	_ =	swait.ge [sflag:s12], $0x2000  }
0x158: {  	[sflag:s12] =	ssyncset.done $0x0  }
.Ltmp4:
0x159: {  	s19 =	sadd.s32 $0xED80, s18;
	[sflag:s12] =	ssyncadd.s32 $0xFFFFE000;
	(pc) =	sbr.rel @p0 .LBB2_10-.Ltmp4, $4  }
0x15a: {  	[spmem:s1] =	stream.indirect.scatter.add.f32 [tilespmem:s10], [sflag:$0x3], $0x40, s19, s2, $0xb8;
	[tilespmem:$0x17C00] =	vst v63  }
0x15b: {  	_ =	swait.ge [sflag:s30], $0x2000  }
0x15c: {  	[sflag:s30] =	ssyncset.done $0x0  }
0x15d: {  	s18 =	sadd.s32 $0x9F80, s18;
	[sflag:s30] =	ssyncadd.s32 $0xFFFFE000  }
0x15e: {  	[tilespmem:s10], [sflag:$0x2] =	stream.indirect.gather [hbm4b:s4+s2], $0x40, s18, s2, $0xb8;
	[tilespmem:$0x17C00] =	vst v63  }
0x15f: {  	_ =	swait.ge [sflag:s11], $0x2000  }
0x160: {  	[sflag:s11] =	ssyncset.done $0x0  }
0x161: {  	[sflag:s11] =	ssyncadd.s32 $0xFFFFE000  }
0x162: {  	[spmem:s1] =	stream.indirect.scatter.add.f32 [tilespmem:s3], [sflag:$0x3], $0x40, s13, s2, $0xb8;
	[tilespmem:$0x17C00] =	vst v63  }
0x163: {  	_ =	swait.ge [sflag:s30], $0x2000  }
0x164: {  	[sflag:s30] =	ssyncset.done $0x0  }
0x165: {  	[sflag:s30] =	ssyncadd.s32 $0xFFFFE000  }
0x166: {  	_ =	swait.ge [sflag:s12], $0x2000  }
0x167: {  	[sflag:s12] =	ssyncset.done $0x0  }
0x168: {  	[sflag:s12] =	ssyncadd.s32 $0xFFFFE000  }
0x169: {  	[spmem:s1] =	stream.indirect.scatter.add.f32 [tilespmem:s10], [sflag:$0x3], $0x40, s14, s2, $0xb8;
	[tilespmem:$0x17C00] =	vst v63  }
0x16a: {  	_ =	swait.ge [sflag:s30], $0x2000  }
0x16b: {  	[sflag:s30] =	ssyncset.done $0x0  }
0x16c: {  	[sflag:s30] =	ssyncadd.s32 $0xFFFFE000  }
0x16d: {  	[bflag:$0x0] =	sbarrier.arrive $0xFFFF  }
0x16e: {  	[hbm:s26], [sflag:s8] =	dma.local [spmem:s16], $0x13C0  }
0x16f: {  	_ =	swait.ge [sflag:s30], $0x13C0  }
0x170: {  	[sflag:s30] =	ssyncset.done $0x0  }
0x171: {  	[sflag:s30] =	ssyncadd.s32 $0xFFFFEC40  }
0x172: {  	[spmem:s16], [sflag:s8] =	dma.local [hbm:s7], $0x13C0  }
0x173: {  	_ =	swait.ge [sflag:s30], $0x13C0  }
0x174: {  	[sflag:s30] =	ssyncset.done $0x0  }
0x175: {  	s17 =	simm.s32 $0x0;
	[sflag:s30] =	ssyncadd.s32 $0xFFFFEC40  }
0x176: {  	[tilespmem:s31], [sflag:$0x3] =	stream.linear.gather [hbm4b:s21+s17], $0x4F00, $0x38;
	[tilespmem:$0x17C00] =	vst v63  }
0x177: {  	_ =	swait.ge [sflag:s30], $0x4F00  }
0x178: {  	[sflag:s30] =	ssyncset.done $0x0  }
0x179: {  	[sflag:s30] =	ssyncadd.s32 $0xFFFFB100  }
0x17a: {  	[tilespmem:s0], [sflag:$0x3] =	stream.linear.gather [hbm4b:s22+s17], $0x4F00, $0x38;
	[tilespmem:$0x17C00] =	vst v63  }
0x17b: {  	_ =	swait.ge [sflag:s30], $0x4F00  }
0x17c: {  	[sflag:s30] =	ssyncset.done $0x0  }
0x17d: {  	[sflag:s30] =	ssyncadd.s32 $0xFFFFB100  }
0x17e: {  	[bflag:$0x0] =	sbarrier.arrive $0xFFFF  }
0x17f: {  	[tilespmem:s3], [sflag:$0x1] =	stream.indirect.gather [hbm4b:s5+s2], $0x40, s31, s2, $0xb8;
	[tilespmem:$0x17C00] =	vst v63  }
0x180: {  	_ = 	snop  }
0x181: {  	[tilespmem:s10], [sflag:$0x2] =	stream.indirect.gather [hbm4b:s5+s2], $0x40, s9, s2, $0xb8;
	[tilespmem:$0x17C00] =	vst v63  }
0x182: {  	_ =	swait.ge [sflag:s11], $0x2000  }
0x183: {  	[sflag:s11] =	ssyncset.done $0x0  }
0x184: {  	s19 =	simm.s32 $0xED00;
	[sflag:s11] =	ssyncadd.s32 $0xFFFFE000  }
0x185: {  	[spmem:s1] =	stream.indirect.scatter.add.f32 [tilespmem:s3], [sflag:$0x3], $0x40, s19, s2, $0xb8;
	[tilespmem:$0x17C00] =	vst v63  }
0x186: {  	_ =	swait.ge [sflag:s30], $0x2000  }
0x187: {  	[sflag:s30] =	ssyncset.done $0x0  }
0x188: {  	s18 =	simm.s32 $0x9F00;
	[sflag:s30] =	ssyncadd.s32 $0xFFFFE000  }
0x189: {  	[tilespmem:s3], [sflag:$0x1] =	stream.indirect.gather [hbm4b:s5+s2], $0x40, s18, s2, $0xb8;
	[tilespmem:$0x17C00] =	vst v63  }
0x18a: {  	_ =	swait.ge [sflag:s12], $0x2000  }
0x18b: {  	[sflag:s12] =	ssyncset.done $0x0  }
0x18c: {  	s19 =	simm.s32 $0xED80;
	[sflag:s12] =	ssyncadd.s32 $0xFFFFE000  }
0x18d: {  	[spmem:s1] =	stream.indirect.scatter.add.f32 [tilespmem:s10], [sflag:$0x3], $0x40, s19, s2, $0xb8;
	[tilespmem:$0x17C00] =	vst v63  }
0x18e: {  	_ =	swait.ge [sflag:s30], $0x2000  }
0x18f: {  	[sflag:s30] =	ssyncset.done $0x0  }
0x190: {  	s17 =	simm.s32 $0x400;
	s18 =	simm.s32 $0x9F80;
	[sflag:s30] =	ssyncadd.s32 $0xFFFFE000  }
.LBB2_12:
0x191: {  	[tilespmem:s10], [sflag:$0x2] =	stream.indirect.gather [hbm4b:s5+s2], $0x40, s18, s2, $0xb8;
	[tilespmem:$0x17C00] =	vst v63  }
0x192: {  	s18 =	smov.u32 s17  }
0x193: {  	p0 =	sne.s32 s17, $0x13400;
	s17 =	sadd.s32 $0x400, s17;
	_ =	swait.ge [sflag:s11], $0x2000  }
0x194: {  	s18 =	sshra.s32 s18, $0x2;
	[sflag:s11] =	ssyncset.done $0x0  }
0x195: {  	s19 =	sadd.s32 $0xED00, s18;
	[sflag:s11] =	ssyncadd.s32 $0xFFFFE000  }
0x196: {  	[spmem:s1] =	stream.indirect.scatter.add.f32 [tilespmem:s3], [sflag:$0x3], $0x40, s19, s2, $0xb8;
	[tilespmem:$0x17C00] =	vst v63  }
0x197: {  	_ =	swait.ge [sflag:s30], $0x2000  }
0x198: {  	[sflag:s30] =	ssyncset.done $0x0  }
0x199: {  	s19 =	sadd.s32 $0x9F00, s18;
	[sflag:s30] =	ssyncadd.s32 $0xFFFFE000  }
0x19a: {  	[tilespmem:s3], [sflag:$0x1] =	stream.indirect.gather [hbm4b:s5+s2], $0x40, s19, s2, $0xb8;
	[tilespmem:$0x17C00] =	vst v63  }
0x19b: {  	_ =	swait.ge [sflag:s12], $0x2000  }
0x19c: {  	[sflag:s12] =	ssyncset.done $0x0  }
.Ltmp5:
0x19d: {  	s19 =	sadd.s32 $0xED80, s18;
	[sflag:s12] =	ssyncadd.s32 $0xFFFFE000;
	(pc) =	sbr.rel @p0 .LBB2_12-.Ltmp5, $4  }
0x19e: {  	[spmem:s1] =	stream.indirect.scatter.add.f32 [tilespmem:s10], [sflag:$0x3], $0x40, s19, s2, $0xb8;
	[tilespmem:$0x17C00] =	vst v63  }
0x19f: {  	_ =	swait.ge [sflag:s30], $0x2000  }
0x1a0: {  	[sflag:s30] =	ssyncset.done $0x0  }
0x1a1: {  	s18 =	sadd.s32 $0x9F80, s18;
	[sflag:s30] =	ssyncadd.s32 $0xFFFFE000  }
0x1a2: {  	[tilespmem:s10], [sflag:$0x2] =	stream.indirect.gather [hbm4b:s5+s2], $0x40, s18, s2, $0xb8;
	[tilespmem:$0x17C00] =	vst v63  }
0x1a3: {  	_ =	swait.ge [sflag:s11], $0x2000  }
0x1a4: {  	[sflag:s11] =	ssyncset.done $0x0  }
0x1a5: {  	[sflag:s11] =	ssyncadd.s32 $0xFFFFE000  }
0x1a6: {  	[spmem:s1] =	stream.indirect.scatter.add.f32 [tilespmem:s3], [sflag:$0x3], $0x40, s13, s2, $0xb8;
	[tilespmem:$0x17C00] =	vst v63  }
0x1a7: {  	_ =	swait.ge [sflag:s30], $0x2000  }
0x1a8: {  	[sflag:s30] =	ssyncset.done $0x0  }
0x1a9: {  	[sflag:s30] =	ssyncadd.s32 $0xFFFFE000  }
0x1aa: {  	_ =	swait.ge [sflag:s12], $0x2000  }
0x1ab: {  	[sflag:s12] =	ssyncset.done $0x0  }
0x1ac: {  	[sflag:s12] =	ssyncadd.s32 $0xFFFFE000  }
0x1ad: {  	[spmem:s1] =	stream.indirect.scatter.add.f32 [tilespmem:s10], [sflag:$0x3], $0x40, s14, s2, $0xb8;
	[tilespmem:$0x17C00] =	vst v63  }
0x1ae: {  	_ =	swait.ge [sflag:s30], $0x2000  }
0x1af: {  	s15 =	sadd.s32 $0x1, s15;
	[sflag:s30] =	ssyncset.done $0x0  }
0x1b0: {  	p0 =	sne.s32 s15, s29;
	[sflag:s30] =	ssyncadd.s32 $0xFFFFE000  }
.Ltmp6:
0x1b1: {  	[bflag:$0x0] =	sbarrier.arrive $0xFFFF;
	(pc) =	sbr.rel @p0 .LBB2_1-.Ltmp6, $4  }
0x1b2: {  	[hbm:s28], [sflag:s8] =	dma.local [spmem:s16], $0x13C0  }
0x1b3: {  	_ =	swait.ge [sflag:s30], $0x13C0  }
0x1b4: {  	[sflag:s30] =	ssyncset.done $0x0  }
0x1b5: {  	[sflag:s30] =	ssyncadd.s32 $0xFFFFEC40  }
0x1b6: {  	_ =	sfence.sel $0x180000  }
0x1b7: {  	[bflag:$0x0] =	sbarrier.arrive $0xFFFF  }
0x1b8: {  	_ =	strace $0x9000004A  }
0x1b9: {  	s0 =	stileid.u32;
	[bflag:$0x2] =	sbarrier.arrive $0xFFFF  }
0x1ba: {  	p0 =	sne.s32 s0, $0x0;
	s0 =	rddreg [dreg:$0x3]  }
0x1bb: {  	s0 =	sadd.s32 @!p0 $0x100000, s0  }
0x1bc: {  	[sflag:s0] =	ssyncadd.tile.s32 @!p0 $0x1;
	_ =	shalt  }
.Lfunc_end2:
_tile_overlayer_lowered:
.L_overlay_start_2:
0x1bd: {  	(tag) =	ssettag $0x2  }
0x1be: {  	s0 =	rddreg [dreg:$0x0];
	s2 =	stileid.u32  }
0x1bf: {  	s1 =	rddreg [dreg:$0x1];
	p0 =	sne.s32 s2, $0x0  }
0x1c0: {  	s3 =	rddreg [dreg:$0x2];
	[bflag:$0x3] =	sbarrier.arrive $0xFFFF;
	s2 =	simm.s32 @!p0 $0x1C03  }
0x1c1: {  	[timem:s3], [sflag:s2] =	dma.local @!p0 [hbm:s0], s1  }
0x1c2: {  	s0 =	simm.s32 @!p0 $0x3  }
0x1c3: {  	_ =	swait.ge @!p0 [sflag:s0], s1  }
0x1c4: {  	s1 =	ssub.s32 @!p0 $0x0, s1;
	[sflag:s0] =	ssyncset.done @!p0 $0x0  }
0x1c5: {  	[sflag:s0] =	ssyncadd.s32 @!p0 s1  }
0x1c6: {  	[bflag:$0x3] =	sbarrier.arrive $0xFFFF  }
0x1c7: {  	_ =	shalt  }

// kernel: kernel.7.cloned.1.call-start
scs
__scs_entry_jumppad:
0x0: {  	(pc) =	sbr.rel $0x88, $3  }
0x1: {  	(tag) =	ssettag $0x0;
	lr =	simm.s32 $0x1  }
0x2: {  	[smem:$0x3F90] =	sst lr;
	_ =	strace $0xD0000000  }
0x3: {  	_ = 	snop  }
0x4: {  	_ = 	snop  }
0x5: {  	_ = 	snop  }
0x6: {  	_ = 	snop  }
0x7: {  	_ = 	snop  }
__scs_overlays_trampoline_lowered:
0x8: {  	[smem:$0x3F9F] =	sst s0  }
0x9: {  	[smem:$0x3FA0] =	sst s1  }
0xa: {  	[smem:$0x3FA1] =	sst s2  }
0xb: {  	[smem:$0x3FA2] =	sst s3  }
0xc: {  	[smem:$0x3FA3] =	sst s4  }
0xd: {  	[smem:$0x3FA4] =	sst s5  }
0xe: {  	[smem:$0x3FA5] =	sst s6  }
0xf: {  	[smem:$0x3FA6] =	sst s7  }
0x10: {  	[smem:$0x3FA7] =	sst s8  }
0x11: {  	[smem:$0x3FA8] =	sst s9;
	s0 =	simm.s32 @!p0 $0x0  }
0x12: {  	s1 =	sld [smem:$0x3F8E];
	s0 =	simm.s32 @p0 $0x1  }
0x13: {  	[smem:$0x3FA9] =	sst s0;
	s0 =	simm.s32 @!p1 $0x0  }
0x14: {  	s2 =	sld [smem:$0x3F8D];
	s0 =	simm.s32 @p1 $0x1  }
0x15: {  	[smem:$0x3FAA] =	sst s0;
	s0 =	simm.s32 @!p2 $0x0  }
0x16: {  	s3 =	sld [smem:$0x3FDB];
	s0 =	simm.s32 @p2 $0x1  }
0x17: {  	s4 =	simm.s32 $0x1BF5;
	[smem:$0x3FAC] =	sst s0  }
0x18: {  	s0 =	sld [smem:$0x3F8F];
	_ =	swait.ge [sflag:s4], $0x0  }
0x19: {  	s7 =	sld [smem:$0x3F90]  }
0x1a: {  	s8 =	sadd.s32 $0xFFFFE003, lr  }
0x1b: {  	s9 =	sadd.s32 $0xFFFFFEF7, lr;
	s5 =	simm.s32 $0xFFFFFFFF;
	p2 =	slt.u32 s8, $0xFFFFF086  }
0x1c: {  	p1 =	slt.u32 s9, $0xF7A;
	s5 =	simm.s32 @!p2 $0x0  }
0x1d: {  	s5 =	simm.s32 @p1 $0x1;
	p0 =	seq.s32 s7, s2  }
0x1e: {  	s7 =	smul.u32 @!p0 $0xF7A, s2;
	p2 =	seq.s32 @!p0 s5, $0x0  }
0x1f: {  	s9 =	smul.u32 $0xF7A, s1;
	s8 =	simm.s32 @!p0 $0x1BF5;
	p2 =	por !p2, p0  }
0x20: {  	[sflag:s8] =	ssyncset.s32 @!p0 $0xFFFFF086;
	s6 =	sadd.s32 @!p0 s3, s7;
	s7 =	simm.s32 @!p0 $0x108  }
0x21: {  	s3 =	sadd.s32 s3, s9;
	s6 =	sadd.s32 @!p0 $0x88, s6;
	s7 =	simm.s32 @p2 $0x1082  }
0x22: {  	[simem:s7], [sflag:s8] =	dma.local @!p0 [hbm:s6], $0xF7A  }
0x23: {  	s9 =	sor.u32 $0xD0000000, s2;
	s6 =	simm.s32 $0x108;
	_ =	swait.ge @!p0 [sflag:s8], $0x0  }
0x24: {  	s3 =	sadd.s32 $0x88, s3;
	s6 =	simm.s32 @!p1 $0x1082;
	[sflag:s4] =	ssyncset.s32 $0xFFFFF086  }
0x25: {  	[simem:s6], [sflag:s4] =	dma.local [hbm:s3], $0xF7A  }
0x26: {  	[smem:$0x3F90] =	sst s1;
	(tag) =	ssettag s2;
	_ =	strace s9  }
0x27: {  	s1 =	sld [smem:$0x3FA0]  }
0x28: {  	s2 =	sld [smem:$0x3FA1]  }
0x29: {  	s4 =	sld [smem:$0x3FA3]  }
0x2a: {  	p0 =	seq.s32 s5, $0x0;
	s5 =	sld [smem:$0x3FA4]  }
0x2b: {  	s6 =	sld [smem:$0x3FA5]  }
0x2c: {  	s7 =	sld [smem:$0x3FA6]  }
0x2d: {  	s3 =	simm.s32 $0x108;
	s8 =	sld [smem:$0x3FA7]  }
0x2e: {  	s3 =	simm.s32 @!p0 $0x1082;
	s9 =	sld [smem:$0x3FA8]  }
0x2f: {  	lr =	sadd.s32 s0, s3;
	s0 =	sld [smem:$0x3F9F]  }
0x30: {  	s3 =	sld [smem:$0x3FA2]  }
0x31: {  	[smem:$0x3FAB] =	sst s10  }
0x32: {  	s10 =	sld [smem:$0x3FA9];
	_ =	sdelay $0x3  }
0x33: {  	p0 =	seq.s32 s10, $0x1;
	s10 =	sld [smem:$0x3FAB];
	_ =	sdelay $0x3  }
0x34: {  	[smem:$0x3FAB] =	sst s10  }
0x35: {  	s10 =	sld [smem:$0x3FAA];
	_ =	sdelay $0x3  }
0x36: {  	p1 =	seq.s32 s10, $0x1;
	s10 =	sld [smem:$0x3FAB];
	_ =	sdelay $0x3  }
0x37: {  	[smem:$0x3FAB] =	sst s10  }
0x38: {  	s10 =	sld [smem:$0x3FAC]  }
0x39: {  	_ = 	snop;
	(pc) =	sbr.ind lr, $3  }
0x3a: {  	_ = 	snop  }
0x3b: {  	_ = 	snop  }
0x3c: {  	p2 =	seq.s32 s10, $0x1;
	s10 =	sld [smem:$0x3FAB]  }
0x3d: {  	_ =	shalt  }
0x3e: {  	_ =	shalt  }
0x3f: {  	_ =	shalt  }
0x40: {  	_ =	shalt  }
0x41: {  	_ =	shalt  }
0x42: {  	_ =	shalt  }
0x43: {  	_ =	shalt  }
0x44: {  	_ =	shalt  }
0x45: {  	_ =	shalt  }
0x46: {  	_ =	shalt  }
0x47: {  	_ =	shalt  }
0x48: {  	_ =	shalt  }
0x49: {  	_ =	shalt  }
0x4a: {  	_ =	shalt  }
0x4b: {  	_ =	shalt  }
0x4c: {  	_ =	shalt  }
0x4d: {  	_ =	shalt  }
0x4e: {  	_ =	shalt  }
0x4f: {  	_ =	shalt  }
0x50: {  	_ =	shalt  }
0x51: {  	_ =	shalt  }
0x52: {  	_ =	shalt  }
0x53: {  	_ =	shalt  }
0x54: {  	_ =	shalt  }
0x55: {  	_ =	shalt  }
0x56: {  	_ =	shalt  }
0x57: {  	_ =	shalt  }
0x58: {  	_ =	shalt  }
0x59: {  	_ =	shalt  }
0x5a: {  	_ =	shalt  }
0x5b: {  	_ =	shalt  }
0x5c: {  	_ =	shalt  }
0x5d: {  	_ =	shalt  }
0x5e: {  	_ =	shalt  }
0x5f: {  	_ =	shalt  }
0x60: {  	_ =	shalt  }
0x61: {  	_ =	shalt  }
0x62: {  	_ =	shalt  }
0x63: {  	_ =	shalt  }
0x64: {  	_ =	shalt  }
0x65: {  	_ =	shalt  }
0x66: {  	_ =	shalt  }
0x67: {  	_ =	shalt  }
0x68: {  	_ =	shalt  }
0x69: {  	_ =	shalt  }
0x6a: {  	_ =	shalt  }
0x6b: {  	_ =	shalt  }
0x6c: {  	_ =	shalt  }
0x6d: {  	_ =	shalt  }
0x6e: {  	_ =	shalt  }
0x6f: {  	_ =	shalt  }
0x70: {  	_ =	shalt  }
0x71: {  	_ =	shalt  }
0x72: {  	_ =	shalt  }
0x73: {  	_ =	shalt  }
0x74: {  	_ =	shalt  }
0x75: {  	_ =	shalt  }
0x76: {  	_ =	shalt  }
0x77: {  	_ =	shalt  }
0x78: {  	_ =	shalt  }
0x79: {  	_ =	shalt  }
0x7a: {  	_ =	shalt  }
0x7b: {  	_ =	shalt  }
0x7c: {  	_ =	shalt  }
0x7d: {  	_ =	shalt  }
0x7e: {  	_ =	shalt  }
0x7f: {  	_ =	shalt  }
0x80: {  	_ =	shalt  }
0x81: {  	_ =	shalt  }
0x82: {  	_ =	shalt  }
0x83: {  	_ =	shalt  }
0x84: {  	_ =	shalt  }
0x85: {  	_ =	shalt  }
0x86: {  	_ =	shalt  }
0x87: {  	_ =	shalt  }
.Lfunc_end0:
.L_simem_size_0:
called_computation_lowered:
.L_overlay_start_0:
0x88: {  	s2 =	sld [smem:$0x3FD9]  }
0x89: {  	s3 =	sld [smem:$0x3FFE];
	_ =	sdelay $0x1  }
0x8a: {  	s1 =	srdreg.scid  }
0x8b: {  	s0 =	sand.u32 $0x1, s1  }
0x8c: {  	s14 =	sshll.u32 s0, $0xA;
	s2 =	sadd.s32 s3, s2  }
0x8d: {  	s2 =	sadd.s32 s2, s14  }
0x8e: {  	[smem:$0x3FB7] =	sst s2  }
0x8f: {  	_ = 	snop  }
0x90: {  	s2 =	sld [smem:$0x3FD0];
	_ =	sdelay $0x2  }
0x91: {  	s15 =	simm.s32 $0xA;
	s4 =	simm.s32 $0x10  }
0x92: {  	[smem:s4], [sflag:s15] =	dma.local [hbm:s2], $0x1  }
0x93: {  	_ =	swait.eq [sflag:s15], $0x1  }
0x94: {  	[sflag:s15] =	ssyncset.done $0x0  }
0x95: {  	[sflag:s15] =	ssyncadd.s32 $0xFFFFFFFF  }
0x96: {  	s16 =	sld [smem:$0x10];
	(tm) =	ssettm $0x1  }
0x97: {  	s17 =	sld [smem:$0x3FFB];
	_ =	sdelay $0x3  }
0x98: {  	_ =	strace s17  }
0x99: {  	s3 =	sld [smem:$0x3FFC];
	_ =	sdelay $0x3  }
0x9a: {  	_ =	strace s3  }
0x9b: {  	s3 =	sld [smem:$0x3FFD];
	_ =	sdelay $0x3  }
0x9c: {  	_ =	strace s3  }
0x9d: {  	_ =	strace $0x8FFFFFFF  }
0x9e: {  	s18 =	sld [smem:$0x3FDB];
	_ =	sdelay $0x1  }
0x9f: {  	s19 =	simm.s32 $_scs_section_size  }
0xa0: {  	s5 =	simm.s32 $_size__tile_overlayer_lowered;
	s6 =	simm.s32 $_tile_overlayer_lowered  }
0xa1: {  	s22 =	simm.s32 $0x1BFF;
	s21 =	sshll.u32 s6, $0x1;
	s3 =	sadd.s32 s19, s18  }
0xa2: {  	s7 =	simm.s32 $0x0;
	s20 =	sshll.u32 s5, $0x1;
	s5 =	sadd.s32 s21, s3  }
0xa3: {  	[timem:s7], [sflag:s22] =	dma.local [hbm:s5], s20  }
0xa4: {  	_ =	swait.ge [sflag:s22], s20  }
0xa5: {  	s4 =	ssub.s32 $0x0, s20;
	[sflag:s22] =	ssyncset.done $0x0  }
0xa6: {  	[sflag:s22] =	ssyncadd.s32 s4;
	_ =	sdelay $0x1  }
0xa7: {  	s23 =	simm.s32 $0x1B8B  }
0xa8: {  	_ =	swait.ge [sflag:s23], $0x1  }
0xa9: {  	[sflag:s23] =	ssyncset.done $0x0  }
0xaa: {  	s25 =	simm.s32 $0x1B8E;
	s24 =	sld [smem:$0x3FFE];
	[sflag:s23] =	ssyncadd.s32 $0xFFFFFFFF  }
0xab: {  	s26 =	simm.s32 $execute0_lowered;
	[smem:$0x3FD2] =	sst s25  }
0xac: {  	s5 =	sshll.u32 s26, $0x1;
	_ =	strace $0x80000046;
	[dreg:$0x1] =	wrdreg $0xFFFFFFFF  }
0xad: {  	s28 =	simm.s32 $_size_execute0_lowered;
	s3 =	sadd.s32 s3, s5;
	[dreg:$0x0] =	wrdreg $0x0  }
0xae: {  	s5 =	sshll.u32 s28, $0x1;
	[dreg:$0x2] =	wrdreg s3  }
0xaf: {  	[dreg:$0x3] =	wrdreg s5  }
0xb0: {  	[dreg:$0x4] =	wrdreg $0xC0  }
0xb1: {  	_ =	task [dreg:s7], $0x5FFFF  }
0xb2: {  	[dreg:$0x1] =	wrdreg $0xFFFFFFFF  }
0xb3: {  	[dreg:$0x0] =	wrdreg $0x60  }
0xb4: {  	[dreg:$0x2] =	wrdreg s24  }
0xb5: {  	[dreg:$0x3] =	wrdreg s16  }
0xb6: {  	[dreg:$0x4] =	wrdreg $0x0  }
0xb7: {  	[dreg:$0x5] =	wrdreg $0x9  }
0xb8: {  	_ =	task.clear_ibuf [dreg:s7], $0x6FFFF;
	_ =	strace $0x90000046  }
0xb9: {  	s29 =	simm.s32 $0x9;
	_ =	strace $0x80000048  }
0xba: {  	_ =	swait.ge [sflag:s29], $0x1  }
0xbb: {  	[sflag:s29] =	ssyncadd.s32 $0xFFFFFFFF  }
0xbc: {  	_ =	strace $0x90000048  }
0xbd: {  	_ =	sfence  }
0xbe: {  	s30 =	sld [smem:$0x0];
	_ =	sdelay $0x2  }
0xbf: {  	s31 =	sshll.u32 s1, $0xD;
	s1 =	sshrl.u32 s1, $0x2  }
0xc0: {  	s3 =	sand.u32 $0x4000, s31;
	s1 =	sadd.s32 s1, s30  }
0xc1: {  	s0 =	sor.u32 s3, s0;
	s1 =	sshll.u32 s1, $0x11  }
0xc2: {  	s0 =	sor.u32 s1, s0  }
0xc3: {  	s0 =	sadd.s32 $0x8F2B, s0  }
0xc4: {  	[sflag:s0] =	ssyncadd.remote.s32 $0x1  }
0xc5: {  	_ =	sfence.sel $0xFFFF  }
0xc6: {  	[dreg:$0x0] =	wrdreg $0xFFFFFFFF;
	(pc) =	sbr.abs _section_cstart, $3  }
0xc7: {  	[dreg:$0x1] =	wrdreg $0xFFFFFFFF  }
0xc8: {  	_ =	task.clear_ibuf [dreg:s7], $0x2FFFF;
	_ =	strace $0x9FFFFFFF  }
0xc9: {  	(tm) =	ssettm $0x7FFFFFFF  }
tec
execute0_lowered:
.L_overlay_start_1:
0x0: {  	(tag) =	ssettag $0x1  }
0x1: {  	s0 =	rddreg [dreg:$0x0]  }
0x2: {  	s2 =	rddreg [dreg:$0x1]  }
0x3: {  	s1 =	rddreg [dreg:$0x2];
	s3 =	srdreg.scid;
	s4 =	simm.s32 $0x0  }
0x4: {  	s12 =	stileid.u32;
	s30 =	simm.s32 $0x3;
	s31 =	simm.s32 $0x9E00  }
0x5: {  	s3 =	sand.u32 $0x1, s3;
	[smem:$0x7FF] =	sst s4;
	s7 =	smul.u32 $0x4F00, s12  }
0x6: {  	s9 =	smul.u32 $0x9E00, s12;
	s4 =	sadd.s32 $0x77E00, s0;
	s6 =	sadd.s32 $0x1EF200, s0  }
0x7: {  	s15 =	sshll.u32 s12, $0x6;
	s12 =	simm.s32 $0x2;
	s5 =	smul.u32 $0x1DA000, s3  }
0x8: {  	_ =	strace $0x80000047;
	s10 =	smul.u32 $0x9E000, s3;
	s3 =	ssub.s32 $0x2, s3  }
0x9: {  	s13 =	sshrl.u32 s3, $0x1;
	s14 =	sshrl.u32 s9, $0x3;
	s8 =	sadd.s32 s7, s5  }
0xa: {  	s5 =	sadd.s32 $0x151200, s0;
	s7 =	sshrl.u32 s7, $0x3;
	s26 =	sadd.s32 s9, s10  }
0xb: {  	s3 =	ssub.s32 s3, s13;
	s13 =	simm.s32 $0x13B00;
	s8 =	sshrl.u32 s8, $0x3  }
0xc: {  	s10 =	sadd.s32 s7, s0;
	s7 =	sadd.s32 s2, s14;
	s29 =	smax.u32 s3, $0x1  }
0xd: {  	s2 =	simm.s32 $0x80;
	s3 =	simm.s32 $0x13C00;
	s14 =	simm.s32 $0x13B80  }
0xe: {  	s11 =	sadd.s32 s8, s0;
	s8 =	sshrl.u32 s26, $0x3;
	s17 =	sadd.s32 $0x9F600, s10  }
0xf: {  	s20 =	sadd.s32 $0xA9400, s10;
	s23 =	sadd.s32 $0xB3200, s10;
	s25 =	sadd.s32 $0xBD000, s10  }
0x10: {  	s0 =	sadd.s32 s8, s0;
	s8 =	sor.u32 $0x1C03, s15;
	[dreg:$0x5] =	wrdreg s17  }
0x11: {  	s16 =	sadd.s32 $0xDAA00, s11;
	s19 =	sadd.s32 $0xE4800, s11;
	[dreg:$0x8] =	wrdreg s20  }
0x12: {  	s22 =	sadd.s32 $0xEE600, s11;
	[dreg:$0xb] =	wrdreg s23;
	s24 =	sadd.s32 $0xF8400, s11  }
0x13: {  	[dreg:$0xd] =	wrdreg s25;
	s26 =	sadd.s32 $0x102200, s11;
	s20 =	sadd.s32 $0xC6E00, s10  }
0x14: {  	s23 =	sadd.s32 s9, s1;
	s9 =	simm.s32 $0x9E80;
	[dreg:$0x4] =	wrdreg s16  }
0x15: {  	s15 =	simm.s32 $0x0;
	s18 =	sadd.s32 $0x216A00, s0;
	[dreg:$0x7] =	wrdreg s19  }
0x16: {  	s21 =	sadd.s32 $0x23E200, s0;
	[dreg:$0xa] =	wrdreg s22;
	s22 =	sadd.s32 $0xD0C00, s10  }
0x17: {  	[dreg:$0xc] =	wrdreg s24;
	s24 =	sadd.s32 $0x265A00, s0;
	s25 =	sadd.s32 $0x28D200, s0  }
0x18: {  	[dreg:$0xe] =	wrdreg s26;
	s26 =	sadd.s32 $0x2B4A00, s0;
	s28 =	sadd.s32 $0x2DC200, s0  }
0x19: {  	s0 =	simm.s32 $0xED00;
	s10 =	simm.s32 $0x15C00;
	[dreg:$0x6] =	wrdreg s18  }
0x1a: {  	[dreg:$0x9] =	wrdreg s21;
	s21 =	sadd.s32 $0x10C000, s11;
	s11 =	simm.s32 $0x1  }
.LBB2_1:
0x1b: {  	s16 =	sshrl.u32 s23, $0x3  }
0x1c: {  	[spmem:s16], [sflag:s8] =	dma.local [hbm:s7], $0x13C0  }
0x1d: {  	_ =	swait.ge [sflag:s30], $0x13C0  }
0x1e: {  	[sflag:s30] =	ssyncset.done $0x0  }
0x1f: {  	s17 =	simm.s32 $0x0;
	s18 =	rddreg [dreg:$0x4];
	[sflag:s30] =	ssyncadd.s32 $0xFFFFEC40  }
0x20: {  	[tilespmem:s31], [sflag:$0x3] =	stream.linear.gather [hbm4b:s18+s17], $0x4F00, $0x38;
	[tilespmem:$0x17C00] =	vst v63  }
0x21: {  	_ =	swait.ge [sflag:s30], $0x4F00  }
0x22: {  	[sflag:s30] =	ssyncset.done $0x0  }
0x23: {  	s19 =	rddreg [dreg:$0x5];
	[sflag:s30] =	ssyncadd.s32 $0xFFFFB100  }
0x24: {  	[tilespmem:s0], [sflag:$0x3] =	stream.linear.gather [hbm4b:s19+s17], $0x4F00, $0x38;
	[tilespmem:$0x17C00] =	vst v63  }
0x25: {  	_ =	swait.ge [sflag:s30], $0x4F00  }
0x26: {  	[sflag:s30] =	ssyncset.done $0x0  }
0x27: {  	[sflag:s30] =	ssyncadd.s32 $0xFFFFB100  }
0x28: {  	[bflag:$0x0] =	sbarrier.arrive $0xFFFF  }
0x29: {  	[tilespmem:s3], [sflag:$0x1] =	stream.indirect.gather [hbm4b:s4+s2], $0x40, s31, s2, $0xb8;
	[tilespmem:$0x17C00] =	vst v63  }
0x2a: {  	_ = 	snop  }
0x2b: {  	[tilespmem:s10], [sflag:$0x2] =	stream.indirect.gather [hbm4b:s4+s2], $0x40, s9, s2, $0xb8;
	[tilespmem:$0x17C00] =	vst v63  }
0x2c: {  	_ =	swait.ge [sflag:s11], $0x2000  }
0x2d: {  	[sflag:s11] =	ssyncset.done $0x0  }
0x2e: {  	s19 =	simm.s32 $0xED00;
	[sflag:s11] =	ssyncadd.s32 $0xFFFFE000  }
0x2f: {  	[spmem:s1] =	stream.indirect.scatter.add.f32 [tilespmem:s3], [sflag:$0x3], $0x40, s19, s2, $0xb8;
	[tilespmem:$0x17C00] =	vst v63  }
0x30: {  	_ =	swait.ge [sflag:s30], $0x2000  }
0x31: {  	[sflag:s30] =	ssyncset.done $0x0  }
0x32: {  	s18 =	simm.s32 $0x9F00;
	[sflag:s30] =	ssyncadd.s32 $0xFFFFE000  }
0x33: {  	[tilespmem:s3], [sflag:$0x1] =	stream.indirect.gather [hbm4b:s4+s2], $0x40, s18, s2, $0xb8;
	[tilespmem:$0x17C00] =	vst v63  }
0x34: {  	_ =	swait.ge [sflag:s12], $0x2000  }
0x35: {  	[sflag:s12] =	ssyncset.done $0x0  }
0x36: {  	s19 =	simm.s32 $0xED80;
	[sflag:s12] =	ssyncadd.s32 $0xFFFFE000  }
0x37: {  	[spmem:s1] =	stream.indirect.scatter.add.f32 [tilespmem:s10], [sflag:$0x3], $0x40, s19, s2, $0xb8;
	[tilespmem:$0x17C00] =	vst v63  }
0x38: {  	_ =	swait.ge [sflag:s30], $0x2000  }
0x39: {  	[sflag:s30] =	ssyncset.done $0x0  }
0x3a: {  	s17 =	simm.s32 $0x400;
	s18 =	simm.s32 $0x9F80;
	[sflag:s30] =	ssyncadd.s32 $0xFFFFE000  }
.LBB2_2:
0x3b: {  	[tilespmem:s10], [sflag:$0x2] =	stream.indirect.gather [hbm4b:s4+s2], $0x40, s18, s2, $0xb8;
	[tilespmem:$0x17C00] =	vst v63  }
0x3c: {  	s18 =	smov.u32 s17  }
0x3d: {  	p0 =	sne.s32 s17, $0x13400;
	s17 =	sadd.s32 $0x400, s17;
	_ =	swait.ge [sflag:s11], $0x2000  }
0x3e: {  	s18 =	sshra.s32 s18, $0x2;
	[sflag:s11] =	ssyncset.done $0x0  }
0x3f: {  	s19 =	sadd.s32 $0xED00, s18;
	[sflag:s11] =	ssyncadd.s32 $0xFFFFE000  }
0x40: {  	[spmem:s1] =	stream.indirect.scatter.add.f32 [tilespmem:s3], [sflag:$0x3], $0x40, s19, s2, $0xb8;
	[tilespmem:$0x17C00] =	vst v63  }
0x41: {  	_ =	swait.ge [sflag:s30], $0x2000  }
0x42: {  	[sflag:s30] =	ssyncset.done $0x0  }
0x43: {  	s19 =	sadd.s32 $0x9F00, s18;
	[sflag:s30] =	ssyncadd.s32 $0xFFFFE000  }
0x44: {  	[tilespmem:s3], [sflag:$0x1] =	stream.indirect.gather [hbm4b:s4+s2], $0x40, s19, s2, $0xb8;
	[tilespmem:$0x17C00] =	vst v63  }
0x45: {  	_ =	swait.ge [sflag:s12], $0x2000  }
0x46: {  	[sflag:s12] =	ssyncset.done $0x0  }
.Ltmp0:
0x47: {  	s19 =	sadd.s32 $0xED80, s18;
	[sflag:s12] =	ssyncadd.s32 $0xFFFFE000;
	(pc) =	sbr.rel @p0 .LBB2_2-.Ltmp0, $4  }
0x48: {  	[spmem:s1] =	stream.indirect.scatter.add.f32 [tilespmem:s10], [sflag:$0x3], $0x40, s19, s2, $0xb8;
	[tilespmem:$0x17C00] =	vst v63  }
0x49: {  	_ =	swait.ge [sflag:s30], $0x2000  }
0x4a: {  	[sflag:s30] =	ssyncset.done $0x0  }
0x4b: {  	s18 =	sadd.s32 $0x9F80, s18;
	[sflag:s30] =	ssyncadd.s32 $0xFFFFE000  }
0x4c: {  	[tilespmem:s10], [sflag:$0x2] =	stream.indirect.gather [hbm4b:s4+s2], $0x40, s18, s2, $0xb8;
	[tilespmem:$0x17C00] =	vst v63  }
0x4d: {  	_ =	swait.ge [sflag:s11], $0x2000  }
0x4e: {  	[sflag:s11] =	ssyncset.done $0x0  }
0x4f: {  	[sflag:s11] =	ssyncadd.s32 $0xFFFFE000  }
0x50: {  	[spmem:s1] =	stream.indirect.scatter.add.f32 [tilespmem:s3], [sflag:$0x3], $0x40, s13, s2, $0xb8;
	[tilespmem:$0x17C00] =	vst v63  }
0x51: {  	_ =	swait.ge [sflag:s30], $0x2000  }
0x52: {  	[sflag:s30] =	ssyncset.done $0x0  }
0x53: {  	[sflag:s30] =	ssyncadd.s32 $0xFFFFE000  }
0x54: {  	_ =	swait.ge [sflag:s12], $0x2000  }
0x55: {  	[sflag:s12] =	ssyncset.done $0x0  }
0x56: {  	[sflag:s12] =	ssyncadd.s32 $0xFFFFE000  }
0x57: {  	[spmem:s1] =	stream.indirect.scatter.add.f32 [tilespmem:s10], [sflag:$0x3], $0x40, s14, s2, $0xb8;
	[tilespmem:$0x17C00] =	vst v63  }
0x58: {  	_ =	swait.ge [sflag:s30], $0x2000  }
0x59: {  	[sflag:s30] =	ssyncset.done $0x0  }
0x5a: {  	[sflag:s30] =	ssyncadd.s32 $0xFFFFE000  }
0x5b: {  	[bflag:$0x0] =	sbarrier.arrive $0xFFFF  }
0x5c: {  	s17 =	rddreg [dreg:$0x6]  }
0x5d: {  	[hbm:s17], [sflag:s8] =	dma.local [spmem:s16], $0x13C0  }
0x5e: {  	_ =	swait.ge [sflag:s30], $0x13C0  }
0x5f: {  	[sflag:s30] =	ssyncset.done $0x0  }
0x60: {  	[sflag:s30] =	ssyncadd.s32 $0xFFFFEC40  }
0x61: {  	[spmem:s16], [sflag:s8] =	dma.local [hbm:s7], $0x13C0  }
0x62: {  	_ =	swait.ge [sflag:s30], $0x13C0  }
0x63: {  	[sflag:s30] =	ssyncset.done $0x0  }
0x64: {  	s17 =	simm.s32 $0x0;
	s19 =	rddreg [dreg:$0x7];
	[sflag:s30] =	ssyncadd.s32 $0xFFFFEC40  }
0x65: {  	[tilespmem:s31], [sflag:$0x3] =	stream.linear.gather [hbm4b:s19+s17], $0x4F00, $0x38;
	[tilespmem:$0x17C00] =	vst v63  }
0x66: {  	_ =	swait.ge [sflag:s30], $0x4F00  }
0x67: {  	[sflag:s30] =	ssyncset.done $0x0  }
0x68: {  	s19 =	rddreg [dreg:$0x8];
	[sflag:s30] =	ssyncadd.s32 $0xFFFFB100  }
0x69: {  	[tilespmem:s0], [sflag:$0x3] =	stream.linear.gather [hbm4b:s19+s17], $0x4F00, $0x38;
	[tilespmem:$0x17C00] =	vst v63  }
0x6a: {  	_ =	swait.ge [sflag:s30], $0x4F00  }
0x6b: {  	[sflag:s30] =	ssyncset.done $0x0  }
0x6c: {  	[sflag:s30] =	ssyncadd.s32 $0xFFFFB100  }
0x6d: {  	[bflag:$0x0] =	sbarrier.arrive $0xFFFF  }
0x6e: {  	[tilespmem:s3], [sflag:$0x1] =	stream.indirect.gather [hbm4b:s5+s2], $0x40, s31, s2, $0xb8;
	[tilespmem:$0x17C00] =	vst v63  }
0x6f: {  	_ = 	snop  }
0x70: {  	[tilespmem:s10], [sflag:$0x2] =	stream.indirect.gather [hbm4b:s5+s2], $0x40, s9, s2, $0xb8;
	[tilespmem:$0x17C00] =	vst v63  }
0x71: {  	_ =	swait.ge [sflag:s11], $0x2000  }
0x72: {  	[sflag:s11] =	ssyncset.done $0x0  }
0x73: {  	s19 =	simm.s32 $0xED00;
	[sflag:s11] =	ssyncadd.s32 $0xFFFFE000  }
0x74: {  	[spmem:s1] =	stream.indirect.scatter.add.f32 [tilespmem:s3], [sflag:$0x3], $0x40, s19, s2, $0xb8;
	[tilespmem:$0x17C00] =	vst v63  }
0x75: {  	_ =	swait.ge [sflag:s30], $0x2000  }
0x76: {  	[sflag:s30] =	ssyncset.done $0x0  }
0x77: {  	s18 =	simm.s32 $0x9F00;
	[sflag:s30] =	ssyncadd.s32 $0xFFFFE000  }
0x78: {  	[tilespmem:s3], [sflag:$0x1] =	stream.indirect.gather [hbm4b:s5+s2], $0x40, s18, s2, $0xb8;
	[tilespmem:$0x17C00] =	vst v63  }
0x79: {  	_ =	swait.ge [sflag:s12], $0x2000  }
0x7a: {  	[sflag:s12] =	ssyncset.done $0x0  }
0x7b: {  	s19 =	simm.s32 $0xED80;
	[sflag:s12] =	ssyncadd.s32 $0xFFFFE000  }
0x7c: {  	[spmem:s1] =	stream.indirect.scatter.add.f32 [tilespmem:s10], [sflag:$0x3], $0x40, s19, s2, $0xb8;
	[tilespmem:$0x17C00] =	vst v63  }
0x7d: {  	_ =	swait.ge [sflag:s30], $0x2000  }
0x7e: {  	[sflag:s30] =	ssyncset.done $0x0  }
0x7f: {  	s17 =	simm.s32 $0x400;
	s18 =	simm.s32 $0x9F80;
	[sflag:s30] =	ssyncadd.s32 $0xFFFFE000  }
.LBB2_4:
0x80: {  	[tilespmem:s10], [sflag:$0x2] =	stream.indirect.gather [hbm4b:s5+s2], $0x40, s18, s2, $0xb8;
	[tilespmem:$0x17C00] =	vst v63  }
0x81: {  	s18 =	smov.u32 s17  }
0x82: {  	p0 =	sne.s32 s17, $0x13400;
	s17 =	sadd.s32 $0x400, s17;
	_ =	swait.ge [sflag:s11], $0x2000  }
0x83: {  	s18 =	sshra.s32 s18, $0x2;
	[sflag:s11] =	ssyncset.done $0x0  }
0x84: {  	s19 =	sadd.s32 $0xED00, s18;
	[sflag:s11] =	ssyncadd.s32 $0xFFFFE000  }
0x85: {  	[spmem:s1] =	stream.indirect.scatter.add.f32 [tilespmem:s3], [sflag:$0x3], $0x40, s19, s2, $0xb8;
	[tilespmem:$0x17C00] =	vst v63  }
0x86: {  	_ =	swait.ge [sflag:s30], $0x2000  }
0x87: {  	[sflag:s30] =	ssyncset.done $0x0  }
0x88: {  	s19 =	sadd.s32 $0x9F00, s18;
	[sflag:s30] =	ssyncadd.s32 $0xFFFFE000  }
0x89: {  	[tilespmem:s3], [sflag:$0x1] =	stream.indirect.gather [hbm4b:s5+s2], $0x40, s19, s2, $0xb8;
	[tilespmem:$0x17C00] =	vst v63  }
0x8a: {  	_ =	swait.ge [sflag:s12], $0x2000  }
0x8b: {  	[sflag:s12] =	ssyncset.done $0x0  }
.Ltmp1:
0x8c: {  	s19 =	sadd.s32 $0xED80, s18;
	[sflag:s12] =	ssyncadd.s32 $0xFFFFE000;
	(pc) =	sbr.rel @p0 .LBB2_4-.Ltmp1, $4  }
0x8d: {  	[spmem:s1] =	stream.indirect.scatter.add.f32 [tilespmem:s10], [sflag:$0x3], $0x40, s19, s2, $0xb8;
	[tilespmem:$0x17C00] =	vst v63  }
0x8e: {  	_ =	swait.ge [sflag:s30], $0x2000  }
0x8f: {  	[sflag:s30] =	ssyncset.done $0x0  }
0x90: {  	s18 =	sadd.s32 $0x9F80, s18;
	[sflag:s30] =	ssyncadd.s32 $0xFFFFE000  }
0x91: {  	[tilespmem:s10], [sflag:$0x2] =	stream.indirect.gather [hbm4b:s5+s2], $0x40, s18, s2, $0xb8;
	[tilespmem:$0x17C00] =	vst v63  }
0x92: {  	_ =	swait.ge [sflag:s11], $0x2000  }
0x93: {  	[sflag:s11] =	ssyncset.done $0x0  }
0x94: {  	[sflag:s11] =	ssyncadd.s32 $0xFFFFE000  }
0x95: {  	[spmem:s1] =	stream.indirect.scatter.add.f32 [tilespmem:s3], [sflag:$0x3], $0x40, s13, s2, $0xb8;
	[tilespmem:$0x17C00] =	vst v63  }
0x96: {  	_ =	swait.ge [sflag:s30], $0x2000  }
0x97: {  	[sflag:s30] =	ssyncset.done $0x0  }
0x98: {  	[sflag:s30] =	ssyncadd.s32 $0xFFFFE000  }
0x99: {  	_ =	swait.ge [sflag:s12], $0x2000  }
0x9a: {  	[sflag:s12] =	ssyncset.done $0x0  }
0x9b: {  	[sflag:s12] =	ssyncadd.s32 $0xFFFFE000  }
0x9c: {  	[spmem:s1] =	stream.indirect.scatter.add.f32 [tilespmem:s10], [sflag:$0x3], $0x40, s14, s2, $0xb8;
	[tilespmem:$0x17C00] =	vst v63  }
0x9d: {  	_ =	swait.ge [sflag:s30], $0x2000  }
0x9e: {  	[sflag:s30] =	ssyncset.done $0x0  }
0x9f: {  	[sflag:s30] =	ssyncadd.s32 $0xFFFFE000  }
0xa0: {  	[bflag:$0x0] =	sbarrier.arrive $0xFFFF  }
0xa1: {  	s17 =	rddreg [dreg:$0x9]  }
0xa2: {  	[hbm:s17], [sflag:s8] =	dma.local [spmem:s16], $0x13C0  }
0xa3: {  	_ =	swait.ge [sflag:s30], $0x13C0  }
0xa4: {  	[sflag:s30] =	ssyncset.done $0x0  }
0xa5: {  	[sflag:s30] =	ssyncadd.s32 $0xFFFFEC40  }
0xa6: {  	[spmem:s16], [sflag:s8] =	dma.local [hbm:s7], $0x13C0  }
0xa7: {  	_ =	swait.ge [sflag:s30], $0x13C0  }
0xa8: {  	[sflag:s30] =	ssyncset.done $0x0  }
0xa9: {  	s17 =	simm.s32 $0x0;
	s19 =	rddreg [dreg:$0xa];
	[sflag:s30] =	ssyncadd.s32 $0xFFFFEC40  }
0xaa: {  	[tilespmem:s31], [sflag:$0x3] =	stream.linear.gather [hbm4b:s19+s17], $0x4F00, $0x38;
	[tilespmem:$0x17C00] =	vst v63  }
0xab: {  	_ =	swait.ge [sflag:s30], $0x4F00  }
0xac: {  	[sflag:s30] =	ssyncset.done $0x0  }
0xad: {  	s19 =	rddreg [dreg:$0xb];
	[sflag:s30] =	ssyncadd.s32 $0xFFFFB100  }
0xae: {  	[tilespmem:s0], [sflag:$0x3] =	stream.linear.gather [hbm4b:s19+s17], $0x4F00, $0x38;
	[tilespmem:$0x17C00] =	vst v63  }
0xaf: {  	_ =	swait.ge [sflag:s30], $0x4F00  }
0xb0: {  	[sflag:s30] =	ssyncset.done $0x0  }
0xb1: {  	[sflag:s30] =	ssyncadd.s32 $0xFFFFB100  }
0xb2: {  	[bflag:$0x0] =	sbarrier.arrive $0xFFFF  }
0xb3: {  	[tilespmem:s3], [sflag:$0x1] =	stream.indirect.gather [hbm4b:s6+s2], $0x40, s31, s2, $0xb8;
	[tilespmem:$0x17C00] =	vst v63  }
0xb4: {  	_ = 	snop  }
0xb5: {  	[tilespmem:s10], [sflag:$0x2] =	stream.indirect.gather [hbm4b:s6+s2], $0x40, s9, s2, $0xb8;
	[tilespmem:$0x17C00] =	vst v63  }
0xb6: {  	_ =	swait.ge [sflag:s11], $0x2000  }
0xb7: {  	[sflag:s11] =	ssyncset.done $0x0  }
0xb8: {  	s19 =	simm.s32 $0xED00;
	[sflag:s11] =	ssyncadd.s32 $0xFFFFE000  }
0xb9: {  	[spmem:s1] =	stream.indirect.scatter.add.f32 [tilespmem:s3], [sflag:$0x3], $0x40, s19, s2, $0xb8;
	[tilespmem:$0x17C00] =	vst v63  }
0xba: {  	_ =	swait.ge [sflag:s30], $0x2000  }
0xbb: {  	[sflag:s30] =	ssyncset.done $0x0  }
0xbc: {  	s18 =	simm.s32 $0x9F00;
	[sflag:s30] =	ssyncadd.s32 $0xFFFFE000  }
0xbd: {  	[tilespmem:s3], [sflag:$0x1] =	stream.indirect.gather [hbm4b:s6+s2], $0x40, s18, s2, $0xb8;
	[tilespmem:$0x17C00] =	vst v63  }
0xbe: {  	_ =	swait.ge [sflag:s12], $0x2000  }
0xbf: {  	[sflag:s12] =	ssyncset.done $0x0  }
0xc0: {  	s19 =	simm.s32 $0xED80;
	[sflag:s12] =	ssyncadd.s32 $0xFFFFE000  }
0xc1: {  	[spmem:s1] =	stream.indirect.scatter.add.f32 [tilespmem:s10], [sflag:$0x3], $0x40, s19, s2, $0xb8;
	[tilespmem:$0x17C00] =	vst v63  }
0xc2: {  	_ =	swait.ge [sflag:s30], $0x2000  }
0xc3: {  	[sflag:s30] =	ssyncset.done $0x0  }
0xc4: {  	s17 =	simm.s32 $0x400;
	s18 =	simm.s32 $0x9F80;
	[sflag:s30] =	ssyncadd.s32 $0xFFFFE000  }
.LBB2_6:
0xc5: {  	[tilespmem:s10], [sflag:$0x2] =	stream.indirect.gather [hbm4b:s6+s2], $0x40, s18, s2, $0xb8;
	[tilespmem:$0x17C00] =	vst v63  }
0xc6: {  	s18 =	smov.u32 s17  }
0xc7: {  	p0 =	sne.s32 s17, $0x13400;
	s17 =	sadd.s32 $0x400, s17;
	_ =	swait.ge [sflag:s11], $0x2000  }
0xc8: {  	s18 =	sshra.s32 s18, $0x2;
	[sflag:s11] =	ssyncset.done $0x0  }
0xc9: {  	s19 =	sadd.s32 $0xED00, s18;
	[sflag:s11] =	ssyncadd.s32 $0xFFFFE000  }
0xca: {  	[spmem:s1] =	stream.indirect.scatter.add.f32 [tilespmem:s3], [sflag:$0x3], $0x40, s19, s2, $0xb8;
	[tilespmem:$0x17C00] =	vst v63  }
0xcb: {  	_ =	swait.ge [sflag:s30], $0x2000  }
0xcc: {  	[sflag:s30] =	ssyncset.done $0x0  }
0xcd: {  	s19 =	sadd.s32 $0x9F00, s18;
	[sflag:s30] =	ssyncadd.s32 $0xFFFFE000  }
0xce: {  	[tilespmem:s3], [sflag:$0x1] =	stream.indirect.gather [hbm4b:s6+s2], $0x40, s19, s2, $0xb8;
	[tilespmem:$0x17C00] =	vst v63  }
0xcf: {  	_ =	swait.ge [sflag:s12], $0x2000  }
0xd0: {  	[sflag:s12] =	ssyncset.done $0x0  }
.Ltmp2:
0xd1: {  	s19 =	sadd.s32 $0xED80, s18;
	[sflag:s12] =	ssyncadd.s32 $0xFFFFE000;
	(pc) =	sbr.rel @p0 .LBB2_6-.Ltmp2, $4  }
0xd2: {  	[spmem:s1] =	stream.indirect.scatter.add.f32 [tilespmem:s10], [sflag:$0x3], $0x40, s19, s2, $0xb8;
	[tilespmem:$0x17C00] =	vst v63  }
0xd3: {  	_ =	swait.ge [sflag:s30], $0x2000  }
0xd4: {  	[sflag:s30] =	ssyncset.done $0x0  }
0xd5: {  	s18 =	sadd.s32 $0x9F80, s18;
	[sflag:s30] =	ssyncadd.s32 $0xFFFFE000  }
0xd6: {  	[tilespmem:s10], [sflag:$0x2] =	stream.indirect.gather [hbm4b:s6+s2], $0x40, s18, s2, $0xb8;
	[tilespmem:$0x17C00] =	vst v63  }
0xd7: {  	_ =	swait.ge [sflag:s11], $0x2000  }
0xd8: {  	[sflag:s11] =	ssyncset.done $0x0  }
0xd9: {  	[sflag:s11] =	ssyncadd.s32 $0xFFFFE000  }
0xda: {  	[spmem:s1] =	stream.indirect.scatter.add.f32 [tilespmem:s3], [sflag:$0x3], $0x40, s13, s2, $0xb8;
	[tilespmem:$0x17C00] =	vst v63  }
0xdb: {  	_ =	swait.ge [sflag:s30], $0x2000  }
0xdc: {  	[sflag:s30] =	ssyncset.done $0x0  }
0xdd: {  	[sflag:s30] =	ssyncadd.s32 $0xFFFFE000  }
0xde: {  	_ =	swait.ge [sflag:s12], $0x2000  }
0xdf: {  	[sflag:s12] =	ssyncset.done $0x0  }
0xe0: {  	[sflag:s12] =	ssyncadd.s32 $0xFFFFE000  }
0xe1: {  	[spmem:s1] =	stream.indirect.scatter.add.f32 [tilespmem:s10], [sflag:$0x3], $0x40, s14, s2, $0xb8;
	[tilespmem:$0x17C00] =	vst v63  }
0xe2: {  	_ =	swait.ge [sflag:s30], $0x2000  }
0xe3: {  	[sflag:s30] =	ssyncset.done $0x0  }
0xe4: {  	[sflag:s30] =	ssyncadd.s32 $0xFFFFE000  }
0xe5: {  	[bflag:$0x0] =	sbarrier.arrive $0xFFFF  }
0xe6: {  	[hbm:s24], [sflag:s8] =	dma.local [spmem:s16], $0x13C0  }
0xe7: {  	_ =	swait.ge [sflag:s30], $0x13C0  }
0xe8: {  	[sflag:s30] =	ssyncset.done $0x0  }
0xe9: {  	[sflag:s30] =	ssyncadd.s32 $0xFFFFEC40  }
0xea: {  	[spmem:s16], [sflag:s8] =	dma.local [hbm:s7], $0x13C0  }
0xeb: {  	_ =	swait.ge [sflag:s30], $0x13C0  }
0xec: {  	[sflag:s30] =	ssyncset.done $0x0  }
0xed: {  	s17 =	simm.s32 $0x0;
	s19 =	rddreg [dreg:$0xc];
	[sflag:s30] =	ssyncadd.s32 $0xFFFFEC40  }
0xee: {  	[tilespmem:s31], [sflag:$0x3] =	stream.linear.gather [hbm4b:s19+s17], $0x4F00, $0x38;
	[tilespmem:$0x17C00] =	vst v63  }
0xef: {  	_ =	swait.ge [sflag:s30], $0x4F00  }
0xf0: {  	[sflag:s30] =	ssyncset.done $0x0  }
0xf1: {  	s19 =	rddreg [dreg:$0xd];
	[sflag:s30] =	ssyncadd.s32 $0xFFFFB100  }
0xf2: {  	[tilespmem:s0], [sflag:$0x3] =	stream.linear.gather [hbm4b:s19+s17], $0x4F00, $0x38;
	[tilespmem:$0x17C00] =	vst v63  }
0xf3: {  	_ =	swait.ge [sflag:s30], $0x4F00  }
0xf4: {  	[sflag:s30] =	ssyncset.done $0x0  }
0xf5: {  	[sflag:s30] =	ssyncadd.s32 $0xFFFFB100  }
0xf6: {  	[bflag:$0x0] =	sbarrier.arrive $0xFFFF  }
0xf7: {  	[tilespmem:s3], [sflag:$0x1] =	stream.indirect.gather [hbm4b:s4+s2], $0x40, s31, s2, $0xb8;
	[tilespmem:$0x17C00] =	vst v63  }
0xf8: {  	_ = 	snop  }
0xf9: {  	[tilespmem:s10], [sflag:$0x2] =	stream.indirect.gather [hbm4b:s4+s2], $0x40, s9, s2, $0xb8;
	[tilespmem:$0x17C00] =	vst v63  }
0xfa: {  	_ =	swait.ge [sflag:s11], $0x2000  }
0xfb: {  	[sflag:s11] =	ssyncset.done $0x0  }
0xfc: {  	s19 =	simm.s32 $0xED00;
	[sflag:s11] =	ssyncadd.s32 $0xFFFFE000  }
0xfd: {  	[spmem:s1] =	stream.indirect.scatter.add.f32 [tilespmem:s3], [sflag:$0x3], $0x40, s19, s2, $0xb8;
	[tilespmem:$0x17C00] =	vst v63  }
0xfe: {  	_ =	swait.ge [sflag:s30], $0x2000  }
0xff: {  	[sflag:s30] =	ssyncset.done $0x0  }
0x100: {  	s18 =	simm.s32 $0x9F00;
	[sflag:s30] =	ssyncadd.s32 $0xFFFFE000  }
0x101: {  	[tilespmem:s3], [sflag:$0x1] =	stream.indirect.gather [hbm4b:s4+s2], $0x40, s18, s2, $0xb8;
	[tilespmem:$0x17C00] =	vst v63  }
0x102: {  	_ =	swait.ge [sflag:s12], $0x2000  }
0x103: {  	[sflag:s12] =	ssyncset.done $0x0  }
0x104: {  	s19 =	simm.s32 $0xED80;
	[sflag:s12] =	ssyncadd.s32 $0xFFFFE000  }
0x105: {  	[spmem:s1] =	stream.indirect.scatter.add.f32 [tilespmem:s10], [sflag:$0x3], $0x40, s19, s2, $0xb8;
	[tilespmem:$0x17C00] =	vst v63  }
0x106: {  	_ =	swait.ge [sflag:s30], $0x2000  }
0x107: {  	[sflag:s30] =	ssyncset.done $0x0  }
0x108: {  	s17 =	simm.s32 $0x400;
	s18 =	simm.s32 $0x9F80;
	[sflag:s30] =	ssyncadd.s32 $0xFFFFE000  }
.LBB2_8:
0x109: {  	[tilespmem:s10], [sflag:$0x2] =	stream.indirect.gather [hbm4b:s4+s2], $0x40, s18, s2, $0xb8;
	[tilespmem:$0x17C00] =	vst v63  }
0x10a: {  	s18 =	smov.u32 s17  }
0x10b: {  	p0 =	sne.s32 s17, $0x13400;
	s17 =	sadd.s32 $0x400, s17;
	_ =	swait.ge [sflag:s11], $0x2000  }
0x10c: {  	s18 =	sshra.s32 s18, $0x2;
	[sflag:s11] =	ssyncset.done $0x0  }
0x10d: {  	s19 =	sadd.s32 $0xED00, s18;
	[sflag:s11] =	ssyncadd.s32 $0xFFFFE000  }
0x10e: {  	[spmem:s1] =	stream.indirect.scatter.add.f32 [tilespmem:s3], [sflag:$0x3], $0x40, s19, s2, $0xb8;
	[tilespmem:$0x17C00] =	vst v63  }
0x10f: {  	_ =	swait.ge [sflag:s30], $0x2000  }
0x110: {  	[sflag:s30] =	ssyncset.done $0x0  }
0x111: {  	s19 =	sadd.s32 $0x9F00, s18;
	[sflag:s30] =	ssyncadd.s32 $0xFFFFE000  }
0x112: {  	[tilespmem:s3], [sflag:$0x1] =	stream.indirect.gather [hbm4b:s4+s2], $0x40, s19, s2, $0xb8;
	[tilespmem:$0x17C00] =	vst v63  }
0x113: {  	_ =	swait.ge [sflag:s12], $0x2000  }
0x114: {  	[sflag:s12] =	ssyncset.done $0x0  }
.Ltmp3:
0x115: {  	s19 =	sadd.s32 $0xED80, s18;
	[sflag:s12] =	ssyncadd.s32 $0xFFFFE000;
	(pc) =	sbr.rel @p0 .LBB2_8-.Ltmp3, $4  }
0x116: {  	[spmem:s1] =	stream.indirect.scatter.add.f32 [tilespmem:s10], [sflag:$0x3], $0x40, s19, s2, $0xb8;
	[tilespmem:$0x17C00] =	vst v63  }
0x117: {  	_ =	swait.ge [sflag:s30], $0x2000  }
0x118: {  	[sflag:s30] =	ssyncset.done $0x0  }
0x119: {  	s18 =	sadd.s32 $0x9F80, s18;
	[sflag:s30] =	ssyncadd.s32 $0xFFFFE000  }
0x11a: {  	[tilespmem:s10], [sflag:$0x2] =	stream.indirect.gather [hbm4b:s4+s2], $0x40, s18, s2, $0xb8;
	[tilespmem:$0x17C00] =	vst v63  }
0x11b: {  	_ =	swait.ge [sflag:s11], $0x2000  }
0x11c: {  	[sflag:s11] =	ssyncset.done $0x0  }
0x11d: {  	[sflag:s11] =	ssyncadd.s32 $0xFFFFE000  }
0x11e: {  	[spmem:s1] =	stream.indirect.scatter.add.f32 [tilespmem:s3], [sflag:$0x3], $0x40, s13, s2, $0xb8;
	[tilespmem:$0x17C00] =	vst v63  }
0x11f: {  	_ =	swait.ge [sflag:s30], $0x2000  }
0x120: {  	[sflag:s30] =	ssyncset.done $0x0  }
0x121: {  	[sflag:s30] =	ssyncadd.s32 $0xFFFFE000  }
0x122: {  	_ =	swait.ge [sflag:s12], $0x2000  }
0x123: {  	[sflag:s12] =	ssyncset.done $0x0  }
0x124: {  	[sflag:s12] =	ssyncadd.s32 $0xFFFFE000  }
0x125: {  	[spmem:s1] =	stream.indirect.scatter.add.f32 [tilespmem:s10], [sflag:$0x3], $0x40, s14, s2, $0xb8;
	[tilespmem:$0x17C00] =	vst v63  }
0x126: {  	_ =	swait.ge [sflag:s30], $0x2000  }
0x127: {  	[sflag:s30] =	ssyncset.done $0x0  }
0x128: {  	[sflag:s30] =	ssyncadd.s32 $0xFFFFE000  }
0x129: {  	[bflag:$0x0] =	sbarrier.arrive $0xFFFF  }
0x12a: {  	[hbm:s25], [sflag:s8] =	dma.local [spmem:s16], $0x13C0  }
0x12b: {  	_ =	swait.ge [sflag:s30], $0x13C0  }
0x12c: {  	[sflag:s30] =	ssyncset.done $0x0  }
0x12d: {  	[sflag:s30] =	ssyncadd.s32 $0xFFFFEC40  }
0x12e: {  	[spmem:s16], [sflag:s8] =	dma.local [hbm:s7], $0x13C0  }
0x12f: {  	_ =	swait.ge [sflag:s30], $0x13C0  }
0x130: {  	[sflag:s30] =	ssyncset.done $0x0  }
0x131: {  	s17 =	simm.s32 $0x0;
	s19 =	rddreg [dreg:$0xe];
	[sflag:s30] =	ssyncadd.s32 $0xFFFFEC40  }
0x132: {  	[tilespmem:s31], [sflag:$0x3] =	stream.linear.gather [hbm4b:s19+s17], $0x4F00, $0x38;
	[tilespmem:$0x17C00] =	vst v63  }
0x133: {  	_ =	swait.ge [sflag:s30], $0x4F00  }
0x134: {  	[sflag:s30] =	ssyncset.done $0x0  }
0x135: {  	[sflag:s30] =	ssyncadd.s32 $0xFFFFB100  }
0x136: {  	[tilespmem:s0], [sflag:$0x3] =	stream.linear.gather [hbm4b:s20+s17], $0x4F00, $0x38;
	[tilespmem:$0x17C00] =	vst v63  }
0x137: {  	_ =	swait.ge [sflag:s30], $0x4F00  }
0x138: {  	[sflag:s30] =	ssyncset.done $0x0  }
0x139: {  	[sflag:s30] =	ssyncadd.s32 $0xFFFFB100  }
0x13a: {  	[bflag:$0x0] =	sbarrier.arrive $0xFFFF  }
0x13b: {  	[tilespmem:s3], [sflag:$0x1] =	stream.indirect.gather [hbm4b:s4+s2], $0x40, s31, s2, $0xb8;
	[tilespmem:$0x17C00] =	vst v63  }
0x13c: {  	_ = 	snop  }
0x13d: {  	[tilespmem:s10], [sflag:$0x2] =	stream.indirect.gather [hbm4b:s4+s2], $0x40, s9, s2, $0xb8;
	[tilespmem:$0x17C00] =	vst v63  }
0x13e: {  	_ =	swait.ge [sflag:s11], $0x2000  }
0x13f: {  	[sflag:s11] =	ssyncset.done $0x0  }
0x140: {  	s19 =	simm.s32 $0xED00;
	[sflag:s11] =	ssyncadd.s32 $0xFFFFE000  }
0x141: {  	[spmem:s1] =	stream.indirect.scatter.add.f32 [tilespmem:s3], [sflag:$0x3], $0x40, s19, s2, $0xb8;
	[tilespmem:$0x17C00] =	vst v63  }
0x142: {  	_ =	swait.ge [sflag:s30], $0x2000  }
0x143: {  	[sflag:s30] =	ssyncset.done $0x0  }
0x144: {  	s18 =	simm.s32 $0x9F00;
	[sflag:s30] =	ssyncadd.s32 $0xFFFFE000  }
0x145: {  	[tilespmem:s3], [sflag:$0x1] =	stream.indirect.gather [hbm4b:s4+s2], $0x40, s18, s2, $0xb8;
	[tilespmem:$0x17C00] =	vst v63  }
0x146: {  	_ =	swait.ge [sflag:s12], $0x2000  }
0x147: {  	[sflag:s12] =	ssyncset.done $0x0  }
0x148: {  	s19 =	simm.s32 $0xED80;
	[sflag:s12] =	ssyncadd.s32 $0xFFFFE000  }
0x149: {  	[spmem:s1] =	stream.indirect.scatter.add.f32 [tilespmem:s10], [sflag:$0x3], $0x40, s19, s2, $0xb8;
	[tilespmem:$0x17C00] =	vst v63  }
0x14a: {  	_ =	swait.ge [sflag:s30], $0x2000  }
0x14b: {  	[sflag:s30] =	ssyncset.done $0x0  }
0x14c: {  	s17 =	simm.s32 $0x400;
	s18 =	simm.s32 $0x9F80;
	[sflag:s30] =	ssyncadd.s32 $0xFFFFE000  }
.LBB2_10:
0x14d: {  	[tilespmem:s10], [sflag:$0x2] =	stream.indirect.gather [hbm4b:s4+s2], $0x40, s18, s2, $0xb8;
	[tilespmem:$0x17C00] =	vst v63  }
0x14e: {  	s18 =	smov.u32 s17  }
0x14f: {  	p0 =	sne.s32 s17, $0x13400;
	s17 =	sadd.s32 $0x400, s17;
	_ =	swait.ge [sflag:s11], $0x2000  }
0x150: {  	s18 =	sshra.s32 s18, $0x2;
	[sflag:s11] =	ssyncset.done $0x0  }
0x151: {  	s19 =	sadd.s32 $0xED00, s18;
	[sflag:s11] =	ssyncadd.s32 $0xFFFFE000  }
0x152: {  	[spmem:s1] =	stream.indirect.scatter.add.f32 [tilespmem:s3], [sflag:$0x3], $0x40, s19, s2, $0xb8;
	[tilespmem:$0x17C00] =	vst v63  }
0x153: {  	_ =	swait.ge [sflag:s30], $0x2000  }
0x154: {  	[sflag:s30] =	ssyncset.done $0x0  }
0x155: {  	s19 =	sadd.s32 $0x9F00, s18;
	[sflag:s30] =	ssyncadd.s32 $0xFFFFE000  }
0x156: {  	[tilespmem:s3], [sflag:$0x1] =	stream.indirect.gather [hbm4b:s4+s2], $0x40, s19, s2, $0xb8;
	[tilespmem:$0x17C00] =	vst v63  }
0x157: {  	_ =	swait.ge [sflag:s12], $0x2000  }
0x158: {  	[sflag:s12] =	ssyncset.done $0x0  }
.Ltmp4:
0x159: {  	s19 =	sadd.s32 $0xED80, s18;
	[sflag:s12] =	ssyncadd.s32 $0xFFFFE000;
	(pc) =	sbr.rel @p0 .LBB2_10-.Ltmp4, $4  }
0x15a: {  	[spmem:s1] =	stream.indirect.scatter.add.f32 [tilespmem:s10], [sflag:$0x3], $0x40, s19, s2, $0xb8;
	[tilespmem:$0x17C00] =	vst v63  }
0x15b: {  	_ =	swait.ge [sflag:s30], $0x2000  }
0x15c: {  	[sflag:s30] =	ssyncset.done $0x0  }
0x15d: {  	s18 =	sadd.s32 $0x9F80, s18;
	[sflag:s30] =	ssyncadd.s32 $0xFFFFE000  }
0x15e: {  	[tilespmem:s10], [sflag:$0x2] =	stream.indirect.gather [hbm4b:s4+s2], $0x40, s18, s2, $0xb8;
	[tilespmem:$0x17C00] =	vst v63  }
0x15f: {  	_ =	swait.ge [sflag:s11], $0x2000  }
0x160: {  	[sflag:s11] =	ssyncset.done $0x0  }
0x161: {  	[sflag:s11] =	ssyncadd.s32 $0xFFFFE000  }
0x162: {  	[spmem:s1] =	stream.indirect.scatter.add.f32 [tilespmem:s3], [sflag:$0x3], $0x40, s13, s2, $0xb8;
	[tilespmem:$0x17C00] =	vst v63  }
0x163: {  	_ =	swait.ge [sflag:s30], $0x2000  }
0x164: {  	[sflag:s30] =	ssyncset.done $0x0  }
0x165: {  	[sflag:s30] =	ssyncadd.s32 $0xFFFFE000  }
0x166: {  	_ =	swait.ge [sflag:s12], $0x2000  }
0x167: {  	[sflag:s12] =	ssyncset.done $0x0  }
0x168: {  	[sflag:s12] =	ssyncadd.s32 $0xFFFFE000  }
0x169: {  	[spmem:s1] =	stream.indirect.scatter.add.f32 [tilespmem:s10], [sflag:$0x3], $0x40, s14, s2, $0xb8;
	[tilespmem:$0x17C00] =	vst v63  }
0x16a: {  	_ =	swait.ge [sflag:s30], $0x2000  }
0x16b: {  	[sflag:s30] =	ssyncset.done $0x0  }
0x16c: {  	[sflag:s30] =	ssyncadd.s32 $0xFFFFE000  }
0x16d: {  	[bflag:$0x0] =	sbarrier.arrive $0xFFFF  }
0x16e: {  	[hbm:s26], [sflag:s8] =	dma.local [spmem:s16], $0x13C0  }
0x16f: {  	_ =	swait.ge [sflag:s30], $0x13C0  }
0x170: {  	[sflag:s30] =	ssyncset.done $0x0  }
0x171: {  	[sflag:s30] =	ssyncadd.s32 $0xFFFFEC40  }
0x172: {  	[spmem:s16], [sflag:s8] =	dma.local [hbm:s7], $0x13C0  }
0x173: {  	_ =	swait.ge [sflag:s30], $0x13C0  }
0x174: {  	[sflag:s30] =	ssyncset.done $0x0  }
0x175: {  	s17 =	simm.s32 $0x0;
	[sflag:s30] =	ssyncadd.s32 $0xFFFFEC40  }
0x176: {  	[tilespmem:s31], [sflag:$0x3] =	stream.linear.gather [hbm4b:s21+s17], $0x4F00, $0x38;
	[tilespmem:$0x17C00] =	vst v63  }
0x177: {  	_ =	swait.ge [sflag:s30], $0x4F00  }
0x178: {  	[sflag:s30] =	ssyncset.done $0x0  }
0x179: {  	[sflag:s30] =	ssyncadd.s32 $0xFFFFB100  }
0x17a: {  	[tilespmem:s0], [sflag:$0x3] =	stream.linear.gather [hbm4b:s22+s17], $0x4F00, $0x38;
	[tilespmem:$0x17C00] =	vst v63  }
0x17b: {  	_ =	swait.ge [sflag:s30], $0x4F00  }
0x17c: {  	[sflag:s30] =	ssyncset.done $0x0  }
0x17d: {  	[sflag:s30] =	ssyncadd.s32 $0xFFFFB100  }
0x17e: {  	[bflag:$0x0] =	sbarrier.arrive $0xFFFF  }
0x17f: {  	[tilespmem:s3], [sflag:$0x1] =	stream.indirect.gather [hbm4b:s5+s2], $0x40, s31, s2, $0xb8;
	[tilespmem:$0x17C00] =	vst v63  }
0x180: {  	_ = 	snop  }
0x181: {  	[tilespmem:s10], [sflag:$0x2] =	stream.indirect.gather [hbm4b:s5+s2], $0x40, s9, s2, $0xb8;
	[tilespmem:$0x17C00] =	vst v63  }
0x182: {  	_ =	swait.ge [sflag:s11], $0x2000  }
0x183: {  	[sflag:s11] =	ssyncset.done $0x0  }
0x184: {  	s19 =	simm.s32 $0xED00;
	[sflag:s11] =	ssyncadd.s32 $0xFFFFE000  }
0x185: {  	[spmem:s1] =	stream.indirect.scatter.add.f32 [tilespmem:s3], [sflag:$0x3], $0x40, s19, s2, $0xb8;
	[tilespmem:$0x17C00] =	vst v63  }
0x186: {  	_ =	swait.ge [sflag:s30], $0x2000  }
0x187: {  	[sflag:s30] =	ssyncset.done $0x0  }
0x188: {  	s18 =	simm.s32 $0x9F00;
	[sflag:s30] =	ssyncadd.s32 $0xFFFFE000  }
0x189: {  	[tilespmem:s3], [sflag:$0x1] =	stream.indirect.gather [hbm4b:s5+s2], $0x40, s18, s2, $0xb8;
	[tilespmem:$0x17C00] =	vst v63  }
0x18a: {  	_ =	swait.ge [sflag:s12], $0x2000  }
0x18b: {  	[sflag:s12] =	ssyncset.done $0x0  }
0x18c: {  	s19 =	simm.s32 $0xED80;
	[sflag:s12] =	ssyncadd.s32 $0xFFFFE000  }
0x18d: {  	[spmem:s1] =	stream.indirect.scatter.add.f32 [tilespmem:s10], [sflag:$0x3], $0x40, s19, s2, $0xb8;
	[tilespmem:$0x17C00] =	vst v63  }
0x18e: {  	_ =	swait.ge [sflag:s30], $0x2000  }
0x18f: {  	[sflag:s30] =	ssyncset.done $0x0  }
0x190: {  	s17 =	simm.s32 $0x400;
	s18 =	simm.s32 $0x9F80;
	[sflag:s30] =	ssyncadd.s32 $0xFFFFE000  }
.LBB2_12:
0x191: {  	[tilespmem:s10], [sflag:$0x2] =	stream.indirect.gather [hbm4b:s5+s2], $0x40, s18, s2, $0xb8;
	[tilespmem:$0x17C00] =	vst v63  }
0x192: {  	s18 =	smov.u32 s17  }
0x193: {  	p0 =	sne.s32 s17, $0x13400;
	s17 =	sadd.s32 $0x400, s17;
	_ =	swait.ge [sflag:s11], $0x2000  }
0x194: {  	s18 =	sshra.s32 s18, $0x2;
	[sflag:s11] =	ssyncset.done $0x0  }
0x195: {  	s19 =	sadd.s32 $0xED00, s18;
	[sflag:s11] =	ssyncadd.s32 $0xFFFFE000  }
0x196: {  	[spmem:s1] =	stream.indirect.scatter.add.f32 [tilespmem:s3], [sflag:$0x3], $0x40, s19, s2, $0xb8;
	[tilespmem:$0x17C00] =	vst v63  }
0x197: {  	_ =	swait.ge [sflag:s30], $0x2000  }
0x198: {  	[sflag:s30] =	ssyncset.done $0x0  }
0x199: {  	s19 =	sadd.s32 $0x9F00, s18;
	[sflag:s30] =	ssyncadd.s32 $0xFFFFE000  }
0x19a: {  	[tilespmem:s3], [sflag:$0x1] =	stream.indirect.gather [hbm4b:s5+s2], $0x40, s19, s2, $0xb8;
	[tilespmem:$0x17C00] =	vst v63  }
0x19b: {  	_ =	swait.ge [sflag:s12], $0x2000  }
0x19c: {  	[sflag:s12] =	ssyncset.done $0x0  }
.Ltmp5:
0x19d: {  	s19 =	sadd.s32 $0xED80, s18;
	[sflag:s12] =	ssyncadd.s32 $0xFFFFE000;
	(pc) =	sbr.rel @p0 .LBB2_12-.Ltmp5, $4  }
0x19e: {  	[spmem:s1] =	stream.indirect.scatter.add.f32 [tilespmem:s10], [sflag:$0x3], $0x40, s19, s2, $0xb8;
	[tilespmem:$0x17C00] =	vst v63  }
0x19f: {  	_ =	swait.ge [sflag:s30], $0x2000  }
0x1a0: {  	[sflag:s30] =	ssyncset.done $0x0  }
0x1a1: {  	s18 =	sadd.s32 $0x9F80, s18;
	[sflag:s30] =	ssyncadd.s32 $0xFFFFE000  }
0x1a2: {  	[tilespmem:s10], [sflag:$0x2] =	stream.indirect.gather [hbm4b:s5+s2], $0x40, s18, s2, $0xb8;
	[tilespmem:$0x17C00] =	vst v63  }
0x1a3: {  	_ =	swait.ge [sflag:s11], $0x2000  }
0x1a4: {  	[sflag:s11] =	ssyncset.done $0x0  }
0x1a5: {  	[sflag:s11] =	ssyncadd.s32 $0xFFFFE000  }
0x1a6: {  	[spmem:s1] =	stream.indirect.scatter.add.f32 [tilespmem:s3], [sflag:$0x3], $0x40, s13, s2, $0xb8;
	[tilespmem:$0x17C00] =	vst v63  }
0x1a7: {  	_ =	swait.ge [sflag:s30], $0x2000  }
0x1a8: {  	[sflag:s30] =	ssyncset.done $0x0  }
0x1a9: {  	[sflag:s30] =	ssyncadd.s32 $0xFFFFE000  }
0x1aa: {  	_ =	swait.ge [sflag:s12], $0x2000  }
0x1ab: {  	[sflag:s12] =	ssyncset.done $0x0  }
0x1ac: {  	[sflag:s12] =	ssyncadd.s32 $0xFFFFE000  }
0x1ad: {  	[spmem:s1] =	stream.indirect.scatter.add.f32 [tilespmem:s10], [sflag:$0x3], $0x40, s14, s2, $0xb8;
	[tilespmem:$0x17C00] =	vst v63  }
0x1ae: {  	_ =	swait.ge [sflag:s30], $0x2000  }
0x1af: {  	s15 =	sadd.s32 $0x1, s15;
	[sflag:s30] =	ssyncset.done $0x0  }
0x1b0: {  	p0 =	sne.s32 s15, s29;
	[sflag:s30] =	ssyncadd.s32 $0xFFFFE000  }
.Ltmp6:
0x1b1: {  	[bflag:$0x0] =	sbarrier.arrive $0xFFFF;
	(pc) =	sbr.rel @p0 .LBB2_1-.Ltmp6, $4  }
0x1b2: {  	[hbm:s28], [sflag:s8] =	dma.local [spmem:s16], $0x13C0  }
0x1b3: {  	_ =	swait.ge [sflag:s30], $0x13C0  }
0x1b4: {  	[sflag:s30] =	ssyncset.done $0x0  }
0x1b5: {  	[sflag:s30] =	ssyncadd.s32 $0xFFFFEC40  }
0x1b6: {  	_ =	sfence.sel $0x180000  }
0x1b7: {  	[bflag:$0x0] =	sbarrier.arrive $0xFFFF  }
0x1b8: {  	_ =	strace $0x90000047  }
0x1b9: {  	s0 =	stileid.u32;
	[bflag:$0x2] =	sbarrier.arrive $0xFFFF  }
0x1ba: {  	p0 =	sne.s32 s0, $0x0;
	s0 =	rddreg [dreg:$0x3]  }
0x1bb: {  	s0 =	sadd.s32 @!p0 $0x100000, s0  }
0x1bc: {  	[sflag:s0] =	ssyncadd.tile.s32 @!p0 $0x1;
	_ =	shalt  }
.Lfunc_end2:
_tile_overlayer_lowered:
.L_overlay_start_2:
0x1bd: {  	(tag) =	ssettag $0x2  }
0x1be: {  	s0 =	rddreg [dreg:$0x0];
	s2 =	stileid.u32  }
0x1bf: {  	s1 =	rddreg [dreg:$0x1];
	p0 =	sne.s32 s2, $0x0  }
0x1c0: {  	s3 =	rddreg [dreg:$0x2];
	[bflag:$0x3] =	sbarrier.arrive $0xFFFF;
	s2 =	simm.s32 @!p0 $0x1C03  }
0x1c1: {  	[timem:s3], [sflag:s2] =	dma.local @!p0 [hbm:s0], s1  }
0x1c2: {  	s0 =	simm.s32 @!p0 $0x3  }
0x1c3: {  	_ =	swait.ge @!p0 [sflag:s0], s1  }
0x1c4: {  	s1 =	ssub.s32 @!p0 $0x0, s1;
	[sflag:s0] =	ssyncset.done @!p0 $0x0  }
0x1c5: {  	[sflag:s0] =	ssyncadd.s32 @!p0 s1  }
0x1c6: {  	[bflag:$0x3] =	sbarrier.arrive $0xFFFF  }
0x1c7: {  	_ =	shalt  }

</sc_bundles>
